<compile_context>
chip_gen: v7x
topology: tpu7x:2x2x1
jax: 0.10.2.dev20260603
libtpu: 0.0.44.dev20260713+nightly
codegen_flags: <defaults>
</compile_context>

<pallas_src>
import functools

import jax
import jax.numpy as jnp
from jax import lax
from jax.experimental import pallas as pl
from jax.experimental.pallas import tpu as pltpu
from jax.experimental.pallas import tpu_sc as plsc

N = 1_000_000
NP = 1_003_520
NW = 32
NC = 2
CHUNK = NP // NW
NB = 1024
SB = 6272
NSB = CHUNK // SB
ROWS = SB // 128
PAD_CODE = (1 << 30) - 1


C = 6272
G = NP // C


def _expand3(v):
    x = v
    x = (x | (x << 16)) & 0x30000FF
    x = (x | (x << 8)) & 0x300F00F
    x = (x | (x << 4)) & 0x30C30C3
    x = (x | (x << 2)) & 0x9249249
    return x


def _morton_body(pc_ref, codes_ref, mm_ref):
    ph = pl.program_id(0)
    g = pl.program_id(1)

    @pl.when(ph == 0)
    def _():
        blk = pc_ref[...]
        bmin = jnp.min(blk, axis=1, keepdims=True)
        bmax = jnp.max(blk, axis=1, keepdims=True)
        prev_min = jnp.where(g == 0, jnp.full_like(bmin, jnp.inf), mm_ref[:, 0:1])
        prev_max = jnp.where(g == 0, jnp.full_like(bmax, -jnp.inf), mm_ref[:, 1:2])
        mm_ref[:, 0:1] = jnp.minimum(prev_min, bmin)
        mm_ref[:, 1:2] = jnp.maximum(prev_max, bmax)

    @pl.when(ph == 1)
    def _():
        blk = pc_ref[...]
        bmin = mm_ref[:, 0:1]
        bmax = mm_ref[:, 1:2]
        scale = jnp.float32(1023) / (bmax - bmin + jnp.float32(1e-7))
        q = jnp.floor((blk - bmin) * scale).astype(jnp.int32)
        q = jnp.minimum(q, 1023)
        e = _expand3(q)
        code = (e[0:1, :] << 2) | (e[1:2, :] << 1) | e[2:3, :]
        pos = g * C + lax.broadcasted_iota(jnp.int32, (1, C), 1)
        codes_ref[...] = jnp.where(pos < N, code, PAD_CODE)


def _morton_codes_padded(pcp):
    return pl.pallas_call(
        _morton_body,
        grid=(2, G),
        in_specs=[pl.BlockSpec((3, C), lambda ph, g: (0, g))],
        out_specs=pl.BlockSpec((1, C), lambda ph, g: (0, g)),
        out_shape=jax.ShapeDtypeStruct((1, NP), jnp.int32),
        scratch_shapes=[pltpu.VMEM((3, 2), jnp.float32)],
    )(pcp)



_SC_PARAMS = pltpu.CompilerParams(
    needs_layout_passes=False, use_tc_tiling_on_sc=False
)
_MESH = plsc.VectorSubcoreMesh(core_axis_name="c", subcore_axis_name="s")


def _wid():
    return lax.axis_index("s") * NC + lax.axis_index("c")


def _hist_body(shift, keys_hbm, counts_hbm, hist, kb):
    w = _wid()
    woff = w * CHUNK
    zeros = jnp.zeros((16,), jnp.int32)
    ones = jnp.ones((16,), jnp.int32)

    def z(i, _):
        hist[pl.ds(i * 16, 16)] = zeros
        return 0

    lax.fori_loop(0, NB // 16, z, 0)

    def sb_body(t, _):
        pltpu.sync_copy(keys_hbm.at[pl.ds(woff + t * SB, SB)], kb)

        def v_body(q, _):
            k = kb[pl.ds(q * 16, 16)]
            d = (k >> shift) & (NB - 1)
            plsc.addupdate_scatter(hist, [d], ones)
            return 0

        lax.fori_loop(0, SB // 16, v_body, 0)
        return 0

    lax.fori_loop(0, NSB, sb_body, 0)
    pltpu.sync_copy(hist, counts_hbm.at[pl.ds(w * NB, NB)])


def _make_hist(shift):
    return functools.partial(
        pl.kernel,
        out_type=jax.ShapeDtypeStruct((NW * NB,), jnp.int32),
        mesh=_MESH,
        scratch_types=[
            pltpu.VMEM((NB,), jnp.int32),
            pltpu.VMEM((SB,), jnp.int32),
        ],
        compiler_params=_SC_PARAMS,
    )(functools.partial(_hist_body, shift))


WSLICE = NP // 16


def _scat_body(shift, keys_hbm, counts_hbm, t_out,
               counts_v, acc, base_r, kb, vb, db, zb, table, sem):
    w = _wid()
    woff = w * CHUNK
    zeros = jnp.zeros((16,), jnp.int32)
    ones = jnp.ones((16,), jnp.int32)

    pltpu.sync_copy(counts_hbm, counts_v)

    def z(i, _):
        acc[pl.ds(i * 16, 16)] = zeros
        base_r[pl.ds(i * 16, 16)] = zeros
        return 0

    lax.fori_loop(0, NB // 16, z, 0)

    def tot_w(wp, _):
        @pl.when(wp == w)
        def _():
            def cp(i, _):
                s = pl.ds(i * 16, 16)
                base_r[s] = acc[s]
                return 0

            lax.fori_loop(0, NB // 16, cp, 0)

        def tot_i(i, _):
            for u in range(4):
                s = pl.ds(i * 64 + u * 16, 16)
                acc[s] = acc[s] + counts_v[pl.ds(wp * NB + i * 64 + u * 16, 16)]
            return 0

        lax.fori_loop(0, NB // 64, tot_i, 0)
        return 0

    lax.fori_loop(0, NW, tot_w, 0)

    def scan_i(i, c):
        s = pl.ds(i * 16, 16)
        v = acc[s]
        cs = plsc.cumsum(v)
        base_r[s] = base_r[s] + (cs - v) + c
        return c + jnp.sum(v)

    lax.fori_loop(0, NB // 16, scan_i, jnp.int32(0))

    sid = lax.axis_index("s")

    def zz(i, _):
        zb[pl.ds(i * 16, 16)] = zeros
        return 0

    lax.fori_loop(0, SB // 16, zz, 0)

    def zt(i, _):
        pltpu.sync_copy(zb, table.at[pl.ds(sid * WSLICE + i * SB, SB)])
        return 0

    lax.fori_loop(0, WSLICE // SB, zt, 0)
    plsc.subcore_barrier()

    def sb_body(t, _):
        pltpu.sync_copy(keys_hbm.at[pl.ds(woff + t * SB, SB)], kb)

        def v_body(q, _):
            k = kb[pl.ds(q * 16, 16)]
            d = (k >> shift) & (NB - 1)
            g = plsc.load_gather(base_r, [d])
            cnt, _unused = plsc.scan_count(d)
            plsc.addupdate_scatter(base_r, [d], ones)
            db[pl.ds(q * 16, 16)] = g + cnt - ones
            vb[pl.ds(q * 16, 16)] = (woff + t * SB + q * 16 + 1) + lax.iota(
                jnp.int32, 16)
            return 0

        lax.fori_loop(0, SB // 16, v_body, 0)
        pltpu.async_copy(vb, table.at[db], sem).wait()
        return 0

    lax.fori_loop(0, NSB, sb_body, 0)
    plsc.subcore_barrier()

    cid = lax.axis_index("c")
    pltpu.sync_copy(table.at[pl.ds(sid * WSLICE, WSLICE)],
                    t_out.at[pl.ds(cid * NP + sid * WSLICE, WSLICE)])


def _make_scat(shift):
    return functools.partial(
        pl.kernel,
        out_type=jax.ShapeDtypeStruct((2 * NP,), jnp.int32),
        mesh=_MESH,
        scratch_types=[
            pltpu.VMEM((NW * NB,), jnp.int32),
            pltpu.VMEM((NB,), jnp.int32),
            pltpu.VMEM((NB,), jnp.int32),
            pltpu.VMEM((SB,), jnp.int32),
            pltpu.VMEM((SB,), jnp.int32),
            pltpu.VMEM((SB,), jnp.int32),
            pltpu.VMEM((SB,), jnp.int32),
            pltpu.VMEM_SHARED((NP,), jnp.int32),
            pltpu.SemaphoreType.DMA,
        ],
        compiler_params=_SC_PARAMS,
    )(functools.partial(_scat_body, shift))


def _apply_body(shift, t_hbm, keys_hbm, keys_out, inv_out, counts_hbm,
                b0, b1, ivb, kb, hist, sem):
    w = _wid()
    woff = w * CHUNK
    zeros = jnp.zeros((16,), jnp.int32)
    ones = jnp.ones((16,), jnp.int32)

    def z(i, _):
        hist[pl.ds(i * 16, 16)] = zeros
        return 0

    lax.fori_loop(0, NB // 16, z, 0)

    def sb_body(t, _):
        pltpu.sync_copy(t_hbm.at[pl.ds(woff + t * SB, SB)], b0)
        pltpu.sync_copy(t_hbm.at[pl.ds(NP + woff + t * SB, SB)], b1)

        def inv_body(q, _):
            for u in range(4):
                s = pl.ds(q * 64 + u * 16, 16)
                ivb[s] = b0[s] + b1[s] - ones
            return 0

        lax.fori_loop(0, SB // 64, inv_body, 0)
        pltpu.sync_copy(ivb, inv_out.at[pl.ds(woff + t * SB, SB)])
        pltpu.async_copy(keys_hbm.at[ivb], kb, sem).wait()

        def h_body(q, _):
            for u in range(4):
                k = kb[pl.ds(q * 64 + u * 16, 16)]
                d = (k >> shift) & (NB - 1)
                plsc.addupdate_scatter(hist, [d], ones)
            return 0

        lax.fori_loop(0, SB // 64, h_body, 0)
        pltpu.sync_copy(kb, keys_out.at[pl.ds(woff + t * SB, SB)])
        return 0

    lax.fori_loop(0, NSB, sb_body, 0)
    pltpu.sync_copy(hist, counts_hbm.at[pl.ds(w * NB, NB)])


def _make_apply(next_shift):
    return functools.partial(
        pl.kernel,
        out_type=(
            jax.ShapeDtypeStruct((NP,), jnp.int32),
            jax.ShapeDtypeStruct((NP,), jnp.int32),
            jax.ShapeDtypeStruct((NW * NB,), jnp.int32),
        ),
        mesh=_MESH,
        scratch_types=[
            pltpu.VMEM((SB,), jnp.int32),
            pltpu.VMEM((SB,), jnp.int32),
            pltpu.VMEM((SB,), jnp.int32),
            pltpu.VMEM((SB,), jnp.int32),
            pltpu.VMEM((NB,), jnp.int32),
            pltpu.SemaphoreType.DMA,
        ],
        compiler_params=_SC_PARAMS,
    )(functools.partial(_apply_body, next_shift))


def _final_body(t_hbm, keys_hbm, inv1_hbm, inv2_hbm,
                s0, s1, s2, s3, s4, s5,
                codes_out, o0, o1, o2, o3, o4, o5,
                b0, b1, ivb, i2b, sxb, kb,
                g0, g1, g2, g3, g4, g5, sem, sem2):
    w = _wid()
    woff = w * CHUNK
    ones = jnp.ones((16,), jnp.int32)
    srcs = (s0, s1, s2, s3, s4, s5)
    outs = (o0, o1, o2, o3, o4, o5)
    bufs = (g0, g1, g2, g3, g4, g5)

    def sb_body(t, _):
        pltpu.sync_copy(t_hbm.at[pl.ds(woff + t * SB, SB)], b0)
        pltpu.sync_copy(t_hbm.at[pl.ds(NP + woff + t * SB, SB)], b1)

        def inv_body(q, _):
            for u in range(4):
                s = pl.ds(q * 64 + u * 16, 16)
                ivb[s] = b0[s] + b1[s] - ones
            return 0

        lax.fori_loop(0, SB // 64, inv_body, 0)
        dk = pltpu.async_copy(keys_hbm.at[ivb], kb, sem)
        d2 = pltpu.async_copy(inv2_hbm.at[ivb], i2b, sem2)
        d2.wait()
        ds_ = pltpu.async_copy(inv1_hbm.at[i2b], sxb, sem2)
        dk.wait()
        pltpu.sync_copy(kb, codes_out.at[pl.ds(woff + t * SB, SB)])
        ds_.wait()

        def clamp_body(q, _):
            for u in range(4):
                s = pl.ds(q * 64 + u * 16, 16)
                sxb[s] = jnp.minimum(sxb[s], N - 1)
            return 0

        lax.fori_loop(0, SB // 64, clamp_body, 0)
        descs = [pltpu.async_copy(s.at[sxb], b, sem)
                 for s, b in zip(srcs, bufs)]
        for d in descs:
            d.wait()
        for b, o in zip(bufs, outs):
            pltpu.sync_copy(b, o.at[pl.ds(woff + t * SB, SB)])
        return 0

    lax.fori_loop(0, NSB, sb_body, 0)


_final = functools.partial(
    pl.kernel,
    out_type=tuple(
        [jax.ShapeDtypeStruct((NP,), jnp.int32)]
        + [jax.ShapeDtypeStruct((NP,), jnp.float32) for _ in range(6)]
    ),
    mesh=_MESH,
    scratch_types=[pltpu.VMEM((SB,), jnp.int32) for _ in range(6)]
    + [pltpu.VMEM((SB,), jnp.float32) for _ in range(6)]
    + [pltpu.SemaphoreType.DMA, pltpu.SemaphoreType.DMA],
    compiler_params=_SC_PARAMS,
)(_final_body)


def _gath_body(sidx_hbm, s0, s1, s2, s3, s4, s5,
               o0, o1, o2, o3, o4, o5,
               iv0, iv1,
               a0, a1, a2, a3, a4, a5,
               c0, c1, c2, c3, c4, c5,
               sem0, sem1):
    w = _wid()
    woff = w * CHUNK
    srcs = (s0, s1, s2, s3, s4, s5)
    outs = (o0, o1, o2, o3, o4, o5)
    bufs = ((a0, a1, a2, a3, a4, a5), (c0, c1, c2, c3, c4, c5))
    ivs = (iv0, iv1)
    sems = (sem0, sem1)

    def _issue(t, b):
        pltpu.sync_copy(sidx_hbm.at[pl.ds(woff + t * SB, SB)], ivs[b])
        for s, buf in zip(srcs, bufs[b]):
            pltpu.async_copy(s.at[ivs[b]], buf, sems[b])

    _issue(0, 0)
    for t in range(NSB):
        b = t % 2
        if t + 1 < NSB:
            _issue(t + 1, 1 - b)
        for s, buf in zip(srcs, bufs[b]):
            pltpu.make_async_copy(s.at[ivs[b]], buf, sems[b]).wait()
        for buf, o in zip(bufs[b], outs):
            pltpu.sync_copy(buf, o.at[pl.ds(woff + t * SB, SB)])


_gath = functools.partial(
    pl.kernel,
    out_type=tuple(
        jax.ShapeDtypeStruct((NP,), jnp.float32) for _ in range(6)
    ),
    mesh=_MESH,
    scratch_types=[pltpu.VMEM((SB,), jnp.int32) for _ in range(2)]
    + [pltpu.VMEM((SB,), jnp.float32) for _ in range(12)]
    + [pltpu.SemaphoreType.DMA, pltpu.SemaphoreType.DMA],
    compiler_params=_SC_PARAMS,
)(_gath_body)

_hist0 = _make_hist(0)
_scat0 = _make_scat(0)
_scat1 = _make_scat(10)
_scat2 = _make_scat(20)
_apply0 = _make_apply(10)
_apply1 = _make_apply(20)


def kernel(pointcloud, color):
    pct = pointcloud.T
    pcp = jnp.pad(pct, ((0, 0), (0, NP - N)))
    codes = _morton_codes_padded(pcp).reshape(NP)
    colt = color.T

    c0 = _hist0(codes)
    t1 = _scat0(codes, c0)
    k1, inv1, c1 = _apply0(t1, codes)
    t2 = _scat1(k1, c1)
    k2, inv2, c2 = _apply1(t2, k1)
    t3 = _scat2(k2, c2)
    codes_s, ox, oy, oz, orr, og, ob = _final(
        t3, k2, inv1, inv2, pct[0], pct[1], pct[2], colt[0], colt[1], colt[2])
    pco = jnp.stack([ox, oy, oz], axis=1)
    colo = jnp.stack([orr, og, ob], axis=1)
    return (pco[:N], colo[:N], codes_s[:N].astype(jnp.uint32))

# --- scband reference (transcript-rebuilt; emitter-appended) ---
"""Pipeline reference for scband-morton3-d-21766894256159 (READ-ONLY COPY).

The authoritative reference and input builder live on the scoring server;
editing this copy changes nothing except your own understanding.
"""

import jax, jax.numpy as jnp
import numpy as np


def _expand_bits_10(v):
    x = v.astype(jnp.uint32)
    x = (x | (x << jnp.uint32(16))) & jnp.uint32(50331903)
    x = (x | (x << jnp.uint32(8))) & jnp.uint32(50393103)
    x = (x | (x << jnp.uint32(4))) & jnp.uint32(51130563)
    x = (x | (x << jnp.uint32(2))) & jnp.uint32(153391689)
    return x


def _morton_codes(pointcloud):
    max_val = 1024
    bb_max = jnp.max(pointcloud, axis=0)
    bb_min = jnp.min(pointcloud, axis=0)
    scale = (max_val - 1) / (bb_max - bb_min + 1e-07)
    idx = jnp.floor((pointcloud - bb_min[None, :]) * scale[None, :]).astype(jnp.uint32)
    idx = jnp.minimum(idx, jnp.uint32(max_val - 1))
    code = (_expand_bits_10(idx[:, 0]) << jnp.uint32(2)) | (_expand_bits_10(idx[:, 1]) << jnp.uint32(1)) | _expand_bits_10(idx[:, 2])
    return code


def setup_inputs(seed: int = 0) -> dict:
    key = jax.random.key(seed)
    k1, k2 = jax.random.split(key)
    pointcloud = jax.random.normal(k1, (1000000, 3), dtype=jnp.float32)
    color = jax.random.uniform(k2, (1000000, 3), dtype=jnp.float32)
    return {"pointcloud": pointcloud, "color": color}


def reference(pointcloud, color):
    morton_codes = _morton_codes(pointcloud)
    indices = jnp.argsort(morton_codes)
    sorted_codes = morton_codes[indices]
    sorted_pointcloud = pointcloud[indices, :]
    sorted_color = color[indices, :]
    return (sorted_pointcloud, sorted_color, sorted_codes)

if __name__ == "__main__":
    import jax
    _d = setup_inputs()
    print(jax.jit(kernel)(*tuple(_d.values())))

</pallas_src>

<mosaic_0001>
#map = affine_map<(d0, d1) -> (0)>
module attributes {stable_mosaic.version = 14 : i64} {
  func.func @_hist_body(%arg0: i32, %arg1: i32, %arg2: memref<1003520xi32, #tpu.memory_space<hbm>>, %arg3: memref<32768xi32, #tpu.memory_space<hbm>>, %arg4: memref<1024xi32, #tpu.memory_space<vmem>>, %arg5: memref<6272xi32, #tpu.memory_space<vmem>>) attributes {dimension_semantics = [#tpu.dimension_semantics<core_parallel>, #tpu.dimension_semantics<subcore_parallel>], iteration_bounds = array<i64: 2, 16>, scalar_prefetch = 0 : i64, scratch_operands = 2 : i64, tpu.core_type = #tpu.core_type<sc_vector_subcore>, window_params = [{transform_indices = #map}, {transform_indices = #map}]} {
    %mul3A = arith.constant 2 : i32
    %mul3A_0 = arith.muli %arg1, %mul3A : i32
    %add3A = arith.addi %mul3A_0, %arg0 : i32
    %mul3A_1 = arith.constant 31360 : i32
    %mul3A_2 = arith.muli %add3A, %mul3A_1 : i32
    %broadcast_in_dim3A = arith.constant 0 : i32
    %broadcast_in_dim3A_3 = vector.broadcast %broadcast_in_dim3A : i32 to vector<16xi32>
    %broadcast_in_dim3A_4 = arith.constant 1 : i32
    %broadcast_in_dim3A_5 = vector.broadcast %broadcast_in_dim3A_4 : i32 to vector<16xi32>
    %scan3A = arith.constant 0 : i32
    %scan3A_6 = arith.constant 0 : i32
    %scan3A_7 = arith.constant 64 : i32
    %scan3A_8 = arith.addi %scan3A_6, %scan3A_7 : i32
    %scan3A_9 = arith.constant 1 : i32
    %scan3A_10 = scf.for %scan3A_21 = %scan3A_6 to %scan3A_8 step %scan3A_9 iter_args(%scan3A_22 = %scan3A) -> (i32)  : i32 {
      %mul3A_23 = arith.constant 16 : i32
      %mul3A_24 = arith.muli %scan3A_21, %mul3A_23 : i32
      %swap3A = arith.index_cast %mul3A_24 : i32 to index
      %swap3A_25 = tpu.vector_load %arg4[%swap3A] {strides = array<i32>} : memref<1024xi32, #tpu.memory_space<vmem>>, vector<16xi32>,
      tpu.vector_store %arg4[%swap3A], %broadcast_in_dim3A_3 {strides = array<i32>} : memref<1024xi32, #tpu.memory_space<vmem>>, vector<16xi32>,
      %scan3A_26 = arith.constant 0 : i32
      scf.yield %scan3A_26 : i32
    }
    %scan3A_11 = arith.constant 64 : i32
    %scan3A_12 = arith.constant 0 : i32
    %scan3A_13 = arith.constant 0 : i32
    %scan3A_14 = arith.constant 5 : i32
    %scan3A_15 = arith.addi %scan3A_13, %scan3A_14 : i32
    %scan3A_16 = arith.constant 1 : i32
    %scan3A_17 = scf.for %scan3A_21 = %scan3A_13 to %scan3A_15 step %scan3A_16 iter_args(%scan3A_22 = %scan3A_12) -> (i32)  : i32 {
      %mul3A_23 = arith.constant 6272 : i32
      %mul3A_24 = arith.muli %scan3A_21, %mul3A_23 : i32
      %add3A_25 = arith.addi %mul3A_2, %mul3A_24 : i32
      "tpu.region"() ({
        %run_scoped3A = tpu.sem_alloc : memref<!tpu.dma_semaphore, #tpu.memory_space<semaphore_mem>>
        %dma_start3A = tpu.memref_slice %arg2[%add3A_25] : memref<1003520xi32, #tpu.memory_space<hbm>> -> memref<6272xi32, #tpu.memory_space<hbm>>
        %dma_start3A_34 = tpu.memref_slice %arg2[%add3A_25] : memref<1003520xi32, #tpu.memory_space<hbm>> -> memref<6272xi32, #tpu.memory_space<hbm>>
        tpu.enqueue_dma source(%dma_start3A_34 : memref<6272xi32, #tpu.memory_space<hbm>>) target(%arg5 : memref<6272xi32, #tpu.memory_space<vmem>>) target_semaphore(%run_scoped3A : memref<!tpu.dma_semaphore, #tpu.memory_space<semaphore_mem>>)
        %dma_wait3A = tpu.memref_slice %arg2[%add3A_25] : memref<1003520xi32, #tpu.memory_space<hbm>> -> memref<6272xi32, #tpu.memory_space<hbm>>
        %dma_wait3A_35 = tpu.memref_slice %arg2[%add3A_25] : memref<1003520xi32, #tpu.memory_space<hbm>> -> memref<6272xi32, #tpu.memory_space<hbm>>
        tpu.wait_dma2 semaphore(%run_scoped3A : memref<!tpu.dma_semaphore, #tpu.memory_space<semaphore_mem>>) src(%dma_wait3A_35 : memref<6272xi32, #tpu.memory_space<hbm>>) dst(%arg5 : memref<6272xi32, #tpu.memory_space<vmem>>)
        tpu.yield
      }) : () -> ()
      %scan3A_26 = arith.constant 0 : i32
      %scan3A_27 = arith.constant 0 : i32
      %scan3A_28 = arith.constant 392 : i32
      %scan3A_29 = arith.addi %scan3A_27, %scan3A_28 : i32
      %scan3A_30 = arith.constant 1 : i32
      %scan3A_31 = scf.for %scan3A_34 = %scan3A_27 to %scan3A_29 step %scan3A_30 iter_args(%scan3A_35 = %scan3A_26) -> (i32)  : i32 {
        %mul3A_36 = arith.constant 16 : i32
        %mul3A_37 = arith.muli %scan3A_34, %mul3A_36 : i32
        %get3A = arith.index_cast %mul3A_37 : i32 to index
        %get3A_38 = tpu.vector_load %arg5[%get3A] {strides = array<i32>} : memref<6272xi32, #tpu.memory_space<vmem>>, vector<16xi32>,
        %shift_right_arithmetic3A = arith.constant 0 : i32
        %shift_right_arithmetic3A_39 = vector.broadcast %shift_right_arithmetic3A : i32 to vector<16xi32>
        %shift_right_arithmetic3A_40 = arith.shrsi %get3A_38, %shift_right_arithmetic3A_39 : vector<16xi32>
        %and3A = arith.constant 1023 : i32
        %and3A_41 = vector.broadcast %and3A : i32 to vector<16xi32>
        %and3A_42 = arith.andi %shift_right_arithmetic3A_40, %and3A_41 : vector<16xi32>
        tpu.vector_store_idx %arg4[%and3A_42], %broadcast_in_dim3A_5 {add = true} : memref<1024xi32, #tpu.memory_space<vmem>>[vector<16xi32>], vector<16xi32>,
        %scan3A_43 = arith.constant 0 : i32
        scf.yield %scan3A_43 : i32
      }
      %scan3A_32 = arith.constant 392 : i32
      %scan3A_33 = arith.constant 0 : i32
      scf.yield %scan3A_33 : i32
    }
    %scan3A_18 = arith.constant 5 : i32
    %mul3A_19 = arith.constant 1024 : i32
    %mul3A_20 = arith.muli %add3A, %mul3A_19 : i32
    "tpu.region"() ({
      %run_scoped3A = tpu.sem_alloc : memref<!tpu.dma_semaphore, #tpu.memory_space<semaphore_mem>>
      %dma_start3A = tpu.memref_slice %arg3[%mul3A_20] : memref<32768xi32, #tpu.memory_space<hbm>> -> memref<1024xi32, #tpu.memory_space<hbm>>
      %dma_start3A_21 = tpu.memref_slice %arg3[%mul3A_20] : memref<32768xi32, #tpu.memory_space<hbm>> -> memref<1024xi32, #tpu.memory_space<hbm>>
      tpu.enqueue_dma source(%arg4 : memref<1024xi32, #tpu.memory_space<vmem>>) target(%dma_start3A_21 : memref<1024xi32, #tpu.memory_space<hbm>>) target_semaphore(%run_scoped3A : memref<!tpu.dma_semaphore, #tpu.memory_space<semaphore_mem>>)
      %dma_wait3A = tpu.memref_slice %arg3[%mul3A_20] : memref<32768xi32, #tpu.memory_space<hbm>> -> memref<1024xi32, #tpu.memory_space<hbm>>
      %dma_wait3A_22 = tpu.memref_slice %arg3[%mul3A_20] : memref<32768xi32, #tpu.memory_space<hbm>> -> memref<1024xi32, #tpu.memory_space<hbm>>
      tpu.wait_dma2 semaphore(%run_scoped3A : memref<!tpu.dma_semaphore, #tpu.memory_space<semaphore_mem>>) src(%arg4 : memref<1024xi32, #tpu.memory_space<vmem>>) dst(%dma_wait3A_22 : memref<1024xi32, #tpu.memory_space<hbm>>)
      tpu.yield
    }) : () -> ()
    return
  }
}

#map = affine_map<(d0, d1) -> (0)>
module attributes {stable_mosaic.version = 14 : i64} {
  func.func @_scat_body(%arg0: i32, %arg1: i32, %arg2: memref<1003520xi32, #tpu.memory_space<hbm>>, %arg3: memref<32768xi32, #tpu.memory_space<hbm>>, %arg4: memref<2007040xi32, #tpu.memory_space<hbm>>, %arg5: memref<32768xi32, #tpu.memory_space<vmem>>, %arg6: memref<1024xi32, #tpu.memory_space<vmem>>, %arg7: memref<1024xi32, #tpu.memory_space<vmem>>, %arg8: memref<6272xi32, #tpu.memory_space<vmem>>, %arg9: memref<6272xi32, #tpu.memory_space<vmem>>, %arg10: memref<6272xi32, #tpu.memory_space<vmem>>, %arg11: memref<6272xi32, #tpu.memory_space<vmem>>, %arg12: memref<1003520xi32, #tpu.memory_space<vmem_shared>>, %arg13: memref<!tpu.dma_semaphore, #tpu.memory_space<semaphore_mem>>) attributes {dimension_semantics = [#tpu.dimension_semantics<core_parallel>, #tpu.dimension_semantics<subcore_parallel>], iteration_bounds = array<i64: 2, 16>, scalar_prefetch = 0 : i64, scratch_operands = 9 : i64, tpu.core_type = #tpu.core_type<sc_vector_subcore>, window_params = [{transform_indices = #map}, {transform_indices = #map}, {transform_indices = #map}]} {
    %mul3A = arith.constant 2 : i32
    %mul3A_0 = arith.muli %arg1, %mul3A : i32
    %add3A = arith.addi %mul3A_0, %arg0 : i32
    %mul3A_1 = arith.constant 31360 : i32
    %mul3A_2 = arith.muli %add3A, %mul3A_1 : i32
    %broadcast_in_dim3A = arith.constant 0 : i32
    %broadcast_in_dim3A_3 = vector.broadcast %broadcast_in_dim3A : i32 to vector<16xi32>
    %broadcast_in_dim3A_4 = arith.constant 1 : i32
    %broadcast_in_dim3A_5 = vector.broadcast %broadcast_in_dim3A_4 : i32 to vector<16xi32>
    "tpu.region"() ({
      %run_scoped3A = tpu.sem_alloc : memref<!tpu.dma_semaphore, #tpu.memory_space<semaphore_mem>>
      tpu.enqueue_dma source(%arg3 : memref<32768xi32, #tpu.memory_space<hbm>>) target(%arg5 : memref<32768xi32, #tpu.memory_space<vmem>>) target_semaphore(%run_scoped3A : memref<!tpu.dma_semaphore, #tpu.memory_space<semaphore_mem>>)
      tpu.wait_dma2 semaphore(%run_scoped3A : memref<!tpu.dma_semaphore, #tpu.memory_space<semaphore_mem>>) src(%arg3 : memref<32768xi32, #tpu.memory_space<hbm>>) dst(%arg5 : memref<32768xi32, #tpu.memory_space<vmem>>)
      tpu.yield
    }) : () -> ()
    %scan3A = arith.constant 0 : i32
    %scan3A_6 = arith.constant 0 : i32
    %scan3A_7 = arith.constant 64 : i32
    %scan3A_8 = arith.addi %scan3A_6, %scan3A_7 : i32
    %scan3A_9 = arith.constant 1 : i32
    %scan3A_10 = scf.for %scan3A_55 = %scan3A_6 to %scan3A_8 step %scan3A_9 iter_args(%scan3A_56 = %scan3A) -> (i32)  : i32 {
      %mul3A_57 = arith.constant 16 : i32
      %mul3A_58 = arith.muli %scan3A_55, %mul3A_57 : i32
      %swap3A = arith.index_cast %mul3A_58 : i32 to index
      %swap3A_59 = tpu.vector_load %arg6[%swap3A] {strides = array<i32>} : memref<1024xi32, #tpu.memory_space<vmem>>, vector<16xi32>,
      tpu.vector_store %arg6[%swap3A], %broadcast_in_dim3A_3 {strides = array<i32>} : memref<1024xi32, #tpu.memory_space<vmem>>, vector<16xi32>,
      %mul3A_60 = arith.constant 16 : i32
      %mul3A_61 = arith.muli %scan3A_55, %mul3A_60 : i32
      %swap3A_62 = arith.index_cast %mul3A_61 : i32 to index
      %swap3A_63 = tpu.vector_load %arg7[%swap3A_62] {strides = array<i32>} : memref<1024xi32, #tpu.memory_space<vmem>>, vector<16xi32>,
      tpu.vector_store %arg7[%swap3A_62], %broadcast_in_dim3A_3 {strides = array<i32>} : memref<1024xi32, #tpu.memory_space<vmem>>, vector<16xi32>,
      %scan3A_64 = arith.constant 0 : i32
      scf.yield %scan3A_64 : i32
    }
    %scan3A_11 = arith.constant 64 : i32
    %scan3A_12 = arith.constant 0 : i32
    %scan3A_13 = arith.constant 0 : i32
    %scan3A_14 = arith.constant 32 : i32
    %scan3A_15 = arith.addi %scan3A_13, %scan3A_14 : i32
    %scan3A_16 = arith.constant 1 : i32
    %scan3A_17 = scf.for %scan3A_55 = %scan3A_13 to %scan3A_15 step %scan3A_16 iter_args(%scan3A_56 = %scan3A_12) -> (i32)  : i32 {
      %eq3A = arith.cmpi eq, %scan3A_55, %add3A : i32
      %convert_element_type3A = arith.extui %eq3A : i1 to i32
      %cond3A = arith.constant 0 : i32
      %cond3A_57 = arith.cmpi ne, %convert_element_type3A, %cond3A : i32
      scf.if %cond3A_57 {
        %scan3A_66 = arith.constant 0 : i32
        %scan3A_67 = arith.constant 0 : i32
        %scan3A_68 = arith.constant 64 : i32
        %scan3A_69 = arith.addi %scan3A_67, %scan3A_68 : i32
        %scan3A_70 = arith.constant 1 : i32
        %scan3A_71 = scf.for %scan3A_73 = %scan3A_67 to %scan3A_69 step %scan3A_70 iter_args(%scan3A_74 = %scan3A_66) -> (i32)  : i32 {
          %mul3A_75 = arith.constant 16 : i32
          %mul3A_76 = arith.muli %scan3A_73, %mul3A_75 : i32
          %get3A = arith.index_cast %mul3A_76 : i32 to index
          %get3A_77 = tpu.vector_load %arg6[%get3A] {strides = array<i32>} : memref<1024xi32, #tpu.memory_space<vmem>>, vector<16xi32>,
          %swap3A = arith.index_cast %mul3A_76 : i32 to index
          %swap3A_78 = tpu.vector_load %arg7[%swap3A] {strides = array<i32>} : memref<1024xi32, #tpu.memory_space<vmem>>, vector<16xi32>,
          tpu.vector_store %arg7[%swap3A], %get3A_77 {strides = array<i32>} : memref<1024xi32, #tpu.memory_space<vmem>>, vector<16xi32>,
          %scan3A_79 = arith.constant 0 : i32
          scf.yield %scan3A_79 : i32
        }
        %scan3A_72 = arith.constant 64 : i32
      } else {
      }
      %scan3A_58 = arith.constant 0 : i32
      %scan3A_59 = arith.constant 0 : i32
      %scan3A_60 = arith.constant 16 : i32
      %scan3A_61 = arith.addi %scan3A_59, %scan3A_60 : i32
      %scan3A_62 = arith.constant 1 : i32
      %scan3A_63 = scf.for %scan3A_66 = %scan3A_59 to %scan3A_61 step %scan3A_62 iter_args(%scan3A_67 = %scan3A_58) -> (i32)  : i32 {
        %mul3A_68 = arith.constant 64 : i32
        %mul3A_69 = arith.muli %scan3A_66, %mul3A_68 : i32
        %add3A_70 = arith.constant 0 : i32
        %add3A_71 = arith.addi %mul3A_69, %add3A_70 : i32
        %get3A = arith.index_cast %add3A_71 : i32 to index
        %get3A_72 = tpu.vector_load %arg6[%get3A] {strides = array<i32>} : memref<1024xi32, #tpu.memory_space<vmem>>, vector<16xi32>,
        %mul3A_73 = arith.constant 1024 : i32
        %mul3A_74 = arith.muli %scan3A_55, %mul3A_73 : i32
        %mul3A_75 = arith.constant 64 : i32
        %mul3A_76 = arith.muli %scan3A_66, %mul3A_75 : i32
        %add3A_77 = arith.addi %mul3A_74, %mul3A_76 : i32
        %add3A_78 = arith.constant 0 : i32
        %add3A_79 = arith.addi %add3A_77, %add3A_78 : i32
        %get3A_80 = arith.index_cast %add3A_79 : i32 to index
        %get3A_81 = tpu.vector_load %arg5[%get3A_80] {strides = array<i32>} : memref<32768xi32, #tpu.memory_space<vmem>>, vector<16xi32>,
        %add3A_82 = arith.addi %get3A_72, %get3A_81 : vector<16xi32>
        %swap3A = arith.index_cast %add3A_71 : i32 to index
        %swap3A_83 = tpu.vector_load %arg6[%swap3A] {strides = array<i32>} : memref<1024xi32, #tpu.memory_space<vmem>>, vector<16xi32>,
        tpu.vector_store %arg6[%swap3A], %add3A_82 {strides = array<i32>} : memref<1024xi32, #tpu.memory_space<vmem>>, vector<16xi32>,
        %mul3A_84 = arith.constant 64 : i32
        %mul3A_85 = arith.muli %scan3A_66, %mul3A_84 : i32
        %add3A_86 = arith.constant 16 : i32
        %add3A_87 = arith.addi %mul3A_85, %add3A_86 : i32
        %get3A_88 = arith.index_cast %add3A_87 : i32 to index
        %get3A_89 = tpu.vector_load %arg6[%get3A_88] {strides = array<i32>} : memref<1024xi32, #tpu.memory_space<vmem>>, vector<16xi32>,
        %mul3A_90 = arith.constant 1024 : i32
        %mul3A_91 = arith.muli %scan3A_55, %mul3A_90 : i32
        %mul3A_92 = arith.constant 64 : i32
        %mul3A_93 = arith.muli %scan3A_66, %mul3A_92 : i32
        %add3A_94 = arith.addi %mul3A_91, %mul3A_93 : i32
        %add3A_95 = arith.constant 16 : i32
        %add3A_96 = arith.addi %add3A_94, %add3A_95 : i32
        %get3A_97 = arith.index_cast %add3A_96 : i32 to index
        %get3A_98 = tpu.vector_load %arg5[%get3A_97] {strides = array<i32>} : memref<32768xi32, #tpu.memory_space<vmem>>, vector<16xi32>,
        %add3A_99 = arith.addi %get3A_89, %get3A_98 : vector<16xi32>
        %swap3A_100 = arith.index_cast %add3A_87 : i32 to index
        %swap3A_101 = tpu.vector_load %arg6[%swap3A_100] {strides = array<i32>} : memref<1024xi32, #tpu.memory_space<vmem>>, vector<16xi32>,
        tpu.vector_store %arg6[%swap3A_100], %add3A_99 {strides = array<i32>} : memref<1024xi32, #tpu.memory_space<vmem>>, vector<16xi32>,
        %mul3A_102 = arith.constant 64 : i32
        %mul3A_103 = arith.muli %scan3A_66, %mul3A_102 : i32
        %add3A_104 = arith.constant 32 : i32
        %add3A_105 = arith.addi %mul3A_103, %add3A_104 : i32
        %get3A_106 = arith.index_cast %add3A_105 : i32 to index
        %get3A_107 = tpu.vector_load %arg6[%get3A_106] {strides = array<i32>} : memref<1024xi32, #tpu.memory_space<vmem>>, vector<16xi32>,
        %mul3A_108 = arith.constant 1024 : i32
        %mul3A_109 = arith.muli %scan3A_55, %mul3A_108 : i32
        %mul3A_110 = arith.constant 64 : i32
        %mul3A_111 = arith.muli %scan3A_66, %mul3A_110 : i32
        %add3A_112 = arith.addi %mul3A_109, %mul3A_111 : i32
        %add3A_113 = arith.constant 32 : i32
        %add3A_114 = arith.addi %add3A_112, %add3A_113 : i32
        %get3A_115 = arith.index_cast %add3A_114 : i32 to index
        %get3A_116 = tpu.vector_load %arg5[%get3A_115] {strides = array<i32>} : memref<32768xi32, #tpu.memory_space<vmem>>, vector<16xi32>,
        %add3A_117 = arith.addi %get3A_107, %get3A_116 : vector<16xi32>
        %swap3A_118 = arith.index_cast %add3A_105 : i32 to index
        %swap3A_119 = tpu.vector_load %arg6[%swap3A_118] {strides = array<i32>} : memref<1024xi32, #tpu.memory_space<vmem>>, vector<16xi32>,
        tpu.vector_store %arg6[%swap3A_118], %add3A_117 {strides = array<i32>} : memref<1024xi32, #tpu.memory_space<vmem>>, vector<16xi32>,
        %mul3A_120 = arith.constant 64 : i32
        %mul3A_121 = arith.muli %scan3A_66, %mul3A_120 : i32
        %add3A_122 = arith.constant 48 : i32
        %add3A_123 = arith.addi %mul3A_121, %add3A_122 : i32
        %get3A_124 = arith.index_cast %add3A_123 : i32 to index
        %get3A_125 = tpu.vector_load %arg6[%get3A_124] {strides = array<i32>} : memref<1024xi32, #tpu.memory_space<vmem>>, vector<16xi32>,
        %mul3A_126 = arith.constant 1024 : i32
        %mul3A_127 = arith.muli %scan3A_55, %mul3A_126 : i32
        %mul3A_128 = arith.constant 64 : i32
        %mul3A_129 = arith.muli %scan3A_66, %mul3A_128 : i32
        %add3A_130 = arith.addi %mul3A_127, %mul3A_129 : i32
        %add3A_131 = arith.constant 48 : i32
        %add3A_132 = arith.addi %add3A_130, %add3A_131 : i32
        %get3A_133 = arith.index_cast %add3A_132 : i32 to index
        %get3A_134 = tpu.vector_load %arg5[%get3A_133] {strides = array<i32>} : memref<32768xi32, #tpu.memory_space<vmem>>, vector<16xi32>,
        %add3A_135 = arith.addi %get3A_125, %get3A_134 : vector<16xi32>
        %swap3A_136 = arith.index_cast %add3A_123 : i32 to index
        %swap3A_137 = tpu.vector_load %arg6[%swap3A_136] {strides = array<i32>} : memref<1024xi32, #tpu.memory_space<vmem>>, vector<16xi32>,
        tpu.vector_store %arg6[%swap3A_136], %add3A_135 {strides = array<i32>} : memref<1024xi32, #tpu.memory_space<vmem>>, vector<16xi32>,
        %scan3A_138 = arith.constant 0 : i32
        scf.yield %scan3A_138 : i32
      }
      %scan3A_64 = arith.constant 16 : i32
      %scan3A_65 = arith.constant 0 : i32
      scf.yield %scan3A_65 : i32
    }
    %scan3A_18 = arith.constant 32 : i32
    %scan3A_19 = arith.constant 0 : i32
    %scan3A_20 = arith.constant 0 : i32
    %scan3A_21 = arith.constant 64 : i32
    %scan3A_22 = arith.addi %scan3A_20, %scan3A_21 : i32
    %scan3A_23 = arith.constant 1 : i32
    %scan3A_24 = scf.for %scan3A_55 = %scan3A_20 to %scan3A_22 step %scan3A_23 iter_args(%scan3A_56 = %scan3A_19) -> (i32)  : i32 {
      %mul3A_57 = arith.constant 16 : i32
      %mul3A_58 = arith.muli %scan3A_55, %mul3A_57 : i32
      %get3A = arith.index_cast %mul3A_58 : i32 to index
      %get3A_59 = tpu.vector_load %arg6[%get3A] {strides = array<i32>} : memref<1024xi32, #tpu.memory_space<vmem>>, vector<16xi32>,
      %broadcast_in_dim3A_60 = arith.constant true
      %broadcast_in_dim3A_61 = vector.broadcast %broadcast_in_dim3A_60 : i1 to vector<16xi1>
      %masked_cumsum3A = tpu.scan <sum>, %get3A_59 masked %broadcast_in_dim3A_61 : vector<16xi32>, vector<16xi1> -> vector<16xi32>
      %get3A_62 = arith.index_cast %mul3A_58 : i32 to index
      %get3A_63 = tpu.vector_load %arg7[%get3A_62] {strides = array<i32>} : memref<1024xi32, #tpu.memory_space<vmem>>, vector<16xi32>,
      %sub3A = arith.subi %masked_cumsum3A, %get3A_59 : vector<16xi32>
      %add3A_64 = arith.addi %get3A_63, %sub3A : vector<16xi32>
      %add3A_65 = vector.broadcast %scan3A_56 : i32 to vector<16xi32>
      %add3A_66 = arith.addi %add3A_64, %add3A_65 : vector<16xi32>
      %swap3A = arith.index_cast %mul3A_58 : i32 to index
      %swap3A_67 = tpu.vector_load %arg7[%swap3A] {strides = array<i32>} : memref<1024xi32, #tpu.memory_space<vmem>>, vector<16xi32>,
      tpu.vector_store %arg7[%swap3A], %add3A_66 {strides = array<i32>} : memref<1024xi32, #tpu.memory_space<vmem>>, vector<16xi32>,
      %reduce_sum3A = arith.constant true
      %reduce_sum3A_68 = vector.broadcast %reduce_sum3A : i1 to vector<16xi1>
      %reduce_sum3A_69 = tpu.scan <sum>, %get3A_59 masked %reduce_sum3A_68 : vector<16xi32>, vector<16xi1> -> vector<16xi32>
      %reduce_sum3A_70 = vector.extract %reduce_sum3A_69[15] : i32 from vector<16xi32>
      %add3A_71 = arith.addi %scan3A_56, %reduce_sum3A_70 : i32
      scf.yield %add3A_71 : i32
    }
    %scan3A_25 = arith.constant 64 : i32
    %scan3A_26 = arith.constant 0 : i32
    %scan3A_27 = arith.constant 0 : i32
    %scan3A_28 = arith.constant 392 : i32
    %scan3A_29 = arith.addi %scan3A_27, %scan3A_28 : i32
    %scan3A_30 = arith.constant 1 : i32
    %scan3A_31 = scf.for %scan3A_55 = %scan3A_27 to %scan3A_29 step %scan3A_30 iter_args(%scan3A_56 = %scan3A_26) -> (i32)  : i32 {
      %mul3A_57 = arith.constant 16 : i32
      %mul3A_58 = arith.muli %scan3A_55, %mul3A_57 : i32
      %swap3A = arith.index_cast %mul3A_58 : i32 to index
      %swap3A_59 = tpu.vector_load %arg11[%swap3A] {strides = array<i32>} : memref<6272xi32, #tpu.memory_space<vmem>>, vector<16xi32>,
      tpu.vector_store %arg11[%swap3A], %broadcast_in_dim3A_3 {strides = array<i32>} : memref<6272xi32, #tpu.memory_space<vmem>>, vector<16xi32>,
      %scan3A_60 = arith.constant 0 : i32
      scf.yield %scan3A_60 : i32
    }
    %scan3A_32 = arith.constant 392 : i32
    %scan3A_33 = arith.constant 0 : i32
    %scan3A_34 = arith.constant 0 : i32
    %scan3A_35 = arith.constant 10 : i32
    %scan3A_36 = arith.addi %scan3A_34, %scan3A_35 : i32
    %scan3A_37 = arith.constant 1 : i32
    %scan3A_38 = scf.for %scan3A_55 = %scan3A_34 to %scan3A_36 step %scan3A_37 iter_args(%scan3A_56 = %scan3A_33) -> (i32)  : i32 {
      %mul3A_57 = arith.constant 62720 : i32
      %mul3A_58 = arith.muli %arg1, %mul3A_57 : i32
      %mul3A_59 = arith.constant 6272 : i32
      %mul3A_60 = arith.muli %scan3A_55, %mul3A_59 : i32
      %add3A_61 = arith.addi %mul3A_58, %mul3A_60 : i32
      "tpu.region"() ({
        %run_scoped3A = tpu.sem_alloc : memref<!tpu.dma_semaphore, #tpu.memory_space<semaphore_mem>>
        %dma_start3A = tpu.memref_slice %arg12[%add3A_61] : memref<1003520xi32, #tpu.memory_space<vmem_shared>> -> memref<6272xi32, #tpu.memory_space<vmem_shared>>
        %dma_start3A_63 = tpu.memref_slice %arg12[%add3A_61] : memref<1003520xi32, #tpu.memory_space<vmem_shared>> -> memref<6272xi32, #tpu.memory_space<vmem_shared>>
        tpu.enqueue_dma source(%arg11 : memref<6272xi32, #tpu.memory_space<vmem>>) target(%dma_start3A_63 : memref<6272xi32, #tpu.memory_space<vmem_shared>>) target_semaphore(%run_scoped3A : memref<!tpu.dma_semaphore, #tpu.memory_space<semaphore_mem>>)
        %dma_wait3A = tpu.memref_slice %arg12[%add3A_61] : memref<1003520xi32, #tpu.memory_space<vmem_shared>> -> memref<6272xi32, #tpu.memory_space<vmem_shared>>
        %dma_wait3A_64 = tpu.memref_slice %arg12[%add3A_61] : memref<1003520xi32, #tpu.memory_space<vmem_shared>> -> memref<6272xi32, #tpu.memory_space<vmem_shared>>
        tpu.wait_dma2 semaphore(%run_scoped3A : memref<!tpu.dma_semaphore, #tpu.memory_space<semaphore_mem>>) src(%arg11 : memref<6272xi32, #tpu.memory_space<vmem>>) dst(%dma_wait3A_64 : memref<6272xi32, #tpu.memory_space<vmem_shared>>)
        tpu.yield
      }) : () -> ()
      %scan3A_62 = arith.constant 0 : i32
      scf.yield %scan3A_62 : i32
    }
    %scan3A_39 = arith.constant 10 : i32
    %barrier3A = arith.constant 0 : index
    tpu.barrier barrier_id(%barrier3A)
    %scan3A_40 = arith.constant 0 : i32
    %scan3A_41 = arith.constant 0 : i32
    %scan3A_42 = arith.constant 5 : i32
    %scan3A_43 = arith.addi %scan3A_41, %scan3A_42 : i32
    %scan3A_44 = arith.constant 1 : i32
    %scan3A_45 = scf.for %scan3A_55 = %scan3A_41 to %scan3A_43 step %scan3A_44 iter_args(%scan3A_56 = %scan3A_40) -> (i32)  : i32 {
      %mul3A_57 = arith.constant 6272 : i32
      %mul3A_58 = arith.muli %scan3A_55, %mul3A_57 : i32
      %add3A_59 = arith.addi %mul3A_2, %mul3A_58 : i32
      "tpu.region"() ({
        %run_scoped3A = tpu.sem_alloc : memref<!tpu.dma_semaphore, #tpu.memory_space<semaphore_mem>>
        %dma_start3A_70 = tpu.memref_slice %arg2[%add3A_59] : memref<1003520xi32, #tpu.memory_space<hbm>> -> memref<6272xi32, #tpu.memory_space<hbm>>
        %dma_start3A_71 = tpu.memref_slice %arg2[%add3A_59] : memref<1003520xi32, #tpu.memory_space<hbm>> -> memref<6272xi32, #tpu.memory_space<hbm>>
        tpu.enqueue_dma source(%dma_start3A_71 : memref<6272xi32, #tpu.memory_space<hbm>>) target(%arg8 : memref<6272xi32, #tpu.memory_space<vmem>>) target_semaphore(%run_scoped3A : memref<!tpu.dma_semaphore, #tpu.memory_space<semaphore_mem>>)
        %dma_wait3A_72 = tpu.memref_slice %arg2[%add3A_59] : memref<1003520xi32, #tpu.memory_space<hbm>> -> memref<6272xi32, #tpu.memory_space<hbm>>
        %dma_wait3A_73 = tpu.memref_slice %arg2[%add3A_59] : memref<1003520xi32, #tpu.memory_space<hbm>> -> memref<6272xi32, #tpu.memory_space<hbm>>
        tpu.wait_dma2 semaphore(%run_scoped3A : memref<!tpu.dma_semaphore, #tpu.memory_space<semaphore_mem>>) src(%dma_wait3A_73 : memref<6272xi32, #tpu.memory_space<hbm>>) dst(%arg8 : memref<6272xi32, #tpu.memory_space<vmem>>)
        tpu.yield
      }) : () -> ()
      %scan3A_60 = arith.constant 0 : i32
      %scan3A_61 = arith.constant 0 : i32
      %scan3A_62 = arith.constant 392 : i32
      %scan3A_63 = arith.addi %scan3A_61, %scan3A_62 : i32
      %scan3A_64 = arith.constant 1 : i32
      %scan3A_65 = scf.for %scan3A_70 = %scan3A_61 to %scan3A_63 step %scan3A_64 iter_args(%scan3A_71 = %scan3A_60) -> (i32)  : i32 {
        %mul3A_72 = arith.constant 16 : i32
        %mul3A_73 = arith.muli %scan3A_70, %mul3A_72 : i32
        %get3A = arith.index_cast %mul3A_73 : i32 to index
        %get3A_74 = tpu.vector_load %arg8[%get3A] {strides = array<i32>} : memref<6272xi32, #tpu.memory_space<vmem>>, vector<16xi32>,
        %shift_right_arithmetic3A = arith.constant 10 : i32
        %shift_right_arithmetic3A_75 = vector.broadcast %shift_right_arithmetic3A : i32 to vector<16xi32>
        %shift_right_arithmetic3A_76 = arith.shrsi %get3A_74, %shift_right_arithmetic3A_75 : vector<16xi32>
        %and3A = arith.constant 1023 : i32
        %and3A_77 = vector.broadcast %and3A : i32 to vector<16xi32>
        %and3A_78 = arith.andi %shift_right_arithmetic3A_76, %and3A_77 : vector<16xi32>
        %gather3A = tpu.vector_load_idx %arg7[%and3A_78] : memref<1024xi32, #tpu.memory_space<vmem>>[vector<16xi32>], vector<16xi32>,
        %broadcast_in_dim3A_79 = arith.constant true
        %broadcast_in_dim3A_80 = vector.broadcast %broadcast_in_dim3A_79 : i1 to vector<16xi1>
        %unique3A, %unique3A_81 = tpu.scan_count mask(%broadcast_in_dim3A_80 : vector<16xi1>) value(%and3A_78 : vector<16xi32>) : vector<16xi1>, vector<16xi32>
        tpu.vector_store_idx %arg7[%and3A_78], %broadcast_in_dim3A_5 {add = true} : memref<1024xi32, #tpu.memory_space<vmem>>[vector<16xi32>], vector<16xi32>,
        %add3A_82 = arith.addi %gather3A, %unique3A_81 : vector<16xi32>
        %sub3A = arith.subi %add3A_82, %broadcast_in_dim3A_5 : vector<16xi32>
        %mul3A_83 = arith.constant 16 : i32
        %mul3A_84 = arith.muli %scan3A_70, %mul3A_83 : i32
        %swap3A = arith.index_cast %mul3A_84 : i32 to index
        %swap3A_85 = tpu.vector_load %arg10[%swap3A] {strides = array<i32>} : memref<6272xi32, #tpu.memory_space<vmem>>, vector<16xi32>,
        tpu.vector_store %arg10[%swap3A], %sub3A {strides = array<i32>} : memref<6272xi32, #tpu.memory_space<vmem>>, vector<16xi32>,
        %mul3A_86 = arith.constant 6272 : i32
        %mul3A_87 = arith.muli %scan3A_55, %mul3A_86 : i32
        %add3A_88 = arith.addi %mul3A_2, %mul3A_87 : i32
        %mul3A_89 = arith.constant 16 : i32
        %mul3A_90 = arith.muli %scan3A_70, %mul3A_89 : i32
        %add3A_91 = arith.addi %add3A_88, %mul3A_90 : i32
        %add3A_92 = arith.constant 1 : i32
        %add3A_93 = arith.addi %add3A_91, %add3A_92 : i32
        %iota3A = tpu.iota {dimensions = array<i32: 0>} : vector<16xi32>
        %add3A_94 = vector.broadcast %add3A_93 : i32 to vector<16xi32>
        %add3A_95 = arith.addi %add3A_94, %iota3A : vector<16xi32>
        %mul3A_96 = arith.constant 16 : i32
        %mul3A_97 = arith.muli %scan3A_70, %mul3A_96 : i32
        %swap3A_98 = arith.index_cast %mul3A_97 : i32 to index
        %swap3A_99 = tpu.vector_load %arg9[%swap3A_98] {strides = array<i32>} : memref<6272xi32, #tpu.memory_space<vmem>>, vector<16xi32>,
        tpu.vector_store %arg9[%swap3A_98], %add3A_95 {strides = array<i32>} : memref<6272xi32, #tpu.memory_space<vmem>>, vector<16xi32>,
        %scan3A_100 = arith.constant 0 : i32
        scf.yield %scan3A_100 : i32
      }
      %scan3A_66 = arith.constant 392 : i32
      %dma_start3A = arith.constant 0 : i32
      %dma_start3A_67 = tpu.memref_slice %arg12[%dma_start3A] : memref<1003520xi32, #tpu.memory_space<vmem_shared>> -> memref<1003520xi32, #tpu.memory_space<vmem_shared>>
      tpu.enqueue_indirect_dma source(%arg9 : memref<6272xi32, #tpu.memory_space<vmem>>) target(%dma_start3A_67 : memref<1003520xi32, #tpu.memory_space<vmem_shared>>) offsets(%arg10 : memref<6272xi32, #tpu.memory_space<vmem>>) semaphore(%arg13 : memref<!tpu.dma_semaphore, #tpu.memory_space<semaphore_mem>>)
      %dma_wait3A = arith.constant 0 : i32
      %dma_wait3A_68 = tpu.memref_slice %arg12[%dma_wait3A] : memref<1003520xi32, #tpu.memory_space<vmem_shared>> -> memref<1003520xi32, #tpu.memory_space<vmem_shared>>
      tpu.wait_indirect_dma semaphore(%arg13 : memref<!tpu.dma_semaphore, #tpu.memory_space<semaphore_mem>>) src(%arg9 : memref<6272xi32, #tpu.memory_space<vmem>>) dst(%dma_wait3A_68 : memref<1003520xi32, #tpu.memory_space<vmem_shared>>)
      %scan3A_69 = arith.constant 0 : i32
      scf.yield %scan3A_69 : i32
    }
    %scan3A_46 = arith.constant 5 : i32
    %barrier3A_47 = arith.constant 0 : index
    tpu.barrier barrier_id(%barrier3A_47)
    %mul3A_48 = arith.constant 62720 : i32
    %mul3A_49 = arith.muli %arg1, %mul3A_48 : i32
    %mul3A_50 = arith.constant 1003520 : i32
    %mul3A_51 = arith.muli %arg0, %mul3A_50 : i32
    %mul3A_52 = arith.constant 62720 : i32
    %mul3A_53 = arith.muli %arg1, %mul3A_52 : i32
    %add3A_54 = arith.addi %mul3A_51, %mul3A_53 : i32
    "tpu.region"() ({
      %run_scoped3A = tpu.sem_alloc : memref<!tpu.dma_semaphore, #tpu.memory_space<semaphore_mem>>
      %dma_start3A = tpu.memref_slice %arg4[%add3A_54] : memref<2007040xi32, #tpu.memory_space<hbm>> -> memref<62720xi32, #tpu.memory_space<hbm>>
      %dma_start3A_55 = tpu.memref_slice %arg12[%mul3A_49] : memref<1003520xi32, #tpu.memory_space<vmem_shared>> -> memref<62720xi32, #tpu.memory_space<vmem_shared>>
      tpu.enqueue_dma source(%dma_start3A_55 : memref<62720xi32, #tpu.memory_space<vmem_shared>>) target(%dma_start3A : memref<62720xi32, #tpu.memory_space<hbm>>) target_semaphore(%run_scoped3A : memref<!tpu.dma_semaphore, #tpu.memory_space<semaphore_mem>>)
      %dma_wait3A = tpu.memref_slice %arg4[%add3A_54] : memref<2007040xi32, #tpu.memory_space<hbm>> -> memref<62720xi32, #tpu.memory_space<hbm>>
      %dma_wait3A_56 = tpu.memref_slice %arg12[%mul3A_49] : memref<1003520xi32, #tpu.memory_space<vmem_shared>> -> memref<62720xi32, #tpu.memory_space<vmem_shared>>
      tpu.wait_dma2 semaphore(%run_scoped3A : memref<!tpu.dma_semaphore, #tpu.memory_space<semaphore_mem>>) src(%dma_wait3A_56 : memref<62720xi32, #tpu.memory_space<vmem_shared>>) dst(%dma_wait3A : memref<62720xi32, #tpu.memory_space<hbm>>)
      tpu.yield
    }) : () -> ()
    return
  }
}

#map = affine_map<(d0, d1) -> (0)>
module attributes {stable_mosaic.version = 14 : i64} {
  func.func @_scat_body(%arg0: i32, %arg1: i32, %arg2: memref<1003520xi32, #tpu.memory_space<hbm>>, %arg3: memref<32768xi32, #tpu.memory_space<hbm>>, %arg4: memref<2007040xi32, #tpu.memory_space<hbm>>, %arg5: memref<32768xi32, #tpu.memory_space<vmem>>, %arg6: memref<1024xi32, #tpu.memory_space<vmem>>, %arg7: memref<1024xi32, #tpu.memory_space<vmem>>, %arg8: memref<6272xi32, #tpu.memory_space<vmem>>, %arg9: memref<6272xi32, #tpu.memory_space<vmem>>, %arg10: memref<6272xi32, #tpu.memory_space<vmem>>, %arg11: memref<6272xi32, #tpu.memory_space<vmem>>, %arg12: memref<1003520xi32, #tpu.memory_space<vmem_shared>>, %arg13: memref<!tpu.dma_semaphore, #tpu.memory_space<semaphore_mem>>) attributes {dimension_semantics = [#tpu.dimension_semantics<core_parallel>, #tpu.dimension_semantics<subcore_parallel>], iteration_bounds = array<i64: 2, 16>, scalar_prefetch = 0 : i64, scratch_operands = 9 : i64, tpu.core_type = #tpu.core_type<sc_vector_subcore>, window_params = [{transform_indices = #map}, {transform_indices = #map}, {transform_indices = #map}]} {
    %mul3A = arith.constant 2 : i32
    %mul3A_0 = arith.muli %arg1, %mul3A : i32
    %add3A = arith.addi %mul3A_0, %arg0 : i32
    %mul3A_1 = arith.constant 31360 : i32
    %mul3A_2 = arith.muli %add3A, %mul3A_1 : i32
    %broadcast_in_dim3A = arith.constant 0 : i32
    %broadcast_in_dim3A_3 = vector.broadcast %broadcast_in_dim3A : i32 to vector<16xi32>
    %broadcast_in_dim3A_4 = arith.constant 1 : i32
    %broadcast_in_dim3A_5 = vector.broadcast %broadcast_in_dim3A_4 : i32 to vector<16xi32>
    "tpu.region"() ({
      %run_scoped3A = tpu.sem_alloc : memref<!tpu.dma_semaphore, #tpu.memory_space<semaphore_mem>>
      tpu.enqueue_dma source(%arg3 : memref<32768xi32, #tpu.memory_space<hbm>>) target(%arg5 : memref<32768xi32, #tpu.memory_space<vmem>>) target_semaphore(%run_scoped3A : memref<!tpu.dma_semaphore, #tpu.memory_space<semaphore_mem>>)
      tpu.wait_dma2 semaphore(%run_scoped3A : memref<!tpu.dma_semaphore, #tpu.memory_space<semaphore_mem>>) src(%arg3 : memref<32768xi32, #tpu.memory_space<hbm>>) dst(%arg5 : memref<32768xi32, #tpu.memory_space<vmem>>)
      tpu.yield
    }) : () -> ()
    %scan3A = arith.constant 0 : i32
    %scan3A_6 = arith.constant 0 : i32
    %scan3A_7 = arith.constant 64 : i32
    %scan3A_8 = arith.addi %scan3A_6, %scan3A_7 : i32
    %scan3A_9 = arith.constant 1 : i32
    %scan3A_10 = scf.for %scan3A_55 = %scan3A_6 to %scan3A_8 step %scan3A_9 iter_args(%scan3A_56 = %scan3A) -> (i32)  : i32 {
      %mul3A_57 = arith.constant 16 : i32
      %mul3A_58 = arith.muli %scan3A_55, %mul3A_57 : i32
      %swap3A = arith.index_cast %mul3A_58 : i32 to index
      %swap3A_59 = tpu.vector_load %arg6[%swap3A] {strides = array<i32>} : memref<1024xi32, #tpu.memory_space<vmem>>, vector<16xi32>,
      tpu.vector_store %arg6[%swap3A], %broadcast_in_dim3A_3 {strides = array<i32>} : memref<1024xi32, #tpu.memory_space<vmem>>, vector<16xi32>,
      %mul3A_60 = arith.constant 16 : i32
      %mul3A_61 = arith.muli %scan3A_55, %mul3A_60 : i32
      %swap3A_62 = arith.index_cast %mul3A_61 : i32 to index
      %swap3A_63 = tpu.vector_load %arg7[%swap3A_62] {strides = array<i32>} : memref<1024xi32, #tpu.memory_space<vmem>>, vector<16xi32>,
      tpu.vector_store %arg7[%swap3A_62], %broadcast_in_dim3A_3 {strides = array<i32>} : memref<1024xi32, #tpu.memory_space<vmem>>, vector<16xi32>,
      %scan3A_64 = arith.constant 0 : i32
      scf.yield %scan3A_64 : i32
    }
    %scan3A_11 = arith.constant 64 : i32
    %scan3A_12 = arith.constant 0 : i32
    %scan3A_13 = arith.constant 0 : i32
    %scan3A_14 = arith.constant 32 : i32
    %scan3A_15 = arith.addi %scan3A_13, %scan3A_14 : i32
    %scan3A_16 = arith.constant 1 : i32
    %scan3A_17 = scf.for %scan3A_55 = %scan3A_13 to %scan3A_15 step %scan3A_16 iter_args(%scan3A_56 = %scan3A_12) -> (i32)  : i32 {
      %eq3A = arith.cmpi eq, %scan3A_55, %add3A : i32
      %convert_element_type3A = arith.extui %eq3A : i1 to i32
      %cond3A = arith.constant 0 : i32
      %cond3A_57 = arith.cmpi ne, %convert_element_type3A, %cond3A : i32
      scf.if %cond3A_57 {
        %scan3A_66 = arith.constant 0 : i32
        %scan3A_67 = arith.constant 0 : i32
        %scan3A_68 = arith.constant 64 : i32
        %scan3A_69 = arith.addi %scan3A_67, %scan3A_68 : i32
        %scan3A_70 = arith.constant 1 : i32
        %scan3A_71 = scf.for %scan3A_73 = %scan3A_67 to %scan3A_69 step %scan3A_70 iter_args(%scan3A_74 = %scan3A_66) -> (i32)  : i32 {
          %mul3A_75 = arith.constant 16 : i32
          %mul3A_76 = arith.muli %scan3A_73, %mul3A_75 : i32
          %get3A = arith.index_cast %mul3A_76 : i32 to index
          %get3A_77 = tpu.vector_load %arg6[%get3A] {strides = array<i32>} : memref<1024xi32, #tpu.memory_space<vmem>>, vector<16xi32>,
          %swap3A = arith.index_cast %mul3A_76 : i32 to index
          %swap3A_78 = tpu.vector_load %arg7[%swap3A] {strides = array<i32>} : memref<1024xi32, #tpu.memory_space<vmem>>, vector<16xi32>,
          tpu.vector_store %arg7[%swap3A], %get3A_77 {strides = array<i32>} : memref<1024xi32, #tpu.memory_space<vmem>>, vector<16xi32>,
          %scan3A_79 = arith.constant 0 : i32
          scf.yield %scan3A_79 : i32
        }
        %scan3A_72 = arith.constant 64 : i32
      } else {
      }
      %scan3A_58 = arith.constant 0 : i32
      %scan3A_59 = arith.constant 0 : i32
      %scan3A_60 = arith.constant 16 : i32
      %scan3A_61 = arith.addi %scan3A_59, %scan3A_60 : i32
      %scan3A_62 = arith.constant 1 : i32
      %scan3A_63 = scf.for %scan3A_66 = %scan3A_59 to %scan3A_61 step %scan3A_62 iter_args(%scan3A_67 = %scan3A_58) -> (i32)  : i32 {
        %mul3A_68 = arith.constant 64 : i32
        %mul3A_69 = arith.muli %scan3A_66, %mul3A_68 : i32
        %add3A_70 = arith.constant 0 : i32
        %add3A_71 = arith.addi %mul3A_69, %add3A_70 : i32
        %get3A = arith.index_cast %add3A_71 : i32 to index
        %get3A_72 = tpu.vector_load %arg6[%get3A] {strides = array<i32>} : memref<1024xi32, #tpu.memory_space<vmem>>, vector<16xi32>,
        %mul3A_73 = arith.constant 1024 : i32
        %mul3A_74 = arith.muli %scan3A_55, %mul3A_73 : i32
        %mul3A_75 = arith.constant 64 : i32
        %mul3A_76 = arith.muli %scan3A_66, %mul3A_75 : i32
        %add3A_77 = arith.addi %mul3A_74, %mul3A_76 : i32
        %add3A_78 = arith.constant 0 : i32
        %add3A_79 = arith.addi %add3A_77, %add3A_78 : i32
        %get3A_80 = arith.index_cast %add3A_79 : i32 to index
        %get3A_81 = tpu.vector_load %arg5[%get3A_80] {strides = array<i32>} : memref<32768xi32, #tpu.memory_space<vmem>>, vector<16xi32>,
        %add3A_82 = arith.addi %get3A_72, %get3A_81 : vector<16xi32>
        %swap3A = arith.index_cast %add3A_71 : i32 to index
        %swap3A_83 = tpu.vector_load %arg6[%swap3A] {strides = array<i32>} : memref<1024xi32, #tpu.memory_space<vmem>>, vector<16xi32>,
        tpu.vector_store %arg6[%swap3A], %add3A_82 {strides = array<i32>} : memref<1024xi32, #tpu.memory_space<vmem>>, vector<16xi32>,
        %mul3A_84 = arith.constant 64 : i32
        %mul3A_85 = arith.muli %scan3A_66, %mul3A_84 : i32
        %add3A_86 = arith.constant 16 : i32
        %add3A_87 = arith.addi %mul3A_85, %add3A_86 : i32
        %get3A_88 = arith.index_cast %add3A_87 : i32 to index
        %get3A_89 = tpu.vector_load %arg6[%get3A_88] {strides = array<i32>} : memref<1024xi32, #tpu.memory_space<vmem>>, vector<16xi32>,
        %mul3A_90 = arith.constant 1024 : i32
        %mul3A_91 = arith.muli %scan3A_55, %mul3A_90 : i32
        %mul3A_92 = arith.constant 64 : i32
        %mul3A_93 = arith.muli %scan3A_66, %mul3A_92 : i32
        %add3A_94 = arith.addi %mul3A_91, %mul3A_93 : i32
        %add3A_95 = arith.constant 16 : i32
        %add3A_96 = arith.addi %add3A_94, %add3A_95 : i32
        %get3A_97 = arith.index_cast %add3A_96 : i32 to index
        %get3A_98 = tpu.vector_load %arg5[%get3A_97] {strides = array<i32>} : memref<32768xi32, #tpu.memory_space<vmem>>, vector<16xi32>,
        %add3A_99 = arith.addi %get3A_89, %get3A_98 : vector<16xi32>
        %swap3A_100 = arith.index_cast %add3A_87 : i32 to index
        %swap3A_101 = tpu.vector_load %arg6[%swap3A_100] {strides = array<i32>} : memref<1024xi32, #tpu.memory_space<vmem>>, vector<16xi32>,
        tpu.vector_store %arg6[%swap3A_100], %add3A_99 {strides = array<i32>} : memref<1024xi32, #tpu.memory_space<vmem>>, vector<16xi32>,
        %mul3A_102 = arith.constant 64 : i32
        %mul3A_103 = arith.muli %scan3A_66, %mul3A_102 : i32
        %add3A_104 = arith.constant 32 : i32
        %add3A_105 = arith.addi %mul3A_103, %add3A_104 : i32
        %get3A_106 = arith.index_cast %add3A_105 : i32 to index
        %get3A_107 = tpu.vector_load %arg6[%get3A_106] {strides = array<i32>} : memref<1024xi32, #tpu.memory_space<vmem>>, vector<16xi32>,
        %mul3A_108 = arith.constant 1024 : i32
        %mul3A_109 = arith.muli %scan3A_55, %mul3A_108 : i32
        %mul3A_110 = arith.constant 64 : i32
        %mul3A_111 = arith.muli %scan3A_66, %mul3A_110 : i32
        %add3A_112 = arith.addi %mul3A_109, %mul3A_111 : i32
        %add3A_113 = arith.constant 32 : i32
        %add3A_114 = arith.addi %add3A_112, %add3A_113 : i32
        %get3A_115 = arith.index_cast %add3A_114 : i32 to index
        %get3A_116 = tpu.vector_load %arg5[%get3A_115] {strides = array<i32>} : memref<32768xi32, #tpu.memory_space<vmem>>, vector<16xi32>,
        %add3A_117 = arith.addi %get3A_107, %get3A_116 : vector<16xi32>
        %swap3A_118 = arith.index_cast %add3A_105 : i32 to index
        %swap3A_119 = tpu.vector_load %arg6[%swap3A_118] {strides = array<i32>} : memref<1024xi32, #tpu.memory_space<vmem>>, vector<16xi32>,
        tpu.vector_store %arg6[%swap3A_118], %add3A_117 {strides = array<i32>} : memref<1024xi32, #tpu.memory_space<vmem>>, vector<16xi32>,
        %mul3A_120 = arith.constant 64 : i32
        %mul3A_121 = arith.muli %scan3A_66, %mul3A_120 : i32
        %add3A_122 = arith.constant 48 : i32
        %add3A_123 = arith.addi %mul3A_121, %add3A_122 : i32
        %get3A_124 = arith.index_cast %add3A_123 : i32 to index
        %get3A_125 = tpu.vector_load %arg6[%get3A_124] {strides = array<i32>} : memref<1024xi32, #tpu.memory_space<vmem>>, vector<16xi32>,
        %mul3A_126 = arith.constant 1024 : i32
        %mul3A_127 = arith.muli %scan3A_55, %mul3A_126 : i32
        %mul3A_128 = arith.constant 64 : i32
        %mul3A_129 = arith.muli %scan3A_66, %mul3A_128 : i32
        %add3A_130 = arith.addi %mul3A_127, %mul3A_129 : i32
        %add3A_131 = arith.constant 48 : i32
        %add3A_132 = arith.addi %add3A_130, %add3A_131 : i32
        %get3A_133 = arith.index_cast %add3A_132 : i32 to index
        %get3A_134 = tpu.vector_load %arg5[%get3A_133] {strides = array<i32>} : memref<32768xi32, #tpu.memory_space<vmem>>, vector<16xi32>,
        %add3A_135 = arith.addi %get3A_125, %get3A_134 : vector<16xi32>
        %swap3A_136 = arith.index_cast %add3A_123 : i32 to index
        %swap3A_137 = tpu.vector_load %arg6[%swap3A_136] {strides = array<i32>} : memref<1024xi32, #tpu.memory_space<vmem>>, vector<16xi32>,
        tpu.vector_store %arg6[%swap3A_136], %add3A_135 {strides = array<i32>} : memref<1024xi32, #tpu.memory_space<vmem>>, vector<16xi32>,
        %scan3A_138 = arith.constant 0 : i32
        scf.yield %scan3A_138 : i32
      }
      %scan3A_64 = arith.constant 16 : i32
      %scan3A_65 = arith.constant 0 : i32
      scf.yield %scan3A_65 : i32
    }
    %scan3A_18 = arith.constant 32 : i32
    %scan3A_19 = arith.constant 0 : i32
    %scan3A_20 = arith.constant 0 : i32
    %scan3A_21 = arith.constant 64 : i32
    %scan3A_22 = arith.addi %scan3A_20, %scan3A_21 : i32
    %scan3A_23 = arith.constant 1 : i32
    %scan3A_24 = scf.for %scan3A_55 = %scan3A_20 to %scan3A_22 step %scan3A_23 iter_args(%scan3A_56 = %scan3A_19) -> (i32)  : i32 {
      %mul3A_57 = arith.constant 16 : i32
      %mul3A_58 = arith.muli %scan3A_55, %mul3A_57 : i32
      %get3A = arith.index_cast %mul3A_58 : i32 to index
      %get3A_59 = tpu.vector_load %arg6[%get3A] {strides = array<i32>} : memref<1024xi32, #tpu.memory_space<vmem>>, vector<16xi32>,
      %broadcast_in_dim3A_60 = arith.constant true
      %broadcast_in_dim3A_61 = vector.broadcast %broadcast_in_dim3A_60 : i1 to vector<16xi1>
      %masked_cumsum3A = tpu.scan <sum>, %get3A_59 masked %broadcast_in_dim3A_61 : vector<16xi32>, vector<16xi1> -> vector<16xi32>
      %get3A_62 = arith.index_cast %mul3A_58 : i32 to index
      %get3A_63 = tpu.vector_load %arg7[%get3A_62] {strides = array<i32>} : memref<1024xi32, #tpu.memory_space<vmem>>, vector<16xi32>,
      %sub3A = arith.subi %masked_cumsum3A, %get3A_59 : vector<16xi32>
      %add3A_64 = arith.addi %get3A_63, %sub3A : vector<16xi32>
      %add3A_65 = vector.broadcast %scan3A_56 : i32 to vector<16xi32>
      %add3A_66 = arith.addi %add3A_64, %add3A_65 : vector<16xi32>
      %swap3A = arith.index_cast %mul3A_58 : i32 to index
      %swap3A_67 = tpu.vector_load %arg7[%swap3A] {strides = array<i32>} : memref<1024xi32, #tpu.memory_space<vmem>>, vector<16xi32>,
      tpu.vector_store %arg7[%swap3A], %add3A_66 {strides = array<i32>} : memref<1024xi32, #tpu.memory_space<vmem>>, vector<16xi32>,
      %reduce_sum3A = arith.constant true
      %reduce_sum3A_68 = vector.broadcast %reduce_sum3A : i1 to vector<16xi1>
      %reduce_sum3A_69 = tpu.scan <sum>, %get3A_59 masked %reduce_sum3A_68 : vector<16xi32>, vector<16xi1> -> vector<16xi32>
      %reduce_sum3A_70 = vector.extract %reduce_sum3A_69[15] : i32 from vector<16xi32>
      %add3A_71 = arith.addi %scan3A_56, %reduce_sum3A_70 : i32
      scf.yield %add3A_71 : i32
    }
    %scan3A_25 = arith.constant 64 : i32
    %scan3A_26 = arith.constant 0 : i32
    %scan3A_27 = arith.constant 0 : i32
    %scan3A_28 = arith.constant 392 : i32
    %scan3A_29 = arith.addi %scan3A_27, %scan3A_28 : i32
    %scan3A_30 = arith.constant 1 : i32
    %scan3A_31 = scf.for %scan3A_55 = %scan3A_27 to %scan3A_29 step %scan3A_30 iter_args(%scan3A_56 = %scan3A_26) -> (i32)  : i32 {
      %mul3A_57 = arith.constant 16 : i32
      %mul3A_58 = arith.muli %scan3A_55, %mul3A_57 : i32
      %swap3A = arith.index_cast %mul3A_58 : i32 to index
      %swap3A_59 = tpu.vector_load %arg11[%swap3A] {strides = array<i32>} : memref<6272xi32, #tpu.memory_space<vmem>>, vector<16xi32>,
      tpu.vector_store %arg11[%swap3A], %broadcast_in_dim3A_3 {strides = array<i32>} : memref<6272xi32, #tpu.memory_space<vmem>>, vector<16xi32>,
      %scan3A_60 = arith.constant 0 : i32
      scf.yield %scan3A_60 : i32
    }
    %scan3A_32 = arith.constant 392 : i32
    %scan3A_33 = arith.constant 0 : i32
    %scan3A_34 = arith.constant 0 : i32
    %scan3A_35 = arith.constant 10 : i32
    %scan3A_36 = arith.addi %scan3A_34, %scan3A_35 : i32
    %scan3A_37 = arith.constant 1 : i32
    %scan3A_38 = scf.for %scan3A_55 = %scan3A_34 to %scan3A_36 step %scan3A_37 iter_args(%scan3A_56 = %scan3A_33) -> (i32)  : i32 {
      %mul3A_57 = arith.constant 62720 : i32
      %mul3A_58 = arith.muli %arg1, %mul3A_57 : i32
      %mul3A_59 = arith.constant 6272 : i32
      %mul3A_60 = arith.muli %scan3A_55, %mul3A_59 : i32
      %add3A_61 = arith.addi %mul3A_58, %mul3A_60 : i32
      "tpu.region"() ({
        %run_scoped3A = tpu.sem_alloc : memref<!tpu.dma_semaphore, #tpu.memory_space<semaphore_mem>>
        %dma_start3A = tpu.memref_slice %arg12[%add3A_61] : memref<1003520xi32, #tpu.memory_space<vmem_shared>> -> memref<6272xi32, #tpu.memory_space<vmem_shared>>
        %dma_start3A_63 = tpu.memref_slice %arg12[%add3A_61] : memref<1003520xi32, #tpu.memory_space<vmem_shared>> -> memref<6272xi32, #tpu.memory_space<vmem_shared>>
        tpu.enqueue_dma source(%arg11 : memref<6272xi32, #tpu.memory_space<vmem>>) target(%dma_start3A_63 : memref<6272xi32, #tpu.memory_space<vmem_shared>>) target_semaphore(%run_scoped3A : memref<!tpu.dma_semaphore, #tpu.memory_space<semaphore_mem>>)
        %dma_wait3A = tpu.memref_slice %arg12[%add3A_61] : memref<1003520xi32, #tpu.memory_space<vmem_shared>> -> memref<6272xi32, #tpu.memory_space<vmem_shared>>
        %dma_wait3A_64 = tpu.memref_slice %arg12[%add3A_61] : memref<1003520xi32, #tpu.memory_space<vmem_shared>> -> memref<6272xi32, #tpu.memory_space<vmem_shared>>
        tpu.wait_dma2 semaphore(%run_scoped3A : memref<!tpu.dma_semaphore, #tpu.memory_space<semaphore_mem>>) src(%arg11 : memref<6272xi32, #tpu.memory_space<vmem>>) dst(%dma_wait3A_64 : memref<6272xi32, #tpu.memory_space<vmem_shared>>)
        tpu.yield
      }) : () -> ()
      %scan3A_62 = arith.constant 0 : i32
      scf.yield %scan3A_62 : i32
    }
    %scan3A_39 = arith.constant 10 : i32
    %barrier3A = arith.constant 0 : index
    tpu.barrier barrier_id(%barrier3A)
    %scan3A_40 = arith.constant 0 : i32
    %scan3A_41 = arith.constant 0 : i32
    %scan3A_42 = arith.constant 5 : i32
    %scan3A_43 = arith.addi %scan3A_41, %scan3A_42 : i32
    %scan3A_44 = arith.constant 1 : i32
    %scan3A_45 = scf.for %scan3A_55 = %scan3A_41 to %scan3A_43 step %scan3A_44 iter_args(%scan3A_56 = %scan3A_40) -> (i32)  : i32 {
      %mul3A_57 = arith.constant 6272 : i32
      %mul3A_58 = arith.muli %scan3A_55, %mul3A_57 : i32
      %add3A_59 = arith.addi %mul3A_2, %mul3A_58 : i32
      "tpu.region"() ({
        %run_scoped3A = tpu.sem_alloc : memref<!tpu.dma_semaphore, #tpu.memory_space<semaphore_mem>>
        %dma_start3A_70 = tpu.memref_slice %arg2[%add3A_59] : memref<1003520xi32, #tpu.memory_space<hbm>> -> memref<6272xi32, #tpu.memory_space<hbm>>
        %dma_start3A_71 = tpu.memref_slice %arg2[%add3A_59] : memref<1003520xi32, #tpu.memory_space<hbm>> -> memref<6272xi32, #tpu.memory_space<hbm>>
        tpu.enqueue_dma source(%dma_start3A_71 : memref<6272xi32, #tpu.memory_space<hbm>>) target(%arg8 : memref<6272xi32, #tpu.memory_space<vmem>>) target_semaphore(%run_scoped3A : memref<!tpu.dma_semaphore, #tpu.memory_space<semaphore_mem>>)
        %dma_wait3A_72 = tpu.memref_slice %arg2[%add3A_59] : memref<1003520xi32, #tpu.memory_space<hbm>> -> memref<6272xi32, #tpu.memory_space<hbm>>
        %dma_wait3A_73 = tpu.memref_slice %arg2[%add3A_59] : memref<1003520xi32, #tpu.memory_space<hbm>> -> memref<6272xi32, #tpu.memory_space<hbm>>
        tpu.wait_dma2 semaphore(%run_scoped3A : memref<!tpu.dma_semaphore, #tpu.memory_space<semaphore_mem>>) src(%dma_wait3A_73 : memref<6272xi32, #tpu.memory_space<hbm>>) dst(%arg8 : memref<6272xi32, #tpu.memory_space<vmem>>)
        tpu.yield
      }) : () -> ()
      %scan3A_60 = arith.constant 0 : i32
      %scan3A_61 = arith.constant 0 : i32
      %scan3A_62 = arith.constant 392 : i32
      %scan3A_63 = arith.addi %scan3A_61, %scan3A_62 : i32
      %scan3A_64 = arith.constant 1 : i32
      %scan3A_65 = scf.for %scan3A_70 = %scan3A_61 to %scan3A_63 step %scan3A_64 iter_args(%scan3A_71 = %scan3A_60) -> (i32)  : i32 {
        %mul3A_72 = arith.constant 16 : i32
        %mul3A_73 = arith.muli %scan3A_70, %mul3A_72 : i32
        %get3A = arith.index_cast %mul3A_73 : i32 to index
        %get3A_74 = tpu.vector_load %arg8[%get3A] {strides = array<i32>} : memref<6272xi32, #tpu.memory_space<vmem>>, vector<16xi32>,
        %shift_right_arithmetic3A = arith.constant 0 : i32
        %shift_right_arithmetic3A_75 = vector.broadcast %shift_right_arithmetic3A : i32 to vector<16xi32>
        %shift_right_arithmetic3A_76 = arith.shrsi %get3A_74, %shift_right_arithmetic3A_75 : vector<16xi32>
        %and3A = arith.constant 1023 : i32
        %and3A_77 = vector.broadcast %and3A : i32 to vector<16xi32>
        %and3A_78 = arith.andi %shift_right_arithmetic3A_76, %and3A_77 : vector<16xi32>
        %gather3A = tpu.vector_load_idx %arg7[%and3A_78] : memref<1024xi32, #tpu.memory_space<vmem>>[vector<16xi32>], vector<16xi32>,
        %broadcast_in_dim3A_79 = arith.constant true
        %broadcast_in_dim3A_80 = vector.broadcast %broadcast_in_dim3A_79 : i1 to vector<16xi1>
        %unique3A, %unique3A_81 = tpu.scan_count mask(%broadcast_in_dim3A_80 : vector<16xi1>) value(%and3A_78 : vector<16xi32>) : vector<16xi1>, vector<16xi32>
        tpu.vector_store_idx %arg7[%and3A_78], %broadcast_in_dim3A_5 {add = true} : memref<1024xi32, #tpu.memory_space<vmem>>[vector<16xi32>], vector<16xi32>,
        %add3A_82 = arith.addi %gather3A, %unique3A_81 : vector<16xi32>
        %sub3A = arith.subi %add3A_82, %broadcast_in_dim3A_5 : vector<16xi32>
        %mul3A_83 = arith.constant 16 : i32
        %mul3A_84 = arith.muli %scan3A_70, %mul3A_83 : i32
        %swap3A = arith.index_cast %mul3A_84 : i32 to index
        %swap3A_85 = tpu.vector_load %arg10[%swap3A] {strides = array<i32>} : memref<6272xi32, #tpu.memory_space<vmem>>, vector<16xi32>,
        tpu.vector_store %arg10[%swap3A], %sub3A {strides = array<i32>} : memref<6272xi32, #tpu.memory_space<vmem>>, vector<16xi32>,
        %mul3A_86 = arith.constant 6272 : i32
        %mul3A_87 = arith.muli %scan3A_55, %mul3A_86 : i32
        %add3A_88 = arith.addi %mul3A_2, %mul3A_87 : i32
        %mul3A_89 = arith.constant 16 : i32
        %mul3A_90 = arith.muli %scan3A_70, %mul3A_89 : i32
        %add3A_91 = arith.addi %add3A_88, %mul3A_90 : i32
        %add3A_92 = arith.constant 1 : i32
        %add3A_93 = arith.addi %add3A_91, %add3A_92 : i32
        %iota3A = tpu.iota {dimensions = array<i32: 0>} : vector<16xi32>
        %add3A_94 = vector.broadcast %add3A_93 : i32 to vector<16xi32>
        %add3A_95 = arith.addi %add3A_94, %iota3A : vector<16xi32>
        %mul3A_96 = arith.constant 16 : i32
        %mul3A_97 = arith.muli %scan3A_70, %mul3A_96 : i32
        %swap3A_98 = arith.index_cast %mul3A_97 : i32 to index
        %swap3A_99 = tpu.vector_load %arg9[%swap3A_98] {strides = array<i32>} : memref<6272xi32, #tpu.memory_space<vmem>>, vector<16xi32>,
        tpu.vector_store %arg9[%swap3A_98], %add3A_95 {strides = array<i32>} : memref<6272xi32, #tpu.memory_space<vmem>>, vector<16xi32>,
        %scan3A_100 = arith.constant 0 : i32
        scf.yield %scan3A_100 : i32
      }
      %scan3A_66 = arith.constant 392 : i32
      %dma_start3A = arith.constant 0 : i32
      %dma_start3A_67 = tpu.memref_slice %arg12[%dma_start3A] : memref<1003520xi32, #tpu.memory_space<vmem_shared>> -> memref<1003520xi32, #tpu.memory_space<vmem_shared>>
      tpu.enqueue_indirect_dma source(%arg9 : memref<6272xi32, #tpu.memory_space<vmem>>) target(%dma_start3A_67 : memref<1003520xi32, #tpu.memory_space<vmem_shared>>) offsets(%arg10 : memref<6272xi32, #tpu.memory_space<vmem>>) semaphore(%arg13 : memref<!tpu.dma_semaphore, #tpu.memory_space<semaphore_mem>>)
      %dma_wait3A = arith.constant 0 : i32
      %dma_wait3A_68 = tpu.memref_slice %arg12[%dma_wait3A] : memref<1003520xi32, #tpu.memory_space<vmem_shared>> -> memref<1003520xi32, #tpu.memory_space<vmem_shared>>
      tpu.wait_indirect_dma semaphore(%arg13 : memref<!tpu.dma_semaphore, #tpu.memory_space<semaphore_mem>>) src(%arg9 : memref<6272xi32, #tpu.memory_space<vmem>>) dst(%dma_wait3A_68 : memref<1003520xi32, #tpu.memory_space<vmem_shared>>)
      %scan3A_69 = arith.constant 0 : i32
      scf.yield %scan3A_69 : i32
    }
    %scan3A_46 = arith.constant 5 : i32
    %barrier3A_47 = arith.constant 0 : index
    tpu.barrier barrier_id(%barrier3A_47)
    %mul3A_48 = arith.constant 62720 : i32
    %mul3A_49 = arith.muli %arg1, %mul3A_48 : i32
    %mul3A_50 = arith.constant 1003520 : i32
    %mul3A_51 = arith.muli %arg0, %mul3A_50 : i32
    %mul3A_52 = arith.constant 62720 : i32
    %mul3A_53 = arith.muli %arg1, %mul3A_52 : i32
    %add3A_54 = arith.addi %mul3A_51, %mul3A_53 : i32
    "tpu.region"() ({
      %run_scoped3A = tpu.sem_alloc : memref<!tpu.dma_semaphore, #tpu.memory_space<semaphore_mem>>
      %dma_start3A = tpu.memref_slice %arg4[%add3A_54] : memref<2007040xi32, #tpu.memory_space<hbm>> -> memref<62720xi32, #tpu.memory_space<hbm>>
      %dma_start3A_55 = tpu.memref_slice %arg12[%mul3A_49] : memref<1003520xi32, #tpu.memory_space<vmem_shared>> -> memref<62720xi32, #tpu.memory_space<vmem_shared>>
      tpu.enqueue_dma source(%dma_start3A_55 : memref<62720xi32, #tpu.memory_space<vmem_shared>>) target(%dma_start3A : memref<62720xi32, #tpu.memory_space<hbm>>) target_semaphore(%run_scoped3A : memref<!tpu.dma_semaphore, #tpu.memory_space<semaphore_mem>>)
      %dma_wait3A = tpu.memref_slice %arg4[%add3A_54] : memref<2007040xi32, #tpu.memory_space<hbm>> -> memref<62720xi32, #tpu.memory_space<hbm>>
      %dma_wait3A_56 = tpu.memref_slice %arg12[%mul3A_49] : memref<1003520xi32, #tpu.memory_space<vmem_shared>> -> memref<62720xi32, #tpu.memory_space<vmem_shared>>
      tpu.wait_dma2 semaphore(%run_scoped3A : memref<!tpu.dma_semaphore, #tpu.memory_space<semaphore_mem>>) src(%dma_wait3A_56 : memref<62720xi32, #tpu.memory_space<vmem_shared>>) dst(%dma_wait3A : memref<62720xi32, #tpu.memory_space<hbm>>)
      tpu.yield
    }) : () -> ()
    return
  }
}

#map = affine_map<(d0, d1) -> (0)>
module attributes {stable_mosaic.version = 14 : i64} {
  func.func @_apply_body(%arg0: i32, %arg1: i32, %arg2: memref<2007040xi32, #tpu.memory_space<hbm>>, %arg3: memref<1003520xi32, #tpu.memory_space<hbm>>, %arg4: memref<1003520xi32, #tpu.memory_space<hbm>>, %arg5: memref<1003520xi32, #tpu.memory_space<hbm>>, %arg6: memref<32768xi32, #tpu.memory_space<hbm>>, %arg7: memref<6272xi32, #tpu.memory_space<vmem>>, %arg8: memref<6272xi32, #tpu.memory_space<vmem>>, %arg9: memref<6272xi32, #tpu.memory_space<vmem>>, %arg10: memref<6272xi32, #tpu.memory_space<vmem>>, %arg11: memref<1024xi32, #tpu.memory_space<vmem>>, %arg12: memref<!tpu.dma_semaphore, #tpu.memory_space<semaphore_mem>>) attributes {dimension_semantics = [#tpu.dimension_semantics<core_parallel>, #tpu.dimension_semantics<subcore_parallel>], iteration_bounds = array<i64: 2, 16>, scalar_prefetch = 0 : i64, scratch_operands = 6 : i64, tpu.core_type = #tpu.core_type<sc_vector_subcore>, window_params = [{transform_indices = #map}, {transform_indices = #map}, {transform_indices = #map}, {transform_indices = #map}, {transform_indices = #map}]} {
    %mul3A = arith.constant 2 : i32
    %mul3A_0 = arith.muli %arg1, %mul3A : i32
    %add3A = arith.addi %mul3A_0, %arg0 : i32
    %mul3A_1 = arith.constant 31360 : i32
    %mul3A_2 = arith.muli %add3A, %mul3A_1 : i32
    %broadcast_in_dim3A = arith.constant 0 : i32
    %broadcast_in_dim3A_3 = vector.broadcast %broadcast_in_dim3A : i32 to vector<16xi32>
    %broadcast_in_dim3A_4 = arith.constant 1 : i32
    %broadcast_in_dim3A_5 = vector.broadcast %broadcast_in_dim3A_4 : i32 to vector<16xi32>
    %scan3A = arith.constant 0 : i32
    %scan3A_6 = arith.constant 0 : i32
    %scan3A_7 = arith.constant 64 : i32
    %scan3A_8 = arith.addi %scan3A_6, %scan3A_7 : i32
    %scan3A_9 = arith.constant 1 : i32
    %scan3A_10 = scf.for %scan3A_21 = %scan3A_6 to %scan3A_8 step %scan3A_9 iter_args(%scan3A_22 = %scan3A) -> (i32)  : i32 {
      %mul3A_23 = arith.constant 16 : i32
      %mul3A_24 = arith.muli %scan3A_21, %mul3A_23 : i32
      %swap3A = arith.index_cast %mul3A_24 : i32 to index
      %swap3A_25 = tpu.vector_load %arg11[%swap3A] {strides = array<i32>} : memref<1024xi32, #tpu.memory_space<vmem>>, vector<16xi32>,
      tpu.vector_store %arg11[%swap3A], %broadcast_in_dim3A_3 {strides = array<i32>} : memref<1024xi32, #tpu.memory_space<vmem>>, vector<16xi32>,
      %scan3A_26 = arith.constant 0 : i32
      scf.yield %scan3A_26 : i32
    }
    %scan3A_11 = arith.constant 64 : i32
    %scan3A_12 = arith.constant 0 : i32
    %scan3A_13 = arith.constant 0 : i32
    %scan3A_14 = arith.constant 5 : i32
    %scan3A_15 = arith.addi %scan3A_13, %scan3A_14 : i32
    %scan3A_16 = arith.constant 1 : i32
    %scan3A_17 = scf.for %scan3A_21 = %scan3A_13 to %scan3A_15 step %scan3A_16 iter_args(%scan3A_22 = %scan3A_12) -> (i32)  : i32 {
      %mul3A_23 = arith.constant 6272 : i32
      %mul3A_24 = arith.muli %scan3A_21, %mul3A_23 : i32
      %add3A_25 = arith.addi %mul3A_2, %mul3A_24 : i32
      "tpu.region"() ({
        %run_scoped3A = tpu.sem_alloc : memref<!tpu.dma_semaphore, #tpu.memory_space<semaphore_mem>>
        %dma_start3A_54 = tpu.memref_slice %arg2[%add3A_25] : memref<2007040xi32, #tpu.memory_space<hbm>> -> memref<6272xi32, #tpu.memory_space<hbm>>
        %dma_start3A_55 = tpu.memref_slice %arg2[%add3A_25] : memref<2007040xi32, #tpu.memory_space<hbm>> -> memref<6272xi32, #tpu.memory_space<hbm>>
        tpu.enqueue_dma source(%dma_start3A_55 : memref<6272xi32, #tpu.memory_space<hbm>>) target(%arg7 : memref<6272xi32, #tpu.memory_space<vmem>>) target_semaphore(%run_scoped3A : memref<!tpu.dma_semaphore, #tpu.memory_space<semaphore_mem>>)
        %dma_wait3A_56 = tpu.memref_slice %arg2[%add3A_25] : memref<2007040xi32, #tpu.memory_space<hbm>> -> memref<6272xi32, #tpu.memory_space<hbm>>
        %dma_wait3A_57 = tpu.memref_slice %arg2[%add3A_25] : memref<2007040xi32, #tpu.memory_space<hbm>> -> memref<6272xi32, #tpu.memory_space<hbm>>
        tpu.wait_dma2 semaphore(%run_scoped3A : memref<!tpu.dma_semaphore, #tpu.memory_space<semaphore_mem>>) src(%dma_wait3A_57 : memref<6272xi32, #tpu.memory_space<hbm>>) dst(%arg7 : memref<6272xi32, #tpu.memory_space<vmem>>)
        tpu.yield
      }) : () -> ()
      %add3A_26 = arith.constant 1003520 : i32
      %add3A_27 = arith.addi %add3A_26, %mul3A_2 : i32
      %mul3A_28 = arith.constant 6272 : i32
      %mul3A_29 = arith.muli %scan3A_21, %mul3A_28 : i32
      %add3A_30 = arith.addi %add3A_27, %mul3A_29 : i32
      "tpu.region"() ({
        %run_scoped3A = tpu.sem_alloc : memref<!tpu.dma_semaphore, #tpu.memory_space<semaphore_mem>>
        %dma_start3A_54 = tpu.memref_slice %arg2[%add3A_30] : memref<2007040xi32, #tpu.memory_space<hbm>> -> memref<6272xi32, #tpu.memory_space<hbm>>
        %dma_start3A_55 = tpu.memref_slice %arg2[%add3A_30] : memref<2007040xi32, #tpu.memory_space<hbm>> -> memref<6272xi32, #tpu.memory_space<hbm>>
        tpu.enqueue_dma source(%dma_start3A_55 : memref<6272xi32, #tpu.memory_space<hbm>>) target(%arg8 : memref<6272xi32, #tpu.memory_space<vmem>>) target_semaphore(%run_scoped3A : memref<!tpu.dma_semaphore, #tpu.memory_space<semaphore_mem>>)
        %dma_wait3A_56 = tpu.memref_slice %arg2[%add3A_30] : memref<2007040xi32, #tpu.memory_space<hbm>> -> memref<6272xi32, #tpu.memory_space<hbm>>
        %dma_wait3A_57 = tpu.memref_slice %arg2[%add3A_30] : memref<2007040xi32, #tpu.memory_space<hbm>> -> memref<6272xi32, #tpu.memory_space<hbm>>
        tpu.wait_dma2 semaphore(%run_scoped3A : memref<!tpu.dma_semaphore, #tpu.memory_space<semaphore_mem>>) src(%dma_wait3A_57 : memref<6272xi32, #tpu.memory_space<hbm>>) dst(%arg8 : memref<6272xi32, #tpu.memory_space<vmem>>)
        tpu.yield
      }) : () -> ()
      %scan3A_31 = arith.constant 0 : i32
      %scan3A_32 = arith.constant 0 : i32
      %scan3A_33 = arith.constant 98 : i32
      %scan3A_34 = arith.addi %scan3A_32, %scan3A_33 : i32
      %scan3A_35 = arith.constant 1 : i32
      %scan3A_36 = scf.for %scan3A_54 = %scan3A_32 to %scan3A_34 step %scan3A_35 iter_args(%scan3A_55 = %scan3A_31) -> (i32)  : i32 {
        %mul3A_56 = arith.constant 64 : i32
        %mul3A_57 = arith.muli %scan3A_54, %mul3A_56 : i32
        %add3A_58 = arith.constant 0 : i32
        %add3A_59 = arith.addi %mul3A_57, %add3A_58 : i32
        %get3A = arith.index_cast %add3A_59 : i32 to index
        %get3A_60 = tpu.vector_load %arg7[%get3A] {strides = array<i32>} : memref<6272xi32, #tpu.memory_space<vmem>>, vector<16xi32>,
        %get3A_61 = arith.index_cast %add3A_59 : i32 to index
        %get3A_62 = tpu.vector_load %arg8[%get3A_61] {strides = array<i32>} : memref<6272xi32, #tpu.memory_space<vmem>>, vector<16xi32>,
        %add3A_63 = arith.addi %get3A_60, %get3A_62 : vector<16xi32>
        %sub3A = arith.subi %add3A_63, %broadcast_in_dim3A_5 : vector<16xi32>
        %swap3A = arith.index_cast %add3A_59 : i32 to index
        %swap3A_64 = tpu.vector_load %arg9[%swap3A] {strides = array<i32>} : memref<6272xi32, #tpu.memory_space<vmem>>, vector<16xi32>,
        tpu.vector_store %arg9[%swap3A], %sub3A {strides = array<i32>} : memref<6272xi32, #tpu.memory_space<vmem>>, vector<16xi32>,
        %mul3A_65 = arith.constant 64 : i32
        %mul3A_66 = arith.muli %scan3A_54, %mul3A_65 : i32
        %add3A_67 = arith.constant 16 : i32
        %add3A_68 = arith.addi %mul3A_66, %add3A_67 : i32
        %get3A_69 = arith.index_cast %add3A_68 : i32 to index
        %get3A_70 = tpu.vector_load %arg7[%get3A_69] {strides = array<i32>} : memref<6272xi32, #tpu.memory_space<vmem>>, vector<16xi32>,
        %get3A_71 = arith.index_cast %add3A_68 : i32 to index
        %get3A_72 = tpu.vector_load %arg8[%get3A_71] {strides = array<i32>} : memref<6272xi32, #tpu.memory_space<vmem>>, vector<16xi32>,
        %add3A_73 = arith.addi %get3A_70, %get3A_72 : vector<16xi32>
        %sub3A_74 = arith.subi %add3A_73, %broadcast_in_dim3A_5 : vector<16xi32>
        %swap3A_75 = arith.index_cast %add3A_68 : i32 to index
        %swap3A_76 = tpu.vector_load %arg9[%swap3A_75] {strides = array<i32>} : memref<6272xi32, #tpu.memory_space<vmem>>, vector<16xi32>,
        tpu.vector_store %arg9[%swap3A_75], %sub3A_74 {strides = array<i32>} : memref<6272xi32, #tpu.memory_space<vmem>>, vector<16xi32>,
        %mul3A_77 = arith.constant 64 : i32
        %mul3A_78 = arith.muli %scan3A_54, %mul3A_77 : i32
        %add3A_79 = arith.constant 32 : i32
        %add3A_80 = arith.addi %mul3A_78, %add3A_79 : i32
        %get3A_81 = arith.index_cast %add3A_80 : i32 to index
        %get3A_82 = tpu.vector_load %arg7[%get3A_81] {strides = array<i32>} : memref<6272xi32, #tpu.memory_space<vmem>>, vector<16xi32>,
        %get3A_83 = arith.index_cast %add3A_80 : i32 to index
        %get3A_84 = tpu.vector_load %arg8[%get3A_83] {strides = array<i32>} : memref<6272xi32, #tpu.memory_space<vmem>>, vector<16xi32>,
        %add3A_85 = arith.addi %get3A_82, %get3A_84 : vector<16xi32>
        %sub3A_86 = arith.subi %add3A_85, %broadcast_in_dim3A_5 : vector<16xi32>
        %swap3A_87 = arith.index_cast %add3A_80 : i32 to index
        %swap3A_88 = tpu.vector_load %arg9[%swap3A_87] {strides = array<i32>} : memref<6272xi32, #tpu.memory_space<vmem>>, vector<16xi32>,
        tpu.vector_store %arg9[%swap3A_87], %sub3A_86 {strides = array<i32>} : memref<6272xi32, #tpu.memory_space<vmem>>, vector<16xi32>,
        %mul3A_89 = arith.constant 64 : i32
        %mul3A_90 = arith.muli %scan3A_54, %mul3A_89 : i32
        %add3A_91 = arith.constant 48 : i32
        %add3A_92 = arith.addi %mul3A_90, %add3A_91 : i32
        %get3A_93 = arith.index_cast %add3A_92 : i32 to index
        %get3A_94 = tpu.vector_load %arg7[%get3A_93] {strides = array<i32>} : memref<6272xi32, #tpu.memory_space<vmem>>, vector<16xi32>,
        %get3A_95 = arith.index_cast %add3A_92 : i32 to index
        %get3A_96 = tpu.vector_load %arg8[%get3A_95] {strides = array<i32>} : memref<6272xi32, #tpu.memory_space<vmem>>, vector<16xi32>,
        %add3A_97 = arith.addi %get3A_94, %get3A_96 : vector<16xi32>
        %sub3A_98 = arith.subi %add3A_97, %broadcast_in_dim3A_5 : vector<16xi32>
        %swap3A_99 = arith.index_cast %add3A_92 : i32 to index
        %swap3A_100 = tpu.vector_load %arg9[%swap3A_99] {strides = array<i32>} : memref<6272xi32, #tpu.memory_space<vmem>>, vector<16xi32>,
        tpu.vector_store %arg9[%swap3A_99], %sub3A_98 {strides = array<i32>} : memref<6272xi32, #tpu.memory_space<vmem>>, vector<16xi32>,
        %scan3A_101 = arith.constant 0 : i32
        scf.yield %scan3A_101 : i32
      }
      %scan3A_37 = arith.constant 98 : i32
      %mul3A_38 = arith.constant 6272 : i32
      %mul3A_39 = arith.muli %scan3A_21, %mul3A_38 : i32
      %add3A_40 = arith.addi %mul3A_2, %mul3A_39 : i32
      "tpu.region"() ({
        %run_scoped3A = tpu.sem_alloc : memref<!tpu.dma_semaphore, #tpu.memory_space<semaphore_mem>>
        %dma_start3A_54 = tpu.memref_slice %arg5[%add3A_40] : memref<1003520xi32, #tpu.memory_space<hbm>> -> memref<6272xi32, #tpu.memory_space<hbm>>
        %dma_start3A_55 = tpu.memref_slice %arg5[%add3A_40] : memref<1003520xi32, #tpu.memory_space<hbm>> -> memref<6272xi32, #tpu.memory_space<hbm>>
        tpu.enqueue_dma source(%arg9 : memref<6272xi32, #tpu.memory_space<vmem>>) target(%dma_start3A_55 : memref<6272xi32, #tpu.memory_space<hbm>>) target_semaphore(%run_scoped3A : memref<!tpu.dma_semaphore, #tpu.memory_space<semaphore_mem>>)
        %dma_wait3A_56 = tpu.memref_slice %arg5[%add3A_40] : memref<1003520xi32, #tpu.memory_space<hbm>> -> memref<6272xi32, #tpu.memory_space<hbm>>
        %dma_wait3A_57 = tpu.memref_slice %arg5[%add3A_40] : memref<1003520xi32, #tpu.memory_space<hbm>> -> memref<6272xi32, #tpu.memory_space<hbm>>
        tpu.wait_dma2 semaphore(%run_scoped3A : memref<!tpu.dma_semaphore, #tpu.memory_space<semaphore_mem>>) src(%arg9 : memref<6272xi32, #tpu.memory_space<vmem>>) dst(%dma_wait3A_57 : memref<6272xi32, #tpu.memory_space<hbm>>)
        tpu.yield
      }) : () -> ()
      %dma_start3A = arith.constant 0 : i32
      %dma_start3A_41 = tpu.memref_slice %arg3[%dma_start3A] : memref<1003520xi32, #tpu.memory_space<hbm>> -> memref<1003520xi32, #tpu.memory_space<hbm>>
      tpu.enqueue_indirect_dma source(%dma_start3A_41 : memref<1003520xi32, #tpu.memory_space<hbm>>) target(%arg10 : memref<6272xi32, #tpu.memory_space<vmem>>) offsets(%arg9 : memref<6272xi32, #tpu.memory_space<vmem>>) semaphore(%arg12 : memref<!tpu.dma_semaphore, #tpu.memory_space<semaphore_mem>>)
      %dma_wait3A = arith.constant 0 : i32
      %dma_wait3A_42 = tpu.memref_slice %arg3[%dma_wait3A] : memref<1003520xi32, #tpu.memory_space<hbm>> -> memref<1003520xi32, #tpu.memory_space<hbm>>
      tpu.wait_indirect_dma semaphore(%arg12 : memref<!tpu.dma_semaphore, #tpu.memory_space<semaphore_mem>>) src(%dma_wait3A_42 : memref<1003520xi32, #tpu.memory_space<hbm>>) dst(%arg10 : memref<6272xi32, #tpu.memory_space<vmem>>)
      %scan3A_43 = arith.constant 0 : i32
      %scan3A_44 = arith.constant 0 : i32
      %scan3A_45 = arith.constant 98 : i32
      %scan3A_46 = arith.addi %scan3A_44, %scan3A_45 : i32
      %scan3A_47 = arith.constant 1 : i32
      %scan3A_48 = scf.for %scan3A_54 = %scan3A_44 to %scan3A_46 step %scan3A_47 iter_args(%scan3A_55 = %scan3A_43) -> (i32)  : i32 {
        %mul3A_56 = arith.constant 64 : i32
        %mul3A_57 = arith.muli %scan3A_54, %mul3A_56 : i32
        %add3A_58 = arith.constant 0 : i32
        %add3A_59 = arith.addi %mul3A_57, %add3A_58 : i32
        %get3A = arith.index_cast %add3A_59 : i32 to index
        %get3A_60 = tpu.vector_load %arg10[%get3A] {strides = array<i32>} : memref<6272xi32, #tpu.memory_space<vmem>>, vector<16xi32>,
        %shift_right_arithmetic3A = arith.constant 10 : i32
        %shift_right_arithmetic3A_61 = vector.broadcast %shift_right_arithmetic3A : i32 to vector<16xi32>
        %shift_right_arithmetic3A_62 = arith.shrsi %get3A_60, %shift_right_arithmetic3A_61 : vector<16xi32>
        %and3A = arith.constant 1023 : i32
        %and3A_63 = vector.broadcast %and3A : i32 to vector<16xi32>
        %and3A_64 = arith.andi %shift_right_arithmetic3A_62, %and3A_63 : vector<16xi32>
        tpu.vector_store_idx %arg11[%and3A_64], %broadcast_in_dim3A_5 {add = true} : memref<1024xi32, #tpu.memory_space<vmem>>[vector<16xi32>], vector<16xi32>,
        %mul3A_65 = arith.constant 64 : i32
        %mul3A_66 = arith.muli %scan3A_54, %mul3A_65 : i32
        %add3A_67 = arith.constant 16 : i32
        %add3A_68 = arith.addi %mul3A_66, %add3A_67 : i32
        %get3A_69 = arith.index_cast %add3A_68 : i32 to index
        %get3A_70 = tpu.vector_load %arg10[%get3A_69] {strides = array<i32>} : memref<6272xi32, #tpu.memory_space<vmem>>, vector<16xi32>,
        %shift_right_arithmetic3A_71 = arith.constant 10 : i32
        %shift_right_arithmetic3A_72 = vector.broadcast %shift_right_arithmetic3A_71 : i32 to vector<16xi32>
        %shift_right_arithmetic3A_73 = arith.shrsi %get3A_70, %shift_right_arithmetic3A_72 : vector<16xi32>
        %and3A_74 = arith.constant 1023 : i32
        %and3A_75 = vector.broadcast %and3A_74 : i32 to vector<16xi32>
        %and3A_76 = arith.andi %shift_right_arithmetic3A_73, %and3A_75 : vector<16xi32>
        tpu.vector_store_idx %arg11[%and3A_76], %broadcast_in_dim3A_5 {add = true} : memref<1024xi32, #tpu.memory_space<vmem>>[vector<16xi32>], vector<16xi32>,
        %mul3A_77 = arith.constant 64 : i32
        %mul3A_78 = arith.muli %scan3A_54, %mul3A_77 : i32
        %add3A_79 = arith.constant 32 : i32
        %add3A_80 = arith.addi %mul3A_78, %add3A_79 : i32
        %get3A_81 = arith.index_cast %add3A_80 : i32 to index
        %get3A_82 = tpu.vector_load %arg10[%get3A_81] {strides = array<i32>} : memref<6272xi32, #tpu.memory_space<vmem>>, vector<16xi32>,
        %shift_right_arithmetic3A_83 = arith.constant 10 : i32
        %shift_right_arithmetic3A_84 = vector.broadcast %shift_right_arithmetic3A_83 : i32 to vector<16xi32>
        %shift_right_arithmetic3A_85 = arith.shrsi %get3A_82, %shift_right_arithmetic3A_84 : vector<16xi32>
        %and3A_86 = arith.constant 1023 : i32
        %and3A_87 = vector.broadcast %and3A_86 : i32 to vector<16xi32>
        %and3A_88 = arith.andi %shift_right_arithmetic3A_85, %and3A_87 : vector<16xi32>
        tpu.vector_store_idx %arg11[%and3A_88], %broadcast_in_dim3A_5 {add = true} : memref<1024xi32, #tpu.memory_space<vmem>>[vector<16xi32>], vector<16xi32>,
        %mul3A_89 = arith.constant 64 : i32
        %mul3A_90 = arith.muli %scan3A_54, %mul3A_89 : i32
        %add3A_91 = arith.constant 48 : i32
        %add3A_92 = arith.addi %mul3A_90, %add3A_91 : i32
        %get3A_93 = arith.index_cast %add3A_92 : i32 to index
        %get3A_94 = tpu.vector_load %arg10[%get3A_93] {strides = array<i32>} : memref<6272xi32, #tpu.memory_space<vmem>>, vector<16xi32>,
        %shift_right_arithmetic3A_95 = arith.constant 10 : i32
        %shift_right_arithmetic3A_96 = vector.broadcast %shift_right_arithmetic3A_95 : i32 to vector<16xi32>
        %shift_right_arithmetic3A_97 = arith.shrsi %get3A_94, %shift_right_arithmetic3A_96 : vector<16xi32>
        %and3A_98 = arith.constant 1023 : i32
        %and3A_99 = vector.broadcast %and3A_98 : i32 to vector<16xi32>
        %and3A_100 = arith.andi %shift_right_arithmetic3A_97, %and3A_99 : vector<16xi32>
        tpu.vector_store_idx %arg11[%and3A_100], %broadcast_in_dim3A_5 {add = true} : memref<1024xi32, #tpu.memory_space<vmem>>[vector<16xi32>], vector<16xi32>,
        %scan3A_101 = arith.constant 0 : i32
        scf.yield %scan3A_101 : i32
      }
      %scan3A_49 = arith.constant 98 : i32
      %mul3A_50 = arith.constant 6272 : i32
      %mul3A_51 = arith.muli %scan3A_21, %mul3A_50 : i32
      %add3A_52 = arith.addi %mul3A_2, %mul3A_51 : i32
      "tpu.region"() ({
        %run_scoped3A = tpu.sem_alloc : memref<!tpu.dma_semaphore, #tpu.memory_space<semaphore_mem>>
        %dma_start3A_54 = tpu.memref_slice %arg4[%add3A_52] : memref<1003520xi32, #tpu.memory_space<hbm>> -> memref<6272xi32, #tpu.memory_space<hbm>>
        %dma_start3A_55 = tpu.memref_slice %arg4[%add3A_52] : memref<1003520xi32, #tpu.memory_space<hbm>> -> memref<6272xi32, #tpu.memory_space<hbm>>
        tpu.enqueue_dma source(%arg10 : memref<6272xi32, #tpu.memory_space<vmem>>) target(%dma_start3A_55 : memref<6272xi32, #tpu.memory_space<hbm>>) target_semaphore(%run_scoped3A : memref<!tpu.dma_semaphore, #tpu.memory_space<semaphore_mem>>)
        %dma_wait3A_56 = tpu.memref_slice %arg4[%add3A_52] : memref<1003520xi32, #tpu.memory_space<hbm>> -> memref<6272xi32, #tpu.memory_space<hbm>>
        %dma_wait3A_57 = tpu.memref_slice %arg4[%add3A_52] : memref<1003520xi32, #tpu.memory_space<hbm>> -> memref<6272xi32, #tpu.memory_space<hbm>>
        tpu.wait_dma2 semaphore(%run_scoped3A : memref<!tpu.dma_semaphore, #tpu.memory_space<semaphore_mem>>) src(%arg10 : memref<6272xi32, #tpu.memory_space<vmem>>) dst(%dma_wait3A_57 : memref<6272xi32, #tpu.memory_space<hbm>>)
        tpu.yield
      }) : () -> ()
      %scan3A_53 = arith.constant 0 : i32
      scf.yield %scan3A_53 : i32
    }
    %scan3A_18 = arith.constant 5 : i32
    %mul3A_19 = arith.constant 1024 : i32
    %mul3A_20 = arith.muli %add3A, %mul3A_19 : i32
    "tpu.region"() ({
      %run_scoped3A = tpu.sem_alloc : memref<!tpu.dma_semaphore, #tpu.memory_space<semaphore_mem>>
      %dma_start3A = tpu.memref_slice %arg6[%mul3A_20] : memref<32768xi32, #tpu.memory_space<hbm>> -> memref<1024xi32, #tpu.memory_space<hbm>>
      %dma_start3A_21 = tpu.memref_slice %arg6[%mul3A_20] : memref<32768xi32, #tpu.memory_space<hbm>> -> memref<1024xi32, #tpu.memory_space<hbm>>
      tpu.enqueue_dma source(%arg11 : memref<1024xi32, #tpu.memory_space<vmem>>) target(%dma_start3A_21 : memref<1024xi32, #tpu.memory_space<hbm>>) target_semaphore(%run_scoped3A : memref<!tpu.dma_semaphore, #tpu.memory_space<semaphore_mem>>)
      %dma_wait3A = tpu.memref_slice %arg6[%mul3A_20] : memref<32768xi32, #tpu.memory_space<hbm>> -> memref<1024xi32, #tpu.memory_space<hbm>>
      %dma_wait3A_22 = tpu.memref_slice %arg6[%mul3A_20] : memref<32768xi32, #tpu.memory_space<hbm>> -> memref<1024xi32, #tpu.memory_space<hbm>>
      tpu.wait_dma2 semaphore(%run_scoped3A : memref<!tpu.dma_semaphore, #tpu.memory_space<semaphore_mem>>) src(%arg11 : memref<1024xi32, #tpu.memory_space<vmem>>) dst(%dma_wait3A_22 : memref<1024xi32, #tpu.memory_space<hbm>>)
      tpu.yield
    }) : () -> ()
    return
  }
}

#map = affine_map<(d0, d1) -> (0)>
module attributes {stable_mosaic.version = 14 : i64} {
  func.func @_apply_body(%arg0: i32, %arg1: i32, %arg2: memref<2007040xi32, #tpu.memory_space<hbm>>, %arg3: memref<1003520xi32, #tpu.memory_space<hbm>>, %arg4: memref<1003520xi32, #tpu.memory_space<hbm>>, %arg5: memref<1003520xi32, #tpu.memory_space<hbm>>, %arg6: memref<32768xi32, #tpu.memory_space<hbm>>, %arg7: memref<6272xi32, #tpu.memory_space<vmem>>, %arg8: memref<6272xi32, #tpu.memory_space<vmem>>, %arg9: memref<6272xi32, #tpu.memory_space<vmem>>, %arg10: memref<6272xi32, #tpu.memory_space<vmem>>, %arg11: memref<1024xi32, #tpu.memory_space<vmem>>, %arg12: memref<!tpu.dma_semaphore, #tpu.memory_space<semaphore_mem>>) attributes {dimension_semantics = [#tpu.dimension_semantics<core_parallel>, #tpu.dimension_semantics<subcore_parallel>], iteration_bounds = array<i64: 2, 16>, scalar_prefetch = 0 : i64, scratch_operands = 6 : i64, tpu.core_type = #tpu.core_type<sc_vector_subcore>, window_params = [{transform_indices = #map}, {transform_indices = #map}, {transform_indices = #map}, {transform_indices = #map}, {transform_indices = #map}]} {
    %mul3A = arith.constant 2 : i32
    %mul3A_0 = arith.muli %arg1, %mul3A : i32
    %add3A = arith.addi %mul3A_0, %arg0 : i32
    %mul3A_1 = arith.constant 31360 : i32
    %mul3A_2 = arith.muli %add3A, %mul3A_1 : i32
    %broadcast_in_dim3A = arith.constant 0 : i32
    %broadcast_in_dim3A_3 = vector.broadcast %broadcast_in_dim3A : i32 to vector<16xi32>
    %broadcast_in_dim3A_4 = arith.constant 1 : i32
    %broadcast_in_dim3A_5 = vector.broadcast %broadcast_in_dim3A_4 : i32 to vector<16xi32>
    %scan3A = arith.constant 0 : i32
    %scan3A_6 = arith.constant 0 : i32
    %scan3A_7 = arith.constant 64 : i32
    %scan3A_8 = arith.addi %scan3A_6, %scan3A_7 : i32
    %scan3A_9 = arith.constant 1 : i32
    %scan3A_10 = scf.for %scan3A_21 = %scan3A_6 to %scan3A_8 step %scan3A_9 iter_args(%scan3A_22 = %scan3A) -> (i32)  : i32 {
      %mul3A_23 = arith.constant 16 : i32
      %mul3A_24 = arith.muli %scan3A_21, %mul3A_23 : i32
      %swap3A = arith.index_cast %mul3A_24 : i32 to index
      %swap3A_25 = tpu.vector_load %arg11[%swap3A] {strides = array<i32>} : memref<1024xi32, #tpu.memory_space<vmem>>, vector<16xi32>,
      tpu.vector_store %arg11[%swap3A], %broadcast_in_dim3A_3 {strides = array<i32>} : memref<1024xi32, #tpu.memory_space<vmem>>, vector<16xi32>,
      %scan3A_26 = arith.constant 0 : i32
      scf.yield %scan3A_26 : i32
    }
    %scan3A_11 = arith.constant 64 : i32
    %scan3A_12 = arith.constant 0 : i32
    %scan3A_13 = arith.constant 0 : i32
    %scan3A_14 = arith.constant 5 : i32
    %scan3A_15 = arith.addi %scan3A_13, %scan3A_14 : i32
    %scan3A_16 = arith.constant 1 : i32
    %scan3A_17 = scf.for %scan3A_21 = %scan3A_13 to %scan3A_15 step %scan3A_16 iter_args(%scan3A_22 = %scan3A_12) -> (i32)  : i32 {
      %mul3A_23 = arith.constant 6272 : i32
      %mul3A_24 = arith.muli %scan3A_21, %mul3A_23 : i32
      %add3A_25 = arith.addi %mul3A_2, %mul3A_24 : i32
      "tpu.region"() ({
        %run_scoped3A = tpu.sem_alloc : memref<!tpu.dma_semaphore, #tpu.memory_space<semaphore_mem>>
        %dma_start3A_54 = tpu.memref_slice %arg2[%add3A_25] : memref<2007040xi32, #tpu.memory_space<hbm>> -> memref<6272xi32, #tpu.memory_space<hbm>>
        %dma_start3A_55 = tpu.memref_slice %arg2[%add3A_25] : memref<2007040xi32, #tpu.memory_space<hbm>> -> memref<6272xi32, #tpu.memory_space<hbm>>
        tpu.enqueue_dma source(%dma_start3A_55 : memref<6272xi32, #tpu.memory_space<hbm>>) target(%arg7 : memref<6272xi32, #tpu.memory_space<vmem>>) target_semaphore(%run_scoped3A : memref<!tpu.dma_semaphore, #tpu.memory_space<semaphore_mem>>)
        %dma_wait3A_56 = tpu.memref_slice %arg2[%add3A_25] : memref<2007040xi32, #tpu.memory_space<hbm>> -> memref<6272xi32, #tpu.memory_space<hbm>>
        %dma_wait3A_57 = tpu.memref_slice %arg2[%add3A_25] : memref<2007040xi32, #tpu.memory_space<hbm>> -> memref<6272xi32, #tpu.memory_space<hbm>>
        tpu.wait_dma2 semaphore(%run_scoped3A : memref<!tpu.dma_semaphore, #tpu.memory_space<semaphore_mem>>) src(%dma_wait3A_57 : memref<6272xi32, #tpu.memory_space<hbm>>) dst(%arg7 : memref<6272xi32, #tpu.memory_space<vmem>>)
        tpu.yield
      }) : () -> ()
      %add3A_26 = arith.constant 1003520 : i32
      %add3A_27 = arith.addi %add3A_26, %mul3A_2 : i32
      %mul3A_28 = arith.constant 6272 : i32
      %mul3A_29 = arith.muli %scan3A_21, %mul3A_28 : i32
      %add3A_30 = arith.addi %add3A_27, %mul3A_29 : i32
      "tpu.region"() ({
        %run_scoped3A = tpu.sem_alloc : memref<!tpu.dma_semaphore, #tpu.memory_space<semaphore_mem>>
        %dma_start3A_54 = tpu.memref_slice %arg2[%add3A_30] : memref<2007040xi32, #tpu.memory_space<hbm>> -> memref<6272xi32, #tpu.memory_space<hbm>>
        %dma_start3A_55 = tpu.memref_slice %arg2[%add3A_30] : memref<2007040xi32, #tpu.memory_space<hbm>> -> memref<6272xi32, #tpu.memory_space<hbm>>
        tpu.enqueue_dma source(%dma_start3A_55 : memref<6272xi32, #tpu.memory_space<hbm>>) target(%arg8 : memref<6272xi32, #tpu.memory_space<vmem>>) target_semaphore(%run_scoped3A : memref<!tpu.dma_semaphore, #tpu.memory_space<semaphore_mem>>)
        %dma_wait3A_56 = tpu.memref_slice %arg2[%add3A_30] : memref<2007040xi32, #tpu.memory_space<hbm>> -> memref<6272xi32, #tpu.memory_space<hbm>>
        %dma_wait3A_57 = tpu.memref_slice %arg2[%add3A_30] : memref<2007040xi32, #tpu.memory_space<hbm>> -> memref<6272xi32, #tpu.memory_space<hbm>>
        tpu.wait_dma2 semaphore(%run_scoped3A : memref<!tpu.dma_semaphore, #tpu.memory_space<semaphore_mem>>) src(%dma_wait3A_57 : memref<6272xi32, #tpu.memory_space<hbm>>) dst(%arg8 : memref<6272xi32, #tpu.memory_space<vmem>>)
        tpu.yield
      }) : () -> ()
      %scan3A_31 = arith.constant 0 : i32
      %scan3A_32 = arith.constant 0 : i32
      %scan3A_33 = arith.constant 98 : i32
      %scan3A_34 = arith.addi %scan3A_32, %scan3A_33 : i32
      %scan3A_35 = arith.constant 1 : i32
      %scan3A_36 = scf.for %scan3A_54 = %scan3A_32 to %scan3A_34 step %scan3A_35 iter_args(%scan3A_55 = %scan3A_31) -> (i32)  : i32 {
        %mul3A_56 = arith.constant 64 : i32
        %mul3A_57 = arith.muli %scan3A_54, %mul3A_56 : i32
        %add3A_58 = arith.constant 0 : i32
        %add3A_59 = arith.addi %mul3A_57, %add3A_58 : i32
        %get3A = arith.index_cast %add3A_59 : i32 to index
        %get3A_60 = tpu.vector_load %arg7[%get3A] {strides = array<i32>} : memref<6272xi32, #tpu.memory_space<vmem>>, vector<16xi32>,
        %get3A_61 = arith.index_cast %add3A_59 : i32 to index
        %get3A_62 = tpu.vector_load %arg8[%get3A_61] {strides = array<i32>} : memref<6272xi32, #tpu.memory_space<vmem>>, vector<16xi32>,
        %add3A_63 = arith.addi %get3A_60, %get3A_62 : vector<16xi32>
        %sub3A = arith.subi %add3A_63, %broadcast_in_dim3A_5 : vector<16xi32>
        %swap3A = arith.index_cast %add3A_59 : i32 to index
        %swap3A_64 = tpu.vector_load %arg9[%swap3A] {strides = array<i32>} : memref<6272xi32, #tpu.memory_space<vmem>>, vector<16xi32>,
        tpu.vector_store %arg9[%swap3A], %sub3A {strides = array<i32>} : memref<6272xi32, #tpu.memory_space<vmem>>, vector<16xi32>,
        %mul3A_65 = arith.constant 64 : i32
        %mul3A_66 = arith.muli %scan3A_54, %mul3A_65 : i32
        %add3A_67 = arith.constant 16 : i32
        %add3A_68 = arith.addi %mul3A_66, %add3A_67 : i32
        %get3A_69 = arith.index_cast %add3A_68 : i32 to index
        %get3A_70 = tpu.vector_load %arg7[%get3A_69] {strides = array<i32>} : memref<6272xi32, #tpu.memory_space<vmem>>, vector<16xi32>,
        %get3A_71 = arith.index_cast %add3A_68 : i32 to index
        %get3A_72 = tpu.vector_load %arg8[%get3A_71] {strides = array<i32>} : memref<6272xi32, #tpu.memory_space<vmem>>, vector<16xi32>,
        %add3A_73 = arith.addi %get3A_70, %get3A_72 : vector<16xi32>
        %sub3A_74 = arith.subi %add3A_73, %broadcast_in_dim3A_5 : vector<16xi32>
        %swap3A_75 = arith.index_cast %add3A_68 : i32 to index
        %swap3A_76 = tpu.vector_load %arg9[%swap3A_75] {strides = array<i32>} : memref<6272xi32, #tpu.memory_space<vmem>>, vector<16xi32>,
        tpu.vector_store %arg9[%swap3A_75], %sub3A_74 {strides = array<i32>} : memref<6272xi32, #tpu.memory_space<vmem>>, vector<16xi32>,
        %mul3A_77 = arith.constant 64 : i32
        %mul3A_78 = arith.muli %scan3A_54, %mul3A_77 : i32
        %add3A_79 = arith.constant 32 : i32
        %add3A_80 = arith.addi %mul3A_78, %add3A_79 : i32
        %get3A_81 = arith.index_cast %add3A_80 : i32 to index
        %get3A_82 = tpu.vector_load %arg7[%get3A_81] {strides = array<i32>} : memref<6272xi32, #tpu.memory_space<vmem>>, vector<16xi32>,
        %get3A_83 = arith.index_cast %add3A_80 : i32 to index
        %get3A_84 = tpu.vector_load %arg8[%get3A_83] {strides = array<i32>} : memref<6272xi32, #tpu.memory_space<vmem>>, vector<16xi32>,
        %add3A_85 = arith.addi %get3A_82, %get3A_84 : vector<16xi32>
        %sub3A_86 = arith.subi %add3A_85, %broadcast_in_dim3A_5 : vector<16xi32>
        %swap3A_87 = arith.index_cast %add3A_80 : i32 to index
        %swap3A_88 = tpu.vector_load %arg9[%swap3A_87] {strides = array<i32>} : memref<6272xi32, #tpu.memory_space<vmem>>, vector<16xi32>,
        tpu.vector_store %arg9[%swap3A_87], %sub3A_86 {strides = array<i32>} : memref<6272xi32, #tpu.memory_space<vmem>>, vector<16xi32>,
        %mul3A_89 = arith.constant 64 : i32
        %mul3A_90 = arith.muli %scan3A_54, %mul3A_89 : i32
        %add3A_91 = arith.constant 48 : i32
        %add3A_92 = arith.addi %mul3A_90, %add3A_91 : i32
        %get3A_93 = arith.index_cast %add3A_92 : i32 to index
        %get3A_94 = tpu.vector_load %arg7[%get3A_93] {strides = array<i32>} : memref<6272xi32, #tpu.memory_space<vmem>>, vector<16xi32>,
        %get3A_95 = arith.index_cast %add3A_92 : i32 to index
        %get3A_96 = tpu.vector_load %arg8[%get3A_95] {strides = array<i32>} : memref<6272xi32, #tpu.memory_space<vmem>>, vector<16xi32>,
        %add3A_97 = arith.addi %get3A_94, %get3A_96 : vector<16xi32>
        %sub3A_98 = arith.subi %add3A_97, %broadcast_in_dim3A_5 : vector<16xi32>
        %swap3A_99 = arith.index_cast %add3A_92 : i32 to index
        %swap3A_100 = tpu.vector_load %arg9[%swap3A_99] {strides = array<i32>} : memref<6272xi32, #tpu.memory_space<vmem>>, vector<16xi32>,
        tpu.vector_store %arg9[%swap3A_99], %sub3A_98 {strides = array<i32>} : memref<6272xi32, #tpu.memory_space<vmem>>, vector<16xi32>,
        %scan3A_101 = arith.constant 0 : i32
        scf.yield %scan3A_101 : i32
      }
      %scan3A_37 = arith.constant 98 : i32
      %mul3A_38 = arith.constant 6272 : i32
      %mul3A_39 = arith.muli %scan3A_21, %mul3A_38 : i32
      %add3A_40 = arith.addi %mul3A_2, %mul3A_39 : i32
      "tpu.region"() ({
        %run_scoped3A = tpu.sem_alloc : memref<!tpu.dma_semaphore, #tpu.memory_space<semaphore_mem>>
        %dma_start3A_54 = tpu.memref_slice %arg5[%add3A_40] : memref<1003520xi32, #tpu.memory_space<hbm>> -> memref<6272xi32, #tpu.memory_space<hbm>>
        %dma_start3A_55 = tpu.memref_slice %arg5[%add3A_40] : memref<1003520xi32, #tpu.memory_space<hbm>> -> memref<6272xi32, #tpu.memory_space<hbm>>
        tpu.enqueue_dma source(%arg9 : memref<6272xi32, #tpu.memory_space<vmem>>) target(%dma_start3A_55 : memref<6272xi32, #tpu.memory_space<hbm>>) target_semaphore(%run_scoped3A : memref<!tpu.dma_semaphore, #tpu.memory_space<semaphore_mem>>)
        %dma_wait3A_56 = tpu.memref_slice %arg5[%add3A_40] : memref<1003520xi32, #tpu.memory_space<hbm>> -> memref<6272xi32, #tpu.memory_space<hbm>>
        %dma_wait3A_57 = tpu.memref_slice %arg5[%add3A_40] : memref<1003520xi32, #tpu.memory_space<hbm>> -> memref<6272xi32, #tpu.memory_space<hbm>>
        tpu.wait_dma2 semaphore(%run_scoped3A : memref<!tpu.dma_semaphore, #tpu.memory_space<semaphore_mem>>) src(%arg9 : memref<6272xi32, #tpu.memory_space<vmem>>) dst(%dma_wait3A_57 : memref<6272xi32, #tpu.memory_space<hbm>>)
        tpu.yield
      }) : () -> ()
      %dma_start3A = arith.constant 0 : i32
      %dma_start3A_41 = tpu.memref_slice %arg3[%dma_start3A] : memref<1003520xi32, #tpu.memory_space<hbm>> -> memref<1003520xi32, #tpu.memory_space<hbm>>
      tpu.enqueue_indirect_dma source(%dma_start3A_41 : memref<1003520xi32, #tpu.memory_space<hbm>>) target(%arg10 : memref<6272xi32, #tpu.memory_space<vmem>>) offsets(%arg9 : memref<6272xi32, #tpu.memory_space<vmem>>) semaphore(%arg12 : memref<!tpu.dma_semaphore, #tpu.memory_space<semaphore_mem>>)
      %dma_wait3A = arith.constant 0 : i32
      %dma_wait3A_42 = tpu.memref_slice %arg3[%dma_wait3A] : memref<1003520xi32, #tpu.memory_space<hbm>> -> memref<1003520xi32, #tpu.memory_space<hbm>>
      tpu.wait_indirect_dma semaphore(%arg12 : memref<!tpu.dma_semaphore, #tpu.memory_space<semaphore_mem>>) src(%dma_wait3A_42 : memref<1003520xi32, #tpu.memory_space<hbm>>) dst(%arg10 : memref<6272xi32, #tpu.memory_space<vmem>>)
      %scan3A_43 = arith.constant 0 : i32
      %scan3A_44 = arith.constant 0 : i32
      %scan3A_45 = arith.constant 98 : i32
      %scan3A_46 = arith.addi %scan3A_44, %scan3A_45 : i32
      %scan3A_47 = arith.constant 1 : i32
      %scan3A_48 = scf.for %scan3A_54 = %scan3A_44 to %scan3A_46 step %scan3A_47 iter_args(%scan3A_55 = %scan3A_43) -> (i32)  : i32 {
        %mul3A_56 = arith.constant 64 : i32
        %mul3A_57 = arith.muli %scan3A_54, %mul3A_56 : i32
        %add3A_58 = arith.constant 0 : i32
        %add3A_59 = arith.addi %mul3A_57, %add3A_58 : i32
        %get3A = arith.index_cast %add3A_59 : i32 to index
        %get3A_60 = tpu.vector_load %arg10[%get3A] {strides = array<i32>} : memref<6272xi32, #tpu.memory_space<vmem>>, vector<16xi32>,
        %shift_right_arithmetic3A = arith.constant 20 : i32
        %shift_right_arithmetic3A_61 = vector.broadcast %shift_right_arithmetic3A : i32 to vector<16xi32>
        %shift_right_arithmetic3A_62 = arith.shrsi %get3A_60, %shift_right_arithmetic3A_61 : vector<16xi32>
        %and3A = arith.constant 1023 : i32
        %and3A_63 = vector.broadcast %and3A : i32 to vector<16xi32>
        %and3A_64 = arith.andi %shift_right_arithmetic3A_62, %and3A_63 : vector<16xi32>
        tpu.vector_store_idx %arg11[%and3A_64], %broadcast_in_dim3A_5 {add = true} : memref<1024xi32, #tpu.memory_space<vmem>>[vector<16xi32>], vector<16xi32>,
        %mul3A_65 = arith.constant 64 : i32
        %mul3A_66 = arith.muli %scan3A_54, %mul3A_65 : i32
        %add3A_67 = arith.constant 16 : i32
        %add3A_68 = arith.addi %mul3A_66, %add3A_67 : i32
        %get3A_69 = arith.index_cast %add3A_68 : i32 to index
        %get3A_70 = tpu.vector_load %arg10[%get3A_69] {strides = array<i32>} : memref<6272xi32, #tpu.memory_space<vmem>>, vector<16xi32>,
        %shift_right_arithmetic3A_71 = arith.constant 20 : i32
        %shift_right_arithmetic3A_72 = vector.broadcast %shift_right_arithmetic3A_71 : i32 to vector<16xi32>
        %shift_right_arithmetic3A_73 = arith.shrsi %get3A_70, %shift_right_arithmetic3A_72 : vector<16xi32>
        %and3A_74 = arith.constant 1023 : i32
        %and3A_75 = vector.broadcast %and3A_74 : i32 to vector<16xi32>
        %and3A_76 = arith.andi %shift_right_arithmetic3A_73, %and3A_75 : vector<16xi32>
        tpu.vector_store_idx %arg11[%and3A_76], %broadcast_in_dim3A_5 {add = true} : memref<1024xi32, #tpu.memory_space<vmem>>[vector<16xi32>], vector<16xi32>,
        %mul3A_77 = arith.constant 64 : i32
        %mul3A_78 = arith.muli %scan3A_54, %mul3A_77 : i32
        %add3A_79 = arith.constant 32 : i32
        %add3A_80 = arith.addi %mul3A_78, %add3A_79 : i32
        %get3A_81 = arith.index_cast %add3A_80 : i32 to index
        %get3A_82 = tpu.vector_load %arg10[%get3A_81] {strides = array<i32>} : memref<6272xi32, #tpu.memory_space<vmem>>, vector<16xi32>,
        %shift_right_arithmetic3A_83 = arith.constant 20 : i32
        %shift_right_arithmetic3A_84 = vector.broadcast %shift_right_arithmetic3A_83 : i32 to vector<16xi32>
        %shift_right_arithmetic3A_85 = arith.shrsi %get3A_82, %shift_right_arithmetic3A_84 : vector<16xi32>
        %and3A_86 = arith.constant 1023 : i32
        %and3A_87 = vector.broadcast %and3A_86 : i32 to vector<16xi32>
        %and3A_88 = arith.andi %shift_right_arithmetic3A_85, %and3A_87 : vector<16xi32>
        tpu.vector_store_idx %arg11[%and3A_88], %broadcast_in_dim3A_5 {add = true} : memref<1024xi32, #tpu.memory_space<vmem>>[vector<16xi32>], vector<16xi32>,
        %mul3A_89 = arith.constant 64 : i32
        %mul3A_90 = arith.muli %scan3A_54, %mul3A_89 : i32
        %add3A_91 = arith.constant 48 : i32
        %add3A_92 = arith.addi %mul3A_90, %add3A_91 : i32
        %get3A_93 = arith.index_cast %add3A_92 : i32 to index
        %get3A_94 = tpu.vector_load %arg10[%get3A_93] {strides = array<i32>} : memref<6272xi32, #tpu.memory_space<vmem>>, vector<16xi32>,
        %shift_right_arithmetic3A_95 = arith.constant 20 : i32
        %shift_right_arithmetic3A_96 = vector.broadcast %shift_right_arithmetic3A_95 : i32 to vector<16xi32>
        %shift_right_arithmetic3A_97 = arith.shrsi %get3A_94, %shift_right_arithmetic3A_96 : vector<16xi32>
        %and3A_98 = arith.constant 1023 : i32
        %and3A_99 = vector.broadcast %and3A_98 : i32 to vector<16xi32>
        %and3A_100 = arith.andi %shift_right_arithmetic3A_97, %and3A_99 : vector<16xi32>
        tpu.vector_store_idx %arg11[%and3A_100], %broadcast_in_dim3A_5 {add = true} : memref<1024xi32, #tpu.memory_space<vmem>>[vector<16xi32>], vector<16xi32>,
        %scan3A_101 = arith.constant 0 : i32
        scf.yield %scan3A_101 : i32
      }
      %scan3A_49 = arith.constant 98 : i32
      %mul3A_50 = arith.constant 6272 : i32
      %mul3A_51 = arith.muli %scan3A_21, %mul3A_50 : i32
      %add3A_52 = arith.addi %mul3A_2, %mul3A_51 : i32
      "tpu.region"() ({
        %run_scoped3A = tpu.sem_alloc : memref<!tpu.dma_semaphore, #tpu.memory_space<semaphore_mem>>
        %dma_start3A_54 = tpu.memref_slice %arg4[%add3A_52] : memref<1003520xi32, #tpu.memory_space<hbm>> -> memref<6272xi32, #tpu.memory_space<hbm>>
        %dma_start3A_55 = tpu.memref_slice %arg4[%add3A_52] : memref<1003520xi32, #tpu.memory_space<hbm>> -> memref<6272xi32, #tpu.memory_space<hbm>>
        tpu.enqueue_dma source(%arg10 : memref<6272xi32, #tpu.memory_space<vmem>>) target(%dma_start3A_55 : memref<6272xi32, #tpu.memory_space<hbm>>) target_semaphore(%run_scoped3A : memref<!tpu.dma_semaphore, #tpu.memory_space<semaphore_mem>>)
        %dma_wait3A_56 = tpu.memref_slice %arg4[%add3A_52] : memref<1003520xi32, #tpu.memory_space<hbm>> -> memref<6272xi32, #tpu.memory_space<hbm>>
        %dma_wait3A_57 = tpu.memref_slice %arg4[%add3A_52] : memref<1003520xi32, #tpu.memory_space<hbm>> -> memref<6272xi32, #tpu.memory_space<hbm>>
        tpu.wait_dma2 semaphore(%run_scoped3A : memref<!tpu.dma_semaphore, #tpu.memory_space<semaphore_mem>>) src(%arg10 : memref<6272xi32, #tpu.memory_space<vmem>>) dst(%dma_wait3A_57 : memref<6272xi32, #tpu.memory_space<hbm>>)
        tpu.yield
      }) : () -> ()
      %scan3A_53 = arith.constant 0 : i32
      scf.yield %scan3A_53 : i32
    }
    %scan3A_18 = arith.constant 5 : i32
    %mul3A_19 = arith.constant 1024 : i32
    %mul3A_20 = arith.muli %add3A, %mul3A_19 : i32
    "tpu.region"() ({
      %run_scoped3A = tpu.sem_alloc : memref<!tpu.dma_semaphore, #tpu.memory_space<semaphore_mem>>
      %dma_start3A = tpu.memref_slice %arg6[%mul3A_20] : memref<32768xi32, #tpu.memory_space<hbm>> -> memref<1024xi32, #tpu.memory_space<hbm>>
      %dma_start3A_21 = tpu.memref_slice %arg6[%mul3A_20] : memref<32768xi32, #tpu.memory_space<hbm>> -> memref<1024xi32, #tpu.memory_space<hbm>>
      tpu.enqueue_dma source(%arg11 : memref<1024xi32, #tpu.memory_space<vmem>>) target(%dma_start3A_21 : memref<1024xi32, #tpu.memory_space<hbm>>) target_semaphore(%run_scoped3A : memref<!tpu.dma_semaphore, #tpu.memory_space<semaphore_mem>>)
      %dma_wait3A = tpu.memref_slice %arg6[%mul3A_20] : memref<32768xi32, #tpu.memory_space<hbm>> -> memref<1024xi32, #tpu.memory_space<hbm>>
      %dma_wait3A_22 = tpu.memref_slice %arg6[%mul3A_20] : memref<32768xi32, #tpu.memory_space<hbm>> -> memref<1024xi32, #tpu.memory_space<hbm>>
      tpu.wait_dma2 semaphore(%run_scoped3A : memref<!tpu.dma_semaphore, #tpu.memory_space<semaphore_mem>>) src(%arg11 : memref<1024xi32, #tpu.memory_space<vmem>>) dst(%dma_wait3A_22 : memref<1024xi32, #tpu.memory_space<hbm>>)
      tpu.yield
    }) : () -> ()
    return
  }
}

#map = affine_map<(d0, d1) -> (0)>
module attributes {stable_mosaic.version = 14 : i64} {
  func.func @_scat_body(%arg0: i32, %arg1: i32, %arg2: memref<1003520xi32, #tpu.memory_space<hbm>>, %arg3: memref<32768xi32, #tpu.memory_space<hbm>>, %arg4: memref<2007040xi32, #tpu.memory_space<hbm>>, %arg5: memref<32768xi32, #tpu.memory_space<vmem>>, %arg6: memref<1024xi32, #tpu.memory_space<vmem>>, %arg7: memref<1024xi32, #tpu.memory_space<vmem>>, %arg8: memref<6272xi32, #tpu.memory_space<vmem>>, %arg9: memref<6272xi32, #tpu.memory_space<vmem>>, %arg10: memref<6272xi32, #tpu.memory_space<vmem>>, %arg11: memref<6272xi32, #tpu.memory_space<vmem>>, %arg12: memref<1003520xi32, #tpu.memory_space<vmem_shared>>, %arg13: memref<!tpu.dma_semaphore, #tpu.memory_space<semaphore_mem>>) attributes {dimension_semantics = [#tpu.dimension_semantics<core_parallel>, #tpu.dimension_semantics<subcore_parallel>], iteration_bounds = array<i64: 2, 16>, scalar_prefetch = 0 : i64, scratch_operands = 9 : i64, tpu.core_type = #tpu.core_type<sc_vector_subcore>, window_params = [{transform_indices = #map}, {transform_indices = #map}, {transform_indices = #map}]} {
    %mul3A = arith.constant 2 : i32
    %mul3A_0 = arith.muli %arg1, %mul3A : i32
    %add3A = arith.addi %mul3A_0, %arg0 : i32
    %mul3A_1 = arith.constant 31360 : i32
    %mul3A_2 = arith.muli %add3A, %mul3A_1 : i32
    %broadcast_in_dim3A = arith.constant 0 : i32
    %broadcast_in_dim3A_3 = vector.broadcast %broadcast_in_dim3A : i32 to vector<16xi32>
    %broadcast_in_dim3A_4 = arith.constant 1 : i32
    %broadcast_in_dim3A_5 = vector.broadcast %broadcast_in_dim3A_4 : i32 to vector<16xi32>
    "tpu.region"() ({
      %run_scoped3A = tpu.sem_alloc : memref<!tpu.dma_semaphore, #tpu.memory_space<semaphore_mem>>
      tpu.enqueue_dma source(%arg3 : memref<32768xi32, #tpu.memory_space<hbm>>) target(%arg5 : memref<32768xi32, #tpu.memory_space<vmem>>) target_semaphore(%run_scoped3A : memref<!tpu.dma_semaphore, #tpu.memory_space<semaphore_mem>>)
      tpu.wait_dma2 semaphore(%run_scoped3A : memref<!tpu.dma_semaphore, #tpu.memory_space<semaphore_mem>>) src(%arg3 : memref<32768xi32, #tpu.memory_space<hbm>>) dst(%arg5 : memref<32768xi32, #tpu.memory_space<vmem>>)
      tpu.yield
    }) : () -> ()
    %scan3A = arith.constant 0 : i32
    %scan3A_6 = arith.constant 0 : i32
    %scan3A_7 = arith.constant 64 : i32
    %scan3A_8 = arith.addi %scan3A_6, %scan3A_7 : i32
    %scan3A_9 = arith.constant 1 : i32
    %scan3A_10 = scf.for %scan3A_55 = %scan3A_6 to %scan3A_8 step %scan3A_9 iter_args(%scan3A_56 = %scan3A) -> (i32)  : i32 {
      %mul3A_57 = arith.constant 16 : i32
      %mul3A_58 = arith.muli %scan3A_55, %mul3A_57 : i32
      %swap3A = arith.index_cast %mul3A_58 : i32 to index
      %swap3A_59 = tpu.vector_load %arg6[%swap3A] {strides = array<i32>} : memref<1024xi32, #tpu.memory_space<vmem>>, vector<16xi32>,
      tpu.vector_store %arg6[%swap3A], %broadcast_in_dim3A_3 {strides = array<i32>} : memref<1024xi32, #tpu.memory_space<vmem>>, vector<16xi32>,
      %mul3A_60 = arith.constant 16 : i32
      %mul3A_61 = arith.muli %scan3A_55, %mul3A_60 : i32
      %swap3A_62 = arith.index_cast %mul3A_61 : i32 to index
      %swap3A_63 = tpu.vector_load %arg7[%swap3A_62] {strides = array<i32>} : memref<1024xi32, #tpu.memory_space<vmem>>, vector<16xi32>,
      tpu.vector_store %arg7[%swap3A_62], %broadcast_in_dim3A_3 {strides = array<i32>} : memref<1024xi32, #tpu.memory_space<vmem>>, vector<16xi32>,
      %scan3A_64 = arith.constant 0 : i32
      scf.yield %scan3A_64 : i32
    }
    %scan3A_11 = arith.constant 64 : i32
    %scan3A_12 = arith.constant 0 : i32
    %scan3A_13 = arith.constant 0 : i32
    %scan3A_14 = arith.constant 32 : i32
    %scan3A_15 = arith.addi %scan3A_13, %scan3A_14 : i32
    %scan3A_16 = arith.constant 1 : i32
    %scan3A_17 = scf.for %scan3A_55 = %scan3A_13 to %scan3A_15 step %scan3A_16 iter_args(%scan3A_56 = %scan3A_12) -> (i32)  : i32 {
      %eq3A = arith.cmpi eq, %scan3A_55, %add3A : i32
      %convert_element_type3A = arith.extui %eq3A : i1 to i32
      %cond3A = arith.constant 0 : i32
      %cond3A_57 = arith.cmpi ne, %convert_element_type3A, %cond3A : i32
      scf.if %cond3A_57 {
        %scan3A_66 = arith.constant 0 : i32
        %scan3A_67 = arith.constant 0 : i32
        %scan3A_68 = arith.constant 64 : i32
        %scan3A_69 = arith.addi %scan3A_67, %scan3A_68 : i32
        %scan3A_70 = arith.constant 1 : i32
        %scan3A_71 = scf.for %scan3A_73 = %scan3A_67 to %scan3A_69 step %scan3A_70 iter_args(%scan3A_74 = %scan3A_66) -> (i32)  : i32 {
          %mul3A_75 = arith.constant 16 : i32
          %mul3A_76 = arith.muli %scan3A_73, %mul3A_75 : i32
          %get3A = arith.index_cast %mul3A_76 : i32 to index
          %get3A_77 = tpu.vector_load %arg6[%get3A] {strides = array<i32>} : memref<1024xi32, #tpu.memory_space<vmem>>, vector<16xi32>,
          %swap3A = arith.index_cast %mul3A_76 : i32 to index
          %swap3A_78 = tpu.vector_load %arg7[%swap3A] {strides = array<i32>} : memref<1024xi32, #tpu.memory_space<vmem>>, vector<16xi32>,
          tpu.vector_store %arg7[%swap3A], %get3A_77 {strides = array<i32>} : memref<1024xi32, #tpu.memory_space<vmem>>, vector<16xi32>,
          %scan3A_79 = arith.constant 0 : i32
          scf.yield %scan3A_79 : i32
        }
        %scan3A_72 = arith.constant 64 : i32
      } else {
      }
      %scan3A_58 = arith.constant 0 : i32
      %scan3A_59 = arith.constant 0 : i32
      %scan3A_60 = arith.constant 16 : i32
      %scan3A_61 = arith.addi %scan3A_59, %scan3A_60 : i32
      %scan3A_62 = arith.constant 1 : i32
      %scan3A_63 = scf.for %scan3A_66 = %scan3A_59 to %scan3A_61 step %scan3A_62 iter_args(%scan3A_67 = %scan3A_58) -> (i32)  : i32 {
        %mul3A_68 = arith.constant 64 : i32
        %mul3A_69 = arith.muli %scan3A_66, %mul3A_68 : i32
        %add3A_70 = arith.constant 0 : i32
        %add3A_71 = arith.addi %mul3A_69, %add3A_70 : i32
        %get3A = arith.index_cast %add3A_71 : i32 to index
        %get3A_72 = tpu.vector_load %arg6[%get3A] {strides = array<i32>} : memref<1024xi32, #tpu.memory_space<vmem>>, vector<16xi32>,
        %mul3A_73 = arith.constant 1024 : i32
        %mul3A_74 = arith.muli %scan3A_55, %mul3A_73 : i32
        %mul3A_75 = arith.constant 64 : i32
        %mul3A_76 = arith.muli %scan3A_66, %mul3A_75 : i32
        %add3A_77 = arith.addi %mul3A_74, %mul3A_76 : i32
        %add3A_78 = arith.constant 0 : i32
        %add3A_79 = arith.addi %add3A_77, %add3A_78 : i32
        %get3A_80 = arith.index_cast %add3A_79 : i32 to index
        %get3A_81 = tpu.vector_load %arg5[%get3A_80] {strides = array<i32>} : memref<32768xi32, #tpu.memory_space<vmem>>, vector<16xi32>,
        %add3A_82 = arith.addi %get3A_72, %get3A_81 : vector<16xi32>
        %swap3A = arith.index_cast %add3A_71 : i32 to index
        %swap3A_83 = tpu.vector_load %arg6[%swap3A] {strides = array<i32>} : memref<1024xi32, #tpu.memory_space<vmem>>, vector<16xi32>,
        tpu.vector_store %arg6[%swap3A], %add3A_82 {strides = array<i32>} : memref<1024xi32, #tpu.memory_space<vmem>>, vector<16xi32>,
        %mul3A_84 = arith.constant 64 : i32
        %mul3A_85 = arith.muli %scan3A_66, %mul3A_84 : i32
        %add3A_86 = arith.constant 16 : i32
        %add3A_87 = arith.addi %mul3A_85, %add3A_86 : i32
        %get3A_88 = arith.index_cast %add3A_87 : i32 to index
        %get3A_89 = tpu.vector_load %arg6[%get3A_88] {strides = array<i32>} : memref<1024xi32, #tpu.memory_space<vmem>>, vector<16xi32>,
        %mul3A_90 = arith.constant 1024 : i32
        %mul3A_91 = arith.muli %scan3A_55, %mul3A_90 : i32
        %mul3A_92 = arith.constant 64 : i32
        %mul3A_93 = arith.muli %scan3A_66, %mul3A_92 : i32
        %add3A_94 = arith.addi %mul3A_91, %mul3A_93 : i32
        %add3A_95 = arith.constant 16 : i32
        %add3A_96 = arith.addi %add3A_94, %add3A_95 : i32
        %get3A_97 = arith.index_cast %add3A_96 : i32 to index
        %get3A_98 = tpu.vector_load %arg5[%get3A_97] {strides = array<i32>} : memref<32768xi32, #tpu.memory_space<vmem>>, vector<16xi32>,
        %add3A_99 = arith.addi %get3A_89, %get3A_98 : vector<16xi32>
        %swap3A_100 = arith.index_cast %add3A_87 : i32 to index
        %swap3A_101 = tpu.vector_load %arg6[%swap3A_100] {strides = array<i32>} : memref<1024xi32, #tpu.memory_space<vmem>>, vector<16xi32>,
        tpu.vector_store %arg6[%swap3A_100], %add3A_99 {strides = array<i32>} : memref<1024xi32, #tpu.memory_space<vmem>>, vector<16xi32>,
        %mul3A_102 = arith.constant 64 : i32
        %mul3A_103 = arith.muli %scan3A_66, %mul3A_102 : i32
        %add3A_104 = arith.constant 32 : i32
        %add3A_105 = arith.addi %mul3A_103, %add3A_104 : i32
        %get3A_106 = arith.index_cast %add3A_105 : i32 to index
        %get3A_107 = tpu.vector_load %arg6[%get3A_106] {strides = array<i32>} : memref<1024xi32, #tpu.memory_space<vmem>>, vector<16xi32>,
        %mul3A_108 = arith.constant 1024 : i32
        %mul3A_109 = arith.muli %scan3A_55, %mul3A_108 : i32
        %mul3A_110 = arith.constant 64 : i32
        %mul3A_111 = arith.muli %scan3A_66, %mul3A_110 : i32
        %add3A_112 = arith.addi %mul3A_109, %mul3A_111 : i32
        %add3A_113 = arith.constant 32 : i32
        %add3A_114 = arith.addi %add3A_112, %add3A_113 : i32
        %get3A_115 = arith.index_cast %add3A_114 : i32 to index
        %get3A_116 = tpu.vector_load %arg5[%get3A_115] {strides = array<i32>} : memref<32768xi32, #tpu.memory_space<vmem>>, vector<16xi32>,
        %add3A_117 = arith.addi %get3A_107, %get3A_116 : vector<16xi32>
        %swap3A_118 = arith.index_cast %add3A_105 : i32 to index
        %swap3A_119 = tpu.vector_load %arg6[%swap3A_118] {strides = array<i32>} : memref<1024xi32, #tpu.memory_space<vmem>>, vector<16xi32>,
        tpu.vector_store %arg6[%swap3A_118], %add3A_117 {strides = array<i32>} : memref<1024xi32, #tpu.memory_space<vmem>>, vector<16xi32>,
        %mul3A_120 = arith.constant 64 : i32
        %mul3A_121 = arith.muli %scan3A_66, %mul3A_120 : i32
        %add3A_122 = arith.constant 48 : i32
        %add3A_123 = arith.addi %mul3A_121, %add3A_122 : i32
        %get3A_124 = arith.index_cast %add3A_123 : i32 to index
        %get3A_125 = tpu.vector_load %arg6[%get3A_124] {strides = array<i32>} : memref<1024xi32, #tpu.memory_space<vmem>>, vector<16xi32>,
        %mul3A_126 = arith.constant 1024 : i32
        %mul3A_127 = arith.muli %scan3A_55, %mul3A_126 : i32
        %mul3A_128 = arith.constant 64 : i32
        %mul3A_129 = arith.muli %scan3A_66, %mul3A_128 : i32
        %add3A_130 = arith.addi %mul3A_127, %mul3A_129 : i32
        %add3A_131 = arith.constant 48 : i32
        %add3A_132 = arith.addi %add3A_130, %add3A_131 : i32
        %get3A_133 = arith.index_cast %add3A_132 : i32 to index
        %get3A_134 = tpu.vector_load %arg5[%get3A_133] {strides = array<i32>} : memref<32768xi32, #tpu.memory_space<vmem>>, vector<16xi32>,
        %add3A_135 = arith.addi %get3A_125, %get3A_134 : vector<16xi32>
        %swap3A_136 = arith.index_cast %add3A_123 : i32 to index
        %swap3A_137 = tpu.vector_load %arg6[%swap3A_136] {strides = array<i32>} : memref<1024xi32, #tpu.memory_space<vmem>>, vector<16xi32>,
        tpu.vector_store %arg6[%swap3A_136], %add3A_135 {strides = array<i32>} : memref<1024xi32, #tpu.memory_space<vmem>>, vector<16xi32>,
        %scan3A_138 = arith.constant 0 : i32
        scf.yield %scan3A_138 : i32
      }
      %scan3A_64 = arith.constant 16 : i32
      %scan3A_65 = arith.constant 0 : i32
      scf.yield %scan3A_65 : i32
    }
    %scan3A_18 = arith.constant 32 : i32
    %scan3A_19 = arith.constant 0 : i32
    %scan3A_20 = arith.constant 0 : i32
    %scan3A_21 = arith.constant 64 : i32
    %scan3A_22 = arith.addi %scan3A_20, %scan3A_21 : i32
    %scan3A_23 = arith.constant 1 : i32
    %scan3A_24 = scf.for %scan3A_55 = %scan3A_20 to %scan3A_22 step %scan3A_23 iter_args(%scan3A_56 = %scan3A_19) -> (i32)  : i32 {
      %mul3A_57 = arith.constant 16 : i32
      %mul3A_58 = arith.muli %scan3A_55, %mul3A_57 : i32
      %get3A = arith.index_cast %mul3A_58 : i32 to index
      %get3A_59 = tpu.vector_load %arg6[%get3A] {strides = array<i32>} : memref<1024xi32, #tpu.memory_space<vmem>>, vector<16xi32>,
      %broadcast_in_dim3A_60 = arith.constant true
      %broadcast_in_dim3A_61 = vector.broadcast %broadcast_in_dim3A_60 : i1 to vector<16xi1>
      %masked_cumsum3A = tpu.scan <sum>, %get3A_59 masked %broadcast_in_dim3A_61 : vector<16xi32>, vector<16xi1> -> vector<16xi32>
      %get3A_62 = arith.index_cast %mul3A_58 : i32 to index
      %get3A_63 = tpu.vector_load %arg7[%get3A_62] {strides = array<i32>} : memref<1024xi32, #tpu.memory_space<vmem>>, vector<16xi32>,
      %sub3A = arith.subi %masked_cumsum3A, %get3A_59 : vector<16xi32>
      %add3A_64 = arith.addi %get3A_63, %sub3A : vector<16xi32>
      %add3A_65 = vector.broadcast %scan3A_56 : i32 to vector<16xi32>
      %add3A_66 = arith.addi %add3A_64, %add3A_65 : vector<16xi32>
      %swap3A = arith.index_cast %mul3A_58 : i32 to index
      %swap3A_67 = tpu.vector_load %arg7[%swap3A] {strides = array<i32>} : memref<1024xi32, #tpu.memory_space<vmem>>, vector<16xi32>,
      tpu.vector_store %arg7[%swap3A], %add3A_66 {strides = array<i32>} : memref<1024xi32, #tpu.memory_space<vmem>>, vector<16xi32>,
      %reduce_sum3A = arith.constant true
      %reduce_sum3A_68 = vector.broadcast %reduce_sum3A : i1 to vector<16xi1>
      %reduce_sum3A_69 = tpu.scan <sum>, %get3A_59 masked %reduce_sum3A_68 : vector<16xi32>, vector<16xi1> -> vector<16xi32>
      %reduce_sum3A_70 = vector.extract %reduce_sum3A_69[15] : i32 from vector<16xi32>
      %add3A_71 = arith.addi %scan3A_56, %reduce_sum3A_70 : i32
      scf.yield %add3A_71 : i32
    }
    %scan3A_25 = arith.constant 64 : i32
    %scan3A_26 = arith.constant 0 : i32
    %scan3A_27 = arith.constant 0 : i32
    %scan3A_28 = arith.constant 392 : i32
    %scan3A_29 = arith.addi %scan3A_27, %scan3A_28 : i32
    %scan3A_30 = arith.constant 1 : i32
    %scan3A_31 = scf.for %scan3A_55 = %scan3A_27 to %scan3A_29 step %scan3A_30 iter_args(%scan3A_56 = %scan3A_26) -> (i32)  : i32 {
      %mul3A_57 = arith.constant 16 : i32
      %mul3A_58 = arith.muli %scan3A_55, %mul3A_57 : i32
      %swap3A = arith.index_cast %mul3A_58 : i32 to index
      %swap3A_59 = tpu.vector_load %arg11[%swap3A] {strides = array<i32>} : memref<6272xi32, #tpu.memory_space<vmem>>, vector<16xi32>,
      tpu.vector_store %arg11[%swap3A], %broadcast_in_dim3A_3 {strides = array<i32>} : memref<6272xi32, #tpu.memory_space<vmem>>, vector<16xi32>,
      %scan3A_60 = arith.constant 0 : i32
      scf.yield %scan3A_60 : i32
    }
    %scan3A_32 = arith.constant 392 : i32
    %scan3A_33 = arith.constant 0 : i32
    %scan3A_34 = arith.constant 0 : i32
    %scan3A_35 = arith.constant 10 : i32
    %scan3A_36 = arith.addi %scan3A_34, %scan3A_35 : i32
    %scan3A_37 = arith.constant 1 : i32
    %scan3A_38 = scf.for %scan3A_55 = %scan3A_34 to %scan3A_36 step %scan3A_37 iter_args(%scan3A_56 = %scan3A_33) -> (i32)  : i32 {
      %mul3A_57 = arith.constant 62720 : i32
      %mul3A_58 = arith.muli %arg1, %mul3A_57 : i32
      %mul3A_59 = arith.constant 6272 : i32
      %mul3A_60 = arith.muli %scan3A_55, %mul3A_59 : i32
      %add3A_61 = arith.addi %mul3A_58, %mul3A_60 : i32
      "tpu.region"() ({
        %run_scoped3A = tpu.sem_alloc : memref<!tpu.dma_semaphore, #tpu.memory_space<semaphore_mem>>
        %dma_start3A = tpu.memref_slice %arg12[%add3A_61] : memref<1003520xi32, #tpu.memory_space<vmem_shared>> -> memref<6272xi32, #tpu.memory_space<vmem_shared>>
        %dma_start3A_63 = tpu.memref_slice %arg12[%add3A_61] : memref<1003520xi32, #tpu.memory_space<vmem_shared>> -> memref<6272xi32, #tpu.memory_space<vmem_shared>>
        tpu.enqueue_dma source(%arg11 : memref<6272xi32, #tpu.memory_space<vmem>>) target(%dma_start3A_63 : memref<6272xi32, #tpu.memory_space<vmem_shared>>) target_semaphore(%run_scoped3A : memref<!tpu.dma_semaphore, #tpu.memory_space<semaphore_mem>>)
        %dma_wait3A = tpu.memref_slice %arg12[%add3A_61] : memref<1003520xi32, #tpu.memory_space<vmem_shared>> -> memref<6272xi32, #tpu.memory_space<vmem_shared>>
        %dma_wait3A_64 = tpu.memref_slice %arg12[%add3A_61] : memref<1003520xi32, #tpu.memory_space<vmem_shared>> -> memref<6272xi32, #tpu.memory_space<vmem_shared>>
        tpu.wait_dma2 semaphore(%run_scoped3A : memref<!tpu.dma_semaphore, #tpu.memory_space<semaphore_mem>>) src(%arg11 : memref<6272xi32, #tpu.memory_space<vmem>>) dst(%dma_wait3A_64 : memref<6272xi32, #tpu.memory_space<vmem_shared>>)
        tpu.yield
      }) : () -> ()
      %scan3A_62 = arith.constant 0 : i32
      scf.yield %scan3A_62 : i32
    }
    %scan3A_39 = arith.constant 10 : i32
    %barrier3A = arith.constant 0 : index
    tpu.barrier barrier_id(%barrier3A)
    %scan3A_40 = arith.constant 0 : i32
    %scan3A_41 = arith.constant 0 : i32
    %scan3A_42 = arith.constant 5 : i32
    %scan3A_43 = arith.addi %scan3A_41, %scan3A_42 : i32
    %scan3A_44 = arith.constant 1 : i32
    %scan3A_45 = scf.for %scan3A_55 = %scan3A_41 to %scan3A_43 step %scan3A_44 iter_args(%scan3A_56 = %scan3A_40) -> (i32)  : i32 {
      %mul3A_57 = arith.constant 6272 : i32
      %mul3A_58 = arith.muli %scan3A_55, %mul3A_57 : i32
      %add3A_59 = arith.addi %mul3A_2, %mul3A_58 : i32
      "tpu.region"() ({
        %run_scoped3A = tpu.sem_alloc : memref<!tpu.dma_semaphore, #tpu.memory_space<semaphore_mem>>
        %dma_start3A_70 = tpu.memref_slice %arg2[%add3A_59] : memref<1003520xi32, #tpu.memory_space<hbm>> -> memref<6272xi32, #tpu.memory_space<hbm>>
        %dma_start3A_71 = tpu.memref_slice %arg2[%add3A_59] : memref<1003520xi32, #tpu.memory_space<hbm>> -> memref<6272xi32, #tpu.memory_space<hbm>>
        tpu.enqueue_dma source(%dma_start3A_71 : memref<6272xi32, #tpu.memory_space<hbm>>) target(%arg8 : memref<6272xi32, #tpu.memory_space<vmem>>) target_semaphore(%run_scoped3A : memref<!tpu.dma_semaphore, #tpu.memory_space<semaphore_mem>>)
        %dma_wait3A_72 = tpu.memref_slice %arg2[%add3A_59] : memref<1003520xi32, #tpu.memory_space<hbm>> -> memref<6272xi32, #tpu.memory_space<hbm>>
        %dma_wait3A_73 = tpu.memref_slice %arg2[%add3A_59] : memref<1003520xi32, #tpu.memory_space<hbm>> -> memref<6272xi32, #tpu.memory_space<hbm>>
        tpu.wait_dma2 semaphore(%run_scoped3A : memref<!tpu.dma_semaphore, #tpu.memory_space<semaphore_mem>>) src(%dma_wait3A_73 : memref<6272xi32, #tpu.memory_space<hbm>>) dst(%arg8 : memref<6272xi32, #tpu.memory_space<vmem>>)
        tpu.yield
      }) : () -> ()
      %scan3A_60 = arith.constant 0 : i32
      %scan3A_61 = arith.constant 0 : i32
      %scan3A_62 = arith.constant 392 : i32
      %scan3A_63 = arith.addi %scan3A_61, %scan3A_62 : i32
      %scan3A_64 = arith.constant 1 : i32
      %scan3A_65 = scf.for %scan3A_70 = %scan3A_61 to %scan3A_63 step %scan3A_64 iter_args(%scan3A_71 = %scan3A_60) -> (i32)  : i32 {
        %mul3A_72 = arith.constant 16 : i32
        %mul3A_73 = arith.muli %scan3A_70, %mul3A_72 : i32
        %get3A = arith.index_cast %mul3A_73 : i32 to index
        %get3A_74 = tpu.vector_load %arg8[%get3A] {strides = array<i32>} : memref<6272xi32, #tpu.memory_space<vmem>>, vector<16xi32>,
        %shift_right_arithmetic3A = arith.constant 20 : i32
        %shift_right_arithmetic3A_75 = vector.broadcast %shift_right_arithmetic3A : i32 to vector<16xi32>
        %shift_right_arithmetic3A_76 = arith.shrsi %get3A_74, %shift_right_arithmetic3A_75 : vector<16xi32>
        %and3A = arith.constant 1023 : i32
        %and3A_77 = vector.broadcast %and3A : i32 to vector<16xi32>
        %and3A_78 = arith.andi %shift_right_arithmetic3A_76, %and3A_77 : vector<16xi32>
        %gather3A = tpu.vector_load_idx %arg7[%and3A_78] : memref<1024xi32, #tpu.memory_space<vmem>>[vector<16xi32>], vector<16xi32>,
        %broadcast_in_dim3A_79 = arith.constant true
        %broadcast_in_dim3A_80 = vector.broadcast %broadcast_in_dim3A_79 : i1 to vector<16xi1>
        %unique3A, %unique3A_81 = tpu.scan_count mask(%broadcast_in_dim3A_80 : vector<16xi1>) value(%and3A_78 : vector<16xi32>) : vector<16xi1>, vector<16xi32>
        tpu.vector_store_idx %arg7[%and3A_78], %broadcast_in_dim3A_5 {add = true} : memref<1024xi32, #tpu.memory_space<vmem>>[vector<16xi32>], vector<16xi32>,
        %add3A_82 = arith.addi %gather3A, %unique3A_81 : vector<16xi32>
        %sub3A = arith.subi %add3A_82, %broadcast_in_dim3A_5 : vector<16xi32>
        %mul3A_83 = arith.constant 16 : i32
        %mul3A_84 = arith.muli %scan3A_70, %mul3A_83 : i32
        %swap3A = arith.index_cast %mul3A_84 : i32 to index
        %swap3A_85 = tpu.vector_load %arg10[%swap3A] {strides = array<i32>} : memref<6272xi32, #tpu.memory_space<vmem>>, vector<16xi32>,
        tpu.vector_store %arg10[%swap3A], %sub3A {strides = array<i32>} : memref<6272xi32, #tpu.memory_space<vmem>>, vector<16xi32>,
        %mul3A_86 = arith.constant 6272 : i32
        %mul3A_87 = arith.muli %scan3A_55, %mul3A_86 : i32
        %add3A_88 = arith.addi %mul3A_2, %mul3A_87 : i32
        %mul3A_89 = arith.constant 16 : i32
        %mul3A_90 = arith.muli %scan3A_70, %mul3A_89 : i32
        %add3A_91 = arith.addi %add3A_88, %mul3A_90 : i32
        %add3A_92 = arith.constant 1 : i32
        %add3A_93 = arith.addi %add3A_91, %add3A_92 : i32
        %iota3A = tpu.iota {dimensions = array<i32: 0>} : vector<16xi32>
        %add3A_94 = vector.broadcast %add3A_93 : i32 to vector<16xi32>
        %add3A_95 = arith.addi %add3A_94, %iota3A : vector<16xi32>
        %mul3A_96 = arith.constant 16 : i32
        %mul3A_97 = arith.muli %scan3A_70, %mul3A_96 : i32
        %swap3A_98 = arith.index_cast %mul3A_97 : i32 to index
        %swap3A_99 = tpu.vector_load %arg9[%swap3A_98] {strides = array<i32>} : memref<6272xi32, #tpu.memory_space<vmem>>, vector<16xi32>,
        tpu.vector_store %arg9[%swap3A_98], %add3A_95 {strides = array<i32>} : memref<6272xi32, #tpu.memory_space<vmem>>, vector<16xi32>,
        %scan3A_100 = arith.constant 0 : i32
        scf.yield %scan3A_100 : i32
      }
      %scan3A_66 = arith.constant 392 : i32
      %dma_start3A = arith.constant 0 : i32
      %dma_start3A_67 = tpu.memref_slice %arg12[%dma_start3A] : memref<1003520xi32, #tpu.memory_space<vmem_shared>> -> memref<1003520xi32, #tpu.memory_space<vmem_shared>>
      tpu.enqueue_indirect_dma source(%arg9 : memref<6272xi32, #tpu.memory_space<vmem>>) target(%dma_start3A_67 : memref<1003520xi32, #tpu.memory_space<vmem_shared>>) offsets(%arg10 : memref<6272xi32, #tpu.memory_space<vmem>>) semaphore(%arg13 : memref<!tpu.dma_semaphore, #tpu.memory_space<semaphore_mem>>)
      %dma_wait3A = arith.constant 0 : i32
      %dma_wait3A_68 = tpu.memref_slice %arg12[%dma_wait3A] : memref<1003520xi32, #tpu.memory_space<vmem_shared>> -> memref<1003520xi32, #tpu.memory_space<vmem_shared>>
      tpu.wait_indirect_dma semaphore(%arg13 : memref<!tpu.dma_semaphore, #tpu.memory_space<semaphore_mem>>) src(%arg9 : memref<6272xi32, #tpu.memory_space<vmem>>) dst(%dma_wait3A_68 : memref<1003520xi32, #tpu.memory_space<vmem_shared>>)
      %scan3A_69 = arith.constant 0 : i32
      scf.yield %scan3A_69 : i32
    }
    %scan3A_46 = arith.constant 5 : i32
    %barrier3A_47 = arith.constant 0 : index
    tpu.barrier barrier_id(%barrier3A_47)
    %mul3A_48 = arith.constant 62720 : i32
    %mul3A_49 = arith.muli %arg1, %mul3A_48 : i32
    %mul3A_50 = arith.constant 1003520 : i32
    %mul3A_51 = arith.muli %arg0, %mul3A_50 : i32
    %mul3A_52 = arith.constant 62720 : i32
    %mul3A_53 = arith.muli %arg1, %mul3A_52 : i32
    %add3A_54 = arith.addi %mul3A_51, %mul3A_53 : i32
    "tpu.region"() ({
      %run_scoped3A = tpu.sem_alloc : memref<!tpu.dma_semaphore, #tpu.memory_space<semaphore_mem>>
      %dma_start3A = tpu.memref_slice %arg4[%add3A_54] : memref<2007040xi32, #tpu.memory_space<hbm>> -> memref<62720xi32, #tpu.memory_space<hbm>>
      %dma_start3A_55 = tpu.memref_slice %arg12[%mul3A_49] : memref<1003520xi32, #tpu.memory_space<vmem_shared>> -> memref<62720xi32, #tpu.memory_space<vmem_shared>>
      tpu.enqueue_dma source(%dma_start3A_55 : memref<62720xi32, #tpu.memory_space<vmem_shared>>) target(%dma_start3A : memref<62720xi32, #tpu.memory_space<hbm>>) target_semaphore(%run_scoped3A : memref<!tpu.dma_semaphore, #tpu.memory_space<semaphore_mem>>)
      %dma_wait3A = tpu.memref_slice %arg4[%add3A_54] : memref<2007040xi32, #tpu.memory_space<hbm>> -> memref<62720xi32, #tpu.memory_space<hbm>>
      %dma_wait3A_56 = tpu.memref_slice %arg12[%mul3A_49] : memref<1003520xi32, #tpu.memory_space<vmem_shared>> -> memref<62720xi32, #tpu.memory_space<vmem_shared>>
      tpu.wait_dma2 semaphore(%run_scoped3A : memref<!tpu.dma_semaphore, #tpu.memory_space<semaphore_mem>>) src(%dma_wait3A_56 : memref<62720xi32, #tpu.memory_space<vmem_shared>>) dst(%dma_wait3A : memref<62720xi32, #tpu.memory_space<hbm>>)
      tpu.yield
    }) : () -> ()
    return
  }
}

#map = affine_map<(d0, d1) -> (0)>
module attributes {stable_mosaic.version = 14 : i64} {
  func.func @_final_body(%arg0: i32, %arg1: i32, %arg2: memref<2007040xi32, #tpu.memory_space<hbm>>, %arg3: memref<1003520xi32, #tpu.memory_space<hbm>>, %arg4: memref<1003520xi32, #tpu.memory_space<hbm>>, %arg5: memref<1003520xi32, #tpu.memory_space<hbm>>, %arg6: memref<1000000xf32, #tpu.memory_space<hbm>>, %arg7: memref<1000000xf32, #tpu.memory_space<hbm>>, %arg8: memref<1000000xf32, #tpu.memory_space<hbm>>, %arg9: memref<1000000xf32, #tpu.memory_space<hbm>>, %arg10: memref<1000000xf32, #tpu.memory_space<hbm>>, %arg11: memref<1000000xf32, #tpu.memory_space<hbm>>, %arg12: memref<1003520xi32, #tpu.memory_space<hbm>>, %arg13: memref<1003520xf32, #tpu.memory_space<hbm>>, %arg14: memref<1003520xf32, #tpu.memory_space<hbm>>, %arg15: memref<1003520xf32, #tpu.memory_space<hbm>>, %arg16: memref<1003520xf32, #tpu.memory_space<hbm>>, %arg17: memref<1003520xf32, #tpu.memory_space<hbm>>, %arg18: memref<1003520xf32, #tpu.memory_space<hbm>>, %arg19: memref<6272xi32, #tpu.memory_space<vmem>>, %arg20: memref<6272xi32, #tpu.memory_space<vmem>>, %arg21: memref<6272xi32, #tpu.memory_space<vmem>>, %arg22: memref<6272xi32, #tpu.memory_space<vmem>>, %arg23: memref<6272xi32, #tpu.memory_space<vmem>>, %arg24: memref<6272xi32, #tpu.memory_space<vmem>>, %arg25: memref<6272xf32, #tpu.memory_space<vmem>>, %arg26: memref<6272xf32, #tpu.memory_space<vmem>>, %arg27: memref<6272xf32, #tpu.memory_space<vmem>>, %arg28: memref<6272xf32, #tpu.memory_space<vmem>>, %arg29: memref<6272xf32, #tpu.memory_space<vmem>>, %arg30: memref<6272xf32, #tpu.memory_space<vmem>>, %arg31: memref<!tpu.dma_semaphore, #tpu.memory_space<semaphore_mem>>, %arg32: memref<!tpu.dma_semaphore, #tpu.memory_space<semaphore_mem>>) attributes {dimension_semantics = [#tpu.dimension_semantics<core_parallel>, #tpu.dimension_semantics<subcore_parallel>], iteration_bounds = array<i64: 2, 16>, scalar_prefetch = 0 : i64, scratch_operands = 14 : i64, tpu.core_type = #tpu.core_type<sc_vector_subcore>, window_params = [{transform_indices = #map}, {transform_indices = #map}, {transform_indices = #map}, {transform_indices = #map}, {transform_indices = #map}, {transform_indices = #map}, {transform_indices = #map}, {transform_indices = #map}, {transform_indices = #map}, {transform_indices = #map}, {transform_indices = #map}, {transform_indices = #map}, {transform_indices = #map}, {transform_indices = #map}, {transform_indices = #map}, {transform_indices = #map}, {transform_indices = #map}]} {
    %mul3A = arith.constant 2 : i32
    %mul3A_0 = arith.muli %arg1, %mul3A : i32
    %add3A = arith.addi %mul3A_0, %arg0 : i32
    %mul3A_1 = arith.constant 31360 : i32
    %mul3A_2 = arith.muli %add3A, %mul3A_1 : i32
    %broadcast_in_dim3A = arith.constant 1 : i32
    %broadcast_in_dim3A_3 = vector.broadcast %broadcast_in_dim3A : i32 to vector<16xi32>
    %scan3A = arith.constant 0 : i32
    %scan3A_4 = arith.constant 0 : i32
    %scan3A_5 = arith.constant 5 : i32
    %scan3A_6 = arith.addi %scan3A_4, %scan3A_5 : i32
    %scan3A_7 = arith.constant 1 : i32
    %scan3A_8 = scf.for %scan3A_10 = %scan3A_4 to %scan3A_6 step %scan3A_7 iter_args(%scan3A_11 = %scan3A) -> (i32)  : i32 {
      %mul3A_12 = arith.constant 6272 : i32
      %mul3A_13 = arith.muli %scan3A_10, %mul3A_12 : i32
      %add3A_14 = arith.addi %mul3A_2, %mul3A_13 : i32
      "tpu.region"() ({
        %run_scoped3A = tpu.sem_alloc : memref<!tpu.dma_semaphore, #tpu.memory_space<semaphore_mem>>
        %dma_start3A_90 = tpu.memref_slice %arg2[%add3A_14] : memref<2007040xi32, #tpu.memory_space<hbm>> -> memref<6272xi32, #tpu.memory_space<hbm>>
        %dma_start3A_91 = tpu.memref_slice %arg2[%add3A_14] : memref<2007040xi32, #tpu.memory_space<hbm>> -> memref<6272xi32, #tpu.memory_space<hbm>>
        tpu.enqueue_dma source(%dma_start3A_91 : memref<6272xi32, #tpu.memory_space<hbm>>) target(%arg19 : memref<6272xi32, #tpu.memory_space<vmem>>) target_semaphore(%run_scoped3A : memref<!tpu.dma_semaphore, #tpu.memory_space<semaphore_mem>>)
        %dma_wait3A_92 = tpu.memref_slice %arg2[%add3A_14] : memref<2007040xi32, #tpu.memory_space<hbm>> -> memref<6272xi32, #tpu.memory_space<hbm>>
        %dma_wait3A_93 = tpu.memref_slice %arg2[%add3A_14] : memref<2007040xi32, #tpu.memory_space<hbm>> -> memref<6272xi32, #tpu.memory_space<hbm>>
        tpu.wait_dma2 semaphore(%run_scoped3A : memref<!tpu.dma_semaphore, #tpu.memory_space<semaphore_mem>>) src(%dma_wait3A_93 : memref<6272xi32, #tpu.memory_space<hbm>>) dst(%arg19 : memref<6272xi32, #tpu.memory_space<vmem>>)
        tpu.yield
      }) : () -> ()
      %add3A_15 = arith.constant 1003520 : i32
      %add3A_16 = arith.addi %add3A_15, %mul3A_2 : i32
      %mul3A_17 = arith.constant 6272 : i32
      %mul3A_18 = arith.muli %scan3A_10, %mul3A_17 : i32
      %add3A_19 = arith.addi %add3A_16, %mul3A_18 : i32
      "tpu.region"() ({
        %run_scoped3A = tpu.sem_alloc : memref<!tpu.dma_semaphore, #tpu.memory_space<semaphore_mem>>
        %dma_start3A_90 = tpu.memref_slice %arg2[%add3A_19] : memref<2007040xi32, #tpu.memory_space<hbm>> -> memref<6272xi32, #tpu.memory_space<hbm>>
        %dma_start3A_91 = tpu.memref_slice %arg2[%add3A_19] : memref<2007040xi32, #tpu.memory_space<hbm>> -> memref<6272xi32, #tpu.memory_space<hbm>>
        tpu.enqueue_dma source(%dma_start3A_91 : memref<6272xi32, #tpu.memory_space<hbm>>) target(%arg20 : memref<6272xi32, #tpu.memory_space<vmem>>) target_semaphore(%run_scoped3A : memref<!tpu.dma_semaphore, #tpu.memory_space<semaphore_mem>>)
        %dma_wait3A_92 = tpu.memref_slice %arg2[%add3A_19] : memref<2007040xi32, #tpu.memory_space<hbm>> -> memref<6272xi32, #tpu.memory_space<hbm>>
        %dma_wait3A_93 = tpu.memref_slice %arg2[%add3A_19] : memref<2007040xi32, #tpu.memory_space<hbm>> -> memref<6272xi32, #tpu.memory_space<hbm>>
        tpu.wait_dma2 semaphore(%run_scoped3A : memref<!tpu.dma_semaphore, #tpu.memory_space<semaphore_mem>>) src(%dma_wait3A_93 : memref<6272xi32, #tpu.memory_space<hbm>>) dst(%arg20 : memref<6272xi32, #tpu.memory_space<vmem>>)
        tpu.yield
      }) : () -> ()
      %scan3A_20 = arith.constant 0 : i32
      %scan3A_21 = arith.constant 0 : i32
      %scan3A_22 = arith.constant 98 : i32
      %scan3A_23 = arith.addi %scan3A_21, %scan3A_22 : i32
      %scan3A_24 = arith.constant 1 : i32
      %scan3A_25 = scf.for %scan3A_90 = %scan3A_21 to %scan3A_23 step %scan3A_24 iter_args(%scan3A_91 = %scan3A_20) -> (i32)  : i32 {
        %mul3A_92 = arith.constant 64 : i32
        %mul3A_93 = arith.muli %scan3A_90, %mul3A_92 : i32
        %add3A_94 = arith.constant 0 : i32
        %add3A_95 = arith.addi %mul3A_93, %add3A_94 : i32
        %get3A = arith.index_cast %add3A_95 : i32 to index
        %get3A_96 = tpu.vector_load %arg19[%get3A] {strides = array<i32>} : memref<6272xi32, #tpu.memory_space<vmem>>, vector<16xi32>,
        %get3A_97 = arith.index_cast %add3A_95 : i32 to index
        %get3A_98 = tpu.vector_load %arg20[%get3A_97] {strides = array<i32>} : memref<6272xi32, #tpu.memory_space<vmem>>, vector<16xi32>,
        %add3A_99 = arith.addi %get3A_96, %get3A_98 : vector<16xi32>
        %sub3A = arith.subi %add3A_99, %broadcast_in_dim3A_3 : vector<16xi32>
        %swap3A = arith.index_cast %add3A_95 : i32 to index
        %swap3A_100 = tpu.vector_load %arg21[%swap3A] {strides = array<i32>} : memref<6272xi32, #tpu.memory_space<vmem>>, vector<16xi32>,
        tpu.vector_store %arg21[%swap3A], %sub3A {strides = array<i32>} : memref<6272xi32, #tpu.memory_space<vmem>>, vector<16xi32>,
        %mul3A_101 = arith.constant 64 : i32
        %mul3A_102 = arith.muli %scan3A_90, %mul3A_101 : i32
        %add3A_103 = arith.constant 16 : i32
        %add3A_104 = arith.addi %mul3A_102, %add3A_103 : i32
        %get3A_105 = arith.index_cast %add3A_104 : i32 to index
        %get3A_106 = tpu.vector_load %arg19[%get3A_105] {strides = array<i32>} : memref<6272xi32, #tpu.memory_space<vmem>>, vector<16xi32>,
        %get3A_107 = arith.index_cast %add3A_104 : i32 to index
        %get3A_108 = tpu.vector_load %arg20[%get3A_107] {strides = array<i32>} : memref<6272xi32, #tpu.memory_space<vmem>>, vector<16xi32>,
        %add3A_109 = arith.addi %get3A_106, %get3A_108 : vector<16xi32>
        %sub3A_110 = arith.subi %add3A_109, %broadcast_in_dim3A_3 : vector<16xi32>
        %swap3A_111 = arith.index_cast %add3A_104 : i32 to index
        %swap3A_112 = tpu.vector_load %arg21[%swap3A_111] {strides = array<i32>} : memref<6272xi32, #tpu.memory_space<vmem>>, vector<16xi32>,
        tpu.vector_store %arg21[%swap3A_111], %sub3A_110 {strides = array<i32>} : memref<6272xi32, #tpu.memory_space<vmem>>, vector<16xi32>,
        %mul3A_113 = arith.constant 64 : i32
        %mul3A_114 = arith.muli %scan3A_90, %mul3A_113 : i32
        %add3A_115 = arith.constant 32 : i32
        %add3A_116 = arith.addi %mul3A_114, %add3A_115 : i32
        %get3A_117 = arith.index_cast %add3A_116 : i32 to index
        %get3A_118 = tpu.vector_load %arg19[%get3A_117] {strides = array<i32>} : memref<6272xi32, #tpu.memory_space<vmem>>, vector<16xi32>,
        %get3A_119 = arith.index_cast %add3A_116 : i32 to index
        %get3A_120 = tpu.vector_load %arg20[%get3A_119] {strides = array<i32>} : memref<6272xi32, #tpu.memory_space<vmem>>, vector<16xi32>,
        %add3A_121 = arith.addi %get3A_118, %get3A_120 : vector<16xi32>
        %sub3A_122 = arith.subi %add3A_121, %broadcast_in_dim3A_3 : vector<16xi32>
        %swap3A_123 = arith.index_cast %add3A_116 : i32 to index
        %swap3A_124 = tpu.vector_load %arg21[%swap3A_123] {strides = array<i32>} : memref<6272xi32, #tpu.memory_space<vmem>>, vector<16xi32>,
        tpu.vector_store %arg21[%swap3A_123], %sub3A_122 {strides = array<i32>} : memref<6272xi32, #tpu.memory_space<vmem>>, vector<16xi32>,
        %mul3A_125 = arith.constant 64 : i32
        %mul3A_126 = arith.muli %scan3A_90, %mul3A_125 : i32
        %add3A_127 = arith.constant 48 : i32
        %add3A_128 = arith.addi %mul3A_126, %add3A_127 : i32
        %get3A_129 = arith.index_cast %add3A_128 : i32 to index
        %get3A_130 = tpu.vector_load %arg19[%get3A_129] {strides = array<i32>} : memref<6272xi32, #tpu.memory_space<vmem>>, vector<16xi32>,
        %get3A_131 = arith.index_cast %add3A_128 : i32 to index
        %get3A_132 = tpu.vector_load %arg20[%get3A_131] {strides = array<i32>} : memref<6272xi32, #tpu.memory_space<vmem>>, vector<16xi32>,
        %add3A_133 = arith.addi %get3A_130, %get3A_132 : vector<16xi32>
        %sub3A_134 = arith.subi %add3A_133, %broadcast_in_dim3A_3 : vector<16xi32>
        %swap3A_135 = arith.index_cast %add3A_128 : i32 to index
        %swap3A_136 = tpu.vector_load %arg21[%swap3A_135] {strides = array<i32>} : memref<6272xi32, #tpu.memory_space<vmem>>, vector<16xi32>,
        tpu.vector_store %arg21[%swap3A_135], %sub3A_134 {strides = array<i32>} : memref<6272xi32, #tpu.memory_space<vmem>>, vector<16xi32>,
        %scan3A_137 = arith.constant 0 : i32
        scf.yield %scan3A_137 : i32
      }
      %scan3A_26 = arith.constant 98 : i32
      %dma_start3A = arith.constant 0 : i32
      %dma_start3A_27 = tpu.memref_slice %arg3[%dma_start3A] : memref<1003520xi32, #tpu.memory_space<hbm>> -> memref<1003520xi32, #tpu.memory_space<hbm>>
      tpu.enqueue_indirect_dma source(%dma_start3A_27 : memref<1003520xi32, #tpu.memory_space<hbm>>) target(%arg24 : memref<6272xi32, #tpu.memory_space<vmem>>) offsets(%arg21 : memref<6272xi32, #tpu.memory_space<vmem>>) semaphore(%arg31 : memref<!tpu.dma_semaphore, #tpu.memory_space<semaphore_mem>>)
      %dma_start3A_28 = arith.constant 0 : i32
      %dma_start3A_29 = tpu.memref_slice %arg5[%dma_start3A_28] : memref<1003520xi32, #tpu.memory_space<hbm>> -> memref<1003520xi32, #tpu.memory_space<hbm>>
      tpu.enqueue_indirect_dma source(%dma_start3A_29 : memref<1003520xi32, #tpu.memory_space<hbm>>) target(%arg22 : memref<6272xi32, #tpu.memory_space<vmem>>) offsets(%arg21 : memref<6272xi32, #tpu.memory_space<vmem>>) semaphore(%arg32 : memref<!tpu.dma_semaphore, #tpu.memory_space<semaphore_mem>>)
      %dma_wait3A = arith.constant 0 : i32
      %dma_wait3A_30 = tpu.memref_slice %arg5[%dma_wait3A] : memref<1003520xi32, #tpu.memory_space<hbm>> -> memref<1003520xi32, #tpu.memory_space<hbm>>
      tpu.wait_indirect_dma semaphore(%arg32 : memref<!tpu.dma_semaphore, #tpu.memory_space<semaphore_mem>>) src(%dma_wait3A_30 : memref<1003520xi32, #tpu.memory_space<hbm>>) dst(%arg22 : memref<6272xi32, #tpu.memory_space<vmem>>)
      %dma_start3A_31 = arith.constant 0 : i32
      %dma_start3A_32 = tpu.memref_slice %arg4[%dma_start3A_31] : memref<1003520xi32, #tpu.memory_space<hbm>> -> memref<1003520xi32, #tpu.memory_space<hbm>>
      tpu.enqueue_indirect_dma source(%dma_start3A_32 : memref<1003520xi32, #tpu.memory_space<hbm>>) target(%arg23 : memref<6272xi32, #tpu.memory_space<vmem>>) offsets(%arg22 : memref<6272xi32, #tpu.memory_space<vmem>>) semaphore(%arg32 : memref<!tpu.dma_semaphore, #tpu.memory_space<semaphore_mem>>)
      %dma_wait3A_33 = arith.constant 0 : i32
      %dma_wait3A_34 = tpu.memref_slice %arg3[%dma_wait3A_33] : memref<1003520xi32, #tpu.memory_space<hbm>> -> memref<1003520xi32, #tpu.memory_space<hbm>>
      tpu.wait_indirect_dma semaphore(%arg31 : memref<!tpu.dma_semaphore, #tpu.memory_space<semaphore_mem>>) src(%dma_wait3A_34 : memref<1003520xi32, #tpu.memory_space<hbm>>) dst(%arg24 : memref<6272xi32, #tpu.memory_space<vmem>>)
      %mul3A_35 = arith.constant 6272 : i32
      %mul3A_36 = arith.muli %scan3A_10, %mul3A_35 : i32
      %add3A_37 = arith.addi %mul3A_2, %mul3A_36 : i32
      "tpu.region"() ({
        %run_scoped3A = tpu.sem_alloc : memref<!tpu.dma_semaphore, #tpu.memory_space<semaphore_mem>>
        %dma_start3A_90 = tpu.memref_slice %arg12[%add3A_37] : memref<1003520xi32, #tpu.memory_space<hbm>> -> memref<6272xi32, #tpu.memory_space<hbm>>
        %dma_start3A_91 = tpu.memref_slice %arg12[%add3A_37] : memref<1003520xi32, #tpu.memory_space<hbm>> -> memref<6272xi32, #tpu.memory_space<hbm>>
        tpu.enqueue_dma source(%arg24 : memref<6272xi32, #tpu.memory_space<vmem>>) target(%dma_start3A_91 : memref<6272xi32, #tpu.memory_space<hbm>>) target_semaphore(%run_scoped3A : memref<!tpu.dma_semaphore, #tpu.memory_space<semaphore_mem>>)
        %dma_wait3A_92 = tpu.memref_slice %arg12[%add3A_37] : memref<1003520xi32, #tpu.memory_space<hbm>> -> memref<6272xi32, #tpu.memory_space<hbm>>
        %dma_wait3A_93 = tpu.memref_slice %arg12[%add3A_37] : memref<1003520xi32, #tpu.memory_space<hbm>> -> memref<6272xi32, #tpu.memory_space<hbm>>
        tpu.wait_dma2 semaphore(%run_scoped3A : memref<!tpu.dma_semaphore, #tpu.memory_space<semaphore_mem>>) src(%arg24 : memref<6272xi32, #tpu.memory_space<vmem>>) dst(%dma_wait3A_93 : memref<6272xi32, #tpu.memory_space<hbm>>)
        tpu.yield
      }) : () -> ()
      %dma_wait3A_38 = arith.constant 0 : i32
      %dma_wait3A_39 = tpu.memref_slice %arg4[%dma_wait3A_38] : memref<1003520xi32, #tpu.memory_space<hbm>> -> memref<1003520xi32, #tpu.memory_space<hbm>>
      tpu.wait_indirect_dma semaphore(%arg32 : memref<!tpu.dma_semaphore, #tpu.memory_space<semaphore_mem>>) src(%dma_wait3A_39 : memref<1003520xi32, #tpu.memory_space<hbm>>) dst(%arg23 : memref<6272xi32, #tpu.memory_space<vmem>>)
      %scan3A_40 = arith.constant 0 : i32
      %scan3A_41 = arith.constant 0 : i32
      %scan3A_42 = arith.constant 98 : i32
      %scan3A_43 = arith.addi %scan3A_41, %scan3A_42 : i32
      %scan3A_44 = arith.constant 1 : i32
      %scan3A_45 = scf.for %scan3A_90 = %scan3A_41 to %scan3A_43 step %scan3A_44 iter_args(%scan3A_91 = %scan3A_40) -> (i32)  : i32 {
        %mul3A_92 = arith.constant 64 : i32
        %mul3A_93 = arith.muli %scan3A_90, %mul3A_92 : i32
        %add3A_94 = arith.constant 0 : i32
        %add3A_95 = arith.addi %mul3A_93, %add3A_94 : i32
        %get3A = arith.index_cast %add3A_95 : i32 to index
        %get3A_96 = tpu.vector_load %arg23[%get3A] {strides = array<i32>} : memref<6272xi32, #tpu.memory_space<vmem>>, vector<16xi32>,
        %min3A = arith.constant 999999 : i32
        %min3A_97 = vector.broadcast %min3A : i32 to vector<16xi32>
        %min3A_98 = arith.minsi %get3A_96, %min3A_97 : vector<16xi32>
        %swap3A = arith.index_cast %add3A_95 : i32 to index
        %swap3A_99 = tpu.vector_load %arg23[%swap3A] {strides = array<i32>} : memref<6272xi32, #tpu.memory_space<vmem>>, vector<16xi32>,
        tpu.vector_store %arg23[%swap3A], %min3A_98 {strides = array<i32>} : memref<6272xi32, #tpu.memory_space<vmem>>, vector<16xi32>,
        %mul3A_100 = arith.constant 64 : i32
        %mul3A_101 = arith.muli %scan3A_90, %mul3A_100 : i32
        %add3A_102 = arith.constant 16 : i32
        %add3A_103 = arith.addi %mul3A_101, %add3A_102 : i32
        %get3A_104 = arith.index_cast %add3A_103 : i32 to index
        %get3A_105 = tpu.vector_load %arg23[%get3A_104] {strides = array<i32>} : memref<6272xi32, #tpu.memory_space<vmem>>, vector<16xi32>,
        %min3A_106 = arith.constant 999999 : i32
        %min3A_107 = vector.broadcast %min3A_106 : i32 to vector<16xi32>
        %min3A_108 = arith.minsi %get3A_105, %min3A_107 : vector<16xi32>
        %swap3A_109 = arith.index_cast %add3A_103 : i32 to index
        %swap3A_110 = tpu.vector_load %arg23[%swap3A_109] {strides = array<i32>} : memref<6272xi32, #tpu.memory_space<vmem>>, vector<16xi32>,
        tpu.vector_store %arg23[%swap3A_109], %min3A_108 {strides = array<i32>} : memref<6272xi32, #tpu.memory_space<vmem>>, vector<16xi32>,
        %mul3A_111 = arith.constant 64 : i32
        %mul3A_112 = arith.muli %scan3A_90, %mul3A_111 : i32
        %add3A_113 = arith.constant 32 : i32
        %add3A_114 = arith.addi %mul3A_112, %add3A_113 : i32
        %get3A_115 = arith.index_cast %add3A_114 : i32 to index
        %get3A_116 = tpu.vector_load %arg23[%get3A_115] {strides = array<i32>} : memref<6272xi32, #tpu.memory_space<vmem>>, vector<16xi32>,
        %min3A_117 = arith.constant 999999 : i32
        %min3A_118 = vector.broadcast %min3A_117 : i32 to vector<16xi32>
        %min3A_119 = arith.minsi %get3A_116, %min3A_118 : vector<16xi32>
        %swap3A_120 = arith.index_cast %add3A_114 : i32 to index
        %swap3A_121 = tpu.vector_load %arg23[%swap3A_120] {strides = array<i32>} : memref<6272xi32, #tpu.memory_space<vmem>>, vector<16xi32>,
        tpu.vector_store %arg23[%swap3A_120], %min3A_119 {strides = array<i32>} : memref<6272xi32, #tpu.memory_space<vmem>>, vector<16xi32>,
        %mul3A_122 = arith.constant 64 : i32
        %mul3A_123 = arith.muli %scan3A_90, %mul3A_122 : i32
        %add3A_124 = arith.constant 48 : i32
        %add3A_125 = arith.addi %mul3A_123, %add3A_124 : i32
        %get3A_126 = arith.index_cast %add3A_125 : i32 to index
        %get3A_127 = tpu.vector_load %arg23[%get3A_126] {strides = array<i32>} : memref<6272xi32, #tpu.memory_space<vmem>>, vector<16xi32>,
        %min3A_128 = arith.constant 999999 : i32
        %min3A_129 = vector.broadcast %min3A_128 : i32 to vector<16xi32>
        %min3A_130 = arith.minsi %get3A_127, %min3A_129 : vector<16xi32>
        %swap3A_131 = arith.index_cast %add3A_125 : i32 to index
        %swap3A_132 = tpu.vector_load %arg23[%swap3A_131] {strides = array<i32>} : memref<6272xi32, #tpu.memory_space<vmem>>, vector<16xi32>,
        tpu.vector_store %arg23[%swap3A_131], %min3A_130 {strides = array<i32>} : memref<6272xi32, #tpu.memory_space<vmem>>, vector<16xi32>,
        %scan3A_133 = arith.constant 0 : i32
        scf.yield %scan3A_133 : i32
      }
      %scan3A_46 = arith.constant 98 : i32
      %dma_start3A_47 = arith.constant 0 : i32
      %dma_start3A_48 = tpu.memref_slice %arg6[%dma_start3A_47] : memref<1000000xf32, #tpu.memory_space<hbm>> -> memref<1000000xf32, #tpu.memory_space<hbm>>
      tpu.enqueue_indirect_dma source(%dma_start3A_48 : memref<1000000xf32, #tpu.memory_space<hbm>>) target(%arg25 : memref<6272xf32, #tpu.memory_space<vmem>>) offsets(%arg23 : memref<6272xi32, #tpu.memory_space<vmem>>) semaphore(%arg31 : memref<!tpu.dma_semaphore, #tpu.memory_space<semaphore_mem>>)
      %dma_start3A_49 = arith.constant 0 : i32
      %dma_start3A_50 = tpu.memref_slice %arg7[%dma_start3A_49] : memref<1000000xf32, #tpu.memory_space<hbm>> -> memref<1000000xf32, #tpu.memory_space<hbm>>
      tpu.enqueue_indirect_dma source(%dma_start3A_50 : memref<1000000xf32, #tpu.memory_space<hbm>>) target(%arg26 : memref<6272xf32, #tpu.memory_space<vmem>>) offsets(%arg23 : memref<6272xi32, #tpu.memory_space<vmem>>) semaphore(%arg31 : memref<!tpu.dma_semaphore, #tpu.memory_space<semaphore_mem>>)
      %dma_start3A_51 = arith.constant 0 : i32
      %dma_start3A_52 = tpu.memref_slice %arg8[%dma_start3A_51] : memref<1000000xf32, #tpu.memory_space<hbm>> -> memref<1000000xf32, #tpu.memory_space<hbm>>
      tpu.enqueue_indirect_dma source(%dma_start3A_52 : memref<1000000xf32, #tpu.memory_space<hbm>>) target(%arg27 : memref<6272xf32, #tpu.memory_space<vmem>>) offsets(%arg23 : memref<6272xi32, #tpu.memory_space<vmem>>) semaphore(%arg31 : memref<!tpu.dma_semaphore, #tpu.memory_space<semaphore_mem>>)
      %dma_start3A_53 = arith.constant 0 : i32
      %dma_start3A_54 = tpu.memref_slice %arg9[%dma_start3A_53] : memref<1000000xf32, #tpu.memory_space<hbm>> -> memref<1000000xf32, #tpu.memory_space<hbm>>
      tpu.enqueue_indirect_dma source(%dma_start3A_54 : memref<1000000xf32, #tpu.memory_space<hbm>>) target(%arg28 : memref<6272xf32, #tpu.memory_space<vmem>>) offsets(%arg23 : memref<6272xi32, #tpu.memory_space<vmem>>) semaphore(%arg31 : memref<!tpu.dma_semaphore, #tpu.memory_space<semaphore_mem>>)
      %dma_start3A_55 = arith.constant 0 : i32
      %dma_start3A_56 = tpu.memref_slice %arg10[%dma_start3A_55] : memref<1000000xf32, #tpu.memory_space<hbm>> -> memref<1000000xf32, #tpu.memory_space<hbm>>
      tpu.enqueue_indirect_dma source(%dma_start3A_56 : memref<1000000xf32, #tpu.memory_space<hbm>>) target(%arg29 : memref<6272xf32, #tpu.memory_space<vmem>>) offsets(%arg23 : memref<6272xi32, #tpu.memory_space<vmem>>) semaphore(%arg31 : memref<!tpu.dma_semaphore, #tpu.memory_space<semaphore_mem>>)
      %dma_start3A_57 = arith.constant 0 : i32
      %dma_start3A_58 = tpu.memref_slice %arg11[%dma_start3A_57] : memref<1000000xf32, #tpu.memory_space<hbm>> -> memref<1000000xf32, #tpu.memory_space<hbm>>
      tpu.enqueue_indirect_dma source(%dma_start3A_58 : memref<1000000xf32, #tpu.memory_space<hbm>>) target(%arg30 : memref<6272xf32, #tpu.memory_space<vmem>>) offsets(%arg23 : memref<6272xi32, #tpu.memory_space<vmem>>) semaphore(%arg31 : memref<!tpu.dma_semaphore, #tpu.memory_space<semaphore_mem>>)
      %dma_wait3A_59 = arith.constant 0 : i32
      %dma_wait3A_60 = tpu.memref_slice %arg6[%dma_wait3A_59] : memref<1000000xf32, #tpu.memory_space<hbm>> -> memref<1000000xf32, #tpu.memory_space<hbm>>
      tpu.wait_indirect_dma semaphore(%arg31 : memref<!tpu.dma_semaphore, #tpu.memory_space<semaphore_mem>>) src(%dma_wait3A_60 : memref<1000000xf32, #tpu.memory_space<hbm>>) dst(%arg25 : memref<6272xf32, #tpu.memory_space<vmem>>)
      %dma_wait3A_61 = arith.constant 0 : i32
      %dma_wait3A_62 = tpu.memref_slice %arg7[%dma_wait3A_61] : memref<1000000xf32, #tpu.memory_space<hbm>> -> memref<1000000xf32, #tpu.memory_space<hbm>>
      tpu.wait_indirect_dma semaphore(%arg31 : memref<!tpu.dma_semaphore, #tpu.memory_space<semaphore_mem>>) src(%dma_wait3A_62 : memref<1000000xf32, #tpu.memory_space<hbm>>) dst(%arg26 : memref<6272xf32, #tpu.memory_space<vmem>>)
      %dma_wait3A_63 = arith.constant 0 : i32
      %dma_wait3A_64 = tpu.memref_slice %arg8[%dma_wait3A_63] : memref<1000000xf32, #tpu.memory_space<hbm>> -> memref<1000000xf32, #tpu.memory_space<hbm>>
      tpu.wait_indirect_dma semaphore(%arg31 : memref<!tpu.dma_semaphore, #tpu.memory_space<semaphore_mem>>) src(%dma_wait3A_64 : memref<1000000xf32, #tpu.memory_space<hbm>>) dst(%arg27 : memref<6272xf32, #tpu.memory_space<vmem>>)
      %dma_wait3A_65 = arith.constant 0 : i32
      %dma_wait3A_66 = tpu.memref_slice %arg9[%dma_wait3A_65] : memref<1000000xf32, #tpu.memory_space<hbm>> -> memref<1000000xf32, #tpu.memory_space<hbm>>
      tpu.wait_indirect_dma semaphore(%arg31 : memref<!tpu.dma_semaphore, #tpu.memory_space<semaphore_mem>>) src(%dma_wait3A_66 : memref<1000000xf32, #tpu.memory_space<hbm>>) dst(%arg28 : memref<6272xf32, #tpu.memory_space<vmem>>)
      %dma_wait3A_67 = arith.constant 0 : i32
      %dma_wait3A_68 = tpu.memref_slice %arg10[%dma_wait3A_67] : memref<1000000xf32, #tpu.memory_space<hbm>> -> memref<1000000xf32, #tpu.memory_space<hbm>>
      tpu.wait_indirect_dma semaphore(%arg31 : memref<!tpu.dma_semaphore, #tpu.memory_space<semaphore_mem>>) src(%dma_wait3A_68 : memref<1000000xf32, #tpu.memory_space<hbm>>) dst(%arg29 : memref<6272xf32, #tpu.memory_space<vmem>>)
      %dma_wait3A_69 = arith.constant 0 : i32
      %dma_wait3A_70 = tpu.memref_slice %arg11[%dma_wait3A_69] : memref<1000000xf32, #tpu.memory_space<hbm>> -> memref<1000000xf32, #tpu.memory_space<hbm>>
      tpu.wait_indirect_dma semaphore(%arg31 : memref<!tpu.dma_semaphore, #tpu.memory_space<semaphore_mem>>) src(%dma_wait3A_70 : memref<1000000xf32, #tpu.memory_space<hbm>>) dst(%arg30 : memref<6272xf32, #tpu.memory_space<vmem>>)
      %mul3A_71 = arith.constant 6272 : i32
      %mul3A_72 = arith.muli %scan3A_10, %mul3A_71 : i32
      %add3A_73 = arith.addi %mul3A_2, %mul3A_72 : i32
      "tpu.region"() ({
        %run_scoped3A = tpu.sem_alloc : memref<!tpu.dma_semaphore, #tpu.memory_space<semaphore_mem>>
        %dma_start3A_90 = tpu.memref_slice %arg13[%add3A_73] : memref<1003520xf32, #tpu.memory_space<hbm>> -> memref<6272xf32, #tpu.memory_space<hbm>>
        %dma_start3A_91 = tpu.memref_slice %arg13[%add3A_73] : memref<1003520xf32, #tpu.memory_space<hbm>> -> memref<6272xf32, #tpu.memory_space<hbm>>
        tpu.enqueue_dma source(%arg25 : memref<6272xf32, #tpu.memory_space<vmem>>) target(%dma_start3A_91 : memref<6272xf32, #tpu.memory_space<hbm>>) target_semaphore(%run_scoped3A : memref<!tpu.dma_semaphore, #tpu.memory_space<semaphore_mem>>)
        %dma_wait3A_92 = tpu.memref_slice %arg13[%add3A_73] : memref<1003520xf32, #tpu.memory_space<hbm>> -> memref<6272xf32, #tpu.memory_space<hbm>>
        %dma_wait3A_93 = tpu.memref_slice %arg13[%add3A_73] : memref<1003520xf32, #tpu.memory_space<hbm>> -> memref<6272xf32, #tpu.memory_space<hbm>>
        tpu.wait_dma2 semaphore(%run_scoped3A : memref<!tpu.dma_semaphore, #tpu.memory_space<semaphore_mem>>) src(%arg25 : memref<6272xf32, #tpu.memory_space<vmem>>) dst(%dma_wait3A_93 : memref<6272xf32, #tpu.memory_space<hbm>>)
        tpu.yield
      }) : () -> ()
      %mul3A_74 = arith.constant 6272 : i32
      %mul3A_75 = arith.muli %scan3A_10, %mul3A_74 : i32
      %add3A_76 = arith.addi %mul3A_2, %mul3A_75 : i32
      "tpu.region"() ({
        %run_scoped3A = tpu.sem_alloc : memref<!tpu.dma_semaphore, #tpu.memory_space<semaphore_mem>>
        %dma_start3A_90 = tpu.memref_slice %arg14[%add3A_76] : memref<1003520xf32, #tpu.memory_space<hbm>> -> memref<6272xf32, #tpu.memory_space<hbm>>
        %dma_start3A_91 = tpu.memref_slice %arg14[%add3A_76] : memref<1003520xf32, #tpu.memory_space<hbm>> -> memref<6272xf32, #tpu.memory_space<hbm>>
        tpu.enqueue_dma source(%arg26 : memref<6272xf32, #tpu.memory_space<vmem>>) target(%dma_start3A_91 : memref<6272xf32, #tpu.memory_space<hbm>>) target_semaphore(%run_scoped3A : memref<!tpu.dma_semaphore, #tpu.memory_space<semaphore_mem>>)
        %dma_wait3A_92 = tpu.memref_slice %arg14[%add3A_76] : memref<1003520xf32, #tpu.memory_space<hbm>> -> memref<6272xf32, #tpu.memory_space<hbm>>
        %dma_wait3A_93 = tpu.memref_slice %arg14[%add3A_76] : memref<1003520xf32, #tpu.memory_space<hbm>> -> memref<6272xf32, #tpu.memory_space<hbm>>
        tpu.wait_dma2 semaphore(%run_scoped3A : memref<!tpu.dma_semaphore, #tpu.memory_space<semaphore_mem>>) src(%arg26 : memref<6272xf32, #tpu.memory_space<vmem>>) dst(%dma_wait3A_93 : memref<6272xf32, #tpu.memory_space<hbm>>)
        tpu.yield
      }) : () -> ()
      %mul3A_77 = arith.constant 6272 : i32
      %mul3A_78 = arith.muli %scan3A_10, %mul3A_77 : i32
      %add3A_79 = arith.addi %mul3A_2, %mul3A_78 : i32
      "tpu.region"() ({
        %run_scoped3A = tpu.sem_alloc : memref<!tpu.dma_semaphore, #tpu.memory_space<semaphore_mem>>
        %dma_start3A_90 = tpu.memref_slice %arg15[%add3A_79] : memref<1003520xf32, #tpu.memory_space<hbm>> -> memref<6272xf32, #tpu.memory_space<hbm>>
        %dma_start3A_91 = tpu.memref_slice %arg15[%add3A_79] : memref<1003520xf32, #tpu.memory_space<hbm>> -> memref<6272xf32, #tpu.memory_space<hbm>>
        tpu.enqueue_dma source(%arg27 : memref<6272xf32, #tpu.memory_space<vmem>>) target(%dma_start3A_91 : memref<6272xf32, #tpu.memory_space<hbm>>) target_semaphore(%run_scoped3A : memref<!tpu.dma_semaphore, #tpu.memory_space<semaphore_mem>>)
        %dma_wait3A_92 = tpu.memref_slice %arg15[%add3A_79] : memref<1003520xf32, #tpu.memory_space<hbm>> -> memref<6272xf32, #tpu.memory_space<hbm>>
        %dma_wait3A_93 = tpu.memref_slice %arg15[%add3A_79] : memref<1003520xf32, #tpu.memory_space<hbm>> -> memref<6272xf32, #tpu.memory_space<hbm>>
        tpu.wait_dma2 semaphore(%run_scoped3A : memref<!tpu.dma_semaphore, #tpu.memory_space<semaphore_mem>>) src(%arg27 : memref<6272xf32, #tpu.memory_space<vmem>>) dst(%dma_wait3A_93 : memref<6272xf32, #tpu.memory_space<hbm>>)
        tpu.yield
      }) : () -> ()
      %mul3A_80 = arith.constant 6272 : i32
      %mul3A_81 = arith.muli %scan3A_10, %mul3A_80 : i32
      %add3A_82 = arith.addi %mul3A_2, %mul3A_81 : i32
      "tpu.region"() ({
        %run_scoped3A = tpu.sem_alloc : memref<!tpu.dma_semaphore, #tpu.memory_space<semaphore_mem>>
        %dma_start3A_90 = tpu.memref_slice %arg16[%add3A_82] : memref<1003520xf32, #tpu.memory_space<hbm>> -> memref<6272xf32, #tpu.memory_space<hbm>>
        %dma_start3A_91 = tpu.memref_slice %arg16[%add3A_82] : memref<1003520xf32, #tpu.memory_space<hbm>> -> memref<6272xf32, #tpu.memory_space<hbm>>
        tpu.enqueue_dma source(%arg28 : memref<6272xf32, #tpu.memory_space<vmem>>) target(%dma_start3A_91 : memref<6272xf32, #tpu.memory_space<hbm>>) target_semaphore(%run_scoped3A : memref<!tpu.dma_semaphore, #tpu.memory_space<semaphore_mem>>)
        %dma_wait3A_92 = tpu.memref_slice %arg16[%add3A_82] : memref<1003520xf32, #tpu.memory_space<hbm>> -> memref<6272xf32, #tpu.memory_space<hbm>>
        %dma_wait3A_93 = tpu.memref_slice %arg16[%add3A_82] : memref<1003520xf32, #tpu.memory_space<hbm>> -> memref<6272xf32, #tpu.memory_space<hbm>>
        tpu.wait_dma2 semaphore(%run_scoped3A : memref<!tpu.dma_semaphore, #tpu.memory_space<semaphore_mem>>) src(%arg28 : memref<6272xf32, #tpu.memory_space<vmem>>) dst(%dma_wait3A_93 : memref<6272xf32, #tpu.memory_space<hbm>>)
        tpu.yield
      }) : () -> ()
      %mul3A_83 = arith.constant 6272 : i32
      %mul3A_84 = arith.muli %scan3A_10, %mul3A_83 : i32
      %add3A_85 = arith.addi %mul3A_2, %mul3A_84 : i32
      "tpu.region"() ({
        %run_scoped3A = tpu.sem_alloc : memref<!tpu.dma_semaphore, #tpu.memory_space<semaphore_mem>>
        %dma_start3A_90 = tpu.memref_slice %arg17[%add3A_85] : memref<1003520xf32, #tpu.memory_space<hbm>> -> memref<6272xf32, #tpu.memory_space<hbm>>
        %dma_start3A_91 = tpu.memref_slice %arg17[%add3A_85] : memref<1003520xf32, #tpu.memory_space<hbm>> -> memref<6272xf32, #tpu.memory_space<hbm>>
        tpu.enqueue_dma source(%arg29 : memref<6272xf32, #tpu.memory_space<vmem>>) target(%dma_start3A_91 : memref<6272xf32, #tpu.memory_space<hbm>>) target_semaphore(%run_scoped3A : memref<!tpu.dma_semaphore, #tpu.memory_space<semaphore_mem>>)
        %dma_wait3A_92 = tpu.memref_slice %arg17[%add3A_85] : memref<1003520xf32, #tpu.memory_space<hbm>> -> memref<6272xf32, #tpu.memory_space<hbm>>
        %dma_wait3A_93 = tpu.memref_slice %arg17[%add3A_85] : memref<1003520xf32, #tpu.memory_space<hbm>> -> memref<6272xf32, #tpu.memory_space<hbm>>
        tpu.wait_dma2 semaphore(%run_scoped3A : memref<!tpu.dma_semaphore, #tpu.memory_space<semaphore_mem>>) src(%arg29 : memref<6272xf32, #tpu.memory_space<vmem>>) dst(%dma_wait3A_93 : memref<6272xf32, #tpu.memory_space<hbm>>)
        tpu.yield
      }) : () -> ()
      %mul3A_86 = arith.constant 6272 : i32
      %mul3A_87 = arith.muli %scan3A_10, %mul3A_86 : i32
      %add3A_88 = arith.addi %mul3A_2, %mul3A_87 : i32
      "tpu.region"() ({
        %run_scoped3A = tpu.sem_alloc : memref<!tpu.dma_semaphore, #tpu.memory_space<semaphore_mem>>
        %dma_start3A_90 = tpu.memref_slice %arg18[%add3A_88] : memref<1003520xf32, #tpu.memory_space<hbm>> -> memref<6272xf32, #tpu.memory_space<hbm>>
        %dma_start3A_91 = tpu.memref_slice %arg18[%add3A_88] : memref<1003520xf32, #tpu.memory_space<hbm>> -> memref<6272xf32, #tpu.memory_space<hbm>>
        tpu.enqueue_dma source(%arg30 : memref<6272xf32, #tpu.memory_space<vmem>>) target(%dma_start3A_91 : memref<6272xf32, #tpu.memory_space<hbm>>) target_semaphore(%run_scoped3A : memref<!tpu.dma_semaphore, #tpu.memory_space<semaphore_mem>>)
        %dma_wait3A_92 = tpu.memref_slice %arg18[%add3A_88] : memref<1003520xf32, #tpu.memory_space<hbm>> -> memref<6272xf32, #tpu.memory_space<hbm>>
        %dma_wait3A_93 = tpu.memref_slice %arg18[%add3A_88] : memref<1003520xf32, #tpu.memory_space<hbm>> -> memref<6272xf32, #tpu.memory_space<hbm>>
        tpu.wait_dma2 semaphore(%run_scoped3A : memref<!tpu.dma_semaphore, #tpu.memory_space<semaphore_mem>>) src(%arg30 : memref<6272xf32, #tpu.memory_space<vmem>>) dst(%dma_wait3A_93 : memref<6272xf32, #tpu.memory_space<hbm>>)
        tpu.yield
      }) : () -> ()
      %scan3A_89 = arith.constant 0 : i32
      scf.yield %scan3A_89 : i32
    }
    %scan3A_9 = arith.constant 5 : i32
    return
  }
}

module attributes {stable_mosaic.version = 14 : i64} {
  func.func @_morton_body(%arg0: i32, %arg1: i32, %arg2: memref<3x6272xf32, #tpu.memory_space<vmem>>, %arg3: memref<1x6272xi32, #tpu.memory_space<vmem>>, %arg4: memref<3x2xf32, #tpu.memory_space<vmem>>) attributes {dimension_semantics = [#tpu.dimension_semantics<arbitrary>, #tpu.dimension_semantics<arbitrary>], iteration_bounds = array<i64: 2, 160>, scalar_prefetch = 0 : i64, scratch_operands = 1 : i64, tpu.core_type = #tpu.core_type<tc>, window_params = [{transform_indices = @transform_0, window_bounds = array<i64: 3, 6272>}, {transform_indices = @transform_1, window_bounds = array<i64: 1, 6272>}]} {
    %eq3A = arith.constant 0 : i32
    %eq3A_0 = arith.cmpi eq, %arg0, %eq3A : i32
    %convert_element_type3A = arith.extui %eq3A_0 : i1 to i32
    %cond3A = arith.constant 0 : i32
    %cond3A_1 = arith.cmpi ne, %convert_element_type3A, %cond3A : i32
    scf.if %cond3A_1 {
      %get3A = arith.constant 0 : index
      %get3A_7 = arith.constant 0 : index
      %get3A_8 = vector.load %arg2[%get3A, %get3A_7] : memref<3x6272xf32, #tpu.memory_space<vmem>>, vector<3x6272xf32>
      %reduce_min3A = arith.constant dense<0x7F800000> : vector<3xf32>
      %reduce_min3A_9 = vector.multi_reduction <minimumf>, %get3A_8, %reduce_min3A [1] : vector<3x6272xf32> to vector<3xf32>
      %broadcast_in_dim3A = vector.shape_cast %reduce_min3A_9 : vector<3xf32> to vector<3x1xf32>
      %reduce_max3A = arith.constant dense<0xFF800000> : vector<3xf32>
      %reduce_max3A_10 = vector.multi_reduction <maximumf>, %get3A_8, %reduce_max3A [1] : vector<3x6272xf32> to vector<3xf32>
      %broadcast_in_dim3A_11 = vector.shape_cast %reduce_max3A_10 : vector<3xf32> to vector<3x1xf32>
      %eq3A_12 = arith.constant 0 : i32
      %eq3A_13 = arith.cmpi eq, %arg1, %eq3A_12 : i32
      %broadcast_in_dim3A_14 = arith.constant 0x7F800000 : f32
      %broadcast_in_dim3A_15 = vector.broadcast %broadcast_in_dim3A_14 : f32 to vector<3x1xf32>
      %get3A_16 = arith.constant 0 : index
      %get3A_17 = arith.constant 0 : index
      %get3A_18 = vector.load %arg4[%get3A_16, %get3A_17] : memref<3x2xf32, #tpu.memory_space<vmem>>, vector<3x1xf32>
      %select_n3A = arith.select %eq3A_13, %broadcast_in_dim3A_15, %get3A_18 : vector<3x1xf32>
      %eq3A_19 = arith.constant 0 : i32
      %eq3A_20 = arith.cmpi eq, %arg1, %eq3A_19 : i32
      %broadcast_in_dim3A_21 = arith.constant 0xFF800000 : f32
      %broadcast_in_dim3A_22 = vector.broadcast %broadcast_in_dim3A_21 : f32 to vector<3x1xf32>
      %get3A_23 = arith.constant 0 : index
      %get3A_24 = arith.constant 1 : index
      %get3A_25 = vector.load %arg4[%get3A_23, %get3A_24] : memref<3x2xf32, #tpu.memory_space<vmem>>, vector<3x1xf32>
      %select_n3A_26 = arith.select %eq3A_20, %broadcast_in_dim3A_22, %get3A_25 : vector<3x1xf32>
      %min3A = arith.minimumf %select_n3A, %broadcast_in_dim3A : vector<3x1xf32>
      %swap3A = arith.constant 0 : index
      %swap3A_27 = arith.constant 0 : index
      %swap3A_28 = vector.load %arg4[%swap3A, %swap3A_27] : memref<3x2xf32, #tpu.memory_space<vmem>>, vector<3x1xf32>
      tpu.vector_store %arg4[%swap3A, %swap3A_27], %min3A {strides = array<i32>} : memref<3x2xf32, #tpu.memory_space<vmem>>, vector<3x1xf32>,
      %max3A = arith.maximumf %select_n3A_26, %broadcast_in_dim3A_11 : vector<3x1xf32>
      %swap3A_29 = arith.constant 0 : index
      %swap3A_30 = arith.constant 1 : index
      %swap3A_31 = vector.load %arg4[%swap3A_29, %swap3A_30] : memref<3x2xf32, #tpu.memory_space<vmem>>, vector<3x1xf32>
      tpu.vector_store %arg4[%swap3A_29, %swap3A_30], %max3A {strides = array<i32>} : memref<3x2xf32, #tpu.memory_space<vmem>>, vector<3x1xf32>,
    } else {
    }
    %eq3A_2 = arith.constant 1 : i32
    %eq3A_3 = arith.cmpi eq, %arg0, %eq3A_2 : i32
    %convert_element_type3A_4 = arith.extui %eq3A_3 : i1 to i32
    %cond3A_5 = arith.constant 0 : i32
    %cond3A_6 = arith.cmpi ne, %convert_element_type3A_4, %cond3A_5 : i32
    scf.if %cond3A_6 {
      %get3A = arith.constant 0 : index
      %get3A_7 = arith.constant 0 : index
      %get3A_8 = vector.load %arg2[%get3A, %get3A_7] : memref<3x6272xf32, #tpu.memory_space<vmem>>, vector<3x6272xf32>
      %get3A_9 = arith.constant 0 : index
      %get3A_10 = arith.constant 0 : index
      %get3A_11 = vector.load %arg4[%get3A_9, %get3A_10] : memref<3x2xf32, #tpu.memory_space<vmem>>, vector<3x1xf32>
      %get3A_12 = arith.constant 0 : index
      %get3A_13 = arith.constant 1 : index
      %get3A_14 = vector.load %arg4[%get3A_12, %get3A_13] : memref<3x2xf32, #tpu.memory_space<vmem>>, vector<3x1xf32>
      %sub3A = arith.subf %get3A_14, %get3A_11 : vector<3x1xf32>
      %add3A = arith.constant 1.000000e-07 : f32
      %add3A_15 = vector.broadcast %add3A : f32 to vector<3x1xf32>
      %add3A_16 = arith.addf %sub3A, %add3A_15 : vector<3x1xf32>
      %div3A = arith.constant 1.023000e+03 : f32
      %div3A_17 = vector.broadcast %div3A : f32 to vector<3x1xf32>
      %div3A_18 = arith.divf %div3A_17, %add3A_16 : vector<3x1xf32>
      %sub3A_19 = vector.broadcast %get3A_11 : vector<3x1xf32> to vector<3x6272xf32>
      %sub3A_20 = arith.subf %get3A_8, %sub3A_19 : vector<3x6272xf32>
      %mul3A = vector.broadcast %div3A_18 : vector<3x1xf32> to vector<3x6272xf32>
      %mul3A_21 = arith.mulf %sub3A_20, %mul3A : vector<3x6272xf32>
      %floor3A = math.floor %mul3A_21 : vector<3x6272xf32>
      %convert_element_type3A_22 = arith.fptosi %floor3A : vector<3x6272xf32> to vector<3x6272xi32>
      %min3A = arith.constant 1023 : i32
      %min3A_23 = vector.broadcast %min3A : i32 to vector<3x6272xi32>
      %min3A_24 = arith.minsi %convert_element_type3A_22, %min3A_23 : vector<3x6272xi32>
      %shift_left3A = arith.constant 16 : i32
      %shift_left3A_25 = vector.broadcast %shift_left3A : i32 to vector<3x6272xi32>
      %shift_left3A_26 = arith.shli %min3A_24, %shift_left3A_25 : vector<3x6272xi32>
      %or3A = arith.ori %min3A_24, %shift_left3A_26 : vector<3x6272xi32>
      %and3A = arith.constant 50331903 : i32
      %and3A_27 = vector.broadcast %and3A : i32 to vector<3x6272xi32>
      %and3A_28 = arith.andi %or3A, %and3A_27 : vector<3x6272xi32>
      %shift_left3A_29 = arith.constant 8 : i32
      %shift_left3A_30 = vector.broadcast %shift_left3A_29 : i32 to vector<3x6272xi32>
      %shift_left3A_31 = arith.shli %and3A_28, %shift_left3A_30 : vector<3x6272xi32>
      %or3A_32 = arith.ori %and3A_28, %shift_left3A_31 : vector<3x6272xi32>
      %and3A_33 = arith.constant 50393103 : i32
      %and3A_34 = vector.broadcast %and3A_33 : i32 to vector<3x6272xi32>
      %and3A_35 = arith.andi %or3A_32, %and3A_34 : vector<3x6272xi32>
      %shift_left3A_36 = arith.constant 4 : i32
      %shift_left3A_37 = vector.broadcast %shift_left3A_36 : i32 to vector<3x6272xi32>
      %shift_left3A_38 = arith.shli %and3A_35, %shift_left3A_37 : vector<3x6272xi32>
      %or3A_39 = arith.ori %and3A_35, %shift_left3A_38 : vector<3x6272xi32>
      %and3A_40 = arith.constant 51130563 : i32
      %and3A_41 = vector.broadcast %and3A_40 : i32 to vector<3x6272xi32>
      %and3A_42 = arith.andi %or3A_39, %and3A_41 : vector<3x6272xi32>
      %shift_left3A_43 = arith.constant 2 : i32
      %shift_left3A_44 = vector.broadcast %shift_left3A_43 : i32 to vector<3x6272xi32>
      %shift_left3A_45 = arith.shli %and3A_42, %shift_left3A_44 : vector<3x6272xi32>
      %or3A_46 = arith.ori %and3A_42, %shift_left3A_45 : vector<3x6272xi32>
      %and3A_47 = arith.constant 153391689 : i32
      %and3A_48 = vector.broadcast %and3A_47 : i32 to vector<3x6272xi32>
      %and3A_49 = arith.andi %or3A_46, %and3A_48 : vector<3x6272xi32>
      %slice3A = vector.extract_strided_slice %and3A_49 {offsets = [0, 0], sizes = [1, 6272], strides = [1, 1]} : vector<3x6272xi32> to vector<1x6272xi32>
      %shift_left3A_50 = arith.constant 2 : i32
      %shift_left3A_51 = vector.broadcast %shift_left3A_50 : i32 to vector<1x6272xi32>
      %shift_left3A_52 = arith.shli %slice3A, %shift_left3A_51 : vector<1x6272xi32>
      %slice3A_53 = vector.extract_strided_slice %and3A_49 {offsets = [1, 0], sizes = [1, 6272], strides = [1, 1]} : vector<3x6272xi32> to vector<1x6272xi32>
      %shift_left3A_54 = arith.constant 1 : i32
      %shift_left3A_55 = vector.broadcast %shift_left3A_54 : i32 to vector<1x6272xi32>
      %shift_left3A_56 = arith.shli %slice3A_53, %shift_left3A_55 : vector<1x6272xi32>
      %or3A_57 = arith.ori %shift_left3A_52, %shift_left3A_56 : vector<1x6272xi32>
      %slice3A_58 = vector.extract_strided_slice %and3A_49 {offsets = [2, 0], sizes = [1, 6272], strides = [1, 1]} : vector<3x6272xi32> to vector<1x6272xi32>
      %or3A_59 = arith.ori %or3A_57, %slice3A_58 : vector<1x6272xi32>
      %mul3A_60 = arith.constant 6272 : i32
      %mul3A_61 = arith.muli %arg1, %mul3A_60 : i32
      %iota3A = tpu.iota {dimensions = array<i32: 1>} : vector<1x6272xi32>
      %add3A_62 = vector.broadcast %mul3A_61 : i32 to vector<1x6272xi32>
      %add3A_63 = arith.addi %add3A_62, %iota3A : vector<1x6272xi32>
      %lt3A = arith.constant 1000000 : i32
      %lt3A_64 = vector.broadcast %lt3A : i32 to vector<1x6272xi32>
      %lt3A_65 = arith.cmpi slt, %add3A_63, %lt3A_64 : vector<1x6272xi32>
      %jit3A = arith.constant 1073741823 : i32
      %broadcast_in_dim3A = vector.broadcast %jit3A : i32 to vector<1x6272xi32>
      %select_n3A = arith.select %lt3A_65, %or3A_59, %broadcast_in_dim3A : vector<1x6272xi1>, vector<1x6272xi32>
      %swap3A = arith.constant 0 : index
      %swap3A_66 = arith.constant 0 : index
      %swap3A_67 = vector.load %arg3[%swap3A, %swap3A_66] : memref<1x6272xi32, #tpu.memory_space<vmem>>, vector<1x6272xi32>
      tpu.vector_store %arg3[%swap3A, %swap3A_66], %select_n3A {strides = array<i32>} : memref<1x6272xi32, #tpu.memory_space<vmem>>, vector<1x6272xi32>,
    } else {
    }
    return
  }
  func.func @transform_0(%arg0: i32, %arg1: i32) -> (i32, i32) {
    %c0_i32 = arith.constant 0 : i32
    %c0_i32_0 = arith.constant 0 : i32
    return %c0_i32, %arg1 : i32, i32
  }
  func.func @transform_1(%arg0: i32, %arg1: i32) -> (i32, i32) {
    %c0_i32 = arith.constant 0 : i32
    %c0_i32_0 = arith.constant 0 : i32
    return %c0_i32, %arg1 : i32, i32
  }
}

</mosaic_0001>

<sc_bundles>
// kernel: kernel.10.cloned.1.call-start
scs
__scs_entry_jumppad:
0x0: {  	(pc) =	sbr.rel $0x88, $3  }
0x1: {  	(tag) =	ssettag $0x0;
	lr =	simm.s32 $0x1  }
0x2: {  	[smem:$0x3F9F] =	sst lr;
	_ =	strace $0xD0000000  }
0x3: {  	_ = 	snop  }
0x4: {  	_ = 	snop  }
0x5: {  	_ = 	snop  }
0x6: {  	_ = 	snop  }
0x7: {  	_ = 	snop  }
__scs_overlays_trampoline_lowered:
0x8: {  	[smem:$0x3FAE] =	sst s0  }
0x9: {  	[smem:$0x3FAF] =	sst s1  }
0xa: {  	[smem:$0x3FB0] =	sst s2  }
0xb: {  	[smem:$0x3FB1] =	sst s3  }
0xc: {  	[smem:$0x3FB2] =	sst s4  }
0xd: {  	[smem:$0x3FB3] =	sst s5  }
0xe: {  	[smem:$0x3FB4] =	sst s6  }
0xf: {  	[smem:$0x3FB5] =	sst s7  }
0x10: {  	[smem:$0x3FB6] =	sst s8  }
0x11: {  	[smem:$0x3FB7] =	sst s9;
	s0 =	simm.s32 @!p0 $0x0  }
0x12: {  	s1 =	sld [smem:$0x3F9D];
	s0 =	simm.s32 @p0 $0x1  }
0x13: {  	[smem:$0x3FB8] =	sst s0;
	s0 =	simm.s32 @!p1 $0x0  }
0x14: {  	s2 =	sld [smem:$0x3F9C];
	s0 =	simm.s32 @p1 $0x1  }
0x15: {  	[smem:$0x3FB9] =	sst s0;
	s0 =	simm.s32 @!p2 $0x0  }
0x16: {  	s3 =	sld [smem:$0x3FDB];
	s0 =	simm.s32 @p2 $0x1  }
0x17: {  	s4 =	simm.s32 $0x1BF5;
	[smem:$0x3FBB] =	sst s0  }
0x18: {  	s0 =	sld [smem:$0x3F9E];
	_ =	swait.ge [sflag:s4], $0x0  }
0x19: {  	s7 =	sld [smem:$0x3F9F]  }
0x1a: {  	s8 =	sadd.s32 $0xFFFFE003, lr  }
0x1b: {  	s9 =	sadd.s32 $0xFFFFFEF7, lr;
	s5 =	simm.s32 $0xFFFFFFFF;
	p2 =	slt.u32 s8, $0xFFFFF086  }
0x1c: {  	p1 =	slt.u32 s9, $0xF7A;
	s5 =	simm.s32 @!p2 $0x0  }
0x1d: {  	s5 =	simm.s32 @p1 $0x1;
	p0 =	seq.s32 s7, s2  }
0x1e: {  	s7 =	smul.u32 @!p0 $0xF7A, s2;
	p2 =	seq.s32 @!p0 s5, $0x0  }
0x1f: {  	s9 =	smul.u32 $0xF7A, s1;
	s8 =	simm.s32 @!p0 $0x1BF5;
	p2 =	por !p2, p0  }
0x20: {  	[sflag:s8] =	ssyncset.s32 @!p0 $0xFFFFF086;
	s6 =	sadd.s32 @!p0 s3, s7;
	s7 =	simm.s32 @!p0 $0x108  }
0x21: {  	s3 =	sadd.s32 s3, s9;
	s6 =	sadd.s32 @!p0 $0x88, s6;
	s7 =	simm.s32 @p2 $0x1082  }
0x22: {  	[simem:s7], [sflag:s8] =	dma.local @!p0 [hbm:s6], $0xF7A  }
0x23: {  	s9 =	sor.u32 $0xD0000000, s2;
	s6 =	simm.s32 $0x108;
	_ =	swait.ge @!p0 [sflag:s8], $0x0  }
0x24: {  	s3 =	sadd.s32 $0x88, s3;
	s6 =	simm.s32 @!p1 $0x1082;
	[sflag:s4] =	ssyncset.s32 $0xFFFFF086  }
0x25: {  	[simem:s6], [sflag:s4] =	dma.local [hbm:s3], $0xF7A  }
0x26: {  	[smem:$0x3F9F] =	sst s1;
	(tag) =	ssettag s2;
	_ =	strace s9  }
0x27: {  	s1 =	sld [smem:$0x3FAF]  }
0x28: {  	s2 =	sld [smem:$0x3FB0]  }
0x29: {  	s4 =	sld [smem:$0x3FB2]  }
0x2a: {  	p0 =	seq.s32 s5, $0x0;
	s5 =	sld [smem:$0x3FB3]  }
0x2b: {  	s6 =	sld [smem:$0x3FB4]  }
0x2c: {  	s7 =	sld [smem:$0x3FB5]  }
0x2d: {  	s3 =	simm.s32 $0x108;
	s8 =	sld [smem:$0x3FB6]  }
0x2e: {  	s3 =	simm.s32 @!p0 $0x1082;
	s9 =	sld [smem:$0x3FB7]  }
0x2f: {  	lr =	sadd.s32 s0, s3;
	s0 =	sld [smem:$0x3FAE]  }
0x30: {  	s3 =	sld [smem:$0x3FB1]  }
0x31: {  	[smem:$0x3FBA] =	sst s10  }
0x32: {  	s10 =	sld [smem:$0x3FB8];
	_ =	sdelay $0x3  }
0x33: {  	p0 =	seq.s32 s10, $0x1;
	s10 =	sld [smem:$0x3FBA];
	_ =	sdelay $0x3  }
0x34: {  	[smem:$0x3FBA] =	sst s10  }
0x35: {  	s10 =	sld [smem:$0x3FB9];
	_ =	sdelay $0x3  }
0x36: {  	p1 =	seq.s32 s10, $0x1;
	s10 =	sld [smem:$0x3FBA];
	_ =	sdelay $0x3  }
0x37: {  	[smem:$0x3FBA] =	sst s10  }
0x38: {  	s10 =	sld [smem:$0x3FBB]  }
0x39: {  	_ = 	snop;
	(pc) =	sbr.ind lr, $3  }
0x3a: {  	_ = 	snop  }
0x3b: {  	_ = 	snop  }
0x3c: {  	p2 =	seq.s32 s10, $0x1;
	s10 =	sld [smem:$0x3FBA]  }
0x3d: {  	_ =	shalt  }
0x3e: {  	_ =	shalt  }
0x3f: {  	_ =	shalt  }
0x40: {  	_ =	shalt  }
0x41: {  	_ =	shalt  }
0x42: {  	_ =	shalt  }
0x43: {  	_ =	shalt  }
0x44: {  	_ =	shalt  }
0x45: {  	_ =	shalt  }
0x46: {  	_ =	shalt  }
0x47: {  	_ =	shalt  }
0x48: {  	_ =	shalt  }
0x49: {  	_ =	shalt  }
0x4a: {  	_ =	shalt  }
0x4b: {  	_ =	shalt  }
0x4c: {  	_ =	shalt  }
0x4d: {  	_ =	shalt  }
0x4e: {  	_ =	shalt  }
0x4f: {  	_ =	shalt  }
0x50: {  	_ =	shalt  }
0x51: {  	_ =	shalt  }
0x52: {  	_ =	shalt  }
0x53: {  	_ =	shalt  }
0x54: {  	_ =	shalt  }
0x55: {  	_ =	shalt  }
0x56: {  	_ =	shalt  }
0x57: {  	_ =	shalt  }
0x58: {  	_ =	shalt  }
0x59: {  	_ =	shalt  }
0x5a: {  	_ =	shalt  }
0x5b: {  	_ =	shalt  }
0x5c: {  	_ =	shalt  }
0x5d: {  	_ =	shalt  }
0x5e: {  	_ =	shalt  }
0x5f: {  	_ =	shalt  }
0x60: {  	_ =	shalt  }
0x61: {  	_ =	shalt  }
0x62: {  	_ =	shalt  }
0x63: {  	_ =	shalt  }
0x64: {  	_ =	shalt  }
0x65: {  	_ =	shalt  }
0x66: {  	_ =	shalt  }
0x67: {  	_ =	shalt  }
0x68: {  	_ =	shalt  }
0x69: {  	_ =	shalt  }
0x6a: {  	_ =	shalt  }
0x6b: {  	_ =	shalt  }
0x6c: {  	_ =	shalt  }
0x6d: {  	_ =	shalt  }
0x6e: {  	_ =	shalt  }
0x6f: {  	_ =	shalt  }
0x70: {  	_ =	shalt  }
0x71: {  	_ =	shalt  }
0x72: {  	_ =	shalt  }
0x73: {  	_ =	shalt  }
0x74: {  	_ =	shalt  }
0x75: {  	_ =	shalt  }
0x76: {  	_ =	shalt  }
0x77: {  	_ =	shalt  }
0x78: {  	_ =	shalt  }
0x79: {  	_ =	shalt  }
0x7a: {  	_ =	shalt  }
0x7b: {  	_ =	shalt  }
0x7c: {  	_ =	shalt  }
0x7d: {  	_ =	shalt  }
0x7e: {  	_ =	shalt  }
0x7f: {  	_ =	shalt  }
0x80: {  	_ =	shalt  }
0x81: {  	_ =	shalt  }
0x82: {  	_ =	shalt  }
0x83: {  	_ =	shalt  }
0x84: {  	_ =	shalt  }
0x85: {  	_ =	shalt  }
0x86: {  	_ =	shalt  }
0x87: {  	_ =	shalt  }
.Lfunc_end0:
.L_simem_size_0:
called_computation_lowered:
.L_overlay_start_0:
0x88: {  	s2 =	sld [smem:$0x3FD9]  }
0x89: {  	s3 =	sld [smem:$0x3FFE];
	_ =	sdelay $0x1  }
0x8a: {  	s1 =	srdreg.scid  }
0x8b: {  	s0 =	sand.u32 $0x1, s1  }
0x8c: {  	s15 =	sshll.u32 s0, $0xA;
	s2 =	sadd.s32 s3, s2  }
0x8d: {  	s2 =	sadd.s32 s2, s15  }
0x8e: {  	[smem:$0x3FC6] =	sst s2  }
0x8f: {  	_ = 	snop  }
0x90: {  	s2 =	sld [smem:$0x3FD0];
	_ =	sdelay $0x2  }
0x91: {  	s16 =	simm.s32 $0xA;
	s4 =	simm.s32 $0x10  }
0x92: {  	[smem:s4], [sflag:s16] =	dma.local [hbm:s2], $0x1  }
0x93: {  	_ =	swait.eq [sflag:s16], $0x1  }
0x94: {  	[sflag:s16] =	ssyncset.done $0x0  }
0x95: {  	s17 =	sld [smem:$0x11];
	[sflag:s16] =	ssyncadd.s32 $0xFFFFFFFF  }
0x96: {  	s18 =	sld [smem:$0x12];
	(tm) =	ssettm $0x1  }
0x97: {  	s19 =	sld [smem:$0x3FFB];
	_ =	sdelay $0x3  }
0x98: {  	_ =	strace s19  }
0x99: {  	s4 =	sld [smem:$0x3FFC];
	_ =	sdelay $0x3  }
0x9a: {  	_ =	strace s4  }
0x9b: {  	s4 =	sld [smem:$0x3FFD];
	_ =	sdelay $0x3  }
0x9c: {  	_ =	strace s4  }
0x9d: {  	_ =	strace $0x8FFFFFFF  }
0x9e: {  	s20 =	sld [smem:$0x3FDB];
	_ =	sdelay $0x1  }
0x9f: {  	s5 =	simm.s32 $_scs_section_size  }
0xa0: {  	s6 =	simm.s32 $_size__tile_overlayer_lowered;
	s7 =	simm.s32 $_tile_overlayer_lowered  }
0xa1: {  	s23 =	simm.s32 $0x1BFF;
	s22 =	sshll.u32 s7, $0x1;
	s4 =	sadd.s32 s5, s20  }
0xa2: {  	s8 =	simm.s32 $0x0;
	s21 =	sshll.u32 s6, $0x1;
	s6 =	sadd.s32 s22, s4  }
0xa3: {  	[timem:s8], [sflag:s23] =	dma.local [hbm:s6], s21  }
0xa4: {  	_ =	swait.ge [sflag:s23], s21  }
0xa5: {  	s5 =	ssub.s32 $0x0, s21;
	[sflag:s23] =	ssyncset.done $0x0  }
0xa6: {  	[sflag:s23] =	ssyncadd.s32 s5;
	_ =	sdelay $0x1  }
0xa7: {  	s24 =	simm.s32 $0x1B8B  }
0xa8: {  	_ =	swait.ge [sflag:s24], $0x1  }
0xa9: {  	[sflag:s24] =	ssyncset.done $0x0  }
0xaa: {  	s25 =	simm.s32 $0x1B8E;
	[sflag:s24] =	ssyncadd.s32 $0xFFFFFFFF  }
0xab: {  	s26 =	simm.s32 $execute0_lowered;
	[smem:$0x3FD2] =	sst s25  }
0xac: {  	s5 =	sshll.u32 s26, $0x1;
	_ =	strace $0x80000046;
	[dreg:$0x1] =	wrdreg $0xFFFFFFFF  }
0xad: {  	s28 =	simm.s32 $_size_execute0_lowered;
	s4 =	sadd.s32 s4, s5;
	[dreg:$0x0] =	wrdreg $0x0  }
0xae: {  	s5 =	sshll.u32 s28, $0x1;
	[dreg:$0x2] =	wrdreg s4  }
0xaf: {  	[dreg:$0x3] =	wrdreg s5  }
0xb0: {  	[dreg:$0x4] =	wrdreg $0xC0  }
0xb1: {  	_ =	task [dreg:s8], $0x5FFFF  }
0xb2: {  	[dreg:$0x1] =	wrdreg $0xFFFFFFFF  }
0xb3: {  	[dreg:$0x0] =	wrdreg $0x60  }
0xb4: {  	[dreg:$0x2] =	wrdreg s17  }
0xb5: {  	[dreg:$0x3] =	wrdreg s18  }
0xb6: {  	[dreg:$0x4] =	wrdreg $0x9  }
0xb7: {  	_ =	task.clear_ibuf [dreg:s8], $0x5FFFF;
	_ =	strace $0x90000046  }
0xb8: {  	s29 =	simm.s32 $0x9;
	_ =	strace $0x80000048  }
0xb9: {  	_ =	swait.ge [sflag:s29], $0x1  }
0xba: {  	[sflag:s29] =	ssyncadd.s32 $0xFFFFFFFF  }
0xbb: {  	_ =	strace $0x90000048  }
0xbc: {  	_ =	sfence  }
0xbd: {  	s30 =	sld [smem:$0x0];
	_ =	sdelay $0x2  }
0xbe: {  	s31 =	sshll.u32 s1, $0xD;
	s1 =	sshrl.u32 s1, $0x2  }
0xbf: {  	s3 =	sand.u32 $0x4000, s31;
	s1 =	sadd.s32 s1, s30  }
0xc0: {  	s0 =	sor.u32 s3, s0;
	s1 =	sshll.u32 s1, $0x11  }
0xc1: {  	s0 =	sor.u32 s1, s0  }
0xc2: {  	s0 =	sadd.s32 $0x8F2B, s0  }
0xc3: {  	[sflag:s0] =	ssyncadd.remote.s32 $0x1  }
0xc4: {  	_ =	sfence.sel $0xFFFF  }
0xc5: {  	[dreg:$0x0] =	wrdreg $0xFFFFFFFF;
	(pc) =	sbr.abs _section_cstart, $3  }
0xc6: {  	[dreg:$0x1] =	wrdreg $0xFFFFFFFF  }
0xc7: {  	_ =	task.clear_ibuf [dreg:s8], $0x2FFFF;
	_ =	strace $0x9FFFFFFF  }
0xc8: {  	(tm) =	ssettm $0x7FFFFFFF  }
0xc9: {  	_ =	shalt  }
tec
execute0_lowered:
.L_overlay_start_1:
0x0: {  	(tag) =	ssettag $0x1  }
0x1: {  	s1 =	srdreg.scid  }
0x2: {  	s0 =	stileid.u32;
	s3 =	rddreg [dreg:$0x0]  }
0x3: {  	s5 =	rddreg [dreg:$0x1];
	s4 =	sand.u32 $0x1, s1;
	s30 =	sshll.u32 s0, $0x1  }
0x4: {  	s2 =	simm.s32 $0x0;
	s10 =	simm.s32 $0x400;
	s6 =	sor.u32 s4, s30  }
0x5: {  	s11 =	simm.s32 $0x1;
	s1 =	rddreg [dreg:$0x2];
	s7 =	smul.u32 $0x7A80, s6  }
0x6: {  	s12 =	simm.s32 $0x0;
	[smem:$0x7FF] =	sst s2;
	s4 =	ssub.s32 $0x2, s4  }
0x7: {  	_ =	strace $0x80000047;
	s8 =	sshrl.u32 s4, $0x1;
	s7 =	sshrl.u32 s7, $0x3  }
0x8: {  	s31 =	sshll.u32 s6, $0x7;
	s8 =	ssub.s32 s4, s8;
	s3 =	sadd.s32 s3, s7  }
0x9: {  	s4 =	sadd.s32 s5, s31;
	s5 =	smax.u32 s8, $0x1;
	s6 =	sadd.s32 $0x310, s3  }
0xa: {  	v0 =	vimm.s32 $0x0;
	v1 =	vimm.s32 $0x1;
	s7 =	sadd.s32 $0x620, s3;
	s8 =	sadd.s32 $0x930, s3;
	s9 =	sadd.s32 $0xC40, s3  }
.LBB2_1:
0xb: {  	s13 =	simm.s32 $0x40;
	s14 =	simm.s32 $0x0  }
.LBB2_2:
0xc: {  	p0 =	sne.s32 s13, $0xFC0;
	[tilespmem:s14+$0x0] =	vst v0;
	s14 =	smov.u32 s13;
	s13 =	sadd.s32 $0x40, s13  }
.Ltmp0:
0xd: {  	(pc) =	sbr.rel @p0 .LBB2_2-.Ltmp0, $2  }
0xe: {  	_ =	sdelay $0x2  }
0xf: {  	s14 =	sshra.s32 s14, $0x2  }
0x10: {  	[tilespmem:s14+$0x0] =	vst v0;
	s13 =	simm.s32 $0x0  }
0x11: {  	[tilespmem:s10], [sflag:$0x1] =	stream.linear.gather [hbm4b:s3+s13], $0x1880, $0x38;
	[tilespmem:$0x1C80] =	vst v63  }
0x12: {  	_ =	swait.ge [sflag:s11], $0x1880  }
0x13: {  	[sflag:s11] =	ssyncset.done $0x0  }
0x14: {  	s14 =	simm.s32 $0x0;
	s13 =	simm.s32 $0x40;
	[sflag:s11] =	ssyncadd.s32 $0xFFFFE780  }
.LBB2_4:
0x15: {  	p0 =	sne.s32 s13, $0x61C0;
	v2 =	vld [tilespmem:s14+$0x400];
	_ =	sdelay $0x4  }
0x16: {  	v2 =	vand.u32 $0x3FF, v2  }
.Ltmp1:
0x17: {  	(pc) =	sbr.rel @p0 .LBB2_4-.Ltmp1, $2  }
0x18: {  	_ =	sdelay $0x2  }
0x19: {  	s14 =	sshra.s32 s13, $0x2;
	s13 =	sadd.s32 $0x40, s13;
	[tilespmem:v2+s2+$0x0] =	vst.idx.add.s32.msk $0xffff, v1  }
0x1a: {  	v2 =	vld [tilespmem:s14+$0x400];
	_ =	sdelay $0x4  }
0x1b: {  	v2 =	vand.u32 $0x3FF, v2;
	_ =	sdelay $0x4  }
0x1c: {  	s13 =	simm.s32 $0x0;
	[tilespmem:v2+s2+$0x0] =	vst.idx.add.s32.msk $0xffff, v1  }
0x1d: {  	[tilespmem:s10], [sflag:$0x1] =	stream.linear.gather [hbm4b:s6+s13], $0x1880, $0x38;
	[tilespmem:$0x1C80] =	vst v63  }
0x1e: {  	_ =	swait.ge [sflag:s11], $0x1880  }
0x1f: {  	[sflag:s11] =	ssyncset.done $0x0  }
0x20: {  	s14 =	simm.s32 $0x0;
	s13 =	simm.s32 $0x40;
	[sflag:s11] =	ssyncadd.s32 $0xFFFFE780  }
.LBB2_6:
0x21: {  	p0 =	sne.s32 s13, $0x61C0;
	v2 =	vld [tilespmem:s14+$0x400];
	_ =	sdelay $0x4  }
0x22: {  	v2 =	vand.u32 $0x3FF, v2  }
.Ltmp2:
0x23: {  	(pc) =	sbr.rel @p0 .LBB2_6-.Ltmp2, $2  }
0x24: {  	_ =	sdelay $0x2  }
0x25: {  	s14 =	sshra.s32 s13, $0x2;
	s13 =	sadd.s32 $0x40, s13;
	[tilespmem:v2+s2+$0x0] =	vst.idx.add.s32.msk $0xffff, v1  }
0x26: {  	v2 =	vld [tilespmem:s14+$0x400];
	_ =	sdelay $0x4  }
0x27: {  	v2 =	vand.u32 $0x3FF, v2;
	_ =	sdelay $0x4  }
0x28: {  	s13 =	simm.s32 $0x0;
	[tilespmem:v2+s2+$0x0] =	vst.idx.add.s32.msk $0xffff, v1  }
0x29: {  	[tilespmem:s10], [sflag:$0x1] =	stream.linear.gather [hbm4b:s7+s13], $0x1880, $0x38;
	[tilespmem:$0x1C80] =	vst v63  }
0x2a: {  	_ =	swait.ge [sflag:s11], $0x1880  }
0x2b: {  	[sflag:s11] =	ssyncset.done $0x0  }
0x2c: {  	s14 =	simm.s32 $0x0;
	s13 =	simm.s32 $0x40;
	[sflag:s11] =	ssyncadd.s32 $0xFFFFE780  }
.LBB2_8:
0x2d: {  	p0 =	sne.s32 s13, $0x61C0;
	v2 =	vld [tilespmem:s14+$0x400];
	_ =	sdelay $0x4  }
0x2e: {  	v2 =	vand.u32 $0x3FF, v2  }
.Ltmp3:
0x2f: {  	(pc) =	sbr.rel @p0 .LBB2_8-.Ltmp3, $2  }
0x30: {  	_ =	sdelay $0x2  }
0x31: {  	s14 =	sshra.s32 s13, $0x2;
	s13 =	sadd.s32 $0x40, s13;
	[tilespmem:v2+s2+$0x0] =	vst.idx.add.s32.msk $0xffff, v1  }
0x32: {  	v2 =	vld [tilespmem:s14+$0x400];
	_ =	sdelay $0x4  }
0x33: {  	v2 =	vand.u32 $0x3FF, v2;
	_ =	sdelay $0x4  }
0x34: {  	s13 =	simm.s32 $0x0;
	[tilespmem:v2+s2+$0x0] =	vst.idx.add.s32.msk $0xffff, v1  }
0x35: {  	[tilespmem:s10], [sflag:$0x1] =	stream.linear.gather [hbm4b:s8+s13], $0x1880, $0x38;
	[tilespmem:$0x1C80] =	vst v63  }
0x36: {  	_ =	swait.ge [sflag:s11], $0x1880  }
0x37: {  	[sflag:s11] =	ssyncset.done $0x0  }
0x38: {  	s14 =	simm.s32 $0x0;
	s13 =	simm.s32 $0x40;
	[sflag:s11] =	ssyncadd.s32 $0xFFFFE780  }
.LBB2_10:
0x39: {  	p0 =	sne.s32 s13, $0x61C0;
	v2 =	vld [tilespmem:s14+$0x400];
	_ =	sdelay $0x4  }
0x3a: {  	v2 =	vand.u32 $0x3FF, v2  }
.Ltmp4:
0x3b: {  	(pc) =	sbr.rel @p0 .LBB2_10-.Ltmp4, $2  }
0x3c: {  	_ =	sdelay $0x2  }
0x3d: {  	s14 =	sshra.s32 s13, $0x2;
	s13 =	sadd.s32 $0x40, s13;
	[tilespmem:v2+s2+$0x0] =	vst.idx.add.s32.msk $0xffff, v1  }
0x3e: {  	v2 =	vld [tilespmem:s14+$0x400];
	_ =	sdelay $0x4  }
0x3f: {  	v2 =	vand.u32 $0x3FF, v2;
	_ =	sdelay $0x4  }
0x40: {  	s13 =	simm.s32 $0x0;
	[tilespmem:v2+s2+$0x0] =	vst.idx.add.s32.msk $0xffff, v1  }
0x41: {  	[tilespmem:s10], [sflag:$0x1] =	stream.linear.gather [hbm4b:s9+s13], $0x1880, $0x38;
	[tilespmem:$0x1C80] =	vst v63  }
0x42: {  	_ =	swait.ge [sflag:s11], $0x1880  }
0x43: {  	[sflag:s11] =	ssyncset.done $0x0  }
0x44: {  	s14 =	simm.s32 $0x0;
	s13 =	simm.s32 $0x40;
	[sflag:s11] =	ssyncadd.s32 $0xFFFFE780  }
.LBB2_12:
0x45: {  	p0 =	sne.s32 s13, $0x61C0;
	v2 =	vld [tilespmem:s14+$0x400];
	_ =	sdelay $0x4  }
0x46: {  	v2 =	vand.u32 $0x3FF, v2  }
.Ltmp5:
0x47: {  	(pc) =	sbr.rel @p0 .LBB2_12-.Ltmp5, $2  }
0x48: {  	_ =	sdelay $0x2  }
0x49: {  	s14 =	sshra.s32 s13, $0x2;
	s13 =	sadd.s32 $0x40, s13;
	[tilespmem:v2+s2+$0x0] =	vst.idx.add.s32.msk $0xffff, v1  }
0x4a: {  	v2 =	vld [tilespmem:s14+$0x400];
	_ =	sdelay $0x4  }
0x4b: {  	v2 =	vand.u32 $0x3FF, v2;
	_ =	sdelay $0x2  }
0x4c: {  	s12 =	sadd.s32 $0x1, s12  }
0x4d: {  	p0 =	sne.s32 s12, s5  }
.Ltmp6:
0x4e: {  	[tilespmem:v2+s2+$0x0] =	vst.idx.add.s32.msk $0xffff, v1;
	(pc) =	sbr.rel @p0 .LBB2_1-.Ltmp6, $4  }
0x4f: {  	[hbm4b:s4+s2] =	stream.linear.scatter [tilespmem:s2], [sflag:$0x1], $0x400, $0x38;
	[tilespmem:$0x1C80] =	vst v63  }
0x50: {  	_ =	swait.ge [sflag:s11], $0x400  }
0x51: {  	[sflag:s11] =	ssyncset.done $0x0  }
0x52: {  	[sflag:s11] =	ssyncadd.s32 $0xFFFFFC00  }
0x53: {  	_ =	sfence.sel $0x180000  }
0x54: {  	[bflag:$0x0] =	sbarrier.arrive $0xFFFF  }
0x55: {  	p0 =	sne.s32 s0, $0x0;
	_ =	strace $0x90000047  }
0x56: {  	s0 =	sadd.s32 @!p0 $0x100000, s1;
	[bflag:$0x2] =	sbarrier.arrive $0xFFFF  }
0x57: {  	[sflag:s0] =	ssyncadd.tile.s32 @!p0 $0x1;
	_ =	shalt  }
.Lfunc_end2:
_tile_overlayer_lowered:
.L_overlay_start_2:
0x58: {  	(tag) =	ssettag $0x2  }
0x59: {  	s0 =	rddreg [dreg:$0x0];
	s2 =	stileid.u32  }
0x5a: {  	s1 =	rddreg [dreg:$0x1];
	p0 =	sne.s32 s2, $0x0  }
0x5b: {  	s3 =	rddreg [dreg:$0x2];
	[bflag:$0x3] =	sbarrier.arrive $0xFFFF;
	s2 =	simm.s32 @!p0 $0x1C01  }
0x5c: {  	[timem:s3], [sflag:s2] =	dma.local @!p0 [hbm:s0], s1  }
0x5d: {  	s0 =	simm.s32 @!p0 $0x1  }
0x5e: {  	_ =	swait.ge @!p0 [sflag:s0], s1  }
0x5f: {  	s1 =	ssub.s32 @!p0 $0x0, s1;
	[sflag:s0] =	ssyncset.done @!p0 $0x0  }
0x60: {  	[sflag:s0] =	ssyncadd.s32 @!p0 s1  }
0x61: {  	[bflag:$0x3] =	sbarrier.arrive $0xFFFF  }
0x62: {  	_ =	shalt  }

// kernel: kernel.13.cloned.1.call-start
scs
__scs_entry_jumppad:
0x0: {  	(pc) =	sbr.rel $0x88, $3  }
0x1: {  	(tag) =	ssettag $0x0;
	lr =	simm.s32 $0x1  }
0x2: {  	[smem:$0x3F9F] =	sst lr;
	_ =	strace $0xD0000000  }
0x3: {  	_ = 	snop  }
0x4: {  	_ = 	snop  }
0x5: {  	_ = 	snop  }
0x6: {  	_ = 	snop  }
0x7: {  	_ = 	snop  }
__scs_overlays_trampoline_lowered:
0x8: {  	[smem:$0x3FAE] =	sst s0  }
0x9: {  	[smem:$0x3FAF] =	sst s1  }
0xa: {  	[smem:$0x3FB0] =	sst s2  }
0xb: {  	[smem:$0x3FB1] =	sst s3  }
0xc: {  	[smem:$0x3FB2] =	sst s4  }
0xd: {  	[smem:$0x3FB3] =	sst s5  }
0xe: {  	[smem:$0x3FB4] =	sst s6  }
0xf: {  	[smem:$0x3FB5] =	sst s7  }
0x10: {  	[smem:$0x3FB6] =	sst s8  }
0x11: {  	[smem:$0x3FB7] =	sst s9;
	s0 =	simm.s32 @!p0 $0x0  }
0x12: {  	s1 =	sld [smem:$0x3F9D];
	s0 =	simm.s32 @p0 $0x1  }
0x13: {  	[smem:$0x3FB8] =	sst s0;
	s0 =	simm.s32 @!p1 $0x0  }
0x14: {  	s2 =	sld [smem:$0x3F9C];
	s0 =	simm.s32 @p1 $0x1  }
0x15: {  	[smem:$0x3FB9] =	sst s0;
	s0 =	simm.s32 @!p2 $0x0  }
0x16: {  	s3 =	sld [smem:$0x3FDB];
	s0 =	simm.s32 @p2 $0x1  }
0x17: {  	s4 =	simm.s32 $0x1BF5;
	[smem:$0x3FBB] =	sst s0  }
0x18: {  	s0 =	sld [smem:$0x3F9E];
	_ =	swait.ge [sflag:s4], $0x0  }
0x19: {  	s7 =	sld [smem:$0x3F9F]  }
0x1a: {  	s8 =	sadd.s32 $0xFFFFE003, lr  }
0x1b: {  	s9 =	sadd.s32 $0xFFFFFEF7, lr;
	s5 =	simm.s32 $0xFFFFFFFF;
	p2 =	slt.u32 s8, $0xFFFFF086  }
0x1c: {  	p1 =	slt.u32 s9, $0xF7A;
	s5 =	simm.s32 @!p2 $0x0  }
0x1d: {  	s5 =	simm.s32 @p1 $0x1;
	p0 =	seq.s32 s7, s2  }
0x1e: {  	s7 =	smul.u32 @!p0 $0xF7A, s2;
	p2 =	seq.s32 @!p0 s5, $0x0  }
0x1f: {  	s9 =	smul.u32 $0xF7A, s1;
	s8 =	simm.s32 @!p0 $0x1BF5;
	p2 =	por !p2, p0  }
0x20: {  	[sflag:s8] =	ssyncset.s32 @!p0 $0xFFFFF086;
	s6 =	sadd.s32 @!p0 s3, s7;
	s7 =	simm.s32 @!p0 $0x108  }
0x21: {  	s3 =	sadd.s32 s3, s9;
	s6 =	sadd.s32 @!p0 $0x88, s6;
	s7 =	simm.s32 @p2 $0x1082  }
0x22: {  	[simem:s7], [sflag:s8] =	dma.local @!p0 [hbm:s6], $0xF7A  }
0x23: {  	s9 =	sor.u32 $0xD0000000, s2;
	s6 =	simm.s32 $0x108;
	_ =	swait.ge @!p0 [sflag:s8], $0x0  }
0x24: {  	s3 =	sadd.s32 $0x88, s3;
	s6 =	simm.s32 @!p1 $0x1082;
	[sflag:s4] =	ssyncset.s32 $0xFFFFF086  }
0x25: {  	[simem:s6], [sflag:s4] =	dma.local [hbm:s3], $0xF7A  }
0x26: {  	[smem:$0x3F9F] =	sst s1;
	(tag) =	ssettag s2;
	_ =	strace s9  }
0x27: {  	s1 =	sld [smem:$0x3FAF]  }
0x28: {  	s2 =	sld [smem:$0x3FB0]  }
0x29: {  	s4 =	sld [smem:$0x3FB2]  }
0x2a: {  	p0 =	seq.s32 s5, $0x0;
	s5 =	sld [smem:$0x3FB3]  }
0x2b: {  	s6 =	sld [smem:$0x3FB4]  }
0x2c: {  	s7 =	sld [smem:$0x3FB5]  }
0x2d: {  	s3 =	simm.s32 $0x108;
	s8 =	sld [smem:$0x3FB6]  }
0x2e: {  	s3 =	simm.s32 @!p0 $0x1082;
	s9 =	sld [smem:$0x3FB7]  }
0x2f: {  	lr =	sadd.s32 s0, s3;
	s0 =	sld [smem:$0x3FAE]  }
0x30: {  	s3 =	sld [smem:$0x3FB1]  }
0x31: {  	[smem:$0x3FBA] =	sst s10  }
0x32: {  	s10 =	sld [smem:$0x3FB8];
	_ =	sdelay $0x3  }
0x33: {  	p0 =	seq.s32 s10, $0x1;
	s10 =	sld [smem:$0x3FBA];
	_ =	sdelay $0x3  }
0x34: {  	[smem:$0x3FBA] =	sst s10  }
0x35: {  	s10 =	sld [smem:$0x3FB9];
	_ =	sdelay $0x3  }
0x36: {  	p1 =	seq.s32 s10, $0x1;
	s10 =	sld [smem:$0x3FBA];
	_ =	sdelay $0x3  }
0x37: {  	[smem:$0x3FBA] =	sst s10  }
0x38: {  	s10 =	sld [smem:$0x3FBB]  }
0x39: {  	_ = 	snop;
	(pc) =	sbr.ind lr, $3  }
0x3a: {  	_ = 	snop  }
0x3b: {  	_ = 	snop  }
0x3c: {  	p2 =	seq.s32 s10, $0x1;
	s10 =	sld [smem:$0x3FBA]  }
0x3d: {  	_ =	shalt  }
0x3e: {  	_ =	shalt  }
0x3f: {  	_ =	shalt  }
0x40: {  	_ =	shalt  }
0x41: {  	_ =	shalt  }
0x42: {  	_ =	shalt  }
0x43: {  	_ =	shalt  }
0x44: {  	_ =	shalt  }
0x45: {  	_ =	shalt  }
0x46: {  	_ =	shalt  }
0x47: {  	_ =	shalt  }
0x48: {  	_ =	shalt  }
0x49: {  	_ =	shalt  }
0x4a: {  	_ =	shalt  }
0x4b: {  	_ =	shalt  }
0x4c: {  	_ =	shalt  }
0x4d: {  	_ =	shalt  }
0x4e: {  	_ =	shalt  }
0x4f: {  	_ =	shalt  }
0x50: {  	_ =	shalt  }
0x51: {  	_ =	shalt  }
0x52: {  	_ =	shalt  }
0x53: {  	_ =	shalt  }
0x54: {  	_ =	shalt  }
0x55: {  	_ =	shalt  }
0x56: {  	_ =	shalt  }
0x57: {  	_ =	shalt  }
0x58: {  	_ =	shalt  }
0x59: {  	_ =	shalt  }
0x5a: {  	_ =	shalt  }
0x5b: {  	_ =	shalt  }
0x5c: {  	_ =	shalt  }
0x5d: {  	_ =	shalt  }
0x5e: {  	_ =	shalt  }
0x5f: {  	_ =	shalt  }
0x60: {  	_ =	shalt  }
0x61: {  	_ =	shalt  }
0x62: {  	_ =	shalt  }
0x63: {  	_ =	shalt  }
0x64: {  	_ =	shalt  }
0x65: {  	_ =	shalt  }
0x66: {  	_ =	shalt  }
0x67: {  	_ =	shalt  }
0x68: {  	_ =	shalt  }
0x69: {  	_ =	shalt  }
0x6a: {  	_ =	shalt  }
0x6b: {  	_ =	shalt  }
0x6c: {  	_ =	shalt  }
0x6d: {  	_ =	shalt  }
0x6e: {  	_ =	shalt  }
0x6f: {  	_ =	shalt  }
0x70: {  	_ =	shalt  }
0x71: {  	_ =	shalt  }
0x72: {  	_ =	shalt  }
0x73: {  	_ =	shalt  }
0x74: {  	_ =	shalt  }
0x75: {  	_ =	shalt  }
0x76: {  	_ =	shalt  }
0x77: {  	_ =	shalt  }
0x78: {  	_ =	shalt  }
0x79: {  	_ =	shalt  }
0x7a: {  	_ =	shalt  }
0x7b: {  	_ =	shalt  }
0x7c: {  	_ =	shalt  }
0x7d: {  	_ =	shalt  }
0x7e: {  	_ =	shalt  }
0x7f: {  	_ =	shalt  }
0x80: {  	_ =	shalt  }
0x81: {  	_ =	shalt  }
0x82: {  	_ =	shalt  }
0x83: {  	_ =	shalt  }
0x84: {  	_ =	shalt  }
0x85: {  	_ =	shalt  }
0x86: {  	_ =	shalt  }
0x87: {  	_ =	shalt  }
.Lfunc_end0:
.L_simem_size_0:
called_computation.1_lowered:
.L_overlay_start_0:
0x88: {  	s2 =	sld [smem:$0x3FD9]  }
0x89: {  	s3 =	sld [smem:$0x3FFE];
	_ =	sdelay $0x1  }
0x8a: {  	s1 =	srdreg.scid  }
0x8b: {  	s0 =	sand.u32 $0x1, s1  }
0x8c: {  	s15 =	sshll.u32 s0, $0xA;
	s2 =	sadd.s32 s3, s2  }
0x8d: {  	s2 =	sadd.s32 s2, s15  }
0x8e: {  	[smem:$0x3FC6] =	sst s2  }
0x8f: {  	_ = 	snop  }
0x90: {  	s2 =	sld [smem:$0x3FD0];
	_ =	sdelay $0x2  }
0x91: {  	s16 =	simm.s32 $0xA;
	s4 =	simm.s32 $0x10  }
0x92: {  	[smem:s4], [sflag:s16] =	dma.local [hbm:s2], $0x1  }
0x93: {  	_ =	swait.eq [sflag:s16], $0x1  }
0x94: {  	s17 =	sld [smem:$0x10];
	[sflag:s16] =	ssyncset.done $0x0  }
0x95: {  	s18 =	sld [smem:$0x11];
	[sflag:s16] =	ssyncadd.s32 $0xFFFFFFFF  }
0x96: {  	s19 =	sld [smem:$0x12];
	(tm) =	ssettm $0x1  }
0x97: {  	s5 =	sld [smem:$0x3FFB];
	_ =	sdelay $0x3  }
0x98: {  	_ =	strace s5  }
0x99: {  	s5 =	sld [smem:$0x3FFC];
	_ =	sdelay $0x3  }
0x9a: {  	_ =	strace s5  }
0x9b: {  	s5 =	sld [smem:$0x3FFD];
	_ =	sdelay $0x3  }
0x9c: {  	_ =	strace s5  }
0x9d: {  	_ =	strace $0x8FFFFFFF  }
0x9e: {  	s20 =	sld [smem:$0x3FDB];
	_ =	sdelay $0x1  }
0x9f: {  	s6 =	simm.s32 $_scs_section_size  }
0xa0: {  	s7 =	simm.s32 $_size__tile_overlayer_lowered;
	s8 =	simm.s32 $_tile_overlayer_lowered  }
0xa1: {  	s23 =	simm.s32 $0x1BFF;
	s22 =	sshll.u32 s8, $0x1;
	s5 =	sadd.s32 s6, s20  }
0xa2: {  	s9 =	simm.s32 $0x0;
	s21 =	sshll.u32 s7, $0x1;
	s7 =	sadd.s32 s22, s5  }
0xa3: {  	[timem:s9], [sflag:s23] =	dma.local [hbm:s7], s21  }
0xa4: {  	_ =	swait.ge [sflag:s23], s21  }
0xa5: {  	s6 =	ssub.s32 $0x0, s21;
	[sflag:s23] =	ssyncset.done $0x0  }
0xa6: {  	[sflag:s23] =	ssyncadd.s32 s6;
	_ =	sdelay $0x1  }
0xa7: {  	s24 =	simm.s32 $0x1B8B  }
0xa8: {  	_ =	swait.ge [sflag:s24], $0x1  }
0xa9: {  	[sflag:s24] =	ssyncset.done $0x0  }
0xaa: {  	s25 =	simm.s32 $0x1B8E;
	[sflag:s24] =	ssyncadd.s32 $0xFFFFFFFF  }
0xab: {  	s26 =	simm.s32 $execute0_lowered;
	[smem:$0x3FD2] =	sst s25  }
0xac: {  	s6 =	sshll.u32 s26, $0x1;
	_ =	strace $0x80000049;
	[dreg:$0x1] =	wrdreg $0xFFFFFFFF  }
0xad: {  	s28 =	simm.s32 $_size_execute0_lowered;
	s5 =	sadd.s32 s5, s6;
	[dreg:$0x0] =	wrdreg $0x0  }
0xae: {  	s6 =	sshll.u32 s28, $0x1;
	[dreg:$0x2] =	wrdreg s5  }
0xaf: {  	[dreg:$0x3] =	wrdreg s6  }
0xb0: {  	[dreg:$0x4] =	wrdreg $0xC0  }
0xb1: {  	_ =	task [dreg:s9], $0x5FFFF  }
0xb2: {  	[dreg:$0x1] =	wrdreg $0xFFFFFFFF  }
0xb3: {  	[dreg:$0x0] =	wrdreg $0x60  }
0xb4: {  	[dreg:$0x2] =	wrdreg s18  }
0xb5: {  	[dreg:$0x3] =	wrdreg s19  }
0xb6: {  	[dreg:$0x4] =	wrdreg s17  }
0xb7: {  	[dreg:$0x5] =	wrdreg $0xEA000  }
0xb8: {  	[dreg:$0x6] =	wrdreg $0x9  }
0xb9: {  	_ =	task.clear_ibuf [dreg:s9], $0x7FFFF;
	_ =	strace $0x90000049  }
0xba: {  	s29 =	simm.s32 $0x9;
	_ =	strace $0x8000004B  }
0xbb: {  	_ =	swait.ge [sflag:s29], $0x1  }
0xbc: {  	[sflag:s29] =	ssyncadd.s32 $0xFFFFFFFF  }
0xbd: {  	_ =	strace $0x9000004B  }
0xbe: {  	_ =	sfence  }
0xbf: {  	s30 =	sld [smem:$0x0];
	_ =	sdelay $0x2  }
0xc0: {  	s31 =	sshll.u32 s1, $0xD;
	s1 =	sshrl.u32 s1, $0x2  }
0xc1: {  	s3 =	sand.u32 $0x4000, s31;
	s1 =	sadd.s32 s1, s30  }
0xc2: {  	s0 =	sor.u32 s3, s0;
	s1 =	sshll.u32 s1, $0x11  }
0xc3: {  	s0 =	sor.u32 s1, s0  }
0xc4: {  	s0 =	sadd.s32 $0x8F2B, s0  }
0xc5: {  	[sflag:s0] =	ssyncadd.remote.s32 $0x1  }
0xc6: {  	_ =	sfence.sel $0xFFFF  }
0xc7: {  	[dreg:$0x0] =	wrdreg $0xFFFFFFFF;
	(pc) =	sbr.abs _section_cstart, $3  }
0xc8: {  	[dreg:$0x1] =	wrdreg $0xFFFFFFFF  }
0xc9: {  	_ =	task.clear_ibuf [dreg:s9], $0x2FFFF;
	_ =	strace $0x9FFFFFFF  }
0xca: {  	(tm) =	ssettm $0x7FFFFFFF  }
0xcb: {  	_ =	shalt  }
tec
execute0_lowered:
.L_overlay_start_1:
0x0: {  	(tag) =	ssettag $0x1  }
0x1: {  	s1 =	rddreg [dreg:$0x0]  }
0x2: {  	s0 =	rddreg [dreg:$0x2]  }
0x3: {  	s3 =	rddreg [dreg:$0x3];
	s2 =	srdreg.scid  }
0x4: {  	s5 =	simm.s32 $0x0;
	s8 =	stileid.u32;
	s21 =	simm.s32 $0x2  }
0x5: {  	s22 =	simm.s32 $0xD180;
	s28 =	simm.s32 $0xB900;
	s29 =	simm.s32 $0xA080  }
0x6: {  	s30 =	simm.s32 $0x1;
	s31 =	simm.s32 $0x0;
	s9 =	smul.u32 $0xF500, s8  }
0x7: {  	s2 =	sand.u32 $0x1, s2;
	[smem:$0x7FF] =	sst s5;
	s7 =	smul.u32 $0x3D400, s8  }
0x8: {  	s11 =	sshll.u32 s8, $0x1;
	s4 =	smul.u32 $0xF5000, s2;
	s10 =	ssub.s32 $0x2, s2  }
0x9: {  	_ =	strace $0x8000004A;
	s6 =	sshrl.u32 s10, $0x1;
	s12 =	sshrl.u32 s7, $0x2  }
0xa: {  	s13 =	sadd.s32 s9, s3;
	s5 =	ssub.s32 s10, s6;
	s4 =	sadd.s32 s9, s4  }
0xb: {  	s6 =	sor.u32 s2, s11;
	s8 =	sadd.s32 s12, s3;
	s2 =	smul.u32 $0x7A80, s2  }
0xc: {  	s4 =	sshrl.u32 s4, $0x3;
	s7 =	smul.u32 $0x7A80, s6;
	s23 =	smax.u32 s5, $0x1  }
0xd: {  	s24 =	sadd.s32 $0x1880, s8;
	s25 =	sadd.s32 $0x3100, s8;
	s26 =	sadd.s32 $0x4980, s8  }
0xe: {  	s14 =	sadd.s32 $0x6200, s8;
	s15 =	sadd.s32 $0x7A80, s8;
	[dreg:$0x6] =	wrdreg s23  }
0xf: {  	s16 =	sadd.s32 $0x9300, s8;
	s17 =	sadd.s32 $0xAB80, s8;
	[dreg:$0x7] =	wrdreg s24  }
0x10: {  	s18 =	sadd.s32 $0xC400, s8;
	s19 =	sadd.s32 $0xDC80, s8;
	[dreg:$0x8] =	wrdreg s25  }
0x11: {  	s0 =	sadd.s32 s0, s4;
	[dreg:$0x9] =	wrdreg s26;
	s2 =	sadd.s32 s2, s9  }
0x12: {  	s23 =	simm.s32 $0x8800;
	s24 =	simm.s32 $0x8400;
	s25 =	sshrl.u32 s13, $0x3  }
0x13: {  	v0 =	vimm.s32 $0x0;
	v1 =	vimm.s32 $0x1;
	v2 =	vlaneseq.u32;
	s26 =	simm.s32 $0x1880;
	[dreg:$0x5] =	wrdreg s0;
	s20 =	sor.u32 $0x1, s2  }
.LBB2_1:
0x14: {  	s0 =	rddreg [dreg:$0x1];
	s2 =	simm.s32 $0x0  }
0x15: {  	[tilespmem:s2], [sflag:$0x2] =	stream.linear.gather [hbm4b:s0+s2], $0x8000, $0x38;
	[tilespmem:$0x1DF00] =	vst v63  }
0x16: {  	_ =	swait.ge [sflag:s21], $0x8000  }
0x17: {  	[sflag:s21] =	ssyncset.done $0x0  }
0x18: {  	s0 =	simm.s32 $0x0;
	[sflag:s21] =	ssyncadd.s32 $0xFFFF8000  }
.LBB2_2:
0x19: {  	p0 =	sne.s32 s0, $0xFC0  }
.Ltmp0:
0x1a: {  	_ = 	snop;
	(pc) =	sbr.rel @p0 .LBB2_2-.Ltmp0, $4  }
0x1b: {  	_ = 	snop  }
0x1c: {  	s2 =	sshra.s32 s0, $0x2  }
0x1d: {  	[tilespmem:s2+$0x8000] =	vst v0  }
0x1e: {  	s0 =	sadd.s32 $0x40, s0;
	[tilespmem:s2+$0x8400] =	vst v0  }
0x1f: {  	s0 =	simm.s32 $0x0;
	s2 =	simm.s32 $0x20;
	s5 =	simm.s32 $0x0  }
.LBB2_4:
0x20: {  	p0 =	sne.s32 s5, s6  }
.Ltmp1:
0x21: {  	_ = 	snop;
	(pc) =	sbr.rel @p0 .LBB2_8-.Ltmp1, $1  }
0x22: {  	_ =	sdelay $0x3  }
0x23: {  	s4 =	sshra.s32 s0, $0x2  }
0x24: {  	s9 =	sadd.s32 $0x40, s0;
	v3 =	vld [tilespmem:s4+$0x8000]  }
.LBB2_6:
0x25: {  	p0 =	sne.s32 s9, $0xFC0  }
.Ltmp2:
0x26: {  	_ = 	snop;
	(pc) =	sbr.rel @p0 .LBB2_6-.Ltmp2, $3  }
0x27: {  	_ =	sdelay $0x1  }
0x28: {  	[tilespmem:s4+$0x8400] =	vst v3;
	s4 =	sshra.s32 s9, $0x2;
	s9 =	sadd.s32 $0x40, s9  }
0x29: {  	v3 =	vld [tilespmem:s4+$0x8000]  }
0x2a: {  	_ =	sdelay $0x3  }
0x2b: {  	[tilespmem:s4+$0x8400] =	vst v3  }
.LBB2_8:
0x2c: {  	v3 =	vmov s2;
	_ =	sdelay $0x3  }
0x2d: {  	s4 =	simm.s32 $0x0;
	s9 =	simm.s32 $0x100  }
.LBB2_9:
0x2e: {  	p0 =	sne.s32 s9, $0xF00;
	v4 =	vld.idx.msk [tilespmem:v3+s4+$0xFFFFFFE0 ss:$0x1], $0xffff  }
0x2f: {  	v5 =	vld [tilespmem:s4+$0x8000];
	_ =	sdelay $0x4  }
0x30: {  	v4 =	vadd.s32 v5, v4  }
0x31: {  	[tilespmem:s4+$0x8000] =	vst v4  }
0x32: {  	v4 =	vld.idx.msk [tilespmem:v3+s4+$0xFFFFFFF0 ss:$0x1], $0xffff  }
0x33: {  	v5 =	vld [tilespmem:s4+$0x8010];
	_ =	sdelay $0x4  }
0x34: {  	v4 =	vadd.s32 v5, v4  }
0x35: {  	[tilespmem:s4+$0x8010] =	vst v4  }
0x36: {  	v4 =	vld.idx.msk [tilespmem:v3+s4+$0x0 ss:$0x1], $0xffff  }
0x37: {  	v5 =	vld [tilespmem:s4+$0x8020];
	_ =	sdelay $0x4  }
0x38: {  	v4 =	vadd.s32 v5, v4  }
0x39: {  	[tilespmem:s4+$0x8020] =	vst v4  }
0x3a: {  	v4 =	vld.idx.msk [tilespmem:v3+s4+$0x10 ss:$0x1], $0xffff  }
0x3b: {  	v5 =	vld [tilespmem:s4+$0x8030];
	_ =	sdelay $0x1  }
.Ltmp3:
0x3c: {  	(pc) =	sbr.rel @p0 .LBB2_9-.Ltmp3, $3  }
0x3d: {  	_ =	sdelay $0x1  }
0x3e: {  	v4 =	vadd.s32 v5, v4  }
0x3f: {  	[tilespmem:s4+$0x8030] =	vst v4;
	s4 =	sshra.s32 s9, $0x2;
	s9 =	sadd.s32 $0x100, s9  }
0x40: {  	_ =	sdelay $0x3  }
0x41: {  	v4 =	vld.idx.msk [tilespmem:v3+s4+$0xFFFFFFE0 ss:$0x1], $0xffff  }
0x42: {  	v5 =	vld [tilespmem:s4+$0x8000];
	_ =	sdelay $0x4  }
0x43: {  	v4 =	vadd.s32 v5, v4  }
0x44: {  	v61 =	vld [tilespmem:s4+$0x8010];
	[tilespmem:s4+$0x8000] =	vst v4  }
0x45: {  	v4 =	vld.idx.msk [tilespmem:v3+s4+$0xFFFFFFF0 ss:$0x1], $0xffff;
	_ =	sdelay $0x4  }
0x46: {  	v4 =	vadd.s32 v61, v4  }
0x47: {  	v62 =	vld [tilespmem:s4+$0x8020];
	[tilespmem:s4+$0x8010] =	vst v4  }
0x48: {  	v4 =	vld.idx.msk [tilespmem:v3+s4+$0x0 ss:$0x1], $0xffff;
	_ =	sdelay $0x4  }
0x49: {  	v4 =	vadd.s32 v62, v4  }
0x4a: {  	v63 =	vld [tilespmem:s4+$0x8030];
	[tilespmem:s4+$0x8020] =	vst v4  }
0x4b: {  	s5 =	sadd.s32 $0x1, s5;
	v3 =	vld.idx.msk [tilespmem:v3+s4+$0x10 ss:$0x1], $0xffff  }
0x4c: {  	p0 =	sne.s32 s5, $0x20  }
.Ltmp4:
0x4d: {  	_ = 	snop;
	(pc) =	sbr.rel @p0 .LBB2_4-.Ltmp4, $3  }
0x4e: {  	_ =	sdelay $0x1  }
0x4f: {  	v3 =	vadd.s32 v63, v3  }
0x50: {  	s2 =	sadd.s32 $0x400, s2;
	s9 =	simm.s32 $0x0;
	[tilespmem:s4+$0x8030] =	vst v3  }
0x51: {  	s0 =	simm.s32 $0x0  }
0x52: {  	v4 =	vld [tilespmem:s0+$0x8000];
	_ =	sdelay $0x4  }
0x53: {  	(xrf0) =	vadd.scan.msk.s32 $0xffff, v4;
	_ =	sdelay $0x1  }
0x54: {  	s10 =	simm.s32 $0x10  }
0x55: {  	v5 =	vld [tilespmem:s10+$0x8000];
	_ =	sdelay $0x2  }
0x56: {  	v6, _, _ =	vpop (xrf0)  }
0x57: {  	(v2sf) =	vpush v6, $0xF  }
0x58: {  	v7 =	vld [tilespmem:s0+$0x8400];
	(xrf0) =	vadd.scan.msk.s32 $0xffff, v5;
	_ =	sdelay $0x1  }
0x59: {  	s5 =	simm.s32 $0x20  }
0x5a: {  	v3 =	vld [tilespmem:s5+$0x8000]  }
0x5b: {  	v4 =	vsub.s32 s9, v4  }
0x5c: {  	v4 =	vadd.s32 v7, v4  }
0x5d: {  	v7 =	vadd.s32 v6, v4;
	v6, _, _ =	vpop (xrf0)  }
0x5e: {  	(v2sf) =	vpush v6, $0xF  }
0x5f: {  	(xrf0) =	vadd.scan.msk.s32 $0xffff, v3;
	_ =	sdelay $0x1  }
0x60: {  	s4 =	simm.s32 $0x30  }
0x61: {  	v4 =	vld [tilespmem:s4+$0x8000];
	[tilespmem:s0+$0x8400] =	vst v7  }
0x62: {  	v8 =	vld [tilespmem:s10+$0x8400]  }
0x63: {  	s2 =	simm.s32 $0x40  }
0x64: {  	s11 =	simm.s32 $0x100;
	s12 =	simm.s32 $0x140;
	v7, _, _ =	vpop (xrf0);
	s13 =	spop (v2sf)  }
.LBB2_12:
0x65: {  	p0 =	sne.s32 s12, $0xFC0;
	(v2sf) =	vpush v7, $0xF;
	s9 =	sadd.s32 s9, s13  }
0x66: {  	(xrf0) =	vadd.scan.msk.s32 $0xffff, v4;
	v9 =	vsub.s32 s9, v5;
	v5 =	vmov v3;
	v3 =	vmov v4  }
0x67: {  	v4 =	vadd.s32 v8, v9  }
.Ltmp5:
0x68: {  	s13 =	sshra.s32 s11, $0x2;
	s11 =	smov.u32 s12;
	v8 =	vadd.s32 v6, v4;
	v6 =	vmov v7;
	(pc) =	sbr.rel @p0 .LBB2_12-.Ltmp5, $3  }
0x69: {  	v4 =	vld [tilespmem:s13+$0x8000];
	[tilespmem:s10+$0x8400] =	vst v8;
	s10 =	smov.u32 s5;
	s5 =	smov.u32 s4;
	s4 =	smov.u32 s13  }
0x6a: {  	v8 =	vld [tilespmem:s10+$0x8400];
	_ =	sdelay $0x1  }
0x6b: {  	s12 =	sadd.s32 $0x40, s12;
	v7, _, _ =	vpop (xrf0);
	s13 =	spop (v2sf)  }
0x6c: {  	s9 =	sadd.s32 s9, s13  }
0x6d: {  	v5 =	vsub.s32 s9, v5  }
0x6e: {  	(v2sf) =	vpush v7, $0xF;
	s11 =	sshra.s32 s11, $0x2;
	v5 =	vadd.s32 v8, v5  }
0x6f: {  	(xrf0) =	vadd.scan.msk.s32 $0xffff, v4;
	v9 =	vld [tilespmem:s11+$0x8000];
	v5 =	vadd.s32 v6, v5  }
0x70: {  	[tilespmem:s10+$0x8400] =	vst v5  }
0x71: {  	v5 =	vld [tilespmem:s5+$0x8400];
	_ =	sdelay $0x1  }
0x72: {  	s13 =	spop (v2sf)  }
0x73: {  	(xrf0) =	vadd.scan.msk.s32 $0xffff, v9;
	s9 =	sadd.s32 s9, s13  }
0x74: {  	v60, _, _ =	vpop (xrf0);
	v3 =	vsub.s32 s9, v3  }
0x75: {  	(v2sf) =	vpush v60, $0xF;
	v3 =	vadd.s32 v5, v3  }
0x76: {  	v3 =	vadd.s32 v7, v3;
	_ =	sdelay $0x2  }
0x77: {  	[tilespmem:s5+$0x8400] =	vst v3;
	v3, _, _ =	vpop (xrf0)  }
0x78: {  	v61 =	vld [tilespmem:s4+$0x8400];
	(v2sf) =	vpush v3, $0xF;
	_ =	sdelay $0x1  }
0x79: {  	s10 =	spop (v2sf)  }
0x7a: {  	s5 =	sadd.s32 s9, s10  }
0x7b: {  	v62 =	vsub.s32 s5, v4  }
0x7c: {  	v4 =	vadd.s32 v61, v62  }
0x7d: {  	v4 =	vadd.s32 v60, v4  }
0x7e: {  	[tilespmem:s4+$0x8400] =	vst v4  }
0x7f: {  	v4 =	vld [tilespmem:s11+$0x8400];
	_ =	sdelay $0x1  }
0x80: {  	s12 =	spop (v2sf)  }
0x81: {  	s4 =	sadd.s32 s5, s12  }
0x82: {  	v63 =	vsub.s32 s4, v9  }
0x83: {  	v4 =	vadd.s32 v4, v63  }
0x84: {  	v3 =	vadd.s32 v3, v4  }
0x85: {  	[tilespmem:s11+$0x8400] =	vst v3;
	s13 =	spop (v2sf)  }
.LBB2_14:
0x86: {  	p0 =	sne.s32 s2, $0x61C0;
	[tilespmem:s0+$0xD180] =	vst v0;
	s0 =	smov.u32 s2;
	s2 =	sadd.s32 $0x40, s2  }
.Ltmp6:
0x87: {  	(pc) =	sbr.rel @p0 .LBB2_14-.Ltmp6, $2  }
0x88: {  	_ =	sdelay $0x2  }
0x89: {  	s0 =	sshra.s32 s0, $0x2  }
0x8a: {  	[tilespmem:s0+$0xD180] =	vst v0  }
0x8b: {  	[spmem:s8] =	stream.linear.scatter [tilespmem:s22], [sflag:$0x2], $0x1880, $0x38;
	[tilespmem:$0x1DF00] =	vst v63  }
0x8c: {  	_ =	swait.ge [sflag:s21], $0x1880  }
0x8d: {  	[sflag:s21] =	ssyncset.done $0x0  }
0x8e: {  	s11 =	rddreg [dreg:$0x7];
	[sflag:s21] =	ssyncadd.s32 $0xFFFFE780  }
0x8f: {  	[spmem:s11] =	stream.linear.scatter [tilespmem:s22], [sflag:$0x2], $0x1880, $0x38;
	[tilespmem:$0x1DF00] =	vst v63  }
0x90: {  	_ =	swait.ge [sflag:s21], $0x1880  }
0x91: {  	[sflag:s21] =	ssyncset.done $0x0  }
0x92: {  	s12 =	rddreg [dreg:$0x8];
	[sflag:s21] =	ssyncadd.s32 $0xFFFFE780  }
0x93: {  	[spmem:s12] =	stream.linear.scatter [tilespmem:s22], [sflag:$0x2], $0x1880, $0x38;
	[tilespmem:$0x1DF00] =	vst v63  }
0x94: {  	_ =	swait.ge [sflag:s21], $0x1880  }
0x95: {  	[sflag:s21] =	ssyncset.done $0x0  }
0x96: {  	s13 =	rddreg [dreg:$0x9];
	[sflag:s21] =	ssyncadd.s32 $0xFFFFE780  }
0x97: {  	[spmem:s13] =	stream.linear.scatter [tilespmem:s22], [sflag:$0x2], $0x1880, $0x38;
	[tilespmem:$0x1DF00] =	vst v63  }
0x98: {  	_ =	swait.ge [sflag:s21], $0x1880  }
0x99: {  	[sflag:s21] =	ssyncset.done $0x0  }
0x9a: {  	[sflag:s21] =	ssyncadd.s32 $0xFFFFE780  }
0x9b: {  	[spmem:s14] =	stream.linear.scatter [tilespmem:s22], [sflag:$0x2], $0x1880, $0x38;
	[tilespmem:$0x1DF00] =	vst v63  }
0x9c: {  	_ =	swait.ge [sflag:s21], $0x1880  }
0x9d: {  	[sflag:s21] =	ssyncset.done $0x0  }
0x9e: {  	[sflag:s21] =	ssyncadd.s32 $0xFFFFE780  }
0x9f: {  	[spmem:s15] =	stream.linear.scatter [tilespmem:s22], [sflag:$0x2], $0x1880, $0x38;
	[tilespmem:$0x1DF00] =	vst v63  }
0xa0: {  	_ =	swait.ge [sflag:s21], $0x1880  }
0xa1: {  	[sflag:s21] =	ssyncset.done $0x0  }
0xa2: {  	[sflag:s21] =	ssyncadd.s32 $0xFFFFE780  }
0xa3: {  	[spmem:s16] =	stream.linear.scatter [tilespmem:s22], [sflag:$0x2], $0x1880, $0x38;
	[tilespmem:$0x1DF00] =	vst v63  }
0xa4: {  	_ =	swait.ge [sflag:s21], $0x1880  }
0xa5: {  	[sflag:s21] =	ssyncset.done $0x0  }
0xa6: {  	[sflag:s21] =	ssyncadd.s32 $0xFFFFE780  }
0xa7: {  	[spmem:s17] =	stream.linear.scatter [tilespmem:s22], [sflag:$0x2], $0x1880, $0x38;
	[tilespmem:$0x1DF00] =	vst v63  }
0xa8: {  	_ =	swait.ge [sflag:s21], $0x1880  }
0xa9: {  	[sflag:s21] =	ssyncset.done $0x0  }
0xaa: {  	[sflag:s21] =	ssyncadd.s32 $0xFFFFE780  }
0xab: {  	[spmem:s18] =	stream.linear.scatter [tilespmem:s22], [sflag:$0x2], $0x1880, $0x38;
	[tilespmem:$0x1DF00] =	vst v63  }
0xac: {  	_ =	swait.ge [sflag:s21], $0x1880  }
0xad: {  	[sflag:s21] =	ssyncset.done $0x0  }
0xae: {  	[sflag:s21] =	ssyncadd.s32 $0xFFFFE780  }
0xaf: {  	[spmem:s19] =	stream.linear.scatter [tilespmem:s22], [sflag:$0x2], $0x1880, $0x38;
	[tilespmem:$0x1DF00] =	vst v63  }
0xb0: {  	_ =	swait.ge [sflag:s21], $0x1880  }
0xb1: {  	[sflag:s21] =	ssyncset.done $0x0  }
0xb2: {  	s0 =	simm.s32 $0x0;
	[sflag:s21] =	ssyncadd.s32 $0xFFFFE780  }
0xb3: {  	s2 =	smov.u32 s20;
	s5 =	simm.s32 $0x0;
	[bflag:$0x0] =	sbarrier.arrive $0xFFFF  }
.LBB2_16:
0xb4: {  	s4 =	smul.u32 $0x1880, s5;
	_ =	sdelay $0x1  }
0xb5: {  	s4 =	sadd.s32 s7, s4  }
0xb6: {  	s4 =	sshrl.u32 s4, $0x3  }
0xb7: {  	s4 =	sadd.s32 s1, s4  }
0xb8: {  	[tilespmem:s23], [sflag:$0x2] =	stream.linear.gather [hbm4b:s4+s0], $0x1880, $0x38;
	[tilespmem:$0x1DF00] =	vst v63  }
0xb9: {  	_ =	swait.ge [sflag:s21], $0x1880  }
0xba: {  	[sflag:s21] =	ssyncset.done $0x0  }
0xbb: {  	s9 =	simm.s32 $0x0;
	[sflag:s21] =	ssyncadd.s32 $0xFFFFE780  }
0xbc: {  	v3 =	vld [tilespmem:s9+$0x8800];
	_ =	sdelay $0x4  }
0xbd: {  	v3 =	vand.u32 $0x3FF, v3  }
0xbe: {  	(xrf1) =	vunique.msk.u32 $0xffff, v3;
	_ =	sdelay $0x5  }
0xbf: {  	v4 =	vld.idx.msk [tilespmem:v3+s24+$0x0], $0xffff  }
0xc0: {  	s4 =	simm.s32 $0x10;
	[tilespmem:v3+s24+$0x0] =	vst.idx.add.s32.msk $0xffff, v1  }
0xc1: {  	v3 =	vld [tilespmem:s4+$0x8800];
	_ =	sdelay $0x4  }
0xc2: {  	v3 =	vand.u32 $0x3FF, v3  }
0xc3: {  	_, v5, _ =	vpop (xrf1);
	(xrf1) =	vunique.msk.u32 $0xffff, v3  }
0xc4: {  	v4 =	vadd.s32 v5, v4;
	v5 =	vadd.s32 s2, v2  }
0xc5: {  	s10 =	simm.s32 $0x80;
	s11 =	smov.u32 s2;
	[tilespmem:s9+$0xA080] =	vst v5;
	v4 =	vadd.s32 $0xFFFFFFFF, v4  }
.LBB2_17:
0xc6: {  	p0 =	sne.s32 s10, $0x61C0;
	s11 =	sadd.s32 $0x10, s11  }
0xc7: {  	[tilespmem:s9+$0xB900] =	vst v4;
	s12 =	smov.u32 s10;
	s10 =	sadd.s32 $0x40, s10;
	s9 =	smov.u32 s4  }
0xc8: {  	v4 =	vld.idx.msk [tilespmem:v3+s24+$0x0], $0xffff  }
0xc9: {  	s4 =	sshra.s32 s12, $0x2;
	[tilespmem:v3+s24+$0x0] =	vst.idx.add.s32.msk $0xffff, v1;
	v3 =	vadd.s32 s11, v2  }
0xca: {  	v5 =	vld [tilespmem:s4+$0x8800];
	[tilespmem:s9+$0xA080] =	vst v3;
	_ =	sdelay $0x4  }
.Ltmp7:
0xcb: {  	v3 =	vand.u32 $0x3FF, v5;
	(pc) =	sbr.rel @p0 .LBB2_17-.Ltmp7, $4  }
0xcc: {  	(xrf1) =	vunique.msk.u32 $0xffff, v3  }
0xcd: {  	_, v5, _ =	vpop (xrf1)  }
0xce: {  	v4 =	vadd.s32 v5, v4  }
0xcf: {  	v4 =	vadd.s32 $0xFFFFFFFF, v4  }
0xd0: {  	_ =	sdelay $0x4  }
0xd1: {  	[tilespmem:s9+$0xB900] =	vst v4  }
0xd2: {  	v4 =	vld.idx.msk [tilespmem:v3+s24+$0x0], $0xffff;
	_ =	sdelay $0x3  }
0xd3: {  	s13 =	sadd.s32 $0x10, s11;
	_, v5, _ =	vpop (xrf1)  }
0xd4: {  	s5 =	sadd.s32 $0x1, s5;
	[tilespmem:v3+s24+$0x0] =	vst.idx.add.s32.msk $0xffff, v1;
	v63 =	vadd.s32 s13, v2;
	v3 =	vadd.s32 v5, v4  }
0xd5: {  	p0 =	sne.s32 s5, $0x5;
	[tilespmem:s4+$0xA080] =	vst v63;
	v3 =	vadd.s32 $0xFFFFFFFF, v3  }
.Ltmp8:
0xd6: {  	[tilespmem:s4+$0xB900] =	vst v3;
	(pc) =	sbr.rel @p0 .LBB2_16-.Ltmp8, $4  }
0xd7: {  	[spmem:s3] =	stream.indirect.scatter [tilespmem:s29], [sflag:$0x1], $0x1, s28, s26, $0xb8;
	[tilespmem:$0x1DF00] =	vst v63  }
0xd8: {  	_ =	swait.ge [sflag:s30], $0x1880  }
0xd9: {  	[sflag:s30] =	ssyncset.done $0x0  }
0xda: {  	s2 =	sadd.s32 $0x1880, s2;
	[sflag:s30] =	ssyncadd.s32 $0xFFFFE780  }
0xdb: {  	s0 =	stileid.u32  }
0xdc: {  	[bflag:$0x0] =	sbarrier.arrive $0xFFFF;
	s0 =	sshll.u32 s0, $0x6  }
0xdd: {  	s2 =	rddreg [dreg:$0x5];
	s0 =	sor.u32 $0x1C02, s0  }
0xde: {  	[hbm:s2], [sflag:s0] =	dma.local [spmem:s25], $0x1EA0  }
0xdf: {  	_ =	swait.ge [sflag:s21], $0x1EA0  }
0xe0: {  	s31 =	sadd.s32 $0x1, s31;
	s13 =	rddreg [dreg:$0x6]  }
0xe1: {  	p0 =	sne.s32 s31, s13  }
.Ltmp9:
0xe2: {  	_ = 	snop;
	(pc) =	sbr.rel @p0 .LBB2_1-.Ltmp9, $3  }
0xe3: {  	_ =	sdelay $0x1  }
0xe4: {  	[sflag:s21] =	ssyncset.done $0x0  }
0xe5: {  	[sflag:s21] =	ssyncadd.s32 $0xFFFFE160  }
0xe6: {  	_ =	sfence.sel $0x180000  }
0xe7: {  	[bflag:$0x0] =	sbarrier.arrive $0xFFFF  }
0xe8: {  	_ =	strace $0x9000004A  }
0xe9: {  	s0 =	stileid.u32;
	[bflag:$0x2] =	sbarrier.arrive $0xFFFF  }
0xea: {  	p0 =	sne.s32 s0, $0x0;
	s0 =	rddreg [dreg:$0x4]  }
0xeb: {  	s0 =	sadd.s32 @!p0 $0x100000, s0  }
0xec: {  	[sflag:s0] =	ssyncadd.tile.s32 @!p0 $0x1;
	_ =	shalt  }
.Lfunc_end2:
_tile_overlayer_lowered:
.L_overlay_start_2:
0xed: {  	(tag) =	ssettag $0x2  }
0xee: {  	s0 =	rddreg [dreg:$0x0];
	s2 =	stileid.u32  }
0xef: {  	s1 =	rddreg [dreg:$0x1];
	p0 =	sne.s32 s2, $0x0  }
0xf0: {  	s3 =	rddreg [dreg:$0x2];
	[bflag:$0x3] =	sbarrier.arrive $0xFFFF;
	s2 =	simm.s32 @!p0 $0x1C02  }
0xf1: {  	[timem:s3], [sflag:s2] =	dma.local @!p0 [hbm:s0], s1  }
0xf2: {  	s0 =	simm.s32 @!p0 $0x2  }
0xf3: {  	_ =	swait.ge @!p0 [sflag:s0], s1  }
0xf4: {  	s1 =	ssub.s32 @!p0 $0x0, s1;
	[sflag:s0] =	ssyncset.done @!p0 $0x0  }
0xf5: {  	[sflag:s0] =	ssyncadd.s32 @!p0 s1  }
0xf6: {  	[bflag:$0x3] =	sbarrier.arrive $0xFFFF  }
0xf7: {  	_ =	shalt  }

// kernel: kernel.16.cloned.1.call-start
scs
__scs_entry_jumppad:
0x0: {  	(pc) =	sbr.rel $0x88, $3  }
0x1: {  	(tag) =	ssettag $0x0;
	lr =	simm.s32 $0x1  }
0x2: {  	[smem:$0x3F9F] =	sst lr;
	_ =	strace $0xD0000000  }
0x3: {  	_ = 	snop  }
0x4: {  	_ = 	snop  }
0x5: {  	_ = 	snop  }
0x6: {  	_ = 	snop  }
0x7: {  	_ = 	snop  }
__scs_overlays_trampoline_lowered:
0x8: {  	[smem:$0x3FAE] =	sst s0  }
0x9: {  	[smem:$0x3FAF] =	sst s1  }
0xa: {  	[smem:$0x3FB0] =	sst s2  }
0xb: {  	[smem:$0x3FB1] =	sst s3  }
0xc: {  	[smem:$0x3FB2] =	sst s4  }
0xd: {  	[smem:$0x3FB3] =	sst s5  }
0xe: {  	[smem:$0x3FB4] =	sst s6  }
0xf: {  	[smem:$0x3FB5] =	sst s7  }
0x10: {  	[smem:$0x3FB6] =	sst s8  }
0x11: {  	[smem:$0x3FB7] =	sst s9;
	s0 =	simm.s32 @!p0 $0x0  }
0x12: {  	s1 =	sld [smem:$0x3F9D];
	s0 =	simm.s32 @p0 $0x1  }
0x13: {  	[smem:$0x3FB8] =	sst s0;
	s0 =	simm.s32 @!p1 $0x0  }
0x14: {  	s2 =	sld [smem:$0x3F9C];
	s0 =	simm.s32 @p1 $0x1  }
0x15: {  	[smem:$0x3FB9] =	sst s0;
	s0 =	simm.s32 @!p2 $0x0  }
0x16: {  	s3 =	sld [smem:$0x3FDB];
	s0 =	simm.s32 @p2 $0x1  }
0x17: {  	s4 =	simm.s32 $0x1BF5;
	[smem:$0x3FBB] =	sst s0  }
0x18: {  	s0 =	sld [smem:$0x3F9E];
	_ =	swait.ge [sflag:s4], $0x0  }
0x19: {  	s7 =	sld [smem:$0x3F9F]  }
0x1a: {  	s8 =	sadd.s32 $0xFFFFE003, lr  }
0x1b: {  	s9 =	sadd.s32 $0xFFFFFEF7, lr;
	s5 =	simm.s32 $0xFFFFFFFF;
	p2 =	slt.u32 s8, $0xFFFFF086  }
0x1c: {  	p1 =	slt.u32 s9, $0xF7A;
	s5 =	simm.s32 @!p2 $0x0  }
0x1d: {  	s5 =	simm.s32 @p1 $0x1;
	p0 =	seq.s32 s7, s2  }
0x1e: {  	s7 =	smul.u32 @!p0 $0xF7A, s2;
	p2 =	seq.s32 @!p0 s5, $0x0  }
0x1f: {  	s9 =	smul.u32 $0xF7A, s1;
	s8 =	simm.s32 @!p0 $0x1BF5;
	p2 =	por !p2, p0  }
0x20: {  	[sflag:s8] =	ssyncset.s32 @!p0 $0xFFFFF086;
	s6 =	sadd.s32 @!p0 s3, s7;
	s7 =	simm.s32 @!p0 $0x108  }
0x21: {  	s3 =	sadd.s32 s3, s9;
	s6 =	sadd.s32 @!p0 $0x88, s6;
	s7 =	simm.s32 @p2 $0x1082  }
0x22: {  	[simem:s7], [sflag:s8] =	dma.local @!p0 [hbm:s6], $0xF7A  }
0x23: {  	s9 =	sor.u32 $0xD0000000, s2;
	s6 =	simm.s32 $0x108;
	_ =	swait.ge @!p0 [sflag:s8], $0x0  }
0x24: {  	s3 =	sadd.s32 $0x88, s3;
	s6 =	simm.s32 @!p1 $0x1082;
	[sflag:s4] =	ssyncset.s32 $0xFFFFF086  }
0x25: {  	[simem:s6], [sflag:s4] =	dma.local [hbm:s3], $0xF7A  }
0x26: {  	[smem:$0x3F9F] =	sst s1;
	(tag) =	ssettag s2;
	_ =	strace s9  }
0x27: {  	s1 =	sld [smem:$0x3FAF]  }
0x28: {  	s2 =	sld [smem:$0x3FB0]  }
0x29: {  	s4 =	sld [smem:$0x3FB2]  }
0x2a: {  	p0 =	seq.s32 s5, $0x0;
	s5 =	sld [smem:$0x3FB3]  }
0x2b: {  	s6 =	sld [smem:$0x3FB4]  }
0x2c: {  	s7 =	sld [smem:$0x3FB5]  }
0x2d: {  	s3 =	simm.s32 $0x108;
	s8 =	sld [smem:$0x3FB6]  }
0x2e: {  	s3 =	simm.s32 @!p0 $0x1082;
	s9 =	sld [smem:$0x3FB7]  }
0x2f: {  	lr =	sadd.s32 s0, s3;
	s0 =	sld [smem:$0x3FAE]  }
0x30: {  	s3 =	sld [smem:$0x3FB1]  }
0x31: {  	[smem:$0x3FBA] =	sst s10  }
0x32: {  	s10 =	sld [smem:$0x3FB8];
	_ =	sdelay $0x3  }
0x33: {  	p0 =	seq.s32 s10, $0x1;
	s10 =	sld [smem:$0x3FBA];
	_ =	sdelay $0x3  }
0x34: {  	[smem:$0x3FBA] =	sst s10  }
0x35: {  	s10 =	sld [smem:$0x3FB9];
	_ =	sdelay $0x3  }
0x36: {  	p1 =	seq.s32 s10, $0x1;
	s10 =	sld [smem:$0x3FBA];
	_ =	sdelay $0x3  }
0x37: {  	[smem:$0x3FBA] =	sst s10  }
0x38: {  	s10 =	sld [smem:$0x3FBB]  }
0x39: {  	_ = 	snop;
	(pc) =	sbr.ind lr, $3  }
0x3a: {  	_ = 	snop  }
0x3b: {  	_ = 	snop  }
0x3c: {  	p2 =	seq.s32 s10, $0x1;
	s10 =	sld [smem:$0x3FBA]  }
0x3d: {  	_ =	shalt  }
0x3e: {  	_ =	shalt  }
0x3f: {  	_ =	shalt  }
0x40: {  	_ =	shalt  }
0x41: {  	_ =	shalt  }
0x42: {  	_ =	shalt  }
0x43: {  	_ =	shalt  }
0x44: {  	_ =	shalt  }
0x45: {  	_ =	shalt  }
0x46: {  	_ =	shalt  }
0x47: {  	_ =	shalt  }
0x48: {  	_ =	shalt  }
0x49: {  	_ =	shalt  }
0x4a: {  	_ =	shalt  }
0x4b: {  	_ =	shalt  }
0x4c: {  	_ =	shalt  }
0x4d: {  	_ =	shalt  }
0x4e: {  	_ =	shalt  }
0x4f: {  	_ =	shalt  }
0x50: {  	_ =	shalt  }
0x51: {  	_ =	shalt  }
0x52: {  	_ =	shalt  }
0x53: {  	_ =	shalt  }
0x54: {  	_ =	shalt  }
0x55: {  	_ =	shalt  }
0x56: {  	_ =	shalt  }
0x57: {  	_ =	shalt  }
0x58: {  	_ =	shalt  }
0x59: {  	_ =	shalt  }
0x5a: {  	_ =	shalt  }
0x5b: {  	_ =	shalt  }
0x5c: {  	_ =	shalt  }
0x5d: {  	_ =	shalt  }
0x5e: {  	_ =	shalt  }
0x5f: {  	_ =	shalt  }
0x60: {  	_ =	shalt  }
0x61: {  	_ =	shalt  }
0x62: {  	_ =	shalt  }
0x63: {  	_ =	shalt  }
0x64: {  	_ =	shalt  }
0x65: {  	_ =	shalt  }
0x66: {  	_ =	shalt  }
0x67: {  	_ =	shalt  }
0x68: {  	_ =	shalt  }
0x69: {  	_ =	shalt  }
0x6a: {  	_ =	shalt  }
0x6b: {  	_ =	shalt  }
0x6c: {  	_ =	shalt  }
0x6d: {  	_ =	shalt  }
0x6e: {  	_ =	shalt  }
0x6f: {  	_ =	shalt  }
0x70: {  	_ =	shalt  }
0x71: {  	_ =	shalt  }
0x72: {  	_ =	shalt  }
0x73: {  	_ =	shalt  }
0x74: {  	_ =	shalt  }
0x75: {  	_ =	shalt  }
0x76: {  	_ =	shalt  }
0x77: {  	_ =	shalt  }
0x78: {  	_ =	shalt  }
0x79: {  	_ =	shalt  }
0x7a: {  	_ =	shalt  }
0x7b: {  	_ =	shalt  }
0x7c: {  	_ =	shalt  }
0x7d: {  	_ =	shalt  }
0x7e: {  	_ =	shalt  }
0x7f: {  	_ =	shalt  }
0x80: {  	_ =	shalt  }
0x81: {  	_ =	shalt  }
0x82: {  	_ =	shalt  }
0x83: {  	_ =	shalt  }
0x84: {  	_ =	shalt  }
0x85: {  	_ =	shalt  }
0x86: {  	_ =	shalt  }
0x87: {  	_ =	shalt  }
.Lfunc_end0:
.L_simem_size_0:
called_computation.2_lowered:
.L_overlay_start_0:
0x88: {  	s2 =	sld [smem:$0x3FD9]  }
0x89: {  	s3 =	sld [smem:$0x3FFE];
	_ =	sdelay $0x1  }
0x8a: {  	s1 =	srdreg.scid  }
0x8b: {  	s0 =	sand.u32 $0x1, s1  }
0x8c: {  	s14 =	sshll.u32 s0, $0xA;
	s2 =	sadd.s32 s3, s2  }
0x8d: {  	s2 =	sadd.s32 s2, s14  }
0x8e: {  	[smem:$0x3FC6] =	sst s2  }
0x8f: {  	_ = 	snop  }
0x90: {  	s2 =	sld [smem:$0x3FD0];
	_ =	sdelay $0x2  }
0x91: {  	s15 =	simm.s32 $0xA;
	s4 =	simm.s32 $0x10  }
0x92: {  	[smem:s4], [sflag:s15] =	dma.local [hbm:s2], $0x1  }
0x93: {  	_ =	swait.eq [sflag:s15], $0x1  }
0x94: {  	s16 =	sld [smem:$0x10];
	[sflag:s15] =	ssyncset.done $0x0  }
0x95: {  	s17 =	sld [smem:$0x11];
	[sflag:s15] =	ssyncadd.s32 $0xFFFFFFFF  }
0x96: {  	s18 =	sld [smem:$0x12];
	(tm) =	ssettm $0x1  }
0x97: {  	s5 =	sld [smem:$0x3FFB];
	_ =	sdelay $0x3  }
0x98: {  	_ =	strace s5  }
0x99: {  	s5 =	sld [smem:$0x3FFC];
	_ =	sdelay $0x3  }
0x9a: {  	_ =	strace s5  }
0x9b: {  	s5 =	sld [smem:$0x3FFD];
	_ =	sdelay $0x3  }
0x9c: {  	_ =	strace s5  }
0x9d: {  	_ =	strace $0x8FFFFFFF  }
0x9e: {  	s19 =	sld [smem:$0x3FDB];
	_ =	sdelay $0x1  }
0x9f: {  	s6 =	simm.s32 $_scs_section_size  }
0xa0: {  	s7 =	simm.s32 $_size__tile_overlayer_lowered;
	s8 =	simm.s32 $_tile_overlayer_lowered  }
0xa1: {  	s22 =	simm.s32 $0x1BFF;
	s21 =	sshll.u32 s8, $0x1;
	s5 =	sadd.s32 s6, s19  }
0xa2: {  	s9 =	simm.s32 $0x0;
	s20 =	sshll.u32 s7, $0x1;
	s7 =	sadd.s32 s21, s5  }
0xa3: {  	[timem:s9], [sflag:s22] =	dma.local [hbm:s7], s20  }
0xa4: {  	_ =	swait.ge [sflag:s22], s20  }
0xa5: {  	s6 =	ssub.s32 $0x0, s20;
	[sflag:s22] =	ssyncset.done $0x0  }
0xa6: {  	[sflag:s22] =	ssyncadd.s32 s6;
	_ =	sdelay $0x1  }
0xa7: {  	s23 =	simm.s32 $0x1B8B  }
0xa8: {  	_ =	swait.ge [sflag:s23], $0x1  }
0xa9: {  	[sflag:s23] =	ssyncset.done $0x0  }
0xaa: {  	s25 =	simm.s32 $0x1B8E;
	s24 =	sld [smem:$0x3FFE];
	[sflag:s23] =	ssyncadd.s32 $0xFFFFFFFF  }
0xab: {  	s26 =	simm.s32 $execute0_lowered;
	[smem:$0x3FD2] =	sst s25  }
0xac: {  	s7 =	sshll.u32 s26, $0x1;
	_ =	strace $0x8000004C;
	[dreg:$0x1] =	wrdreg $0xFFFFFFFF  }
0xad: {  	s28 =	simm.s32 $_size_execute0_lowered;
	s5 =	sadd.s32 s5, s7;
	[dreg:$0x0] =	wrdreg $0x0  }
0xae: {  	s7 =	sshll.u32 s28, $0x1;
	[dreg:$0x2] =	wrdreg s5  }
0xaf: {  	[dreg:$0x3] =	wrdreg s7  }
0xb0: {  	[dreg:$0x4] =	wrdreg $0xC0  }
0xb1: {  	_ =	task [dreg:s9], $0x5FFFF  }
0xb2: {  	[dreg:$0x1] =	wrdreg $0xFFFFFFFF  }
0xb3: {  	[dreg:$0x0] =	wrdreg $0x60  }
0xb4: {  	[dreg:$0x2] =	wrdreg s16  }
0xb5: {  	[dreg:$0x3] =	wrdreg s17  }
0xb6: {  	[dreg:$0x4] =	wrdreg s24  }
0xb7: {  	[dreg:$0x5] =	wrdreg s18  }
0xb8: {  	[dreg:$0x6] =	wrdreg $0x9  }
0xb9: {  	_ =	task.clear_ibuf [dreg:s9], $0x7FFFF;
	_ =	strace $0x9000004C  }
0xba: {  	s29 =	simm.s32 $0x9;
	_ =	strace $0x8000004E  }
0xbb: {  	_ =	swait.ge [sflag:s29], $0x1  }
0xbc: {  	[sflag:s29] =	ssyncadd.s32 $0xFFFFFFFF  }
0xbd: {  	_ =	strace $0x9000004E  }
0xbe: {  	_ =	sfence  }
0xbf: {  	s30 =	sld [smem:$0x0];
	_ =	sdelay $0x2  }
0xc0: {  	s31 =	sshll.u32 s1, $0xD;
	s1 =	sshrl.u32 s1, $0x2  }
0xc1: {  	s3 =	sand.u32 $0x4000, s31;
	s1 =	sadd.s32 s1, s30  }
0xc2: {  	s0 =	sor.u32 s3, s0;
	s1 =	sshll.u32 s1, $0x11  }
0xc3: {  	s0 =	sor.u32 s1, s0  }
0xc4: {  	s0 =	sadd.s32 $0x8F2B, s0  }
0xc5: {  	[sflag:s0] =	ssyncadd.remote.s32 $0x1  }
0xc6: {  	_ =	sfence.sel $0xFFFF  }
0xc7: {  	[dreg:$0x0] =	wrdreg $0xFFFFFFFF;
	(pc) =	sbr.abs _section_cstart, $3  }
0xc8: {  	[dreg:$0x1] =	wrdreg $0xFFFFFFFF  }
0xc9: {  	_ =	task.clear_ibuf [dreg:s9], $0x2FFFF;
	_ =	strace $0x9FFFFFFF  }
0xca: {  	(tm) =	ssettm $0x7FFFFFFF  }
0xcb: {  	_ =	shalt  }
tec
execute0_lowered:
.L_overlay_start_1:
0x0: {  	(tag) =	ssettag $0x1  }
0x1: {  	s1 =	rddreg [dreg:$0x0]  }
0x2: {  	s2 =	rddreg [dreg:$0x1]  }
0x3: {  	s7 =	rddreg [dreg:$0x2]  }
0x4: {  	s9 =	rddreg [dreg:$0x3]  }
0x5: {  	s0 =	rddreg [dreg:$0x4];
	s5 =	srdreg.scid  }
0x6: {  	s3 =	stileid.u32;
	s4 =	simm.s32 $0x0;
	s12 =	simm.s32 $0x1880  }
0x7: {  	s13 =	simm.s32 $0x3100;
	s14 =	simm.s32 $0x4980;
	s15 =	simm.s32 $0x1  }
0x8: {  	s16 =	simm.s32 $0x6200;
	s5 =	sand.u32 $0x1, s5;
	s6 =	sshll.u32 s3, $0x1  }
0x9: {  	s17 =	simm.s32 $0x0;
	[smem:$0x7FF] =	sst s4;
	s10 =	sor.u32 s5, s6  }
0xa: {  	_ =	strace $0x8000004D;
	s8 =	ssub.s32 $0x2, s5;
	s6 =	sadd.s32 $0x3200, s7  }
0xb: {  	s5 =	smul.u32 $0x7A80, s10;
	s11 =	sshrl.u32 s8, $0x1;
	s10 =	sshll.u32 s10, $0x7  }
0xc: {  	s7 =	sadd.s32 $0x21C00, s7;
	s11 =	ssub.s32 s8, s11;
	s9 =	sadd.s32 s9, s10  }
0xd: {  	v0 =	vimm.s32 $0x0;
	v1 =	vimm.s32 $0x1;
	s8 =	sadd.s32 $0xF5000, s5;
	s10 =	smax.u32 s11, $0x1;
	s11 =	simm.s32 $0x2  }
.LBB2_1:
0xe: {  	s18 =	simm.s32 $0x40;
	s19 =	simm.s32 $0x0  }
.LBB2_2:
0xf: {  	p0 =	sne.s32 s18, $0xFC0;
	[tilespmem:s19+$0x6200] =	vst v0;
	s19 =	smov.u32 s18;
	s18 =	sadd.s32 $0x40, s18  }
.Ltmp0:
0x10: {  	(pc) =	sbr.rel @p0 .LBB2_2-.Ltmp0, $2  }
0x11: {  	_ =	sdelay $0x2  }
0x12: {  	s19 =	sshra.s32 s19, $0x2  }
0x13: {  	[tilespmem:s19+$0x6200] =	vst v0;
	s18 =	simm.s32 $0x0;
	s19 =	simm.s32 $0x0  }
.LBB2_4:
0x14: {  	s21 =	smul.u32 $0x1880, s19;
	_ =	sdelay $0x1  }
0x15: {  	s20 =	sadd.s32 s5, s21  }
0x16: {  	s20 =	sshrl.u32 s20, $0x3  }
0x17: {  	s22 =	sadd.s32 s1, s20  }
0x18: {  	[tilespmem:s18], [sflag:$0x2] =	stream.linear.gather [hbm4b:s22+s18], $0x1880, $0x38;
	[tilespmem:$0x6600] =	vst v63  }
0x19: {  	s21 =	sadd.s32 s21, s8;
	_ =	swait.ge [sflag:s11], $0x1880  }
0x1a: {  	s21 =	sshrl.u32 s21, $0x3;
	[sflag:s11] =	ssyncset.done $0x0  }
0x1b: {  	s21 =	sadd.s32 s1, s21;
	[sflag:s11] =	ssyncadd.s32 $0xFFFFE780  }
0x1c: {  	[tilespmem:s12], [sflag:$0x2] =	stream.linear.gather [hbm4b:s21+s18], $0x1880, $0x38;
	[tilespmem:$0x6600] =	vst v63  }
0x1d: {  	_ =	swait.ge [sflag:s11], $0x1880  }
0x1e: {  	[sflag:s11] =	ssyncset.done $0x0  }
0x1f: {  	s22 =	simm.s32 $0x0;
	[sflag:s11] =	ssyncadd.s32 $0xFFFFE780  }
0x20: {  	v3 =	vld [tilespmem:s22+$0x30]  }
0x21: {  	v6 =	vld [tilespmem:s22+$0x18B0]  }
0x22: {  	v7 =	vld [tilespmem:s22+$0x0]  }
0x23: {  	v8 =	vld [tilespmem:s22+$0x1880]  }
0x24: {  	v4 =	vld [tilespmem:s22+$0x10]  }
0x25: {  	v5 =	vld [tilespmem:s22+$0x1890]  }
0x26: {  	v2 =	vld [tilespmem:s22+$0x20];
	v3 =	vadd.s32 v6, v3  }
0x27: {  	s21 =	simm.s32 $0x40;
	v6 =	vld [tilespmem:s22+$0x18A0];
	v9 =	vadd.s32 $0xFFFFFFFF, v3  }
0x28: {  	s23 =	simm.s32 $0x200;
	v7 =	vadd.s32 v8, v7;
	v3 =	vld [tilespmem:s21+$0x30];
	[tilespmem:s22+$0x3130] =	vst v9  }
.LBB2_5:
0x29: {  	p0 =	sne.s32 s23, $0x6100;
	v8 =	vld [tilespmem:s21+$0x18B0];
	v7 =	vadd.s32 $0xFFFFFFFF, v7  }
0x2a: {  	v9 =	vld [tilespmem:s21+$0x0];
	[tilespmem:s22+$0x3100] =	vst v7;
	v4 =	vadd.s32 v5, v4  }
0x2b: {  	v7 =	vld [tilespmem:s21+$0x1880];
	v5 =	vadd.s32 $0xFFFFFFFF, v4  }
.Ltmp1:
0x2c: {  	v4 =	vld [tilespmem:s21+$0x10];
	[tilespmem:s22+$0x3110] =	vst v5;
	v2 =	vadd.s32 v6, v2;
	(pc) =	sbr.rel @p0 .LBB2_5-.Ltmp1, $4  }
0x2d: {  	v5 =	vld [tilespmem:s21+$0x1890];
	v6 =	vadd.s32 $0xFFFFFFFF, v2  }
0x2e: {  	v2 =	vld [tilespmem:s21+$0x20];
	v3 =	vadd.s32 v8, v3;
	[tilespmem:s22+$0x3120] =	vst v6;
	s22 =	smov.u32 s21  }
0x2f: {  	s21 =	sshra.s32 s23, $0x2;
	v6 =	vld [tilespmem:s22+$0x18A0];
	v8 =	vadd.s32 $0xFFFFFFFF, v3  }
0x30: {  	s23 =	sadd.s32 $0x100, s23;
	v3 =	vld [tilespmem:s21+$0x30];
	v7 =	vadd.s32 v7, v9;
	[tilespmem:s22+$0x3130] =	vst v8  }
0x31: {  	v8 =	vld [tilespmem:s21+$0x18B0];
	v7 =	vadd.s32 $0xFFFFFFFF, v7  }
0x32: {  	v9 =	vld [tilespmem:s21+$0x0];
	[tilespmem:s22+$0x3100] =	vst v7;
	v4 =	vadd.s32 v5, v4  }
0x33: {  	v62 =	vld [tilespmem:s21+$0x1880];
	v4 =	vadd.s32 $0xFFFFFFFF, v4  }
0x34: {  	v7 =	vld [tilespmem:s21+$0x10];
	[tilespmem:s22+$0x3110] =	vst v4;
	v2 =	vadd.s32 v6, v2  }
0x35: {  	v4 =	vld [tilespmem:s21+$0x1890];
	v2 =	vadd.s32 $0xFFFFFFFF, v2  }
0x36: {  	v63 =	vld [tilespmem:s21+$0x20];
	[tilespmem:s22+$0x3120] =	vst v2  }
0x37: {  	v2 =	vld [tilespmem:s21+$0x18A0];
	_ =	sdelay $0x1  }
0x38: {  	v3 =	vadd.s32 v8, v3  }
0x39: {  	v3 =	vadd.s32 $0xFFFFFFFF, v3;
	v5 =	vadd.s32 v62, v9  }
0x3a: {  	[tilespmem:s21+$0x3130] =	vst v3;
	v3 =	vadd.s32 $0xFFFFFFFF, v5;
	v4 =	vadd.s32 v4, v7  }
0x3b: {  	[tilespmem:s21+$0x3100] =	vst v3;
	v3 =	vadd.s32 $0xFFFFFFFF, v4;
	v2 =	vadd.s32 v2, v63  }
0x3c: {  	[tilespmem:s21+$0x3110] =	vst v3;
	v2 =	vadd.s32 $0xFFFFFFFF, v2  }
0x3d: {  	s31 =	sadd.s32 s7, s20;
	[tilespmem:s21+$0x3120] =	vst v2;
	s21 =	simm.s32 $0x0  }
0x3e: {  	[hbm4b:s31+s21] =	stream.linear.scatter [tilespmem:s13], [sflag:$0x2], $0x1880, $0x38;
	[tilespmem:$0x6600] =	vst v63  }
0x3f: {  	_ =	swait.ge [sflag:s11], $0x1880  }
0x40: {  	[sflag:s11] =	ssyncset.done $0x0  }
0x41: {  	[sflag:s11] =	ssyncadd.s32 $0xFFFFE780  }
0x42: {  	[tilespmem:s14], [sflag:$0x1] =	stream.indirect.gather [hbm4b:s2+s12], $0x1, s13, s12, $0xb8;
	[tilespmem:$0x6600] =	vst v63  }
0x43: {  	_ =	swait.ge [sflag:s15], $0x1880  }
0x44: {  	[sflag:s15] =	ssyncset.done $0x0  }
0x45: {  	[sflag:s15] =	ssyncadd.s32 $0xFFFFE780  }
.LBB2_7:
0x46: {  	s22 =	sshra.s32 s21, $0x2  }
0x47: {  	v2 =	vld [tilespmem:s22+$0x4980];
	_ =	sdelay $0x4  }
0x48: {  	v2 =	vshrl.u32 v2, $0xA  }
0x49: {  	v2 =	vand.u32 $0x3FF, v2;
	_ =	sdelay $0x4  }
0x4a: {  	[tilespmem:v2+s16+$0x0] =	vst.idx.add.s32.msk $0xffff, v1  }
0x4b: {  	v2 =	vld [tilespmem:s22+$0x4990];
	_ =	sdelay $0x4  }
0x4c: {  	v2 =	vshrl.u32 v2, $0xA  }
0x4d: {  	v2 =	vand.u32 $0x3FF, v2;
	_ =	sdelay $0x4  }
0x4e: {  	[tilespmem:v2+s16+$0x0] =	vst.idx.add.s32.msk $0xffff, v1  }
0x4f: {  	v2 =	vld [tilespmem:s22+$0x49A0];
	_ =	sdelay $0x4  }
0x50: {  	v2 =	vshrl.u32 v2, $0xA  }
0x51: {  	v2 =	vand.u32 $0x3FF, v2;
	_ =	sdelay $0x4  }
0x52: {  	[tilespmem:v2+s16+$0x0] =	vst.idx.add.s32.msk $0xffff, v1  }
0x53: {  	v2 =	vld [tilespmem:s22+$0x49B0];
	_ =	sdelay $0x4  }
0x54: {  	v2 =	vshrl.u32 v2, $0xA  }
0x55: {  	p0 =	sne.s32 s21, $0x6100;
	v2 =	vand.u32 $0x3FF, v2  }
.Ltmp2:
0x56: {  	_ = 	snop;
	(pc) =	sbr.rel @p0 .LBB2_7-.Ltmp2, $2  }
0x57: {  	_ =	sdelay $0x2  }
0x58: {  	s21 =	sadd.s32 $0x100, s21;
	[tilespmem:v2+s16+$0x0] =	vst.idx.add.s32.msk $0xffff, v1  }
0x59: {  	s19 =	sadd.s32 $0x1, s19  }
0x5a: {  	p0 =	sne.s32 s19, $0x5  }
.Ltmp3:
0x5b: {  	s20 =	sadd.s32 s6, s20;
	(pc) =	sbr.rel @p0 .LBB2_4-.Ltmp3, $4  }
0x5c: {  	[hbm4b:s20+s4] =	stream.linear.scatter [tilespmem:s14], [sflag:$0x2], $0x1880, $0x38;
	[tilespmem:$0x6600] =	vst v63  }
0x5d: {  	_ =	swait.ge [sflag:s11], $0x1880  }
0x5e: {  	[sflag:s11] =	ssyncset.done $0x0  }
0x5f: {  	[sflag:s11] =	ssyncadd.s32 $0xFFFFE780  }
0x60: {  	s17 =	sadd.s32 $0x1, s17  }
0x61: {  	p0 =	sne.s32 s17, s10  }
.Ltmp4:
0x62: {  	_ = 	snop;
	(pc) =	sbr.rel @p0 .LBB2_1-.Ltmp4, $4  }
0x63: {  	[hbm4b:s9+s4] =	stream.linear.scatter [tilespmem:s16], [sflag:$0x2], $0x400, $0x38;
	[tilespmem:$0x6600] =	vst v63  }
0x64: {  	_ =	swait.ge [sflag:s11], $0x400  }
0x65: {  	[sflag:s11] =	ssyncset.done $0x0  }
0x66: {  	[sflag:s11] =	ssyncadd.s32 $0xFFFFFC00  }
0x67: {  	_ =	sfence.sel $0x180000  }
0x68: {  	[bflag:$0x0] =	sbarrier.arrive $0xFFFF  }
0x69: {  	p0 =	sne.s32 s3, $0x0;
	_ =	strace $0x9000004D  }
0x6a: {  	s0 =	sadd.s32 @!p0 $0x100000, s0;
	[bflag:$0x2] =	sbarrier.arrive $0xFFFF  }
0x6b: {  	[sflag:s0] =	ssyncadd.tile.s32 @!p0 $0x1;
	_ =	shalt  }
.Lfunc_end2:
_tile_overlayer_lowered:
.L_overlay_start_2:
0x6c: {  	(tag) =	ssettag $0x2  }
0x6d: {  	s0 =	rddreg [dreg:$0x0];
	s2 =	stileid.u32  }
0x6e: {  	s1 =	rddreg [dreg:$0x1];
	p0 =	sne.s32 s2, $0x0  }
0x6f: {  	s3 =	rddreg [dreg:$0x2];
	[bflag:$0x3] =	sbarrier.arrive $0xFFFF;
	s2 =	simm.s32 @!p0 $0x1C02  }
0x70: {  	[timem:s3], [sflag:s2] =	dma.local @!p0 [hbm:s0], s1  }
0x71: {  	s0 =	simm.s32 @!p0 $0x2  }
0x72: {  	_ =	swait.ge @!p0 [sflag:s0], s1  }
0x73: {  	s1 =	ssub.s32 @!p0 $0x0, s1;
	[sflag:s0] =	ssyncset.done @!p0 $0x0  }
0x74: {  	[sflag:s0] =	ssyncadd.s32 @!p0 s1  }
0x75: {  	[bflag:$0x3] =	sbarrier.arrive $0xFFFF  }
0x76: {  	_ =	shalt  }

// kernel: kernel.19.cloned.1.call-start
scs
__scs_entry_jumppad:
0x0: {  	(pc) =	sbr.rel $0x88, $3  }
0x1: {  	(tag) =	ssettag $0x0;
	lr =	simm.s32 $0x1  }
0x2: {  	[smem:$0x3F9F] =	sst lr;
	_ =	strace $0xD0000000  }
0x3: {  	_ = 	snop  }
0x4: {  	_ = 	snop  }
0x5: {  	_ = 	snop  }
0x6: {  	_ = 	snop  }
0x7: {  	_ = 	snop  }
__scs_overlays_trampoline_lowered:
0x8: {  	[smem:$0x3FAE] =	sst s0  }
0x9: {  	[smem:$0x3FAF] =	sst s1  }
0xa: {  	[smem:$0x3FB0] =	sst s2  }
0xb: {  	[smem:$0x3FB1] =	sst s3  }
0xc: {  	[smem:$0x3FB2] =	sst s4  }
0xd: {  	[smem:$0x3FB3] =	sst s5  }
0xe: {  	[smem:$0x3FB4] =	sst s6  }
0xf: {  	[smem:$0x3FB5] =	sst s7  }
0x10: {  	[smem:$0x3FB6] =	sst s8  }
0x11: {  	[smem:$0x3FB7] =	sst s9;
	s0 =	simm.s32 @!p0 $0x0  }
0x12: {  	s1 =	sld [smem:$0x3F9D];
	s0 =	simm.s32 @p0 $0x1  }
0x13: {  	[smem:$0x3FB8] =	sst s0;
	s0 =	simm.s32 @!p1 $0x0  }
0x14: {  	s2 =	sld [smem:$0x3F9C];
	s0 =	simm.s32 @p1 $0x1  }
0x15: {  	[smem:$0x3FB9] =	sst s0;
	s0 =	simm.s32 @!p2 $0x0  }
0x16: {  	s3 =	sld [smem:$0x3FDB];
	s0 =	simm.s32 @p2 $0x1  }
0x17: {  	s4 =	simm.s32 $0x1BF5;
	[smem:$0x3FBB] =	sst s0  }
0x18: {  	s0 =	sld [smem:$0x3F9E];
	_ =	swait.ge [sflag:s4], $0x0  }
0x19: {  	s7 =	sld [smem:$0x3F9F]  }
0x1a: {  	s8 =	sadd.s32 $0xFFFFE003, lr  }
0x1b: {  	s9 =	sadd.s32 $0xFFFFFEF7, lr;
	s5 =	simm.s32 $0xFFFFFFFF;
	p2 =	slt.u32 s8, $0xFFFFF086  }
0x1c: {  	p1 =	slt.u32 s9, $0xF7A;
	s5 =	simm.s32 @!p2 $0x0  }
0x1d: {  	s5 =	simm.s32 @p1 $0x1;
	p0 =	seq.s32 s7, s2  }
0x1e: {  	s7 =	smul.u32 @!p0 $0xF7A, s2;
	p2 =	seq.s32 @!p0 s5, $0x0  }
0x1f: {  	s9 =	smul.u32 $0xF7A, s1;
	s8 =	simm.s32 @!p0 $0x1BF5;
	p2 =	por !p2, p0  }
0x20: {  	[sflag:s8] =	ssyncset.s32 @!p0 $0xFFFFF086;
	s6 =	sadd.s32 @!p0 s3, s7;
	s7 =	simm.s32 @!p0 $0x108  }
0x21: {  	s3 =	sadd.s32 s3, s9;
	s6 =	sadd.s32 @!p0 $0x88, s6;
	s7 =	simm.s32 @p2 $0x1082  }
0x22: {  	[simem:s7], [sflag:s8] =	dma.local @!p0 [hbm:s6], $0xF7A  }
0x23: {  	s9 =	sor.u32 $0xD0000000, s2;
	s6 =	simm.s32 $0x108;
	_ =	swait.ge @!p0 [sflag:s8], $0x0  }
0x24: {  	s3 =	sadd.s32 $0x88, s3;
	s6 =	simm.s32 @!p1 $0x1082;
	[sflag:s4] =	ssyncset.s32 $0xFFFFF086  }
0x25: {  	[simem:s6], [sflag:s4] =	dma.local [hbm:s3], $0xF7A  }
0x26: {  	[smem:$0x3F9F] =	sst s1;
	(tag) =	ssettag s2;
	_ =	strace s9  }
0x27: {  	s1 =	sld [smem:$0x3FAF]  }
0x28: {  	s2 =	sld [smem:$0x3FB0]  }
0x29: {  	s4 =	sld [smem:$0x3FB2]  }
0x2a: {  	p0 =	seq.s32 s5, $0x0;
	s5 =	sld [smem:$0x3FB3]  }
0x2b: {  	s6 =	sld [smem:$0x3FB4]  }
0x2c: {  	s7 =	sld [smem:$0x3FB5]  }
0x2d: {  	s3 =	simm.s32 $0x108;
	s8 =	sld [smem:$0x3FB6]  }
0x2e: {  	s3 =	simm.s32 @!p0 $0x1082;
	s9 =	sld [smem:$0x3FB7]  }
0x2f: {  	lr =	sadd.s32 s0, s3;
	s0 =	sld [smem:$0x3FAE]  }
0x30: {  	s3 =	sld [smem:$0x3FB1]  }
0x31: {  	[smem:$0x3FBA] =	sst s10  }
0x32: {  	s10 =	sld [smem:$0x3FB8];
	_ =	sdelay $0x3  }
0x33: {  	p0 =	seq.s32 s10, $0x1;
	s10 =	sld [smem:$0x3FBA];
	_ =	sdelay $0x3  }
0x34: {  	[smem:$0x3FBA] =	sst s10  }
0x35: {  	s10 =	sld [smem:$0x3FB9];
	_ =	sdelay $0x3  }
0x36: {  	p1 =	seq.s32 s10, $0x1;
	s10 =	sld [smem:$0x3FBA];
	_ =	sdelay $0x3  }
0x37: {  	[smem:$0x3FBA] =	sst s10  }
0x38: {  	s10 =	sld [smem:$0x3FBB]  }
0x39: {  	_ = 	snop;
	(pc) =	sbr.ind lr, $3  }
0x3a: {  	_ = 	snop  }
0x3b: {  	_ = 	snop  }
0x3c: {  	p2 =	seq.s32 s10, $0x1;
	s10 =	sld [smem:$0x3FBA]  }
0x3d: {  	_ =	shalt  }
0x3e: {  	_ =	shalt  }
0x3f: {  	_ =	shalt  }
0x40: {  	_ =	shalt  }
0x41: {  	_ =	shalt  }
0x42: {  	_ =	shalt  }
0x43: {  	_ =	shalt  }
0x44: {  	_ =	shalt  }
0x45: {  	_ =	shalt  }
0x46: {  	_ =	shalt  }
0x47: {  	_ =	shalt  }
0x48: {  	_ =	shalt  }
0x49: {  	_ =	shalt  }
0x4a: {  	_ =	shalt  }
0x4b: {  	_ =	shalt  }
0x4c: {  	_ =	shalt  }
0x4d: {  	_ =	shalt  }
0x4e: {  	_ =	shalt  }
0x4f: {  	_ =	shalt  }
0x50: {  	_ =	shalt  }
0x51: {  	_ =	shalt  }
0x52: {  	_ =	shalt  }
0x53: {  	_ =	shalt  }
0x54: {  	_ =	shalt  }
0x55: {  	_ =	shalt  }
0x56: {  	_ =	shalt  }
0x57: {  	_ =	shalt  }
0x58: {  	_ =	shalt  }
0x59: {  	_ =	shalt  }
0x5a: {  	_ =	shalt  }
0x5b: {  	_ =	shalt  }
0x5c: {  	_ =	shalt  }
0x5d: {  	_ =	shalt  }
0x5e: {  	_ =	shalt  }
0x5f: {  	_ =	shalt  }
0x60: {  	_ =	shalt  }
0x61: {  	_ =	shalt  }
0x62: {  	_ =	shalt  }
0x63: {  	_ =	shalt  }
0x64: {  	_ =	shalt  }
0x65: {  	_ =	shalt  }
0x66: {  	_ =	shalt  }
0x67: {  	_ =	shalt  }
0x68: {  	_ =	shalt  }
0x69: {  	_ =	shalt  }
0x6a: {  	_ =	shalt  }
0x6b: {  	_ =	shalt  }
0x6c: {  	_ =	shalt  }
0x6d: {  	_ =	shalt  }
0x6e: {  	_ =	shalt  }
0x6f: {  	_ =	shalt  }
0x70: {  	_ =	shalt  }
0x71: {  	_ =	shalt  }
0x72: {  	_ =	shalt  }
0x73: {  	_ =	shalt  }
0x74: {  	_ =	shalt  }
0x75: {  	_ =	shalt  }
0x76: {  	_ =	shalt  }
0x77: {  	_ =	shalt  }
0x78: {  	_ =	shalt  }
0x79: {  	_ =	shalt  }
0x7a: {  	_ =	shalt  }
0x7b: {  	_ =	shalt  }
0x7c: {  	_ =	shalt  }
0x7d: {  	_ =	shalt  }
0x7e: {  	_ =	shalt  }
0x7f: {  	_ =	shalt  }
0x80: {  	_ =	shalt  }
0x81: {  	_ =	shalt  }
0x82: {  	_ =	shalt  }
0x83: {  	_ =	shalt  }
0x84: {  	_ =	shalt  }
0x85: {  	_ =	shalt  }
0x86: {  	_ =	shalt  }
0x87: {  	_ =	shalt  }
.Lfunc_end0:
.L_simem_size_0:
called_computation.3_lowered:
.L_overlay_start_0:
0x88: {  	s2 =	sld [smem:$0x3FD9]  }
0x89: {  	s3 =	sld [smem:$0x3FFE];
	_ =	sdelay $0x1  }
0x8a: {  	s1 =	srdreg.scid  }
0x8b: {  	s0 =	sand.u32 $0x1, s1  }
0x8c: {  	s14 =	sshll.u32 s0, $0xA;
	s2 =	sadd.s32 s3, s2  }
0x8d: {  	s2 =	sadd.s32 s2, s14  }
0x8e: {  	[smem:$0x3FC6] =	sst s2  }
0x8f: {  	_ = 	snop  }
0x90: {  	s2 =	sld [smem:$0x3FD0];
	_ =	sdelay $0x2  }
0x91: {  	s15 =	simm.s32 $0xA;
	s4 =	simm.s32 $0x10  }
0x92: {  	[smem:s4], [sflag:s15] =	dma.local [hbm:s2], $0x1  }
0x93: {  	_ =	swait.eq [sflag:s15], $0x1  }
0x94: {  	[sflag:s15] =	ssyncset.done $0x0  }
0x95: {  	s16 =	sld [smem:$0x10];
	[sflag:s15] =	ssyncadd.s32 $0xFFFFFFFF  }
0x96: {  	s17 =	sld [smem:$0x12];
	(tm) =	ssettm $0x1  }
0x97: {  	s18 =	sld [smem:$0x3FFB];
	_ =	sdelay $0x3  }
0x98: {  	_ =	strace s18  }
0x99: {  	s4 =	sld [smem:$0x3FFC];
	_ =	sdelay $0x3  }
0x9a: {  	_ =	strace s4  }
0x9b: {  	s4 =	sld [smem:$0x3FFD];
	_ =	sdelay $0x3  }
0x9c: {  	_ =	strace s4  }
0x9d: {  	_ =	strace $0x8FFFFFFF  }
0x9e: {  	s19 =	sld [smem:$0x3FDB];
	_ =	sdelay $0x1  }
0x9f: {  	s5 =	simm.s32 $_scs_section_size  }
0xa0: {  	s6 =	simm.s32 $_size__tile_overlayer_lowered;
	s7 =	simm.s32 $_tile_overlayer_lowered  }
0xa1: {  	s22 =	simm.s32 $0x1BFF;
	s21 =	sshll.u32 s7, $0x1;
	s4 =	sadd.s32 s5, s19  }
0xa2: {  	s8 =	simm.s32 $0x0;
	s20 =	sshll.u32 s6, $0x1;
	s6 =	sadd.s32 s21, s4  }
0xa3: {  	[timem:s8], [sflag:s22] =	dma.local [hbm:s6], s20  }
0xa4: {  	_ =	swait.ge [sflag:s22], s20  }
0xa5: {  	s5 =	ssub.s32 $0x0, s20;
	[sflag:s22] =	ssyncset.done $0x0  }
0xa6: {  	[sflag:s22] =	ssyncadd.s32 s5;
	_ =	sdelay $0x1  }
0xa7: {  	s23 =	simm.s32 $0x1B8B  }
0xa8: {  	_ =	swait.ge [sflag:s23], $0x1  }
0xa9: {  	[sflag:s23] =	ssyncset.done $0x0  }
0xaa: {  	s25 =	simm.s32 $0x1B8E;
	s24 =	sld [smem:$0x3FFE];
	[sflag:s23] =	ssyncadd.s32 $0xFFFFFFFF  }
0xab: {  	s26 =	simm.s32 $execute0_lowered;
	[smem:$0x3FD2] =	sst s25  }
0xac: {  	s6 =	sshll.u32 s26, $0x1;
	_ =	strace $0x8000004F;
	[dreg:$0x1] =	wrdreg $0xFFFFFFFF  }
0xad: {  	s28 =	simm.s32 $_size_execute0_lowered;
	s4 =	sadd.s32 s4, s6;
	[dreg:$0x0] =	wrdreg $0x0  }
0xae: {  	s6 =	sshll.u32 s28, $0x1;
	[dreg:$0x2] =	wrdreg s4  }
0xaf: {  	[dreg:$0x3] =	wrdreg s6  }
0xb0: {  	[dreg:$0x4] =	wrdreg $0xC0  }
0xb1: {  	_ =	task [dreg:s8], $0x5FFFF  }
0xb2: {  	[dreg:$0x1] =	wrdreg $0xFFFFFFFF  }
0xb3: {  	[dreg:$0x0] =	wrdreg $0x60  }
0xb4: {  	[dreg:$0x2] =	wrdreg s24  }
0xb5: {  	[dreg:$0x3] =	wrdreg s17  }
0xb6: {  	[dreg:$0x4] =	wrdreg s16  }
0xb7: {  	[dreg:$0x5] =	wrdreg $0xEA000  }
0xb8: {  	[dreg:$0x6] =	wrdreg $0x9  }
0xb9: {  	_ =	task.clear_ibuf [dreg:s8], $0x7FFFF;
	_ =	strace $0x9000004F  }
0xba: {  	s29 =	simm.s32 $0x9;
	_ =	strace $0x80000051  }
0xbb: {  	_ =	swait.ge [sflag:s29], $0x1  }
0xbc: {  	[sflag:s29] =	ssyncadd.s32 $0xFFFFFFFF  }
0xbd: {  	_ =	strace $0x90000051  }
0xbe: {  	_ =	sfence  }
0xbf: {  	s30 =	sld [smem:$0x0];
	_ =	sdelay $0x2  }
0xc0: {  	s31 =	sshll.u32 s1, $0xD;
	s1 =	sshrl.u32 s1, $0x2  }
0xc1: {  	s3 =	sand.u32 $0x4000, s31;
	s1 =	sadd.s32 s1, s30  }
0xc2: {  	s0 =	sor.u32 s3, s0;
	s1 =	sshll.u32 s1, $0x11  }
0xc3: {  	s0 =	sor.u32 s1, s0  }
0xc4: {  	s0 =	sadd.s32 $0x8F2B, s0  }
0xc5: {  	[sflag:s0] =	ssyncadd.remote.s32 $0x1  }
0xc6: {  	_ =	sfence.sel $0xFFFF  }
0xc7: {  	[dreg:$0x0] =	wrdreg $0xFFFFFFFF;
	(pc) =	sbr.abs _section_cstart, $3  }
0xc8: {  	[dreg:$0x1] =	wrdreg $0xFFFFFFFF  }
0xc9: {  	_ =	task.clear_ibuf [dreg:s8], $0x2FFFF;
	_ =	strace $0x9FFFFFFF  }
0xca: {  	(tm) =	ssettm $0x7FFFFFFF  }
0xcb: {  	_ =	shalt  }
tec
execute0_lowered:
.L_overlay_start_1:
0x0: {  	(tag) =	ssettag $0x1  }
0x1: {  	s0 =	rddreg [dreg:$0x0]  }
0x2: {  	s1 =	rddreg [dreg:$0x2]  }
0x3: {  	s2 =	rddreg [dreg:$0x3];
	s4 =	simm.s32 $0x0;
	s3 =	srdreg.scid  }
0x4: {  	s8 =	stileid.u32;
	s21 =	simm.s32 $0x2;
	s22 =	simm.s32 $0xD180  }
0x5: {  	s28 =	simm.s32 $0xB900;
	s29 =	simm.s32 $0xA080;
	s30 =	simm.s32 $0x1  }
0x6: {  	s31 =	simm.s32 $0x0;
	[smem:$0x7FF] =	sst s4;
	s9 =	smul.u32 $0xF500, s8  }
0x7: {  	s3 =	sand.u32 $0x1, s3;
	s5 =	sadd.s32 $0x3200, s0;
	s7 =	smul.u32 $0x3D400, s8  }
0x8: {  	s18 =	sshll.u32 s8, $0x1;
	s16 =	smul.u32 $0xF5000, s3;
	s6 =	ssub.s32 $0x2, s3  }
0x9: {  	_ =	strace $0x80000050;
	s26 =	smul.u32 $0x7A80, s3;
	s17 =	sshrl.u32 s6, $0x1  }
0xa: {  	s19 =	sshrl.u32 s7, $0x2;
	s20 =	sadd.s32 s9, s2;
	s0 =	ssub.s32 s6, s17  }
0xb: {  	s4 =	sadd.s32 s9, s16;
	s6 =	sor.u32 s3, s18;
	s8 =	sadd.s32 s19, s2  }
0xc: {  	s4 =	sshrl.u32 s4, $0x3;
	s7 =	smul.u32 $0x7A80, s6;
	s0 =	smax.u32 s0, $0x1  }
0xd: {  	s23 =	sadd.s32 $0x1880, s8;
	s24 =	sadd.s32 $0x3100, s8;
	s25 =	sadd.s32 $0x4980, s8  }
0xe: {  	s14 =	sadd.s32 $0x6200, s8;
	s15 =	sadd.s32 $0x7A80, s8;
	[dreg:$0x6] =	wrdreg s0  }
0xf: {  	s16 =	sadd.s32 $0x9300, s8;
	s17 =	sadd.s32 $0xAB80, s8;
	[dreg:$0x7] =	wrdreg s23  }
0x10: {  	s18 =	sadd.s32 $0xC400, s8;
	s19 =	sadd.s32 $0xDC80, s8;
	[dreg:$0x8] =	wrdreg s24  }
0x11: {  	s1 =	sadd.s32 s1, s4;
	[dreg:$0x9] =	wrdreg s25;
	s0 =	sadd.s32 s26, s9  }
0x12: {  	s23 =	simm.s32 $0x8800;
	s24 =	simm.s32 $0x8400;
	s25 =	sshrl.u32 s20, $0x3  }
0x13: {  	v0 =	vimm.s32 $0x0;
	v1 =	vimm.s32 $0x1;
	v2 =	vlaneseq.u32;
	s26 =	simm.s32 $0x1880;
	[dreg:$0x5] =	wrdreg s1;
	s11 =	sor.u32 $0x1, s0  }
.LBB2_1:
0x14: {  	s0 =	rddreg [dreg:$0x1];
	s1 =	simm.s32 $0x0  }
0x15: {  	[tilespmem:s1], [sflag:$0x2] =	stream.linear.gather [hbm4b:s0+s1], $0x8000, $0x38;
	[tilespmem:$0x1DF00] =	vst v63  }
0x16: {  	_ =	swait.ge [sflag:s21], $0x8000  }
0x17: {  	[sflag:s21] =	ssyncset.done $0x0  }
0x18: {  	s0 =	simm.s32 $0x0;
	[sflag:s21] =	ssyncadd.s32 $0xFFFF8000  }
.LBB2_2:
0x19: {  	p0 =	sne.s32 s0, $0xFC0  }
.Ltmp0:
0x1a: {  	_ = 	snop;
	(pc) =	sbr.rel @p0 .LBB2_2-.Ltmp0, $4  }
0x1b: {  	_ = 	snop  }
0x1c: {  	s1 =	sshra.s32 s0, $0x2  }
0x1d: {  	[tilespmem:s1+$0x8000] =	vst v0  }
0x1e: {  	s0 =	sadd.s32 $0x40, s0;
	[tilespmem:s1+$0x8400] =	vst v0  }
0x1f: {  	s0 =	simm.s32 $0x0;
	s1 =	simm.s32 $0x20;
	s4 =	simm.s32 $0x0  }
.LBB2_4:
0x20: {  	p0 =	sne.s32 s4, s6  }
.Ltmp1:
0x21: {  	_ = 	snop;
	(pc) =	sbr.rel @p0 .LBB2_8-.Ltmp1, $1  }
0x22: {  	_ =	sdelay $0x3  }
0x23: {  	s3 =	sshra.s32 s0, $0x2  }
0x24: {  	s9 =	sadd.s32 $0x40, s0;
	v3 =	vld [tilespmem:s3+$0x8000]  }
.LBB2_6:
0x25: {  	p0 =	sne.s32 s9, $0xFC0  }
.Ltmp2:
0x26: {  	_ = 	snop;
	(pc) =	sbr.rel @p0 .LBB2_6-.Ltmp2, $3  }
0x27: {  	_ =	sdelay $0x1  }
0x28: {  	[tilespmem:s3+$0x8400] =	vst v3;
	s3 =	sshra.s32 s9, $0x2;
	s9 =	sadd.s32 $0x40, s9  }
0x29: {  	v3 =	vld [tilespmem:s3+$0x8000]  }
0x2a: {  	_ =	sdelay $0x3  }
0x2b: {  	[tilespmem:s3+$0x8400] =	vst v3  }
.LBB2_8:
0x2c: {  	v3 =	vmov s1;
	_ =	sdelay $0x3  }
0x2d: {  	s3 =	simm.s32 $0x0;
	s9 =	simm.s32 $0x100  }
.LBB2_9:
0x2e: {  	p0 =	sne.s32 s9, $0xF00;
	v4 =	vld.idx.msk [tilespmem:v3+s3+$0xFFFFFFE0 ss:$0x1], $0xffff  }
0x2f: {  	v5 =	vld [tilespmem:s3+$0x8000];
	_ =	sdelay $0x4  }
0x30: {  	v4 =	vadd.s32 v5, v4  }
0x31: {  	[tilespmem:s3+$0x8000] =	vst v4  }
0x32: {  	v4 =	vld.idx.msk [tilespmem:v3+s3+$0xFFFFFFF0 ss:$0x1], $0xffff  }
0x33: {  	v5 =	vld [tilespmem:s3+$0x8010];
	_ =	sdelay $0x4  }
0x34: {  	v4 =	vadd.s32 v5, v4  }
0x35: {  	[tilespmem:s3+$0x8010] =	vst v4  }
0x36: {  	v4 =	vld.idx.msk [tilespmem:v3+s3+$0x0 ss:$0x1], $0xffff  }
0x37: {  	v5 =	vld [tilespmem:s3+$0x8020];
	_ =	sdelay $0x4  }
0x38: {  	v4 =	vadd.s32 v5, v4  }
0x39: {  	[tilespmem:s3+$0x8020] =	vst v4  }
0x3a: {  	v4 =	vld.idx.msk [tilespmem:v3+s3+$0x10 ss:$0x1], $0xffff  }
0x3b: {  	v5 =	vld [tilespmem:s3+$0x8030];
	_ =	sdelay $0x1  }
.Ltmp3:
0x3c: {  	(pc) =	sbr.rel @p0 .LBB2_9-.Ltmp3, $3  }
0x3d: {  	_ =	sdelay $0x1  }
0x3e: {  	v4 =	vadd.s32 v5, v4  }
0x3f: {  	[tilespmem:s3+$0x8030] =	vst v4;
	s3 =	sshra.s32 s9, $0x2;
	s9 =	sadd.s32 $0x100, s9  }
0x40: {  	_ =	sdelay $0x3  }
0x41: {  	v4 =	vld.idx.msk [tilespmem:v3+s3+$0xFFFFFFE0 ss:$0x1], $0xffff  }
0x42: {  	v5 =	vld [tilespmem:s3+$0x8000];
	_ =	sdelay $0x4  }
0x43: {  	v4 =	vadd.s32 v5, v4  }
0x44: {  	v61 =	vld [tilespmem:s3+$0x8010];
	[tilespmem:s3+$0x8000] =	vst v4  }
0x45: {  	v4 =	vld.idx.msk [tilespmem:v3+s3+$0xFFFFFFF0 ss:$0x1], $0xffff;
	_ =	sdelay $0x4  }
0x46: {  	v4 =	vadd.s32 v61, v4  }
0x47: {  	v62 =	vld [tilespmem:s3+$0x8020];
	[tilespmem:s3+$0x8010] =	vst v4  }
0x48: {  	v4 =	vld.idx.msk [tilespmem:v3+s3+$0x0 ss:$0x1], $0xffff;
	_ =	sdelay $0x4  }
0x49: {  	v4 =	vadd.s32 v62, v4  }
0x4a: {  	v63 =	vld [tilespmem:s3+$0x8030];
	[tilespmem:s3+$0x8020] =	vst v4  }
0x4b: {  	s4 =	sadd.s32 $0x1, s4;
	v3 =	vld.idx.msk [tilespmem:v3+s3+$0x10 ss:$0x1], $0xffff  }
0x4c: {  	p0 =	sne.s32 s4, $0x20  }
.Ltmp4:
0x4d: {  	_ = 	snop;
	(pc) =	sbr.rel @p0 .LBB2_4-.Ltmp4, $3  }
0x4e: {  	_ =	sdelay $0x1  }
0x4f: {  	v3 =	vadd.s32 v63, v3  }
0x50: {  	s1 =	sadd.s32 $0x400, s1;
	s9 =	simm.s32 $0x0;
	[tilespmem:s3+$0x8030] =	vst v3  }
0x51: {  	s0 =	simm.s32 $0x0  }
0x52: {  	v4 =	vld [tilespmem:s0+$0x8000];
	_ =	sdelay $0x4  }
0x53: {  	(xrf0) =	vadd.scan.msk.s32 $0xffff, v4;
	_ =	sdelay $0x1  }
0x54: {  	s10 =	simm.s32 $0x10  }
0x55: {  	v5 =	vld [tilespmem:s10+$0x8000];
	_ =	sdelay $0x2  }
0x56: {  	v6, _, _ =	vpop (xrf0)  }
0x57: {  	(v2sf) =	vpush v6, $0xF  }
0x58: {  	v7 =	vld [tilespmem:s0+$0x8400];
	(xrf0) =	vadd.scan.msk.s32 $0xffff, v5;
	_ =	sdelay $0x1  }
0x59: {  	s4 =	simm.s32 $0x20  }
0x5a: {  	v3 =	vld [tilespmem:s4+$0x8000]  }
0x5b: {  	v4 =	vsub.s32 s9, v4  }
0x5c: {  	v4 =	vadd.s32 v7, v4  }
0x5d: {  	v7 =	vadd.s32 v6, v4;
	v6, _, _ =	vpop (xrf0)  }
0x5e: {  	(v2sf) =	vpush v6, $0xF  }
0x5f: {  	(xrf0) =	vadd.scan.msk.s32 $0xffff, v3;
	_ =	sdelay $0x1  }
0x60: {  	s3 =	simm.s32 $0x30  }
0x61: {  	v4 =	vld [tilespmem:s3+$0x8000];
	[tilespmem:s0+$0x8400] =	vst v7  }
0x62: {  	v8 =	vld [tilespmem:s10+$0x8400]  }
0x63: {  	s1 =	simm.s32 $0x40  }
0x64: {  	s20 =	simm.s32 $0x100;
	s12 =	simm.s32 $0x140;
	v7, _, _ =	vpop (xrf0);
	s13 =	spop (v2sf)  }
.LBB2_12:
0x65: {  	p0 =	sne.s32 s12, $0xFC0;
	(v2sf) =	vpush v7, $0xF;
	s9 =	sadd.s32 s9, s13  }
0x66: {  	(xrf0) =	vadd.scan.msk.s32 $0xffff, v4;
	v9 =	vsub.s32 s9, v5;
	v5 =	vmov v3;
	v3 =	vmov v4  }
0x67: {  	v4 =	vadd.s32 v8, v9  }
.Ltmp5:
0x68: {  	s13 =	sshra.s32 s20, $0x2;
	s20 =	smov.u32 s12;
	v8 =	vadd.s32 v6, v4;
	v6 =	vmov v7;
	(pc) =	sbr.rel @p0 .LBB2_12-.Ltmp5, $3  }
0x69: {  	v4 =	vld [tilespmem:s13+$0x8000];
	[tilespmem:s10+$0x8400] =	vst v8;
	s10 =	smov.u32 s4;
	s4 =	smov.u32 s3;
	s3 =	smov.u32 s13  }
0x6a: {  	v8 =	vld [tilespmem:s10+$0x8400];
	_ =	sdelay $0x1  }
0x6b: {  	s12 =	sadd.s32 $0x40, s12;
	v7, _, _ =	vpop (xrf0);
	s13 =	spop (v2sf)  }
0x6c: {  	s9 =	sadd.s32 s9, s13  }
0x6d: {  	v5 =	vsub.s32 s9, v5  }
0x6e: {  	(v2sf) =	vpush v7, $0xF;
	s12 =	sshra.s32 s20, $0x2;
	v5 =	vadd.s32 v8, v5  }
0x6f: {  	(xrf0) =	vadd.scan.msk.s32 $0xffff, v4;
	v9 =	vld [tilespmem:s12+$0x8000];
	v5 =	vadd.s32 v6, v5  }
0x70: {  	[tilespmem:s10+$0x8400] =	vst v5  }
0x71: {  	v5 =	vld [tilespmem:s4+$0x8400];
	_ =	sdelay $0x1  }
0x72: {  	s20 =	spop (v2sf)  }
0x73: {  	(xrf0) =	vadd.scan.msk.s32 $0xffff, v9;
	s9 =	sadd.s32 s9, s20  }
0x74: {  	v60, _, _ =	vpop (xrf0);
	v3 =	vsub.s32 s9, v3  }
0x75: {  	(v2sf) =	vpush v60, $0xF;
	v3 =	vadd.s32 v5, v3  }
0x76: {  	v3 =	vadd.s32 v7, v3;
	_ =	sdelay $0x2  }
0x77: {  	[tilespmem:s4+$0x8400] =	vst v3;
	v3, _, _ =	vpop (xrf0)  }
0x78: {  	v61 =	vld [tilespmem:s3+$0x8400];
	(v2sf) =	vpush v3, $0xF;
	_ =	sdelay $0x1  }
0x79: {  	s10 =	spop (v2sf)  }
0x7a: {  	s4 =	sadd.s32 s9, s10  }
0x7b: {  	v62 =	vsub.s32 s4, v4  }
0x7c: {  	v4 =	vadd.s32 v61, v62  }
0x7d: {  	v4 =	vadd.s32 v60, v4  }
0x7e: {  	[tilespmem:s3+$0x8400] =	vst v4  }
0x7f: {  	v4 =	vld [tilespmem:s12+$0x8400];
	_ =	sdelay $0x1  }
0x80: {  	s13 =	spop (v2sf)  }
0x81: {  	s3 =	sadd.s32 s4, s13  }
0x82: {  	v63 =	vsub.s32 s3, v9  }
0x83: {  	v4 =	vadd.s32 v4, v63  }
0x84: {  	v3 =	vadd.s32 v3, v4  }
0x85: {  	[tilespmem:s12+$0x8400] =	vst v3;
	s20 =	spop (v2sf)  }
.LBB2_14:
0x86: {  	p0 =	sne.s32 s1, $0x61C0;
	[tilespmem:s0+$0xD180] =	vst v0;
	s0 =	smov.u32 s1;
	s1 =	sadd.s32 $0x40, s1  }
.Ltmp6:
0x87: {  	(pc) =	sbr.rel @p0 .LBB2_14-.Ltmp6, $2  }
0x88: {  	_ =	sdelay $0x2  }
0x89: {  	s0 =	sshra.s32 s0, $0x2  }
0x8a: {  	[tilespmem:s0+$0xD180] =	vst v0  }
0x8b: {  	[spmem:s8] =	stream.linear.scatter [tilespmem:s22], [sflag:$0x2], $0x1880, $0x38;
	[tilespmem:$0x1DF00] =	vst v63  }
0x8c: {  	_ =	swait.ge [sflag:s21], $0x1880  }
0x8d: {  	[sflag:s21] =	ssyncset.done $0x0  }
0x8e: {  	s12 =	rddreg [dreg:$0x7];
	[sflag:s21] =	ssyncadd.s32 $0xFFFFE780  }
0x8f: {  	[spmem:s12] =	stream.linear.scatter [tilespmem:s22], [sflag:$0x2], $0x1880, $0x38;
	[tilespmem:$0x1DF00] =	vst v63  }
0x90: {  	_ =	swait.ge [sflag:s21], $0x1880  }
0x91: {  	[sflag:s21] =	ssyncset.done $0x0  }
0x92: {  	s13 =	rddreg [dreg:$0x8];
	[sflag:s21] =	ssyncadd.s32 $0xFFFFE780  }
0x93: {  	[spmem:s13] =	stream.linear.scatter [tilespmem:s22], [sflag:$0x2], $0x1880, $0x38;
	[tilespmem:$0x1DF00] =	vst v63  }
0x94: {  	_ =	swait.ge [sflag:s21], $0x1880  }
0x95: {  	[sflag:s21] =	ssyncset.done $0x0  }
0x96: {  	s20 =	rddreg [dreg:$0x9];
	[sflag:s21] =	ssyncadd.s32 $0xFFFFE780  }
0x97: {  	[spmem:s20] =	stream.linear.scatter [tilespmem:s22], [sflag:$0x2], $0x1880, $0x38;
	[tilespmem:$0x1DF00] =	vst v63  }
0x98: {  	_ =	swait.ge [sflag:s21], $0x1880  }
0x99: {  	[sflag:s21] =	ssyncset.done $0x0  }
0x9a: {  	[sflag:s21] =	ssyncadd.s32 $0xFFFFE780  }
0x9b: {  	[spmem:s14] =	stream.linear.scatter [tilespmem:s22], [sflag:$0x2], $0x1880, $0x38;
	[tilespmem:$0x1DF00] =	vst v63  }
0x9c: {  	_ =	swait.ge [sflag:s21], $0x1880  }
0x9d: {  	[sflag:s21] =	ssyncset.done $0x0  }
0x9e: {  	[sflag:s21] =	ssyncadd.s32 $0xFFFFE780  }
0x9f: {  	[spmem:s15] =	stream.linear.scatter [tilespmem:s22], [sflag:$0x2], $0x1880, $0x38;
	[tilespmem:$0x1DF00] =	vst v63  }
0xa0: {  	_ =	swait.ge [sflag:s21], $0x1880  }
0xa1: {  	[sflag:s21] =	ssyncset.done $0x0  }
0xa2: {  	[sflag:s21] =	ssyncadd.s32 $0xFFFFE780  }
0xa3: {  	[spmem:s16] =	stream.linear.scatter [tilespmem:s22], [sflag:$0x2], $0x1880, $0x38;
	[tilespmem:$0x1DF00] =	vst v63  }
0xa4: {  	_ =	swait.ge [sflag:s21], $0x1880  }
0xa5: {  	[sflag:s21] =	ssyncset.done $0x0  }
0xa6: {  	[sflag:s21] =	ssyncadd.s32 $0xFFFFE780  }
0xa7: {  	[spmem:s17] =	stream.linear.scatter [tilespmem:s22], [sflag:$0x2], $0x1880, $0x38;
	[tilespmem:$0x1DF00] =	vst v63  }
0xa8: {  	_ =	swait.ge [sflag:s21], $0x1880  }
0xa9: {  	[sflag:s21] =	ssyncset.done $0x0  }
0xaa: {  	[sflag:s21] =	ssyncadd.s32 $0xFFFFE780  }
0xab: {  	[spmem:s18] =	stream.linear.scatter [tilespmem:s22], [sflag:$0x2], $0x1880, $0x38;
	[tilespmem:$0x1DF00] =	vst v63  }
0xac: {  	_ =	swait.ge [sflag:s21], $0x1880  }
0xad: {  	[sflag:s21] =	ssyncset.done $0x0  }
0xae: {  	[sflag:s21] =	ssyncadd.s32 $0xFFFFE780  }
0xaf: {  	[spmem:s19] =	stream.linear.scatter [tilespmem:s22], [sflag:$0x2], $0x1880, $0x38;
	[tilespmem:$0x1DF00] =	vst v63  }
0xb0: {  	_ =	swait.ge [sflag:s21], $0x1880  }
0xb1: {  	[sflag:s21] =	ssyncset.done $0x0  }
0xb2: {  	s0 =	simm.s32 $0x0;
	[sflag:s21] =	ssyncadd.s32 $0xFFFFE780  }
0xb3: {  	s4 =	simm.s32 $0x0;
	s20 =	smov.u32 s11;
	[bflag:$0x0] =	sbarrier.arrive $0xFFFF  }
.LBB2_16:
0xb4: {  	s1 =	smul.u32 $0x1880, s4;
	_ =	sdelay $0x1  }
0xb5: {  	s1 =	sadd.s32 s7, s1  }
0xb6: {  	s1 =	sshrl.u32 s1, $0x3  }
0xb7: {  	s1 =	sadd.s32 s5, s1  }
0xb8: {  	[tilespmem:s23], [sflag:$0x2] =	stream.linear.gather [hbm4b:s1+s0], $0x1880, $0x38;
	[tilespmem:$0x1DF00] =	vst v63  }
0xb9: {  	_ =	swait.ge [sflag:s21], $0x1880  }
0xba: {  	[sflag:s21] =	ssyncset.done $0x0  }
0xbb: {  	s9 =	simm.s32 $0x0;
	[sflag:s21] =	ssyncadd.s32 $0xFFFFE780  }
0xbc: {  	v3 =	vld [tilespmem:s9+$0x8800];
	_ =	sdelay $0x4  }
0xbd: {  	v3 =	vshrl.u32 v3, $0xA  }
0xbe: {  	v3 =	vand.u32 $0x3FF, v3  }
0xbf: {  	(xrf1) =	vunique.msk.u32 $0xffff, v3;
	_ =	sdelay $0x5  }
0xc0: {  	v4 =	vld.idx.msk [tilespmem:v3+s24+$0x0], $0xffff  }
0xc1: {  	s3 =	simm.s32 $0x10;
	[tilespmem:v3+s24+$0x0] =	vst.idx.add.s32.msk $0xffff, v1  }
0xc2: {  	v3 =	vld [tilespmem:s3+$0x8800];
	_ =	sdelay $0x4  }
0xc3: {  	v3 =	vshrl.u32 v3, $0xA  }
0xc4: {  	v3 =	vand.u32 $0x3FF, v3;
	_, v5, _ =	vpop (xrf1)  }
0xc5: {  	(xrf1) =	vunique.msk.u32 $0xffff, v3;
	v4 =	vadd.s32 v5, v4;
	v5 =	vadd.s32 s20, v2  }
0xc6: {  	s10 =	simm.s32 $0x80;
	s1 =	smov.u32 s20;
	[tilespmem:s9+$0xA080] =	vst v5;
	v4 =	vadd.s32 $0xFFFFFFFF, v4  }
.LBB2_17:
0xc7: {  	p0 =	sne.s32 s10, $0x61C0;
	s1 =	sadd.s32 $0x10, s1  }
0xc8: {  	[tilespmem:s9+$0xB900] =	vst v4;
	s12 =	smov.u32 s10;
	s10 =	sadd.s32 $0x40, s10;
	s9 =	smov.u32 s3  }
0xc9: {  	_ = 	snop  }
0xca: {  	v4 =	vld.idx.msk [tilespmem:v3+s24+$0x0], $0xffff  }
0xcb: {  	s3 =	sshra.s32 s12, $0x2;
	[tilespmem:v3+s24+$0x0] =	vst.idx.add.s32.msk $0xffff, v1;
	v3 =	vadd.s32 s1, v2  }
0xcc: {  	v5 =	vld [tilespmem:s3+$0x8800];
	[tilespmem:s9+$0xA080] =	vst v3;
	_ =	sdelay $0x4  }
.Ltmp7:
0xcd: {  	v3 =	vshrl.u32 v5, $0xA;
	(pc) =	sbr.rel @p0 .LBB2_17-.Ltmp7, $4  }
0xce: {  	v3 =	vand.u32 $0x3FF, v3  }
0xcf: {  	(xrf1) =	vunique.msk.u32 $0xffff, v3;
	_, v5, _ =	vpop (xrf1)  }
0xd0: {  	v4 =	vadd.s32 v5, v4  }
0xd1: {  	v4 =	vadd.s32 $0xFFFFFFFF, v4  }
0xd2: {  	_ =	sdelay $0x5  }
0xd3: {  	[tilespmem:s9+$0xB900] =	vst v4  }
0xd4: {  	v4 =	vld.idx.msk [tilespmem:v3+s24+$0x0], $0xffff;
	_ =	sdelay $0x3  }
0xd5: {  	s1 =	sadd.s32 $0x10, s1;
	_, v5, _ =	vpop (xrf1)  }
0xd6: {  	s4 =	sadd.s32 $0x1, s4;
	[tilespmem:v3+s24+$0x0] =	vst.idx.add.s32.msk $0xffff, v1;
	v63 =	vadd.s32 s1, v2;
	v3 =	vadd.s32 v5, v4  }
0xd7: {  	p0 =	sne.s32 s4, $0x5;
	[tilespmem:s3+$0xA080] =	vst v63;
	v3 =	vadd.s32 $0xFFFFFFFF, v3  }
.Ltmp8:
0xd8: {  	[tilespmem:s3+$0xB900] =	vst v3;
	(pc) =	sbr.rel @p0 .LBB2_16-.Ltmp8, $4  }
0xd9: {  	[spmem:s2] =	stream.indirect.scatter [tilespmem:s29], [sflag:$0x1], $0x1, s28, s26, $0xb8;
	[tilespmem:$0x1DF00] =	vst v63  }
0xda: {  	_ =	swait.ge [sflag:s30], $0x1880  }
0xdb: {  	[sflag:s30] =	ssyncset.done $0x0  }
0xdc: {  	s20 =	sadd.s32 $0x1880, s20;
	[sflag:s30] =	ssyncadd.s32 $0xFFFFE780  }
0xdd: {  	s0 =	stileid.u32  }
0xde: {  	[bflag:$0x0] =	sbarrier.arrive $0xFFFF;
	s0 =	sshll.u32 s0, $0x6  }
0xdf: {  	s1 =	rddreg [dreg:$0x5];
	s0 =	sor.u32 $0x1C02, s0  }
0xe0: {  	[hbm:s1], [sflag:s0] =	dma.local [spmem:s25], $0x1EA0  }
0xe1: {  	_ =	swait.ge [sflag:s21], $0x1EA0  }
0xe2: {  	s31 =	sadd.s32 $0x1, s31;
	s20 =	rddreg [dreg:$0x6]  }
0xe3: {  	p0 =	sne.s32 s31, s20  }
.Ltmp9:
0xe4: {  	_ = 	snop;
	(pc) =	sbr.rel @p0 .LBB2_1-.Ltmp9, $3  }
0xe5: {  	_ =	sdelay $0x1  }
0xe6: {  	[sflag:s21] =	ssyncset.done $0x0  }
0xe7: {  	[sflag:s21] =	ssyncadd.s32 $0xFFFFE160  }
0xe8: {  	_ =	sfence.sel $0x180000  }
0xe9: {  	[bflag:$0x0] =	sbarrier.arrive $0xFFFF  }
0xea: {  	_ =	strace $0x90000050  }
0xeb: {  	s0 =	stileid.u32;
	[bflag:$0x2] =	sbarrier.arrive $0xFFFF  }
0xec: {  	p0 =	sne.s32 s0, $0x0;
	s0 =	rddreg [dreg:$0x4]  }
0xed: {  	s0 =	sadd.s32 @!p0 $0x100000, s0  }
0xee: {  	[sflag:s0] =	ssyncadd.tile.s32 @!p0 $0x1;
	_ =	shalt  }
.Lfunc_end2:
_tile_overlayer_lowered:
.L_overlay_start_2:
0xef: {  	(tag) =	ssettag $0x2  }
0xf0: {  	s0 =	rddreg [dreg:$0x0];
	s2 =	stileid.u32  }
0xf1: {  	s1 =	rddreg [dreg:$0x1];
	p0 =	sne.s32 s2, $0x0  }
0xf2: {  	s3 =	rddreg [dreg:$0x2];
	[bflag:$0x3] =	sbarrier.arrive $0xFFFF;
	s2 =	simm.s32 @!p0 $0x1C02  }
0xf3: {  	[timem:s3], [sflag:s2] =	dma.local @!p0 [hbm:s0], s1  }
0xf4: {  	s0 =	simm.s32 @!p0 $0x2  }
0xf5: {  	_ =	swait.ge @!p0 [sflag:s0], s1  }
0xf6: {  	s1 =	ssub.s32 @!p0 $0x0, s1;
	[sflag:s0] =	ssyncset.done @!p0 $0x0  }
0xf7: {  	[sflag:s0] =	ssyncadd.s32 @!p0 s1  }
0xf8: {  	[bflag:$0x3] =	sbarrier.arrive $0xFFFF  }
0xf9: {  	_ =	shalt  }

// kernel: kernel.22.cloned.1.call-start
scs
__scs_entry_jumppad:
0x0: {  	(pc) =	sbr.rel $0x88, $3  }
0x1: {  	(tag) =	ssettag $0x0;
	lr =	simm.s32 $0x1  }
0x2: {  	[smem:$0x3F9F] =	sst lr;
	_ =	strace $0xD0000000  }
0x3: {  	_ = 	snop  }
0x4: {  	_ = 	snop  }
0x5: {  	_ = 	snop  }
0x6: {  	_ = 	snop  }
0x7: {  	_ = 	snop  }
__scs_overlays_trampoline_lowered:
0x8: {  	[smem:$0x3FAE] =	sst s0  }
0x9: {  	[smem:$0x3FAF] =	sst s1  }
0xa: {  	[smem:$0x3FB0] =	sst s2  }
0xb: {  	[smem:$0x3FB1] =	sst s3  }
0xc: {  	[smem:$0x3FB2] =	sst s4  }
0xd: {  	[smem:$0x3FB3] =	sst s5  }
0xe: {  	[smem:$0x3FB4] =	sst s6  }
0xf: {  	[smem:$0x3FB5] =	sst s7  }
0x10: {  	[smem:$0x3FB6] =	sst s8  }
0x11: {  	[smem:$0x3FB7] =	sst s9;
	s0 =	simm.s32 @!p0 $0x0  }
0x12: {  	s1 =	sld [smem:$0x3F9D];
	s0 =	simm.s32 @p0 $0x1  }
0x13: {  	[smem:$0x3FB8] =	sst s0;
	s0 =	simm.s32 @!p1 $0x0  }
0x14: {  	s2 =	sld [smem:$0x3F9C];
	s0 =	simm.s32 @p1 $0x1  }
0x15: {  	[smem:$0x3FB9] =	sst s0;
	s0 =	simm.s32 @!p2 $0x0  }
0x16: {  	s3 =	sld [smem:$0x3FDB];
	s0 =	simm.s32 @p2 $0x1  }
0x17: {  	s4 =	simm.s32 $0x1BF5;
	[smem:$0x3FBB] =	sst s0  }
0x18: {  	s0 =	sld [smem:$0x3F9E];
	_ =	swait.ge [sflag:s4], $0x0  }
0x19: {  	s7 =	sld [smem:$0x3F9F]  }
0x1a: {  	s8 =	sadd.s32 $0xFFFFE003, lr  }
0x1b: {  	s9 =	sadd.s32 $0xFFFFFEF7, lr;
	s5 =	simm.s32 $0xFFFFFFFF;
	p2 =	slt.u32 s8, $0xFFFFF086  }
0x1c: {  	p1 =	slt.u32 s9, $0xF7A;
	s5 =	simm.s32 @!p2 $0x0  }
0x1d: {  	s5 =	simm.s32 @p1 $0x1;
	p0 =	seq.s32 s7, s2  }
0x1e: {  	s7 =	smul.u32 @!p0 $0xF7A, s2;
	p2 =	seq.s32 @!p0 s5, $0x0  }
0x1f: {  	s9 =	smul.u32 $0xF7A, s1;
	s8 =	simm.s32 @!p0 $0x1BF5;
	p2 =	por !p2, p0  }
0x20: {  	[sflag:s8] =	ssyncset.s32 @!p0 $0xFFFFF086;
	s6 =	sadd.s32 @!p0 s3, s7;
	s7 =	simm.s32 @!p0 $0x108  }
0x21: {  	s3 =	sadd.s32 s3, s9;
	s6 =	sadd.s32 @!p0 $0x88, s6;
	s7 =	simm.s32 @p2 $0x1082  }
0x22: {  	[simem:s7], [sflag:s8] =	dma.local @!p0 [hbm:s6], $0xF7A  }
0x23: {  	s9 =	sor.u32 $0xD0000000, s2;
	s6 =	simm.s32 $0x108;
	_ =	swait.ge @!p0 [sflag:s8], $0x0  }
0x24: {  	s3 =	sadd.s32 $0x88, s3;
	s6 =	simm.s32 @!p1 $0x1082;
	[sflag:s4] =	ssyncset.s32 $0xFFFFF086  }
0x25: {  	[simem:s6], [sflag:s4] =	dma.local [hbm:s3], $0xF7A  }
0x26: {  	[smem:$0x3F9F] =	sst s1;
	(tag) =	ssettag s2;
	_ =	strace s9  }
0x27: {  	s1 =	sld [smem:$0x3FAF]  }
0x28: {  	s2 =	sld [smem:$0x3FB0]  }
0x29: {  	s4 =	sld [smem:$0x3FB2]  }
0x2a: {  	p0 =	seq.s32 s5, $0x0;
	s5 =	sld [smem:$0x3FB3]  }
0x2b: {  	s6 =	sld [smem:$0x3FB4]  }
0x2c: {  	s7 =	sld [smem:$0x3FB5]  }
0x2d: {  	s3 =	simm.s32 $0x108;
	s8 =	sld [smem:$0x3FB6]  }
0x2e: {  	s3 =	simm.s32 @!p0 $0x1082;
	s9 =	sld [smem:$0x3FB7]  }
0x2f: {  	lr =	sadd.s32 s0, s3;
	s0 =	sld [smem:$0x3FAE]  }
0x30: {  	s3 =	sld [smem:$0x3FB1]  }
0x31: {  	[smem:$0x3FBA] =	sst s10  }
0x32: {  	s10 =	sld [smem:$0x3FB8];
	_ =	sdelay $0x3  }
0x33: {  	p0 =	seq.s32 s10, $0x1;
	s10 =	sld [smem:$0x3FBA];
	_ =	sdelay $0x3  }
0x34: {  	[smem:$0x3FBA] =	sst s10  }
0x35: {  	s10 =	sld [smem:$0x3FB9];
	_ =	sdelay $0x3  }
0x36: {  	p1 =	seq.s32 s10, $0x1;
	s10 =	sld [smem:$0x3FBA];
	_ =	sdelay $0x3  }
0x37: {  	[smem:$0x3FBA] =	sst s10  }
0x38: {  	s10 =	sld [smem:$0x3FBB]  }
0x39: {  	_ = 	snop;
	(pc) =	sbr.ind lr, $3  }
0x3a: {  	_ = 	snop  }
0x3b: {  	_ = 	snop  }
0x3c: {  	p2 =	seq.s32 s10, $0x1;
	s10 =	sld [smem:$0x3FBA]  }
0x3d: {  	_ =	shalt  }
0x3e: {  	_ =	shalt  }
0x3f: {  	_ =	shalt  }
0x40: {  	_ =	shalt  }
0x41: {  	_ =	shalt  }
0x42: {  	_ =	shalt  }
0x43: {  	_ =	shalt  }
0x44: {  	_ =	shalt  }
0x45: {  	_ =	shalt  }
0x46: {  	_ =	shalt  }
0x47: {  	_ =	shalt  }
0x48: {  	_ =	shalt  }
0x49: {  	_ =	shalt  }
0x4a: {  	_ =	shalt  }
0x4b: {  	_ =	shalt  }
0x4c: {  	_ =	shalt  }
0x4d: {  	_ =	shalt  }
0x4e: {  	_ =	shalt  }
0x4f: {  	_ =	shalt  }
0x50: {  	_ =	shalt  }
0x51: {  	_ =	shalt  }
0x52: {  	_ =	shalt  }
0x53: {  	_ =	shalt  }
0x54: {  	_ =	shalt  }
0x55: {  	_ =	shalt  }
0x56: {  	_ =	shalt  }
0x57: {  	_ =	shalt  }
0x58: {  	_ =	shalt  }
0x59: {  	_ =	shalt  }
0x5a: {  	_ =	shalt  }
0x5b: {  	_ =	shalt  }
0x5c: {  	_ =	shalt  }
0x5d: {  	_ =	shalt  }
0x5e: {  	_ =	shalt  }
0x5f: {  	_ =	shalt  }
0x60: {  	_ =	shalt  }
0x61: {  	_ =	shalt  }
0x62: {  	_ =	shalt  }
0x63: {  	_ =	shalt  }
0x64: {  	_ =	shalt  }
0x65: {  	_ =	shalt  }
0x66: {  	_ =	shalt  }
0x67: {  	_ =	shalt  }
0x68: {  	_ =	shalt  }
0x69: {  	_ =	shalt  }
0x6a: {  	_ =	shalt  }
0x6b: {  	_ =	shalt  }
0x6c: {  	_ =	shalt  }
0x6d: {  	_ =	shalt  }
0x6e: {  	_ =	shalt  }
0x6f: {  	_ =	shalt  }
0x70: {  	_ =	shalt  }
0x71: {  	_ =	shalt  }
0x72: {  	_ =	shalt  }
0x73: {  	_ =	shalt  }
0x74: {  	_ =	shalt  }
0x75: {  	_ =	shalt  }
0x76: {  	_ =	shalt  }
0x77: {  	_ =	shalt  }
0x78: {  	_ =	shalt  }
0x79: {  	_ =	shalt  }
0x7a: {  	_ =	shalt  }
0x7b: {  	_ =	shalt  }
0x7c: {  	_ =	shalt  }
0x7d: {  	_ =	shalt  }
0x7e: {  	_ =	shalt  }
0x7f: {  	_ =	shalt  }
0x80: {  	_ =	shalt  }
0x81: {  	_ =	shalt  }
0x82: {  	_ =	shalt  }
0x83: {  	_ =	shalt  }
0x84: {  	_ =	shalt  }
0x85: {  	_ =	shalt  }
0x86: {  	_ =	shalt  }
0x87: {  	_ =	shalt  }
.Lfunc_end0:
.L_simem_size_0:
called_computation.4_lowered:
.L_overlay_start_0:
0x88: {  	s2 =	sld [smem:$0x3FD9]  }
0x89: {  	s3 =	sld [smem:$0x3FFE];
	_ =	sdelay $0x1  }
0x8a: {  	s1 =	srdreg.scid  }
0x8b: {  	s0 =	sand.u32 $0x1, s1  }
0x8c: {  	s14 =	sshll.u32 s0, $0xA;
	s2 =	sadd.s32 s3, s2  }
0x8d: {  	s2 =	sadd.s32 s2, s14  }
0x8e: {  	[smem:$0x3FC6] =	sst s2  }
0x8f: {  	_ = 	snop  }
0x90: {  	s2 =	sld [smem:$0x3FD0];
	_ =	sdelay $0x2  }
0x91: {  	s15 =	simm.s32 $0xA;
	s4 =	simm.s32 $0x10  }
0x92: {  	[smem:s4], [sflag:s15] =	dma.local [hbm:s2], $0x1  }
0x93: {  	_ =	swait.eq [sflag:s15], $0x1  }
0x94: {  	[sflag:s15] =	ssyncset.done $0x0  }
0x95: {  	s16 =	sld [smem:$0x10];
	[sflag:s15] =	ssyncadd.s32 $0xFFFFFFFF  }
0x96: {  	s17 =	sld [smem:$0x11];
	(tm) =	ssettm $0x1  }
0x97: {  	s18 =	sld [smem:$0x3FFB];
	_ =	sdelay $0x3  }
0x98: {  	_ =	strace s18  }
0x99: {  	s4 =	sld [smem:$0x3FFC];
	_ =	sdelay $0x3  }
0x9a: {  	_ =	strace s4  }
0x9b: {  	s4 =	sld [smem:$0x3FFD];
	_ =	sdelay $0x3  }
0x9c: {  	_ =	strace s4  }
0x9d: {  	_ =	strace $0x8FFFFFFF  }
0x9e: {  	s19 =	sld [smem:$0x3FDB];
	_ =	sdelay $0x1  }
0x9f: {  	s5 =	simm.s32 $_scs_section_size  }
0xa0: {  	s6 =	simm.s32 $_size__tile_overlayer_lowered;
	s7 =	simm.s32 $_tile_overlayer_lowered  }
0xa1: {  	s22 =	simm.s32 $0x1BFF;
	s21 =	sshll.u32 s7, $0x1;
	s4 =	sadd.s32 s5, s19  }
0xa2: {  	s8 =	simm.s32 $0x0;
	s20 =	sshll.u32 s6, $0x1;
	s6 =	sadd.s32 s21, s4  }
0xa3: {  	[timem:s8], [sflag:s22] =	dma.local [hbm:s6], s20  }
0xa4: {  	_ =	swait.ge [sflag:s22], s20  }
0xa5: {  	s5 =	ssub.s32 $0x0, s20;
	[sflag:s22] =	ssyncset.done $0x0  }
0xa6: {  	[sflag:s22] =	ssyncadd.s32 s5;
	_ =	sdelay $0x1  }
0xa7: {  	s23 =	simm.s32 $0x1B8B  }
0xa8: {  	_ =	swait.ge [sflag:s23], $0x1  }
0xa9: {  	[sflag:s23] =	ssyncset.done $0x0  }
0xaa: {  	s25 =	simm.s32 $0x1B8E;
	s24 =	sld [smem:$0x3FFE];
	[sflag:s23] =	ssyncadd.s32 $0xFFFFFFFF  }
0xab: {  	s26 =	simm.s32 $execute0_lowered;
	[smem:$0x3FD2] =	sst s25  }
0xac: {  	s6 =	sshll.u32 s26, $0x1;
	_ =	strace $0x80000052;
	[dreg:$0x1] =	wrdreg $0xFFFFFFFF  }
0xad: {  	s28 =	simm.s32 $_size_execute0_lowered;
	s4 =	sadd.s32 s4, s6;
	[dreg:$0x0] =	wrdreg $0x0  }
0xae: {  	s6 =	sshll.u32 s28, $0x1;
	[dreg:$0x2] =	wrdreg s4  }
0xaf: {  	[dreg:$0x3] =	wrdreg s6  }
0xb0: {  	[dreg:$0x4] =	wrdreg $0xC0  }
0xb1: {  	_ =	task [dreg:s8], $0x5FFFF  }
0xb2: {  	[dreg:$0x1] =	wrdreg $0xFFFFFFFF  }
0xb3: {  	[dreg:$0x0] =	wrdreg $0x60  }
0xb4: {  	[dreg:$0x2] =	wrdreg s16  }
0xb5: {  	[dreg:$0x3] =	wrdreg s24  }
0xb6: {  	[dreg:$0x4] =	wrdreg s17  }
0xb7: {  	[dreg:$0x5] =	wrdreg $0x9  }
0xb8: {  	_ =	task.clear_ibuf [dreg:s8], $0x6FFFF;
	_ =	strace $0x90000052  }
0xb9: {  	s29 =	simm.s32 $0x9;
	_ =	strace $0x80000054  }
0xba: {  	_ =	swait.ge [sflag:s29], $0x1  }
0xbb: {  	[sflag:s29] =	ssyncadd.s32 $0xFFFFFFFF  }
0xbc: {  	_ =	strace $0x90000054  }
0xbd: {  	_ =	sfence  }
0xbe: {  	s30 =	sld [smem:$0x0];
	_ =	sdelay $0x2  }
0xbf: {  	s31 =	sshll.u32 s1, $0xD;
	s1 =	sshrl.u32 s1, $0x2  }
0xc0: {  	s3 =	sand.u32 $0x4000, s31;
	s1 =	sadd.s32 s1, s30  }
0xc1: {  	s0 =	sor.u32 s3, s0;
	s1 =	sshll.u32 s1, $0x11  }
0xc2: {  	s0 =	sor.u32 s1, s0  }
0xc3: {  	s0 =	sadd.s32 $0x8F2B, s0  }
0xc4: {  	[sflag:s0] =	ssyncadd.remote.s32 $0x1  }
0xc5: {  	_ =	sfence.sel $0xFFFF  }
0xc6: {  	[dreg:$0x0] =	wrdreg $0xFFFFFFFF;
	(pc) =	sbr.abs _section_cstart, $3  }
0xc7: {  	[dreg:$0x1] =	wrdreg $0xFFFFFFFF  }
0xc8: {  	_ =	task.clear_ibuf [dreg:s8], $0x2FFFF;
	_ =	strace $0x9FFFFFFF  }
0xc9: {  	(tm) =	ssettm $0x7FFFFFFF  }
tec
execute0_lowered:
.L_overlay_start_1:
0x0: {  	(tag) =	ssettag $0x1  }
0x1: {  	s1 =	rddreg [dreg:$0x0]  }
0x2: {  	s7 =	rddreg [dreg:$0x1]  }
0x3: {  	s9 =	rddreg [dreg:$0x2]  }
0x4: {  	s0 =	rddreg [dreg:$0x3];
	s3 =	simm.s32 $0x0;
	s4 =	srdreg.scid  }
0x5: {  	s2 =	stileid.u32;
	s12 =	simm.s32 $0x1880;
	s13 =	simm.s32 $0x3100  }
0x6: {  	s14 =	simm.s32 $0x4980;
	s15 =	simm.s32 $0x1;
	s16 =	simm.s32 $0x6200  }
0x7: {  	s17 =	simm.s32 $0x0;
	[smem:$0x7FF] =	sst s3;
	s5 =	sand.u32 $0x1, s4  }
0x8: {  	s31 =	sshll.u32 s2, $0x1;
	s4 =	sadd.s32 $0x3200, s7;
	s6 =	sadd.s32 $0x40600, s7  }
0x9: {  	s7 =	sadd.s32 $0x5F000, s7;
	s10 =	sor.u32 s5, s31;
	s8 =	ssub.s32 $0x2, s5  }
0xa: {  	s5 =	smul.u32 $0x7A80, s10;
	s11 =	sshrl.u32 s8, $0x1;
	s10 =	sshll.u32 s10, $0x7  }
0xb: {  	_ =	strace $0x80000053;
	s11 =	ssub.s32 s8, s11;
	s9 =	sadd.s32 s9, s10  }
0xc: {  	v0 =	vimm.s32 $0x0;
	v1 =	vimm.s32 $0x1;
	s8 =	sadd.s32 $0xF5000, s5;
	s10 =	smax.u32 s11, $0x1;
	s11 =	simm.s32 $0x2  }
.LBB2_1:
0xd: {  	s18 =	simm.s32 $0x40;
	s19 =	simm.s32 $0x0  }
.LBB2_2:
0xe: {  	p0 =	sne.s32 s18, $0xFC0;
	[tilespmem:s19+$0x6200] =	vst v0;
	s19 =	smov.u32 s18;
	s18 =	sadd.s32 $0x40, s18  }
.Ltmp0:
0xf: {  	(pc) =	sbr.rel @p0 .LBB2_2-.Ltmp0, $2  }
0x10: {  	_ =	sdelay $0x2  }
0x11: {  	s19 =	sshra.s32 s19, $0x2  }
0x12: {  	[tilespmem:s19+$0x6200] =	vst v0;
	s18 =	simm.s32 $0x0;
	s19 =	simm.s32 $0x0  }
.LBB2_4:
0x13: {  	s21 =	smul.u32 $0x1880, s19;
	_ =	sdelay $0x1  }
0x14: {  	s20 =	sadd.s32 s5, s21  }
0x15: {  	s20 =	sshrl.u32 s20, $0x3  }
0x16: {  	s22 =	sadd.s32 s1, s20  }
0x17: {  	[tilespmem:s18], [sflag:$0x2] =	stream.linear.gather [hbm4b:s22+s18], $0x1880, $0x38;
	[tilespmem:$0x6600] =	vst v63  }
0x18: {  	s21 =	sadd.s32 s21, s8;
	_ =	swait.ge [sflag:s11], $0x1880  }
0x19: {  	s21 =	sshrl.u32 s21, $0x3;
	[sflag:s11] =	ssyncset.done $0x0  }
0x1a: {  	s21 =	sadd.s32 s1, s21;
	[sflag:s11] =	ssyncadd.s32 $0xFFFFE780  }
0x1b: {  	[tilespmem:s12], [sflag:$0x2] =	stream.linear.gather [hbm4b:s21+s18], $0x1880, $0x38;
	[tilespmem:$0x6600] =	vst v63  }
0x1c: {  	_ =	swait.ge [sflag:s11], $0x1880  }
0x1d: {  	[sflag:s11] =	ssyncset.done $0x0  }
0x1e: {  	s22 =	simm.s32 $0x0;
	[sflag:s11] =	ssyncadd.s32 $0xFFFFE780  }
0x1f: {  	v3 =	vld [tilespmem:s22+$0x30]  }
0x20: {  	v6 =	vld [tilespmem:s22+$0x18B0]  }
0x21: {  	v7 =	vld [tilespmem:s22+$0x0]  }
0x22: {  	v8 =	vld [tilespmem:s22+$0x1880]  }
0x23: {  	v4 =	vld [tilespmem:s22+$0x10]  }
0x24: {  	v5 =	vld [tilespmem:s22+$0x1890]  }
0x25: {  	v2 =	vld [tilespmem:s22+$0x20];
	v3 =	vadd.s32 v6, v3  }
0x26: {  	s21 =	simm.s32 $0x40;
	v6 =	vld [tilespmem:s22+$0x18A0];
	v9 =	vadd.s32 $0xFFFFFFFF, v3  }
0x27: {  	s23 =	simm.s32 $0x200;
	v7 =	vadd.s32 v8, v7;
	v3 =	vld [tilespmem:s21+$0x30];
	[tilespmem:s22+$0x3130] =	vst v9  }
.LBB2_5:
0x28: {  	p0 =	sne.s32 s23, $0x6100;
	v8 =	vld [tilespmem:s21+$0x18B0];
	v7 =	vadd.s32 $0xFFFFFFFF, v7  }
0x29: {  	v9 =	vld [tilespmem:s21+$0x0];
	[tilespmem:s22+$0x3100] =	vst v7;
	v4 =	vadd.s32 v5, v4  }
0x2a: {  	v7 =	vld [tilespmem:s21+$0x1880];
	v5 =	vadd.s32 $0xFFFFFFFF, v4  }
.Ltmp1:
0x2b: {  	v4 =	vld [tilespmem:s21+$0x10];
	[tilespmem:s22+$0x3110] =	vst v5;
	v2 =	vadd.s32 v6, v2;
	(pc) =	sbr.rel @p0 .LBB2_5-.Ltmp1, $4  }
0x2c: {  	v5 =	vld [tilespmem:s21+$0x1890];
	v6 =	vadd.s32 $0xFFFFFFFF, v2  }
0x2d: {  	v2 =	vld [tilespmem:s21+$0x20];
	v3 =	vadd.s32 v8, v3;
	[tilespmem:s22+$0x3120] =	vst v6;
	s22 =	smov.u32 s21  }
0x2e: {  	s21 =	sshra.s32 s23, $0x2;
	v6 =	vld [tilespmem:s22+$0x18A0];
	v8 =	vadd.s32 $0xFFFFFFFF, v3  }
0x2f: {  	s23 =	sadd.s32 $0x100, s23;
	v3 =	vld [tilespmem:s21+$0x30];
	v7 =	vadd.s32 v7, v9;
	[tilespmem:s22+$0x3130] =	vst v8  }
0x30: {  	v8 =	vld [tilespmem:s21+$0x18B0];
	v7 =	vadd.s32 $0xFFFFFFFF, v7  }
0x31: {  	v9 =	vld [tilespmem:s21+$0x0];
	[tilespmem:s22+$0x3100] =	vst v7;
	v4 =	vadd.s32 v5, v4  }
0x32: {  	v62 =	vld [tilespmem:s21+$0x1880];
	v4 =	vadd.s32 $0xFFFFFFFF, v4  }
0x33: {  	v7 =	vld [tilespmem:s21+$0x10];
	[tilespmem:s22+$0x3110] =	vst v4;
	v2 =	vadd.s32 v6, v2  }
0x34: {  	v4 =	vld [tilespmem:s21+$0x1890];
	v2 =	vadd.s32 $0xFFFFFFFF, v2  }
0x35: {  	v63 =	vld [tilespmem:s21+$0x20];
	[tilespmem:s22+$0x3120] =	vst v2  }
0x36: {  	v2 =	vld [tilespmem:s21+$0x18A0];
	_ =	sdelay $0x1  }
0x37: {  	v3 =	vadd.s32 v8, v3  }
0x38: {  	v3 =	vadd.s32 $0xFFFFFFFF, v3;
	v5 =	vadd.s32 v62, v9  }
0x39: {  	[tilespmem:s21+$0x3130] =	vst v3;
	v3 =	vadd.s32 $0xFFFFFFFF, v5;
	v4 =	vadd.s32 v4, v7  }
0x3a: {  	[tilespmem:s21+$0x3100] =	vst v3;
	v3 =	vadd.s32 $0xFFFFFFFF, v4;
	v2 =	vadd.s32 v2, v63  }
0x3b: {  	[tilespmem:s21+$0x3110] =	vst v3;
	v2 =	vadd.s32 $0xFFFFFFFF, v2  }
0x3c: {  	s31 =	sadd.s32 s7, s20;
	[tilespmem:s21+$0x3120] =	vst v2;
	s21 =	simm.s32 $0x0  }
0x3d: {  	[hbm4b:s31+s21] =	stream.linear.scatter [tilespmem:s13], [sflag:$0x2], $0x1880, $0x38;
	[tilespmem:$0x6600] =	vst v63  }
0x3e: {  	_ =	swait.ge [sflag:s11], $0x1880  }
0x3f: {  	[sflag:s11] =	ssyncset.done $0x0  }
0x40: {  	[sflag:s11] =	ssyncadd.s32 $0xFFFFE780  }
0x41: {  	[tilespmem:s14], [sflag:$0x1] =	stream.indirect.gather [hbm4b:s4+s12], $0x1, s13, s12, $0xb8;
	[tilespmem:$0x6600] =	vst v63  }
0x42: {  	_ =	swait.ge [sflag:s15], $0x1880  }
0x43: {  	[sflag:s15] =	ssyncset.done $0x0  }
0x44: {  	[sflag:s15] =	ssyncadd.s32 $0xFFFFE780  }
.LBB2_7:
0x45: {  	s22 =	sshra.s32 s21, $0x2  }
0x46: {  	v2 =	vld [tilespmem:s22+$0x4980];
	_ =	sdelay $0x4  }
0x47: {  	v2 =	vshrl.u32 v2, $0x14  }
0x48: {  	v2 =	vand.u32 $0x3FF, v2;
	_ =	sdelay $0x4  }
0x49: {  	[tilespmem:v2+s16+$0x0] =	vst.idx.add.s32.msk $0xffff, v1  }
0x4a: {  	v2 =	vld [tilespmem:s22+$0x4990];
	_ =	sdelay $0x4  }
0x4b: {  	v2 =	vshrl.u32 v2, $0x14  }
0x4c: {  	v2 =	vand.u32 $0x3FF, v2;
	_ =	sdelay $0x4  }
0x4d: {  	[tilespmem:v2+s16+$0x0] =	vst.idx.add.s32.msk $0xffff, v1  }
0x4e: {  	v2 =	vld [tilespmem:s22+$0x49A0];
	_ =	sdelay $0x4  }
0x4f: {  	v2 =	vshrl.u32 v2, $0x14  }
0x50: {  	v2 =	vand.u32 $0x3FF, v2;
	_ =	sdelay $0x4  }
0x51: {  	[tilespmem:v2+s16+$0x0] =	vst.idx.add.s32.msk $0xffff, v1  }
0x52: {  	v2 =	vld [tilespmem:s22+$0x49B0];
	_ =	sdelay $0x4  }
0x53: {  	v2 =	vshrl.u32 v2, $0x14  }
0x54: {  	p0 =	sne.s32 s21, $0x6100;
	v2 =	vand.u32 $0x3FF, v2  }
.Ltmp2:
0x55: {  	_ = 	snop;
	(pc) =	sbr.rel @p0 .LBB2_7-.Ltmp2, $2  }
0x56: {  	_ =	sdelay $0x2  }
0x57: {  	s21 =	sadd.s32 $0x100, s21;
	[tilespmem:v2+s16+$0x0] =	vst.idx.add.s32.msk $0xffff, v1  }
0x58: {  	s19 =	sadd.s32 $0x1, s19  }
0x59: {  	p0 =	sne.s32 s19, $0x5  }
.Ltmp3:
0x5a: {  	s20 =	sadd.s32 s6, s20;
	(pc) =	sbr.rel @p0 .LBB2_4-.Ltmp3, $4  }
0x5b: {  	[hbm4b:s20+s3] =	stream.linear.scatter [tilespmem:s14], [sflag:$0x2], $0x1880, $0x38;
	[tilespmem:$0x6600] =	vst v63  }
0x5c: {  	_ =	swait.ge [sflag:s11], $0x1880  }
0x5d: {  	[sflag:s11] =	ssyncset.done $0x0  }
0x5e: {  	[sflag:s11] =	ssyncadd.s32 $0xFFFFE780  }
0x5f: {  	s17 =	sadd.s32 $0x1, s17  }
0x60: {  	p0 =	sne.s32 s17, s10  }
.Ltmp4:
0x61: {  	_ = 	snop;
	(pc) =	sbr.rel @p0 .LBB2_1-.Ltmp4, $4  }
0x62: {  	[hbm4b:s9+s3] =	stream.linear.scatter [tilespmem:s16], [sflag:$0x2], $0x400, $0x38;
	[tilespmem:$0x6600] =	vst v63  }
0x63: {  	_ =	swait.ge [sflag:s11], $0x400  }
0x64: {  	[sflag:s11] =	ssyncset.done $0x0  }
0x65: {  	[sflag:s11] =	ssyncadd.s32 $0xFFFFFC00  }
0x66: {  	_ =	sfence.sel $0x180000  }
0x67: {  	[bflag:$0x0] =	sbarrier.arrive $0xFFFF  }
0x68: {  	p0 =	sne.s32 s2, $0x0;
	_ =	strace $0x90000053  }
0x69: {  	s0 =	sadd.s32 @!p0 $0x100000, s0;
	[bflag:$0x2] =	sbarrier.arrive $0xFFFF  }
0x6a: {  	[sflag:s0] =	ssyncadd.tile.s32 @!p0 $0x1;
	_ =	shalt  }
.Lfunc_end2:
_tile_overlayer_lowered:
.L_overlay_start_2:
0x6b: {  	(tag) =	ssettag $0x2  }
0x6c: {  	s0 =	rddreg [dreg:$0x0];
	s2 =	stileid.u32  }
0x6d: {  	s1 =	rddreg [dreg:$0x1];
	p0 =	sne.s32 s2, $0x0  }
0x6e: {  	s3 =	rddreg [dreg:$0x2];
	[bflag:$0x3] =	sbarrier.arrive $0xFFFF;
	s2 =	simm.s32 @!p0 $0x1C02  }
0x6f: {  	[timem:s3], [sflag:s2] =	dma.local @!p0 [hbm:s0], s1  }
0x70: {  	s0 =	simm.s32 @!p0 $0x2  }
0x71: {  	_ =	swait.ge @!p0 [sflag:s0], s1  }
0x72: {  	s1 =	ssub.s32 @!p0 $0x0, s1;
	[sflag:s0] =	ssyncset.done @!p0 $0x0  }
0x73: {  	[sflag:s0] =	ssyncadd.s32 @!p0 s1  }
0x74: {  	[bflag:$0x3] =	sbarrier.arrive $0xFFFF  }
0x75: {  	_ =	shalt  }

// kernel: kernel.25.cloned.1.call-start
scs
__scs_entry_jumppad:
0x0: {  	(pc) =	sbr.rel $0x88, $3  }
0x1: {  	(tag) =	ssettag $0x0;
	lr =	simm.s32 $0x1  }
0x2: {  	[smem:$0x3F9F] =	sst lr;
	_ =	strace $0xD0000000  }
0x3: {  	_ = 	snop  }
0x4: {  	_ = 	snop  }
0x5: {  	_ = 	snop  }
0x6: {  	_ = 	snop  }
0x7: {  	_ = 	snop  }
__scs_overlays_trampoline_lowered:
0x8: {  	[smem:$0x3FAE] =	sst s0  }
0x9: {  	[smem:$0x3FAF] =	sst s1  }
0xa: {  	[smem:$0x3FB0] =	sst s2  }
0xb: {  	[smem:$0x3FB1] =	sst s3  }
0xc: {  	[smem:$0x3FB2] =	sst s4  }
0xd: {  	[smem:$0x3FB3] =	sst s5  }
0xe: {  	[smem:$0x3FB4] =	sst s6  }
0xf: {  	[smem:$0x3FB5] =	sst s7  }
0x10: {  	[smem:$0x3FB6] =	sst s8  }
0x11: {  	[smem:$0x3FB7] =	sst s9;
	s0 =	simm.s32 @!p0 $0x0  }
0x12: {  	s1 =	sld [smem:$0x3F9D];
	s0 =	simm.s32 @p0 $0x1  }
0x13: {  	[smem:$0x3FB8] =	sst s0;
	s0 =	simm.s32 @!p1 $0x0  }
0x14: {  	s2 =	sld [smem:$0x3F9C];
	s0 =	simm.s32 @p1 $0x1  }
0x15: {  	[smem:$0x3FB9] =	sst s0;
	s0 =	simm.s32 @!p2 $0x0  }
0x16: {  	s3 =	sld [smem:$0x3FDB];
	s0 =	simm.s32 @p2 $0x1  }
0x17: {  	s4 =	simm.s32 $0x1BF5;
	[smem:$0x3FBB] =	sst s0  }
0x18: {  	s0 =	sld [smem:$0x3F9E];
	_ =	swait.ge [sflag:s4], $0x0  }
0x19: {  	s7 =	sld [smem:$0x3F9F]  }
0x1a: {  	s8 =	sadd.s32 $0xFFFFE003, lr  }
0x1b: {  	s9 =	sadd.s32 $0xFFFFFEF7, lr;
	s5 =	simm.s32 $0xFFFFFFFF;
	p2 =	slt.u32 s8, $0xFFFFF086  }
0x1c: {  	p1 =	slt.u32 s9, $0xF7A;
	s5 =	simm.s32 @!p2 $0x0  }
0x1d: {  	s5 =	simm.s32 @p1 $0x1;
	p0 =	seq.s32 s7, s2  }
0x1e: {  	s7 =	smul.u32 @!p0 $0xF7A, s2;
	p2 =	seq.s32 @!p0 s5, $0x0  }
0x1f: {  	s9 =	smul.u32 $0xF7A, s1;
	s8 =	simm.s32 @!p0 $0x1BF5;
	p2 =	por !p2, p0  }
0x20: {  	[sflag:s8] =	ssyncset.s32 @!p0 $0xFFFFF086;
	s6 =	sadd.s32 @!p0 s3, s7;
	s7 =	simm.s32 @!p0 $0x108  }
0x21: {  	s3 =	sadd.s32 s3, s9;
	s6 =	sadd.s32 @!p0 $0x88, s6;
	s7 =	simm.s32 @p2 $0x1082  }
0x22: {  	[simem:s7], [sflag:s8] =	dma.local @!p0 [hbm:s6], $0xF7A  }
0x23: {  	s9 =	sor.u32 $0xD0000000, s2;
	s6 =	simm.s32 $0x108;
	_ =	swait.ge @!p0 [sflag:s8], $0x0  }
0x24: {  	s3 =	sadd.s32 $0x88, s3;
	s6 =	simm.s32 @!p1 $0x1082;
	[sflag:s4] =	ssyncset.s32 $0xFFFFF086  }
0x25: {  	[simem:s6], [sflag:s4] =	dma.local [hbm:s3], $0xF7A  }
0x26: {  	[smem:$0x3F9F] =	sst s1;
	(tag) =	ssettag s2;
	_ =	strace s9  }
0x27: {  	s1 =	sld [smem:$0x3FAF]  }
0x28: {  	s2 =	sld [smem:$0x3FB0]  }
0x29: {  	s4 =	sld [smem:$0x3FB2]  }
0x2a: {  	p0 =	seq.s32 s5, $0x0;
	s5 =	sld [smem:$0x3FB3]  }
0x2b: {  	s6 =	sld [smem:$0x3FB4]  }
0x2c: {  	s7 =	sld [smem:$0x3FB5]  }
0x2d: {  	s3 =	simm.s32 $0x108;
	s8 =	sld [smem:$0x3FB6]  }
0x2e: {  	s3 =	simm.s32 @!p0 $0x1082;
	s9 =	sld [smem:$0x3FB7]  }
0x2f: {  	lr =	sadd.s32 s0, s3;
	s0 =	sld [smem:$0x3FAE]  }
0x30: {  	s3 =	sld [smem:$0x3FB1]  }
0x31: {  	[smem:$0x3FBA] =	sst s10  }
0x32: {  	s10 =	sld [smem:$0x3FB8];
	_ =	sdelay $0x3  }
0x33: {  	p0 =	seq.s32 s10, $0x1;
	s10 =	sld [smem:$0x3FBA];
	_ =	sdelay $0x3  }
0x34: {  	[smem:$0x3FBA] =	sst s10  }
0x35: {  	s10 =	sld [smem:$0x3FB9];
	_ =	sdelay $0x3  }
0x36: {  	p1 =	seq.s32 s10, $0x1;
	s10 =	sld [smem:$0x3FBA];
	_ =	sdelay $0x3  }
0x37: {  	[smem:$0x3FBA] =	sst s10  }
0x38: {  	s10 =	sld [smem:$0x3FBB]  }
0x39: {  	_ = 	snop;
	(pc) =	sbr.ind lr, $3  }
0x3a: {  	_ = 	snop  }
0x3b: {  	_ = 	snop  }
0x3c: {  	p2 =	seq.s32 s10, $0x1;
	s10 =	sld [smem:$0x3FBA]  }
0x3d: {  	_ =	shalt  }
0x3e: {  	_ =	shalt  }
0x3f: {  	_ =	shalt  }
0x40: {  	_ =	shalt  }
0x41: {  	_ =	shalt  }
0x42: {  	_ =	shalt  }
0x43: {  	_ =	shalt  }
0x44: {  	_ =	shalt  }
0x45: {  	_ =	shalt  }
0x46: {  	_ =	shalt  }
0x47: {  	_ =	shalt  }
0x48: {  	_ =	shalt  }
0x49: {  	_ =	shalt  }
0x4a: {  	_ =	shalt  }
0x4b: {  	_ =	shalt  }
0x4c: {  	_ =	shalt  }
0x4d: {  	_ =	shalt  }
0x4e: {  	_ =	shalt  }
0x4f: {  	_ =	shalt  }
0x50: {  	_ =	shalt  }
0x51: {  	_ =	shalt  }
0x52: {  	_ =	shalt  }
0x53: {  	_ =	shalt  }
0x54: {  	_ =	shalt  }
0x55: {  	_ =	shalt  }
0x56: {  	_ =	shalt  }
0x57: {  	_ =	shalt  }
0x58: {  	_ =	shalt  }
0x59: {  	_ =	shalt  }
0x5a: {  	_ =	shalt  }
0x5b: {  	_ =	shalt  }
0x5c: {  	_ =	shalt  }
0x5d: {  	_ =	shalt  }
0x5e: {  	_ =	shalt  }
0x5f: {  	_ =	shalt  }
0x60: {  	_ =	shalt  }
0x61: {  	_ =	shalt  }
0x62: {  	_ =	shalt  }
0x63: {  	_ =	shalt  }
0x64: {  	_ =	shalt  }
0x65: {  	_ =	shalt  }
0x66: {  	_ =	shalt  }
0x67: {  	_ =	shalt  }
0x68: {  	_ =	shalt  }
0x69: {  	_ =	shalt  }
0x6a: {  	_ =	shalt  }
0x6b: {  	_ =	shalt  }
0x6c: {  	_ =	shalt  }
0x6d: {  	_ =	shalt  }
0x6e: {  	_ =	shalt  }
0x6f: {  	_ =	shalt  }
0x70: {  	_ =	shalt  }
0x71: {  	_ =	shalt  }
0x72: {  	_ =	shalt  }
0x73: {  	_ =	shalt  }
0x74: {  	_ =	shalt  }
0x75: {  	_ =	shalt  }
0x76: {  	_ =	shalt  }
0x77: {  	_ =	shalt  }
0x78: {  	_ =	shalt  }
0x79: {  	_ =	shalt  }
0x7a: {  	_ =	shalt  }
0x7b: {  	_ =	shalt  }
0x7c: {  	_ =	shalt  }
0x7d: {  	_ =	shalt  }
0x7e: {  	_ =	shalt  }
0x7f: {  	_ =	shalt  }
0x80: {  	_ =	shalt  }
0x81: {  	_ =	shalt  }
0x82: {  	_ =	shalt  }
0x83: {  	_ =	shalt  }
0x84: {  	_ =	shalt  }
0x85: {  	_ =	shalt  }
0x86: {  	_ =	shalt  }
0x87: {  	_ =	shalt  }
.Lfunc_end0:
.L_simem_size_0:
called_computation.5_lowered:
.L_overlay_start_0:
0x88: {  	s2 =	sld [smem:$0x3FD9]  }
0x89: {  	s3 =	sld [smem:$0x3FFE];
	_ =	sdelay $0x1  }
0x8a: {  	s1 =	srdreg.scid  }
0x8b: {  	s0 =	sand.u32 $0x1, s1  }
0x8c: {  	s14 =	sshll.u32 s0, $0xA;
	s2 =	sadd.s32 s3, s2  }
0x8d: {  	s2 =	sadd.s32 s2, s14  }
0x8e: {  	[smem:$0x3FC6] =	sst s2  }
0x8f: {  	_ = 	snop  }
0x90: {  	s2 =	sld [smem:$0x3FD0];
	_ =	sdelay $0x2  }
0x91: {  	s15 =	simm.s32 $0xA;
	s4 =	simm.s32 $0x10  }
0x92: {  	[smem:s4], [sflag:s15] =	dma.local [hbm:s2], $0x1  }
0x93: {  	_ =	swait.eq [sflag:s15], $0x1  }
0x94: {  	[sflag:s15] =	ssyncset.done $0x0  }
0x95: {  	s16 =	sld [smem:$0x10];
	[sflag:s15] =	ssyncadd.s32 $0xFFFFFFFF  }
0x96: {  	s17 =	sld [smem:$0x11];
	(tm) =	ssettm $0x1  }
0x97: {  	s18 =	sld [smem:$0x3FFB];
	_ =	sdelay $0x3  }
0x98: {  	_ =	strace s18  }
0x99: {  	s4 =	sld [smem:$0x3FFC];
	_ =	sdelay $0x3  }
0x9a: {  	_ =	strace s4  }
0x9b: {  	s4 =	sld [smem:$0x3FFD];
	_ =	sdelay $0x3  }
0x9c: {  	_ =	strace s4  }
0x9d: {  	_ =	strace $0x8FFFFFFF  }
0x9e: {  	s19 =	sld [smem:$0x3FDB];
	_ =	sdelay $0x1  }
0x9f: {  	s5 =	simm.s32 $_scs_section_size  }
0xa0: {  	s6 =	simm.s32 $_size__tile_overlayer_lowered;
	s7 =	simm.s32 $_tile_overlayer_lowered  }
0xa1: {  	s22 =	simm.s32 $0x1BFF;
	s21 =	sshll.u32 s7, $0x1;
	s4 =	sadd.s32 s5, s19  }
0xa2: {  	s8 =	simm.s32 $0x0;
	s20 =	sshll.u32 s6, $0x1;
	s6 =	sadd.s32 s21, s4  }
0xa3: {  	[timem:s8], [sflag:s22] =	dma.local [hbm:s6], s20  }
0xa4: {  	_ =	swait.ge [sflag:s22], s20  }
0xa5: {  	s5 =	ssub.s32 $0x0, s20;
	[sflag:s22] =	ssyncset.done $0x0  }
0xa6: {  	[sflag:s22] =	ssyncadd.s32 s5;
	_ =	sdelay $0x1  }
0xa7: {  	s23 =	simm.s32 $0x1B8B  }
0xa8: {  	_ =	swait.ge [sflag:s23], $0x1  }
0xa9: {  	[sflag:s23] =	ssyncset.done $0x0  }
0xaa: {  	s25 =	simm.s32 $0x1B8E;
	s24 =	sld [smem:$0x3FFE];
	[sflag:s23] =	ssyncadd.s32 $0xFFFFFFFF  }
0xab: {  	s26 =	simm.s32 $execute0_lowered;
	[smem:$0x3FD2] =	sst s25  }
0xac: {  	s6 =	sshll.u32 s26, $0x1;
	_ =	strace $0x80000055;
	[dreg:$0x1] =	wrdreg $0xFFFFFFFF  }
0xad: {  	s28 =	simm.s32 $_size_execute0_lowered;
	s4 =	sadd.s32 s4, s6;
	[dreg:$0x0] =	wrdreg $0x0  }
0xae: {  	s6 =	sshll.u32 s28, $0x1;
	[dreg:$0x2] =	wrdreg s4  }
0xaf: {  	[dreg:$0x3] =	wrdreg s6  }
0xb0: {  	[dreg:$0x4] =	wrdreg $0xC0  }
0xb1: {  	_ =	task [dreg:s8], $0x5FFFF  }
0xb2: {  	[dreg:$0x1] =	wrdreg $0xFFFFFFFF  }
0xb3: {  	[dreg:$0x0] =	wrdreg $0x60  }
0xb4: {  	[dreg:$0x2] =	wrdreg s24  }
0xb5: {  	[dreg:$0x3] =	wrdreg s17  }
0xb6: {  	[dreg:$0x4] =	wrdreg s16  }
0xb7: {  	[dreg:$0x5] =	wrdreg $0xEA000  }
0xb8: {  	[dreg:$0x6] =	wrdreg $0x9  }
0xb9: {  	_ =	task.clear_ibuf [dreg:s8], $0x7FFFF;
	_ =	strace $0x90000055  }
0xba: {  	s29 =	simm.s32 $0x9;
	_ =	strace $0x80000057  }
0xbb: {  	_ =	swait.ge [sflag:s29], $0x1  }
0xbc: {  	[sflag:s29] =	ssyncadd.s32 $0xFFFFFFFF  }
0xbd: {  	_ =	strace $0x90000057  }
0xbe: {  	_ =	sfence  }
0xbf: {  	s30 =	sld [smem:$0x0];
	_ =	sdelay $0x2  }
0xc0: {  	s31 =	sshll.u32 s1, $0xD;
	s1 =	sshrl.u32 s1, $0x2  }
0xc1: {  	s3 =	sand.u32 $0x4000, s31;
	s1 =	sadd.s32 s1, s30  }
0xc2: {  	s0 =	sor.u32 s3, s0;
	s1 =	sshll.u32 s1, $0x11  }
0xc3: {  	s0 =	sor.u32 s1, s0  }
0xc4: {  	s0 =	sadd.s32 $0x8F2B, s0  }
0xc5: {  	[sflag:s0] =	ssyncadd.remote.s32 $0x1  }
0xc6: {  	_ =	sfence.sel $0xFFFF  }
0xc7: {  	[dreg:$0x0] =	wrdreg $0xFFFFFFFF;
	(pc) =	sbr.abs _section_cstart, $3  }
0xc8: {  	[dreg:$0x1] =	wrdreg $0xFFFFFFFF  }
0xc9: {  	_ =	task.clear_ibuf [dreg:s8], $0x2FFFF;
	_ =	strace $0x9FFFFFFF  }
0xca: {  	(tm) =	ssettm $0x7FFFFFFF  }
0xcb: {  	_ =	shalt  }
tec
execute0_lowered:
.L_overlay_start_1:
0x0: {  	(tag) =	ssettag $0x1  }
0x1: {  	s0 =	rddreg [dreg:$0x0]  }
0x2: {  	s1 =	rddreg [dreg:$0x2]  }
0x3: {  	s2 =	rddreg [dreg:$0x3];
	s4 =	simm.s32 $0x0;
	s3 =	srdreg.scid  }
0x4: {  	s8 =	stileid.u32;
	s21 =	simm.s32 $0x2;
	s22 =	simm.s32 $0xD180  }
0x5: {  	s28 =	simm.s32 $0xB900;
	s29 =	simm.s32 $0xA080;
	s30 =	simm.s32 $0x1  }
0x6: {  	s31 =	simm.s32 $0x0;
	[smem:$0x7FF] =	sst s4;
	s9 =	smul.u32 $0xF500, s8  }
0x7: {  	s3 =	sand.u32 $0x1, s3;
	s5 =	sadd.s32 $0x40600, s0;
	s7 =	smul.u32 $0x3D400, s8  }
0x8: {  	s18 =	sshll.u32 s8, $0x1;
	s16 =	smul.u32 $0xF5000, s3;
	s6 =	ssub.s32 $0x2, s3  }
0x9: {  	_ =	strace $0x80000056;
	s26 =	smul.u32 $0x7A80, s3;
	s17 =	sshrl.u32 s6, $0x1  }
0xa: {  	s19 =	sshrl.u32 s7, $0x2;
	s20 =	sadd.s32 s9, s2;
	s0 =	ssub.s32 s6, s17  }
0xb: {  	s4 =	sadd.s32 s9, s16;
	s6 =	sor.u32 s3, s18;
	s8 =	sadd.s32 s19, s2  }
0xc: {  	s4 =	sshrl.u32 s4, $0x3;
	s7 =	smul.u32 $0x7A80, s6;
	s0 =	smax.u32 s0, $0x1  }
0xd: {  	s23 =	sadd.s32 $0x1880, s8;
	s24 =	sadd.s32 $0x3100, s8;
	s25 =	sadd.s32 $0x4980, s8  }
0xe: {  	s14 =	sadd.s32 $0x6200, s8;
	s15 =	sadd.s32 $0x7A80, s8;
	[dreg:$0x6] =	wrdreg s0  }
0xf: {  	s16 =	sadd.s32 $0x9300, s8;
	s17 =	sadd.s32 $0xAB80, s8;
	[dreg:$0x7] =	wrdreg s23  }
0x10: {  	s18 =	sadd.s32 $0xC400, s8;
	s19 =	sadd.s32 $0xDC80, s8;
	[dreg:$0x8] =	wrdreg s24  }
0x11: {  	s1 =	sadd.s32 s1, s4;
	[dreg:$0x9] =	wrdreg s25;
	s0 =	sadd.s32 s26, s9  }
0x12: {  	s23 =	simm.s32 $0x8800;
	s24 =	simm.s32 $0x8400;
	s25 =	sshrl.u32 s20, $0x3  }
0x13: {  	v0 =	vimm.s32 $0x0;
	v1 =	vimm.s32 $0x1;
	v2 =	vlaneseq.u32;
	s26 =	simm.s32 $0x1880;
	[dreg:$0x5] =	wrdreg s1;
	s11 =	sor.u32 $0x1, s0  }
.LBB2_1:
0x14: {  	s0 =	rddreg [dreg:$0x1];
	s1 =	simm.s32 $0x0  }
0x15: {  	[tilespmem:s1], [sflag:$0x2] =	stream.linear.gather [hbm4b:s0+s1], $0x8000, $0x38;
	[tilespmem:$0x1DF00] =	vst v63  }
0x16: {  	_ =	swait.ge [sflag:s21], $0x8000  }
0x17: {  	[sflag:s21] =	ssyncset.done $0x0  }
0x18: {  	s0 =	simm.s32 $0x0;
	[sflag:s21] =	ssyncadd.s32 $0xFFFF8000  }
.LBB2_2:
0x19: {  	p0 =	sne.s32 s0, $0xFC0  }
.Ltmp0:
0x1a: {  	_ = 	snop;
	(pc) =	sbr.rel @p0 .LBB2_2-.Ltmp0, $4  }
0x1b: {  	_ = 	snop  }
0x1c: {  	s1 =	sshra.s32 s0, $0x2  }
0x1d: {  	[tilespmem:s1+$0x8000] =	vst v0  }
0x1e: {  	s0 =	sadd.s32 $0x40, s0;
	[tilespmem:s1+$0x8400] =	vst v0  }
0x1f: {  	s0 =	simm.s32 $0x0;
	s1 =	simm.s32 $0x20;
	s4 =	simm.s32 $0x0  }
.LBB2_4:
0x20: {  	p0 =	sne.s32 s4, s6  }
.Ltmp1:
0x21: {  	_ = 	snop;
	(pc) =	sbr.rel @p0 .LBB2_8-.Ltmp1, $1  }
0x22: {  	_ =	sdelay $0x3  }
0x23: {  	s3 =	sshra.s32 s0, $0x2  }
0x24: {  	s9 =	sadd.s32 $0x40, s0;
	v3 =	vld [tilespmem:s3+$0x8000]  }
.LBB2_6:
0x25: {  	p0 =	sne.s32 s9, $0xFC0  }
.Ltmp2:
0x26: {  	_ = 	snop;
	(pc) =	sbr.rel @p0 .LBB2_6-.Ltmp2, $3  }
0x27: {  	_ =	sdelay $0x1  }
0x28: {  	[tilespmem:s3+$0x8400] =	vst v3;
	s3 =	sshra.s32 s9, $0x2;
	s9 =	sadd.s32 $0x40, s9  }
0x29: {  	v3 =	vld [tilespmem:s3+$0x8000]  }
0x2a: {  	_ =	sdelay $0x3  }
0x2b: {  	[tilespmem:s3+$0x8400] =	vst v3  }
.LBB2_8:
0x2c: {  	v3 =	vmov s1;
	_ =	sdelay $0x3  }
0x2d: {  	s3 =	simm.s32 $0x0;
	s9 =	simm.s32 $0x100  }
.LBB2_9:
0x2e: {  	p0 =	sne.s32 s9, $0xF00;
	v4 =	vld.idx.msk [tilespmem:v3+s3+$0xFFFFFFE0 ss:$0x1], $0xffff  }
0x2f: {  	v5 =	vld [tilespmem:s3+$0x8000];
	_ =	sdelay $0x4  }
0x30: {  	v4 =	vadd.s32 v5, v4  }
0x31: {  	[tilespmem:s3+$0x8000] =	vst v4  }
0x32: {  	v4 =	vld.idx.msk [tilespmem:v3+s3+$0xFFFFFFF0 ss:$0x1], $0xffff  }
0x33: {  	v5 =	vld [tilespmem:s3+$0x8010];
	_ =	sdelay $0x4  }
0x34: {  	v4 =	vadd.s32 v5, v4  }
0x35: {  	[tilespmem:s3+$0x8010] =	vst v4  }
0x36: {  	v4 =	vld.idx.msk [tilespmem:v3+s3+$0x0 ss:$0x1], $0xffff  }
0x37: {  	v5 =	vld [tilespmem:s3+$0x8020];
	_ =	sdelay $0x4  }
0x38: {  	v4 =	vadd.s32 v5, v4  }
0x39: {  	[tilespmem:s3+$0x8020] =	vst v4  }
0x3a: {  	v4 =	vld.idx.msk [tilespmem:v3+s3+$0x10 ss:$0x1], $0xffff  }
0x3b: {  	v5 =	vld [tilespmem:s3+$0x8030];
	_ =	sdelay $0x1  }
.Ltmp3:
0x3c: {  	(pc) =	sbr.rel @p0 .LBB2_9-.Ltmp3, $3  }
0x3d: {  	_ =	sdelay $0x1  }
0x3e: {  	v4 =	vadd.s32 v5, v4  }
0x3f: {  	[tilespmem:s3+$0x8030] =	vst v4;
	s3 =	sshra.s32 s9, $0x2;
	s9 =	sadd.s32 $0x100, s9  }
0x40: {  	_ =	sdelay $0x3  }
0x41: {  	v4 =	vld.idx.msk [tilespmem:v3+s3+$0xFFFFFFE0 ss:$0x1], $0xffff  }
0x42: {  	v5 =	vld [tilespmem:s3+$0x8000];
	_ =	sdelay $0x4  }
0x43: {  	v4 =	vadd.s32 v5, v4  }
0x44: {  	v61 =	vld [tilespmem:s3+$0x8010];
	[tilespmem:s3+$0x8000] =	vst v4  }
0x45: {  	v4 =	vld.idx.msk [tilespmem:v3+s3+$0xFFFFFFF0 ss:$0x1], $0xffff;
	_ =	sdelay $0x4  }
0x46: {  	v4 =	vadd.s32 v61, v4  }
0x47: {  	v62 =	vld [tilespmem:s3+$0x8020];
	[tilespmem:s3+$0x8010] =	vst v4  }
0x48: {  	v4 =	vld.idx.msk [tilespmem:v3+s3+$0x0 ss:$0x1], $0xffff;
	_ =	sdelay $0x4  }
0x49: {  	v4 =	vadd.s32 v62, v4  }
0x4a: {  	v63 =	vld [tilespmem:s3+$0x8030];
	[tilespmem:s3+$0x8020] =	vst v4  }
0x4b: {  	s4 =	sadd.s32 $0x1, s4;
	v3 =	vld.idx.msk [tilespmem:v3+s3+$0x10 ss:$0x1], $0xffff  }
0x4c: {  	p0 =	sne.s32 s4, $0x20  }
.Ltmp4:
0x4d: {  	_ = 	snop;
	(pc) =	sbr.rel @p0 .LBB2_4-.Ltmp4, $3  }
0x4e: {  	_ =	sdelay $0x1  }
0x4f: {  	v3 =	vadd.s32 v63, v3  }
0x50: {  	s1 =	sadd.s32 $0x400, s1;
	s9 =	simm.s32 $0x0;
	[tilespmem:s3+$0x8030] =	vst v3  }
0x51: {  	s0 =	simm.s32 $0x0  }
0x52: {  	v4 =	vld [tilespmem:s0+$0x8000];
	_ =	sdelay $0x4  }
0x53: {  	(xrf0) =	vadd.scan.msk.s32 $0xffff, v4;
	_ =	sdelay $0x1  }
0x54: {  	s10 =	simm.s32 $0x10  }
0x55: {  	v5 =	vld [tilespmem:s10+$0x8000];
	_ =	sdelay $0x2  }
0x56: {  	v6, _, _ =	vpop (xrf0)  }
0x57: {  	(v2sf) =	vpush v6, $0xF  }
0x58: {  	v7 =	vld [tilespmem:s0+$0x8400];
	(xrf0) =	vadd.scan.msk.s32 $0xffff, v5;
	_ =	sdelay $0x1  }
0x59: {  	s4 =	simm.s32 $0x20  }
0x5a: {  	v3 =	vld [tilespmem:s4+$0x8000]  }
0x5b: {  	v4 =	vsub.s32 s9, v4  }
0x5c: {  	v4 =	vadd.s32 v7, v4  }
0x5d: {  	v7 =	vadd.s32 v6, v4;
	v6, _, _ =	vpop (xrf0)  }
0x5e: {  	(v2sf) =	vpush v6, $0xF  }
0x5f: {  	(xrf0) =	vadd.scan.msk.s32 $0xffff, v3;
	_ =	sdelay $0x1  }
0x60: {  	s3 =	simm.s32 $0x30  }
0x61: {  	v4 =	vld [tilespmem:s3+$0x8000];
	[tilespmem:s0+$0x8400] =	vst v7  }
0x62: {  	v8 =	vld [tilespmem:s10+$0x8400]  }
0x63: {  	s1 =	simm.s32 $0x40  }
0x64: {  	s20 =	simm.s32 $0x100;
	s12 =	simm.s32 $0x140;
	v7, _, _ =	vpop (xrf0);
	s13 =	spop (v2sf)  }
.LBB2_12:
0x65: {  	p0 =	sne.s32 s12, $0xFC0;
	(v2sf) =	vpush v7, $0xF;
	s9 =	sadd.s32 s9, s13  }
0x66: {  	(xrf0) =	vadd.scan.msk.s32 $0xffff, v4;
	v9 =	vsub.s32 s9, v5;
	v5 =	vmov v3;
	v3 =	vmov v4  }
0x67: {  	v4 =	vadd.s32 v8, v9  }
.Ltmp5:
0x68: {  	s13 =	sshra.s32 s20, $0x2;
	s20 =	smov.u32 s12;
	v8 =	vadd.s32 v6, v4;
	v6 =	vmov v7;
	(pc) =	sbr.rel @p0 .LBB2_12-.Ltmp5, $3  }
0x69: {  	v4 =	vld [tilespmem:s13+$0x8000];
	[tilespmem:s10+$0x8400] =	vst v8;
	s10 =	smov.u32 s4;
	s4 =	smov.u32 s3;
	s3 =	smov.u32 s13  }
0x6a: {  	v8 =	vld [tilespmem:s10+$0x8400];
	_ =	sdelay $0x1  }
0x6b: {  	s12 =	sadd.s32 $0x40, s12;
	v7, _, _ =	vpop (xrf0);
	s13 =	spop (v2sf)  }
0x6c: {  	s9 =	sadd.s32 s9, s13  }
0x6d: {  	v5 =	vsub.s32 s9, v5  }
0x6e: {  	(v2sf) =	vpush v7, $0xF;
	s12 =	sshra.s32 s20, $0x2;
	v5 =	vadd.s32 v8, v5  }
0x6f: {  	(xrf0) =	vadd.scan.msk.s32 $0xffff, v4;
	v9 =	vld [tilespmem:s12+$0x8000];
	v5 =	vadd.s32 v6, v5  }
0x70: {  	[tilespmem:s10+$0x8400] =	vst v5  }
0x71: {  	v5 =	vld [tilespmem:s4+$0x8400];
	_ =	sdelay $0x1  }
0x72: {  	s20 =	spop (v2sf)  }
0x73: {  	(xrf0) =	vadd.scan.msk.s32 $0xffff, v9;
	s9 =	sadd.s32 s9, s20  }
0x74: {  	v60, _, _ =	vpop (xrf0);
	v3 =	vsub.s32 s9, v3  }
0x75: {  	(v2sf) =	vpush v60, $0xF;
	v3 =	vadd.s32 v5, v3  }
0x76: {  	v3 =	vadd.s32 v7, v3;
	_ =	sdelay $0x2  }
0x77: {  	[tilespmem:s4+$0x8400] =	vst v3;
	v3, _, _ =	vpop (xrf0)  }
0x78: {  	v61 =	vld [tilespmem:s3+$0x8400];
	(v2sf) =	vpush v3, $0xF;
	_ =	sdelay $0x1  }
0x79: {  	s10 =	spop (v2sf)  }
0x7a: {  	s4 =	sadd.s32 s9, s10  }
0x7b: {  	v62 =	vsub.s32 s4, v4  }
0x7c: {  	v4 =	vadd.s32 v61, v62  }
0x7d: {  	v4 =	vadd.s32 v60, v4  }
0x7e: {  	[tilespmem:s3+$0x8400] =	vst v4  }
0x7f: {  	v4 =	vld [tilespmem:s12+$0x8400];
	_ =	sdelay $0x1  }
0x80: {  	s13 =	spop (v2sf)  }
0x81: {  	s3 =	sadd.s32 s4, s13  }
0x82: {  	v63 =	vsub.s32 s3, v9  }
0x83: {  	v4 =	vadd.s32 v4, v63  }
0x84: {  	v3 =	vadd.s32 v3, v4  }
0x85: {  	[tilespmem:s12+$0x8400] =	vst v3;
	s20 =	spop (v2sf)  }
.LBB2_14:
0x86: {  	p0 =	sne.s32 s1, $0x61C0;
	[tilespmem:s0+$0xD180] =	vst v0;
	s0 =	smov.u32 s1;
	s1 =	sadd.s32 $0x40, s1  }
.Ltmp6:
0x87: {  	(pc) =	sbr.rel @p0 .LBB2_14-.Ltmp6, $2  }
0x88: {  	_ =	sdelay $0x2  }
0x89: {  	s0 =	sshra.s32 s0, $0x2  }
0x8a: {  	[tilespmem:s0+$0xD180] =	vst v0  }
0x8b: {  	[spmem:s8] =	stream.linear.scatter [tilespmem:s22], [sflag:$0x2], $0x1880, $0x38;
	[tilespmem:$0x1DF00] =	vst v63  }
0x8c: {  	_ =	swait.ge [sflag:s21], $0x1880  }
0x8d: {  	[sflag:s21] =	ssyncset.done $0x0  }
0x8e: {  	s12 =	rddreg [dreg:$0x7];
	[sflag:s21] =	ssyncadd.s32 $0xFFFFE780  }
0x8f: {  	[spmem:s12] =	stream.linear.scatter [tilespmem:s22], [sflag:$0x2], $0x1880, $0x38;
	[tilespmem:$0x1DF00] =	vst v63  }
0x90: {  	_ =	swait.ge [sflag:s21], $0x1880  }
0x91: {  	[sflag:s21] =	ssyncset.done $0x0  }
0x92: {  	s13 =	rddreg [dreg:$0x8];
	[sflag:s21] =	ssyncadd.s32 $0xFFFFE780  }
0x93: {  	[spmem:s13] =	stream.linear.scatter [tilespmem:s22], [sflag:$0x2], $0x1880, $0x38;
	[tilespmem:$0x1DF00] =	vst v63  }
0x94: {  	_ =	swait.ge [sflag:s21], $0x1880  }
0x95: {  	[sflag:s21] =	ssyncset.done $0x0  }
0x96: {  	s20 =	rddreg [dreg:$0x9];
	[sflag:s21] =	ssyncadd.s32 $0xFFFFE780  }
0x97: {  	[spmem:s20] =	stream.linear.scatter [tilespmem:s22], [sflag:$0x2], $0x1880, $0x38;
	[tilespmem:$0x1DF00] =	vst v63  }
0x98: {  	_ =	swait.ge [sflag:s21], $0x1880  }
0x99: {  	[sflag:s21] =	ssyncset.done $0x0  }
0x9a: {  	[sflag:s21] =	ssyncadd.s32 $0xFFFFE780  }
0x9b: {  	[spmem:s14] =	stream.linear.scatter [tilespmem:s22], [sflag:$0x2], $0x1880, $0x38;
	[tilespmem:$0x1DF00] =	vst v63  }
0x9c: {  	_ =	swait.ge [sflag:s21], $0x1880  }
0x9d: {  	[sflag:s21] =	ssyncset.done $0x0  }
0x9e: {  	[sflag:s21] =	ssyncadd.s32 $0xFFFFE780  }
0x9f: {  	[spmem:s15] =	stream.linear.scatter [tilespmem:s22], [sflag:$0x2], $0x1880, $0x38;
	[tilespmem:$0x1DF00] =	vst v63  }
0xa0: {  	_ =	swait.ge [sflag:s21], $0x1880  }
0xa1: {  	[sflag:s21] =	ssyncset.done $0x0  }
0xa2: {  	[sflag:s21] =	ssyncadd.s32 $0xFFFFE780  }
0xa3: {  	[spmem:s16] =	stream.linear.scatter [tilespmem:s22], [sflag:$0x2], $0x1880, $0x38;
	[tilespmem:$0x1DF00] =	vst v63  }
0xa4: {  	_ =	swait.ge [sflag:s21], $0x1880  }
0xa5: {  	[sflag:s21] =	ssyncset.done $0x0  }
0xa6: {  	[sflag:s21] =	ssyncadd.s32 $0xFFFFE780  }
0xa7: {  	[spmem:s17] =	stream.linear.scatter [tilespmem:s22], [sflag:$0x2], $0x1880, $0x38;
	[tilespmem:$0x1DF00] =	vst v63  }
0xa8: {  	_ =	swait.ge [sflag:s21], $0x1880  }
0xa9: {  	[sflag:s21] =	ssyncset.done $0x0  }
0xaa: {  	[sflag:s21] =	ssyncadd.s32 $0xFFFFE780  }
0xab: {  	[spmem:s18] =	stream.linear.scatter [tilespmem:s22], [sflag:$0x2], $0x1880, $0x38;
	[tilespmem:$0x1DF00] =	vst v63  }
0xac: {  	_ =	swait.ge [sflag:s21], $0x1880  }
0xad: {  	[sflag:s21] =	ssyncset.done $0x0  }
0xae: {  	[sflag:s21] =	ssyncadd.s32 $0xFFFFE780  }
0xaf: {  	[spmem:s19] =	stream.linear.scatter [tilespmem:s22], [sflag:$0x2], $0x1880, $0x38;
	[tilespmem:$0x1DF00] =	vst v63  }
0xb0: {  	_ =	swait.ge [sflag:s21], $0x1880  }
0xb1: {  	[sflag:s21] =	ssyncset.done $0x0  }
0xb2: {  	s0 =	simm.s32 $0x0;
	[sflag:s21] =	ssyncadd.s32 $0xFFFFE780  }
0xb3: {  	s4 =	simm.s32 $0x0;
	s20 =	smov.u32 s11;
	[bflag:$0x0] =	sbarrier.arrive $0xFFFF  }
.LBB2_16:
0xb4: {  	s1 =	smul.u32 $0x1880, s4;
	_ =	sdelay $0x1  }
0xb5: {  	s1 =	sadd.s32 s7, s1  }
0xb6: {  	s1 =	sshrl.u32 s1, $0x3  }
0xb7: {  	s1 =	sadd.s32 s5, s1  }
0xb8: {  	[tilespmem:s23], [sflag:$0x2] =	stream.linear.gather [hbm4b:s1+s0], $0x1880, $0x38;
	[tilespmem:$0x1DF00] =	vst v63  }
0xb9: {  	_ =	swait.ge [sflag:s21], $0x1880  }
0xba: {  	[sflag:s21] =	ssyncset.done $0x0  }
0xbb: {  	s9 =	simm.s32 $0x0;
	[sflag:s21] =	ssyncadd.s32 $0xFFFFE780  }
0xbc: {  	v3 =	vld [tilespmem:s9+$0x8800];
	_ =	sdelay $0x4  }
0xbd: {  	v3 =	vshrl.u32 v3, $0x14  }
0xbe: {  	v3 =	vand.u32 $0x3FF, v3  }
0xbf: {  	(xrf1) =	vunique.msk.u32 $0xffff, v3;
	_ =	sdelay $0x5  }
0xc0: {  	v4 =	vld.idx.msk [tilespmem:v3+s24+$0x0], $0xffff  }
0xc1: {  	s3 =	simm.s32 $0x10;
	[tilespmem:v3+s24+$0x0] =	vst.idx.add.s32.msk $0xffff, v1  }
0xc2: {  	v3 =	vld [tilespmem:s3+$0x8800];
	_ =	sdelay $0x4  }
0xc3: {  	v3 =	vshrl.u32 v3, $0x14  }
0xc4: {  	v3 =	vand.u32 $0x3FF, v3;
	_, v5, _ =	vpop (xrf1)  }
0xc5: {  	(xrf1) =	vunique.msk.u32 $0xffff, v3;
	v4 =	vadd.s32 v5, v4;
	v5 =	vadd.s32 s20, v2  }
0xc6: {  	s10 =	simm.s32 $0x80;
	s1 =	smov.u32 s20;
	[tilespmem:s9+$0xA080] =	vst v5;
	v4 =	vadd.s32 $0xFFFFFFFF, v4  }
.LBB2_17:
0xc7: {  	p0 =	sne.s32 s10, $0x61C0;
	s1 =	sadd.s32 $0x10, s1  }
0xc8: {  	[tilespmem:s9+$0xB900] =	vst v4;
	s12 =	smov.u32 s10;
	s10 =	sadd.s32 $0x40, s10;
	s9 =	smov.u32 s3  }
0xc9: {  	_ = 	snop  }
0xca: {  	v4 =	vld.idx.msk [tilespmem:v3+s24+$0x0], $0xffff  }
0xcb: {  	s3 =	sshra.s32 s12, $0x2;
	[tilespmem:v3+s24+$0x0] =	vst.idx.add.s32.msk $0xffff, v1;
	v3 =	vadd.s32 s1, v2  }
0xcc: {  	v5 =	vld [tilespmem:s3+$0x8800];
	[tilespmem:s9+$0xA080] =	vst v3;
	_ =	sdelay $0x4  }
.Ltmp7:
0xcd: {  	v3 =	vshrl.u32 v5, $0x14;
	(pc) =	sbr.rel @p0 .LBB2_17-.Ltmp7, $4  }
0xce: {  	v3 =	vand.u32 $0x3FF, v3  }
0xcf: {  	(xrf1) =	vunique.msk.u32 $0xffff, v3;
	_, v5, _ =	vpop (xrf1)  }
0xd0: {  	v4 =	vadd.s32 v5, v4  }
0xd1: {  	v4 =	vadd.s32 $0xFFFFFFFF, v4  }
0xd2: {  	_ =	sdelay $0x5  }
0xd3: {  	[tilespmem:s9+$0xB900] =	vst v4  }
0xd4: {  	v4 =	vld.idx.msk [tilespmem:v3+s24+$0x0], $0xffff;
	_ =	sdelay $0x3  }
0xd5: {  	s1 =	sadd.s32 $0x10, s1;
	_, v5, _ =	vpop (xrf1)  }
0xd6: {  	s4 =	sadd.s32 $0x1, s4;
	[tilespmem:v3+s24+$0x0] =	vst.idx.add.s32.msk $0xffff, v1;
	v63 =	vadd.s32 s1, v2;
	v3 =	vadd.s32 v5, v4  }
0xd7: {  	p0 =	sne.s32 s4, $0x5;
	[tilespmem:s3+$0xA080] =	vst v63;
	v3 =	vadd.s32 $0xFFFFFFFF, v3  }
.Ltmp8:
0xd8: {  	[tilespmem:s3+$0xB900] =	vst v3;
	(pc) =	sbr.rel @p0 .LBB2_16-.Ltmp8, $4  }
0xd9: {  	[spmem:s2] =	stream.indirect.scatter [tilespmem:s29], [sflag:$0x1], $0x1, s28, s26, $0xb8;
	[tilespmem:$0x1DF00] =	vst v63  }
0xda: {  	_ =	swait.ge [sflag:s30], $0x1880  }
0xdb: {  	[sflag:s30] =	ssyncset.done $0x0  }
0xdc: {  	s20 =	sadd.s32 $0x1880, s20;
	[sflag:s30] =	ssyncadd.s32 $0xFFFFE780  }
0xdd: {  	s0 =	stileid.u32  }
0xde: {  	[bflag:$0x0] =	sbarrier.arrive $0xFFFF;
	s0 =	sshll.u32 s0, $0x6  }
0xdf: {  	s1 =	rddreg [dreg:$0x5];
	s0 =	sor.u32 $0x1C02, s0  }
0xe0: {  	[hbm:s1], [sflag:s0] =	dma.local [spmem:s25], $0x1EA0  }
0xe1: {  	_ =	swait.ge [sflag:s21], $0x1EA0  }
0xe2: {  	s31 =	sadd.s32 $0x1, s31;
	s20 =	rddreg [dreg:$0x6]  }
0xe3: {  	p0 =	sne.s32 s31, s20  }
.Ltmp9:
0xe4: {  	_ = 	snop;
	(pc) =	sbr.rel @p0 .LBB2_1-.Ltmp9, $3  }
0xe5: {  	_ =	sdelay $0x1  }
0xe6: {  	[sflag:s21] =	ssyncset.done $0x0  }
0xe7: {  	[sflag:s21] =	ssyncadd.s32 $0xFFFFE160  }
0xe8: {  	_ =	sfence.sel $0x180000  }
0xe9: {  	[bflag:$0x0] =	sbarrier.arrive $0xFFFF  }
0xea: {  	_ =	strace $0x90000056  }
0xeb: {  	s0 =	stileid.u32;
	[bflag:$0x2] =	sbarrier.arrive $0xFFFF  }
0xec: {  	p0 =	sne.s32 s0, $0x0;
	s0 =	rddreg [dreg:$0x4]  }
0xed: {  	s0 =	sadd.s32 @!p0 $0x100000, s0  }
0xee: {  	[sflag:s0] =	ssyncadd.tile.s32 @!p0 $0x1;
	_ =	shalt  }
.Lfunc_end2:
_tile_overlayer_lowered:
.L_overlay_start_2:
0xef: {  	(tag) =	ssettag $0x2  }
0xf0: {  	s0 =	rddreg [dreg:$0x0];
	s2 =	stileid.u32  }
0xf1: {  	s1 =	rddreg [dreg:$0x1];
	p0 =	sne.s32 s2, $0x0  }
0xf2: {  	s3 =	rddreg [dreg:$0x2];
	[bflag:$0x3] =	sbarrier.arrive $0xFFFF;
	s2 =	simm.s32 @!p0 $0x1C02  }
0xf3: {  	[timem:s3], [sflag:s2] =	dma.local @!p0 [hbm:s0], s1  }
0xf4: {  	s0 =	simm.s32 @!p0 $0x2  }
0xf5: {  	_ =	swait.ge @!p0 [sflag:s0], s1  }
0xf6: {  	s1 =	ssub.s32 @!p0 $0x0, s1;
	[sflag:s0] =	ssyncset.done @!p0 $0x0  }
0xf7: {  	[sflag:s0] =	ssyncadd.s32 @!p0 s1  }
0xf8: {  	[bflag:$0x3] =	sbarrier.arrive $0xFFFF  }
0xf9: {  	_ =	shalt  }

// kernel: kernel.28.cloned.1.call-start
scs
__scs_entry_jumppad:
0x0: {  	(pc) =	sbr.rel $0x88, $3  }
0x1: {  	(tag) =	ssettag $0x0;
	lr =	simm.s32 $0x1  }
0x2: {  	[smem:$0x3F9F] =	sst lr;
	_ =	strace $0xD0000000  }
0x3: {  	_ = 	snop  }
0x4: {  	_ = 	snop  }
0x5: {  	_ = 	snop  }
0x6: {  	_ = 	snop  }
0x7: {  	_ = 	snop  }
__scs_overlays_trampoline_lowered:
0x8: {  	[smem:$0x3FAE] =	sst s0  }
0x9: {  	[smem:$0x3FAF] =	sst s1  }
0xa: {  	[smem:$0x3FB0] =	sst s2  }
0xb: {  	[smem:$0x3FB1] =	sst s3  }
0xc: {  	[smem:$0x3FB2] =	sst s4  }
0xd: {  	[smem:$0x3FB3] =	sst s5  }
0xe: {  	[smem:$0x3FB4] =	sst s6  }
0xf: {  	[smem:$0x3FB5] =	sst s7  }
0x10: {  	[smem:$0x3FB6] =	sst s8  }
0x11: {  	[smem:$0x3FB7] =	sst s9;
	s0 =	simm.s32 @!p0 $0x0  }
0x12: {  	s1 =	sld [smem:$0x3F9D];
	s0 =	simm.s32 @p0 $0x1  }
0x13: {  	[smem:$0x3FB8] =	sst s0;
	s0 =	simm.s32 @!p1 $0x0  }
0x14: {  	s2 =	sld [smem:$0x3F9C];
	s0 =	simm.s32 @p1 $0x1  }
0x15: {  	[smem:$0x3FB9] =	sst s0;
	s0 =	simm.s32 @!p2 $0x0  }
0x16: {  	s3 =	sld [smem:$0x3FDB];
	s0 =	simm.s32 @p2 $0x1  }
0x17: {  	s4 =	simm.s32 $0x1BF5;
	[smem:$0x3FBB] =	sst s0  }
0x18: {  	s0 =	sld [smem:$0x3F9E];
	_ =	swait.ge [sflag:s4], $0x0  }
0x19: {  	s7 =	sld [smem:$0x3F9F]  }
0x1a: {  	s8 =	sadd.s32 $0xFFFFE003, lr  }
0x1b: {  	s9 =	sadd.s32 $0xFFFFFEF7, lr;
	s5 =	simm.s32 $0xFFFFFFFF;
	p2 =	slt.u32 s8, $0xFFFFF086  }
0x1c: {  	p1 =	slt.u32 s9, $0xF7A;
	s5 =	simm.s32 @!p2 $0x0  }
0x1d: {  	s5 =	simm.s32 @p1 $0x1;
	p0 =	seq.s32 s7, s2  }
0x1e: {  	s7 =	smul.u32 @!p0 $0xF7A, s2;
	p2 =	seq.s32 @!p0 s5, $0x0  }
0x1f: {  	s9 =	smul.u32 $0xF7A, s1;
	s8 =	simm.s32 @!p0 $0x1BF5;
	p2 =	por !p2, p0  }
0x20: {  	[sflag:s8] =	ssyncset.s32 @!p0 $0xFFFFF086;
	s6 =	sadd.s32 @!p0 s3, s7;
	s7 =	simm.s32 @!p0 $0x108  }
0x21: {  	s3 =	sadd.s32 s3, s9;
	s6 =	sadd.s32 @!p0 $0x88, s6;
	s7 =	simm.s32 @p2 $0x1082  }
0x22: {  	[simem:s7], [sflag:s8] =	dma.local @!p0 [hbm:s6], $0xF7A  }
0x23: {  	s9 =	sor.u32 $0xD0000000, s2;
	s6 =	simm.s32 $0x108;
	_ =	swait.ge @!p0 [sflag:s8], $0x0  }
0x24: {  	s3 =	sadd.s32 $0x88, s3;
	s6 =	simm.s32 @!p1 $0x1082;
	[sflag:s4] =	ssyncset.s32 $0xFFFFF086  }
0x25: {  	[simem:s6], [sflag:s4] =	dma.local [hbm:s3], $0xF7A  }
0x26: {  	[smem:$0x3F9F] =	sst s1;
	(tag) =	ssettag s2;
	_ =	strace s9  }
0x27: {  	s1 =	sld [smem:$0x3FAF]  }
0x28: {  	s2 =	sld [smem:$0x3FB0]  }
0x29: {  	s4 =	sld [smem:$0x3FB2]  }
0x2a: {  	p0 =	seq.s32 s5, $0x0;
	s5 =	sld [smem:$0x3FB3]  }
0x2b: {  	s6 =	sld [smem:$0x3FB4]  }
0x2c: {  	s7 =	sld [smem:$0x3FB5]  }
0x2d: {  	s3 =	simm.s32 $0x108;
	s8 =	sld [smem:$0x3FB6]  }
0x2e: {  	s3 =	simm.s32 @!p0 $0x1082;
	s9 =	sld [smem:$0x3FB7]  }
0x2f: {  	lr =	sadd.s32 s0, s3;
	s0 =	sld [smem:$0x3FAE]  }
0x30: {  	s3 =	sld [smem:$0x3FB1]  }
0x31: {  	[smem:$0x3FBA] =	sst s10  }
0x32: {  	s10 =	sld [smem:$0x3FB8];
	_ =	sdelay $0x3  }
0x33: {  	p0 =	seq.s32 s10, $0x1;
	s10 =	sld [smem:$0x3FBA];
	_ =	sdelay $0x3  }
0x34: {  	[smem:$0x3FBA] =	sst s10  }
0x35: {  	s10 =	sld [smem:$0x3FB9];
	_ =	sdelay $0x3  }
0x36: {  	p1 =	seq.s32 s10, $0x1;
	s10 =	sld [smem:$0x3FBA];
	_ =	sdelay $0x3  }
0x37: {  	[smem:$0x3FBA] =	sst s10  }
0x38: {  	s10 =	sld [smem:$0x3FBB]  }
0x39: {  	_ = 	snop;
	(pc) =	sbr.ind lr, $3  }
0x3a: {  	_ = 	snop  }
0x3b: {  	_ = 	snop  }
0x3c: {  	p2 =	seq.s32 s10, $0x1;
	s10 =	sld [smem:$0x3FBA]  }
0x3d: {  	_ =	shalt  }
0x3e: {  	_ =	shalt  }
0x3f: {  	_ =	shalt  }
0x40: {  	_ =	shalt  }
0x41: {  	_ =	shalt  }
0x42: {  	_ =	shalt  }
0x43: {  	_ =	shalt  }
0x44: {  	_ =	shalt  }
0x45: {  	_ =	shalt  }
0x46: {  	_ =	shalt  }
0x47: {  	_ =	shalt  }
0x48: {  	_ =	shalt  }
0x49: {  	_ =	shalt  }
0x4a: {  	_ =	shalt  }
0x4b: {  	_ =	shalt  }
0x4c: {  	_ =	shalt  }
0x4d: {  	_ =	shalt  }
0x4e: {  	_ =	shalt  }
0x4f: {  	_ =	shalt  }
0x50: {  	_ =	shalt  }
0x51: {  	_ =	shalt  }
0x52: {  	_ =	shalt  }
0x53: {  	_ =	shalt  }
0x54: {  	_ =	shalt  }
0x55: {  	_ =	shalt  }
0x56: {  	_ =	shalt  }
0x57: {  	_ =	shalt  }
0x58: {  	_ =	shalt  }
0x59: {  	_ =	shalt  }
0x5a: {  	_ =	shalt  }
0x5b: {  	_ =	shalt  }
0x5c: {  	_ =	shalt  }
0x5d: {  	_ =	shalt  }
0x5e: {  	_ =	shalt  }
0x5f: {  	_ =	shalt  }
0x60: {  	_ =	shalt  }
0x61: {  	_ =	shalt  }
0x62: {  	_ =	shalt  }
0x63: {  	_ =	shalt  }
0x64: {  	_ =	shalt  }
0x65: {  	_ =	shalt  }
0x66: {  	_ =	shalt  }
0x67: {  	_ =	shalt  }
0x68: {  	_ =	shalt  }
0x69: {  	_ =	shalt  }
0x6a: {  	_ =	shalt  }
0x6b: {  	_ =	shalt  }
0x6c: {  	_ =	shalt  }
0x6d: {  	_ =	shalt  }
0x6e: {  	_ =	shalt  }
0x6f: {  	_ =	shalt  }
0x70: {  	_ =	shalt  }
0x71: {  	_ =	shalt  }
0x72: {  	_ =	shalt  }
0x73: {  	_ =	shalt  }
0x74: {  	_ =	shalt  }
0x75: {  	_ =	shalt  }
0x76: {  	_ =	shalt  }
0x77: {  	_ =	shalt  }
0x78: {  	_ =	shalt  }
0x79: {  	_ =	shalt  }
0x7a: {  	_ =	shalt  }
0x7b: {  	_ =	shalt  }
0x7c: {  	_ =	shalt  }
0x7d: {  	_ =	shalt  }
0x7e: {  	_ =	shalt  }
0x7f: {  	_ =	shalt  }
0x80: {  	_ =	shalt  }
0x81: {  	_ =	shalt  }
0x82: {  	_ =	shalt  }
0x83: {  	_ =	shalt  }
0x84: {  	_ =	shalt  }
0x85: {  	_ =	shalt  }
0x86: {  	_ =	shalt  }
0x87: {  	_ =	shalt  }
.Lfunc_end0:
.L_simem_size_0:
called_computation.6_lowered:
.L_overlay_start_0:
0x88: {  	s2 =	sld [smem:$0x3FD9]  }
0x89: {  	s3 =	sld [smem:$0x3FFE];
	_ =	sdelay $0x1  }
0x8a: {  	s1 =	srdreg.scid  }
0x8b: {  	s0 =	sand.u32 $0x1, s1  }
0x8c: {  	s14 =	sshll.u32 s0, $0xA;
	s2 =	sadd.s32 s3, s2  }
0x8d: {  	s2 =	sadd.s32 s2, s14  }
0x8e: {  	[smem:$0x3FC6] =	sst s2  }
0x8f: {  	_ = 	snop  }
0x90: {  	s2 =	sld [smem:$0x3FD0];
	_ =	sdelay $0x2  }
0x91: {  	s15 =	simm.s32 $0xA;
	s4 =	simm.s32 $0x10  }
0x92: {  	[smem:s4], [sflag:s15] =	dma.local [hbm:s2], $0x1  }
0x93: {  	_ =	swait.eq [sflag:s15], $0x1  }
0x94: {  	s16 =	sld [smem:$0x10];
	[sflag:s15] =	ssyncset.done $0x0  }
0x95: {  	s17 =	sld [smem:$0x11];
	[sflag:s15] =	ssyncadd.s32 $0xFFFFFFFF  }
0x96: {  	s18 =	sld [smem:$0x12];
	(tm) =	ssettm $0x1  }
0x97: {  	s5 =	sld [smem:$0x3FFB];
	_ =	sdelay $0x3  }
0x98: {  	_ =	strace s5  }
0x99: {  	s5 =	sld [smem:$0x3FFC];
	_ =	sdelay $0x3  }
0x9a: {  	_ =	strace s5  }
0x9b: {  	s5 =	sld [smem:$0x3FFD];
	_ =	sdelay $0x3  }
0x9c: {  	_ =	strace s5  }
0x9d: {  	_ =	strace $0x8FFFFFFF  }
0x9e: {  	s19 =	sld [smem:$0x3FDB];
	_ =	sdelay $0x1  }
0x9f: {  	s6 =	simm.s32 $_scs_section_size  }
0xa0: {  	s7 =	simm.s32 $_size__tile_overlayer_lowered;
	s8 =	simm.s32 $_tile_overlayer_lowered  }
0xa1: {  	s22 =	simm.s32 $0x1BFF;
	s21 =	sshll.u32 s8, $0x1;
	s5 =	sadd.s32 s6, s19  }
0xa2: {  	s9 =	simm.s32 $0x0;
	s20 =	sshll.u32 s7, $0x1;
	s7 =	sadd.s32 s21, s5  }
0xa3: {  	[timem:s9], [sflag:s22] =	dma.local [hbm:s7], s20  }
0xa4: {  	_ =	swait.ge [sflag:s22], s20  }
0xa5: {  	s6 =	ssub.s32 $0x0, s20;
	[sflag:s22] =	ssyncset.done $0x0  }
0xa6: {  	[sflag:s22] =	ssyncadd.s32 s6;
	_ =	sdelay $0x1  }
0xa7: {  	s23 =	simm.s32 $0x1B8B  }
0xa8: {  	_ =	swait.ge [sflag:s23], $0x1  }
0xa9: {  	[sflag:s23] =	ssyncset.done $0x0  }
0xaa: {  	s25 =	simm.s32 $0x1B8E;
	s24 =	sld [smem:$0x3FFE];
	[sflag:s23] =	ssyncadd.s32 $0xFFFFFFFF  }
0xab: {  	s26 =	simm.s32 $execute0_lowered;
	[smem:$0x3FD2] =	sst s25  }
0xac: {  	s7 =	sshll.u32 s26, $0x1;
	_ =	strace $0x80000058;
	[dreg:$0x1] =	wrdreg $0xFFFFFFFF  }
0xad: {  	s28 =	simm.s32 $_size_execute0_lowered;
	s5 =	sadd.s32 s5, s7;
	[dreg:$0x0] =	wrdreg $0x0  }
0xae: {  	s7 =	sshll.u32 s28, $0x1;
	[dreg:$0x2] =	wrdreg s5  }
0xaf: {  	[dreg:$0x3] =	wrdreg s7  }
0xb0: {  	[dreg:$0x4] =	wrdreg $0xC0  }
0xb1: {  	_ =	task [dreg:s9], $0x5FFFF  }
0xb2: {  	[dreg:$0x1] =	wrdreg $0xFFFFFFFF  }
0xb3: {  	[dreg:$0x0] =	wrdreg $0x60  }
0xb4: {  	[dreg:$0x2] =	wrdreg s16  }
0xb5: {  	[dreg:$0x3] =	wrdreg s24  }
0xb6: {  	[dreg:$0x4] =	wrdreg s18  }
0xb7: {  	[dreg:$0x5] =	wrdreg s17  }
0xb8: {  	[dreg:$0x6] =	wrdreg $0x9  }
0xb9: {  	_ =	task.clear_ibuf [dreg:s9], $0x7FFFF;
	_ =	strace $0x90000058  }
0xba: {  	s29 =	simm.s32 $0x9;
	_ =	strace $0x8000005A  }
0xbb: {  	_ =	swait.ge [sflag:s29], $0x1  }
0xbc: {  	[sflag:s29] =	ssyncadd.s32 $0xFFFFFFFF  }
0xbd: {  	_ =	strace $0x9000005A  }
0xbe: {  	_ =	sfence  }
0xbf: {  	s30 =	sld [smem:$0x0];
	_ =	sdelay $0x2  }
0xc0: {  	s31 =	sshll.u32 s1, $0xD;
	s1 =	sshrl.u32 s1, $0x2  }
0xc1: {  	s3 =	sand.u32 $0x4000, s31;
	s1 =	sadd.s32 s1, s30  }
0xc2: {  	s0 =	sor.u32 s3, s0;
	s1 =	sshll.u32 s1, $0x11  }
0xc3: {  	s0 =	sor.u32 s1, s0  }
0xc4: {  	s0 =	sadd.s32 $0x8F2B, s0  }
0xc5: {  	[sflag:s0] =	ssyncadd.remote.s32 $0x1  }
0xc6: {  	_ =	sfence.sel $0xFFFF  }
0xc7: {  	[dreg:$0x0] =	wrdreg $0xFFFFFFFF;
	(pc) =	sbr.abs _section_cstart, $3  }
0xc8: {  	[dreg:$0x1] =	wrdreg $0xFFFFFFFF  }
0xc9: {  	_ =	task.clear_ibuf [dreg:s9], $0x2FFFF;
	_ =	strace $0x9FFFFFFF  }
0xca: {  	(tm) =	ssettm $0x7FFFFFFF  }
0xcb: {  	_ =	shalt  }
tec
execute0_lowered:
.L_overlay_start_1:
0x0: {  	(tag) =	ssettag $0x1  }
0x1: {  	s0 =	rddreg [dreg:$0x1];
	s4 =	simm.s32 $0x0;
	s23 =	srdreg.scid  }
0x2: {  	s2 =	stileid.u32;
	s28 =	simm.s32 $0x4980;
	s29 =	simm.s32 $0x2  }
0x3: {  	s30 =	simm.s32 $0x6200;
	s31 =	simm.s32 $0x1;
	s10 =	simm.s32 $0xAB80  }
0x4: {  	s6 =	simm.s32 $0x0;
	[smem:$0x7FF] =	sst s4;
	s1 =	sadd.s32 $0x40600, s0  }
0x5: {  	s18 =	sadd.s32 $0x21C00, s0;
	_ =	strace $0x80000059;
	[dreg:$0x5] =	wrdreg s1  }
0x6: {  	s19 =	sadd.s32 $0x5F000, s0;
	s20 =	sadd.s32 $0x7DA00, s0;
	[dreg:$0x6] =	wrdreg s18  }
0x7: {  	s21 =	sadd.s32 $0x3200, s0;
	s22 =	sadd.s32 $0xD9800, s0;
	[dreg:$0x7] =	wrdreg s19  }
0x8: {  	s12 =	sadd.s32 $0xBAE00, s0;
	s13 =	sadd.s32 $0x9C400, s0;
	[dreg:$0x8] =	wrdreg s20  }
0x9: {  	s14 =	sadd.s32 $0xF8200, s0;
	s2 =	sshll.u32 s2, $0x1;
	[dreg:$0x9] =	wrdreg s21  }
0xa: {  	s15 =	sadd.s32 $0x116C00, s0;
	s16 =	sadd.s32 $0x135600, s0;
	[dreg:$0xa] =	wrdreg s22  }
0xb: {  	s1 =	sand.u32 $0x1, s23;
	s18 =	sadd.s32 $0x154000, s0;
	s19 =	sadd.s32 $0x172A00, s0  }
0xc: {  	s20 =	sadd.s32 $0x191400, s0;
	s23 =	simm.s32 $0x3;
	s0 =	simm.s32 $0x9300  }
0xd: {  	s22 =	simm.s32 $0xC400;
	s3 =	ssub.s32 $0x2, s1;
	s1 =	sor.u32 s1, s2  }
0xe: {  	s2 =	simm.s32 $0xDC80;
	s24 =	sshrl.u32 s3, $0x1;
	s17 =	smul.u32 $0x7A80, s1  }
0xf: {  	s1 =	simm.s32 $0x10D80;
	s25 =	ssub.s32 s3, s24;
	s24 =	simm.s32 $0x1880  }
0x10: {  	s3 =	simm.s32 $0xF500;
	s21 =	sadd.s32 $0xF5000, s17;
	s26 =	smax.u32 s25, $0x1  }
0x11: {  	s25 =	simm.s32 $0x3100;
	[dreg:$0xb] =	wrdreg s26;
	s26 =	simm.s32 $0x7A80  }
.LBB2_1:
0x12: {  	[dreg:$0xc] =	wrdreg s6;
	s5 =	simm.s32 $0x0  }
.LBB2_2:
0x13: {  	s7 =	smul.u32 $0x1880, s5;
	_ =	sdelay $0x1  }
0x14: {  	s6 =	sadd.s32 s17, s7  }
0x15: {  	s11 =	rddreg [dreg:$0x0];
	s6 =	sshrl.u32 s6, $0x3  }
0x16: {  	s9 =	simm.s32 $0x0;
	s8 =	sadd.s32 s11, s6  }
0x17: {  	[tilespmem:s9], [sflag:$0x3] =	stream.linear.gather [hbm4b:s8+s9], $0x1880, $0x38;
	[tilespmem:$0x12600] =	vst v63  }
0x18: {  	s7 =	sadd.s32 s7, s21;
	_ =	swait.ge [sflag:s23], $0x1880  }
0x19: {  	s7 =	sshrl.u32 s7, $0x3;
	[sflag:s23] =	ssyncset.done $0x0  }
0x1a: {  	s7 =	sadd.s32 s11, s7;
	[sflag:s23] =	ssyncadd.s32 $0xFFFFE780  }
0x1b: {  	[tilespmem:s24], [sflag:$0x3] =	stream.linear.gather [hbm4b:s7+s9], $0x1880, $0x38;
	[tilespmem:$0x12600] =	vst v63  }
0x1c: {  	_ =	swait.ge [sflag:s23], $0x1880  }
0x1d: {  	[sflag:s23] =	ssyncset.done $0x0  }
0x1e: {  	s8 =	simm.s32 $0x0;
	[sflag:s23] =	ssyncadd.s32 $0xFFFFE780  }
0x1f: {  	v1 =	vld [tilespmem:s8+$0x30]  }
0x20: {  	v4 =	vld [tilespmem:s8+$0x18B0]  }
0x21: {  	v5 =	vld [tilespmem:s8+$0x0]  }
0x22: {  	v6 =	vld [tilespmem:s8+$0x1880]  }
0x23: {  	v2 =	vld [tilespmem:s8+$0x10]  }
0x24: {  	v3 =	vld [tilespmem:s8+$0x1890]  }
0x25: {  	v0 =	vld [tilespmem:s8+$0x20];
	v1 =	vadd.s32 v4, v1  }
0x26: {  	s7 =	simm.s32 $0x40;
	v4 =	vld [tilespmem:s8+$0x18A0];
	v7 =	vadd.s32 $0xFFFFFFFF, v1  }
0x27: {  	s9 =	simm.s32 $0x200;
	v5 =	vadd.s32 v6, v5;
	v1 =	vld [tilespmem:s7+$0x30];
	[tilespmem:s8+$0x3130] =	vst v7  }
.LBB2_3:
0x28: {  	p0 =	sne.s32 s9, $0x6100;
	v6 =	vld [tilespmem:s7+$0x18B0];
	v5 =	vadd.s32 $0xFFFFFFFF, v5  }
0x29: {  	v7 =	vld [tilespmem:s7+$0x0];
	[tilespmem:s8+$0x3100] =	vst v5;
	v2 =	vadd.s32 v3, v2  }
0x2a: {  	v5 =	vld [tilespmem:s7+$0x1880];
	v3 =	vadd.s32 $0xFFFFFFFF, v2  }
.Ltmp0:
0x2b: {  	v2 =	vld [tilespmem:s7+$0x10];
	[tilespmem:s8+$0x3110] =	vst v3;
	v0 =	vadd.s32 v4, v0;
	(pc) =	sbr.rel @p0 .LBB2_3-.Ltmp0, $4  }
0x2c: {  	v3 =	vld [tilespmem:s7+$0x1890];
	v4 =	vadd.s32 $0xFFFFFFFF, v0  }
0x2d: {  	v0 =	vld [tilespmem:s7+$0x20];
	v1 =	vadd.s32 v6, v1;
	[tilespmem:s8+$0x3120] =	vst v4;
	s8 =	smov.u32 s7  }
0x2e: {  	s7 =	sshra.s32 s9, $0x2;
	v4 =	vld [tilespmem:s8+$0x18A0];
	v6 =	vadd.s32 $0xFFFFFFFF, v1  }
0x2f: {  	s9 =	sadd.s32 $0x100, s9;
	v1 =	vld [tilespmem:s7+$0x30];
	v5 =	vadd.s32 v5, v7;
	[tilespmem:s8+$0x3130] =	vst v6  }
0x30: {  	v6 =	vld [tilespmem:s7+$0x18B0];
	v5 =	vadd.s32 $0xFFFFFFFF, v5  }
0x31: {  	v7 =	vld [tilespmem:s7+$0x0];
	[tilespmem:s8+$0x3100] =	vst v5;
	v2 =	vadd.s32 v3, v2  }
0x32: {  	v3 =	vld [tilespmem:s7+$0x1880];
	v2 =	vadd.s32 $0xFFFFFFFF, v2  }
0x33: {  	v5 =	vld [tilespmem:s7+$0x10];
	[tilespmem:s8+$0x3110] =	vst v2;
	v0 =	vadd.s32 v4, v0  }
0x34: {  	v2 =	vld [tilespmem:s7+$0x1890];
	v0 =	vadd.s32 $0xFFFFFFFF, v0  }
0x35: {  	v63 =	vld [tilespmem:s7+$0x20];
	[tilespmem:s8+$0x3120] =	vst v0  }
0x36: {  	v0 =	vld [tilespmem:s7+$0x18A0];
	_ =	sdelay $0x1  }
0x37: {  	v1 =	vadd.s32 v6, v1  }
0x38: {  	v1 =	vadd.s32 $0xFFFFFFFF, v1;
	v3 =	vadd.s32 v3, v7  }
0x39: {  	[tilespmem:s7+$0x3130] =	vst v1;
	v1 =	vadd.s32 $0xFFFFFFFF, v3;
	v2 =	vadd.s32 v2, v5  }
0x3a: {  	[tilespmem:s7+$0x3100] =	vst v1;
	v1 =	vadd.s32 $0xFFFFFFFF, v2;
	v0 =	vadd.s32 v0, v63  }
0x3b: {  	[tilespmem:s7+$0x3110] =	vst v1;
	v0 =	vadd.s32 $0xFFFFFFFF, v0  }
0x3c: {  	s9 =	rddreg [dreg:$0x5];
	[tilespmem:s7+$0x3120] =	vst v0  }
0x3d: {  	[tilespmem:s26], [sflag:$0x1] =	stream.indirect.gather [hbm4b:s9+s24], $0x1, s25, s24, $0xb8;
	[tilespmem:$0x12600] =	vst v63  }
0x3e: {  	s11 =	rddreg [dreg:$0x7]  }
0x3f: {  	[tilespmem:s28], [sflag:$0x2] =	stream.indirect.gather [hbm4b:s11+s24], $0x1, s25, s24, $0xb8;
	[tilespmem:$0x12600] =	vst v63  }
0x40: {  	_ =	swait.ge [sflag:s29], $0x1880  }
0x41: {  	[sflag:s29] =	ssyncset.done $0x0  }
0x42: {  	s8 =	rddreg [dreg:$0x6];
	[sflag:s29] =	ssyncadd.s32 $0xFFFFE780  }
0x43: {  	[tilespmem:s30], [sflag:$0x2] =	stream.indirect.gather [hbm4b:s8+s24], $0x1, s28, s24, $0xb8;
	[tilespmem:$0x12600] =	vst v63  }
0x44: {  	_ =	swait.ge [sflag:s31], $0x1880  }
0x45: {  	[sflag:s31] =	ssyncset.done $0x0  }
0x46: {  	[sflag:s31] =	ssyncadd.s32 $0xFFFFE780  }
0x47: {  	s9 =	rddreg [dreg:$0x3]  }
0x48: {  	s11 =	simm.s32 $0x0;
	s7 =	sadd.s32 s9, s6  }
0x49: {  	[hbm4b:s7+s11] =	stream.linear.scatter [tilespmem:s26], [sflag:$0x3], $0x1880, $0x38;
	[tilespmem:$0x12600] =	vst v63  }
0x4a: {  	_ =	swait.ge [sflag:s23], $0x1880  }
0x4b: {  	[sflag:s23] =	ssyncset.done $0x0  }
0x4c: {  	[sflag:s23] =	ssyncadd.s32 $0xFFFFE780  }
0x4d: {  	_ =	swait.ge [sflag:s29], $0x1880  }
0x4e: {  	[sflag:s29] =	ssyncset.done $0x0  }
0x4f: {  	s7 =	simm.s32 $0x0;
	[sflag:s29] =	ssyncadd.s32 $0xFFFFE780  }
0x50: {  	v2 =	vld [tilespmem:s7+$0x6200]  }
0x51: {  	v1 =	vld [tilespmem:s7+$0x6210]  }
0x52: {  	s8 =	simm.s32 $0x100;
	v0 =	vld [tilespmem:s7+$0x6220]  }
.LBB2_5:
0x53: {  	p0 =	sne.s32 s8, $0x6100;
	v3 =	vld [tilespmem:s7+$0x6230];
	_ =	sdelay $0x1  }
0x54: {  	vm0 =	vlt.s32 v2, $0xF423F  }
.Ltmp1:
0x55: {  	v2 =	vnsel vm0, $0xF423F, v2;
	vm0 =	vlt.s32 v1, $0xF423F;
	(pc) =	sbr.rel @p0 .LBB2_5-.Ltmp1, $4  }
0x56: {  	s9 =	sshra.s32 s8, $0x2;
	[tilespmem:s7+$0x6200] =	vst v2;
	v1 =	vnsel vm0, $0xF423F, v1;
	vm0 =	vlt.s32 v0, $0xF423F  }
0x57: {  	v2 =	vld [tilespmem:s9+$0x6200];
	[tilespmem:s7+$0x6210] =	vst v1;
	v0 =	vnsel vm0, $0xF423F, v0;
	vm0 =	vlt.s32 v3, $0xF423F  }
0x58: {  	v1 =	vld [tilespmem:s9+$0x6210];
	[tilespmem:s7+$0x6220] =	vst v0;
	v3 =	vnsel vm0, $0xF423F, v3  }
0x59: {  	s8 =	sadd.s32 $0x100, s8;
	v0 =	vld [tilespmem:s9+$0x6220];
	[tilespmem:s7+$0x6230] =	vst v3;
	s7 =	smov.u32 s9  }
0x5a: {  	v3 =	vld [tilespmem:s7+$0x6230];
	_ =	sdelay $0x1  }
0x5b: {  	vm0 =	vlt.s32 v2, $0xF423F  }
0x5c: {  	v2 =	vnsel vm0, $0xF423F, v2;
	vm13 =	vlt.s32 v1, $0xF423F  }
0x5d: {  	[tilespmem:s7+$0x6200] =	vst v2;
	v1 =	vnsel vm13, $0xF423F, v1;
	vm14 =	vlt.s32 v0, $0xF423F  }
0x5e: {  	[tilespmem:s7+$0x6210] =	vst v1;
	v0 =	vnsel vm14, $0xF423F, v0;
	vm15 =	vlt.s32 v3, $0xF423F  }
0x5f: {  	[tilespmem:s7+$0x6220] =	vst v0;
	v63 =	vnsel vm15, $0xF423F, v3  }
0x60: {  	s11 =	rddreg [dreg:$0x8];
	[tilespmem:s7+$0x6230] =	vst v63  }
0x61: {  	[tilespmem:s0], [sflag:$0x1] =	stream.indirect.gather [hbm4b:s11+s24], $0x1, s30, s24, $0xb8;
	[tilespmem:$0x12600] =	vst v63  }
0x62: {  	s8 =	rddreg [dreg:$0x9]  }
0x63: {  	[tilespmem:s10], [sflag:$0x1] =	stream.indirect.gather [hbm4b:s8+s24], $0x1, s30, s24, $0xb8;
	[tilespmem:$0x12600] =	vst v63  }
0x64: {  	s9 =	rddreg [dreg:$0x2]  }
0x65: {  	[tilespmem:s22], [sflag:$0x1] =	stream.indirect.gather [hbm4b:s9+s24], $0x1, s30, s24, $0xb8;
	[tilespmem:$0x12600] =	vst v63  }
0x66: {  	s11 =	rddreg [dreg:$0xa]  }
0x67: {  	[tilespmem:s2], [sflag:$0x1] =	stream.indirect.gather [hbm4b:s11+s24], $0x1, s30, s24, $0xb8;
	[tilespmem:$0x12600] =	vst v63  }
0x68: {  	_ = 	snop  }
0x69: {  	[tilespmem:s3], [sflag:$0x1] =	stream.indirect.gather [hbm4b:s12+s24], $0x1, s30, s24, $0xb8;
	[tilespmem:$0x12600] =	vst v63  }
0x6a: {  	_ = 	snop  }
0x6b: {  	[tilespmem:s1], [sflag:$0x1] =	stream.indirect.gather [hbm4b:s13+s24], $0x1, s30, s24, $0xb8;
	[tilespmem:$0x12600] =	vst v63  }
0x6c: {  	_ =	swait.ge [sflag:s31], $0x1880  }
0x6d: {  	[sflag:s31] =	ssyncset.done $0x0  }
0x6e: {  	[sflag:s31] =	ssyncadd.s32 $0xFFFFE780  }
0x6f: {  	_ =	swait.ge [sflag:s31], $0x1880  }
0x70: {  	[sflag:s31] =	ssyncset.done $0x0  }
0x71: {  	[sflag:s31] =	ssyncadd.s32 $0xFFFFE780  }
0x72: {  	_ =	swait.ge [sflag:s31], $0x1880  }
0x73: {  	[sflag:s31] =	ssyncset.done $0x0  }
0x74: {  	[sflag:s31] =	ssyncadd.s32 $0xFFFFE780  }
0x75: {  	_ =	swait.ge [sflag:s31], $0x1880  }
0x76: {  	[sflag:s31] =	ssyncset.done $0x0  }
0x77: {  	[sflag:s31] =	ssyncadd.s32 $0xFFFFE780  }
0x78: {  	_ =	swait.ge [sflag:s31], $0x1880  }
0x79: {  	[sflag:s31] =	ssyncset.done $0x0  }
0x7a: {  	[sflag:s31] =	ssyncadd.s32 $0xFFFFE780  }
0x7b: {  	_ =	swait.ge [sflag:s31], $0x1880  }
0x7c: {  	[sflag:s31] =	ssyncset.done $0x0  }
0x7d: {  	s8 =	sadd.s32 s14, s6;
	[sflag:s31] =	ssyncadd.s32 $0xFFFFE780  }
0x7e: {  	[hbm4b:s8+s4] =	stream.linear.scatter [tilespmem:s0], [sflag:$0x3], $0x1880, $0x38;
	[tilespmem:$0x12600] =	vst v63  }
0x7f: {  	_ =	swait.ge [sflag:s23], $0x1880  }
0x80: {  	[sflag:s23] =	ssyncset.done $0x0  }
0x81: {  	s9 =	sadd.s32 s15, s6;
	[sflag:s23] =	ssyncadd.s32 $0xFFFFE780  }
0x82: {  	[hbm4b:s9+s4] =	stream.linear.scatter [tilespmem:s10], [sflag:$0x3], $0x1880, $0x38;
	[tilespmem:$0x12600] =	vst v63  }
0x83: {  	_ =	swait.ge [sflag:s23], $0x1880  }
0x84: {  	[sflag:s23] =	ssyncset.done $0x0  }
0x85: {  	s11 =	sadd.s32 s16, s6;
	[sflag:s23] =	ssyncadd.s32 $0xFFFFE780  }
0x86: {  	[hbm4b:s11+s4] =	stream.linear.scatter [tilespmem:s22], [sflag:$0x3], $0x1880, $0x38;
	[tilespmem:$0x12600] =	vst v63  }
0x87: {  	_ =	swait.ge [sflag:s23], $0x1880  }
0x88: {  	[sflag:s23] =	ssyncset.done $0x0  }
0x89: {  	s8 =	sadd.s32 s18, s6;
	[sflag:s23] =	ssyncadd.s32 $0xFFFFE780  }
0x8a: {  	[hbm4b:s8+s4] =	stream.linear.scatter [tilespmem:s2], [sflag:$0x3], $0x1880, $0x38;
	[tilespmem:$0x12600] =	vst v63  }
0x8b: {  	_ =	swait.ge [sflag:s23], $0x1880  }
0x8c: {  	[sflag:s23] =	ssyncset.done $0x0  }
0x8d: {  	s9 =	sadd.s32 s19, s6;
	[sflag:s23] =	ssyncadd.s32 $0xFFFFE780  }
0x8e: {  	[hbm4b:s9+s4] =	stream.linear.scatter [tilespmem:s3], [sflag:$0x3], $0x1880, $0x38;
	[tilespmem:$0x12600] =	vst v63  }
0x8f: {  	s5 =	sadd.s32 $0x1, s5;
	_ =	swait.ge [sflag:s23], $0x1880  }
0x90: {  	p0 =	sne.s32 s5, $0x5;
	[sflag:s23] =	ssyncset.done $0x0  }
.Ltmp2:
0x91: {  	s11 =	sadd.s32 s20, s6;
	[sflag:s23] =	ssyncadd.s32 $0xFFFFE780;
	(pc) =	sbr.rel @p0 .LBB2_2-.Ltmp2, $4  }
0x92: {  	[hbm4b:s11+s4] =	stream.linear.scatter [tilespmem:s1], [sflag:$0x3], $0x1880, $0x38;
	[tilespmem:$0x12600] =	vst v63  }
0x93: {  	_ =	swait.ge [sflag:s23], $0x1880  }
0x94: {  	[sflag:s23] =	ssyncset.done $0x0  }
0x95: {  	[sflag:s23] =	ssyncadd.s32 $0xFFFFE780  }
0x96: {  	s6 =	rddreg [dreg:$0xc]  }
0x97: {  	s5 =	rddreg [dreg:$0xb];
	s6 =	sadd.s32 $0x1, s6  }
0x98: {  	p0 =	sne.s32 s6, s5  }
.Ltmp3:
0x99: {  	_ = 	snop;
	(pc) =	sbr.rel @p0 .LBB2_1-.Ltmp3, $1  }
0x9a: {  	_ =	sdelay $0x3  }
0x9b: {  	_ =	sfence.sel $0x180000  }
0x9c: {  	[bflag:$0x0] =	sbarrier.arrive $0xFFFF  }
0x9d: {  	_ =	strace $0x90000059  }
0x9e: {  	s0 =	stileid.u32;
	[bflag:$0x2] =	sbarrier.arrive $0xFFFF  }
0x9f: {  	p0 =	sne.s32 s0, $0x0;
	s0 =	rddreg [dreg:$0x4]  }
0xa0: {  	s0 =	sadd.s32 @!p0 $0x100000, s0  }
0xa1: {  	[sflag:s0] =	ssyncadd.tile.s32 @!p0 $0x1;
	_ =	shalt  }
.Lfunc_end2:
_tile_overlayer_lowered:
.L_overlay_start_2:
0xa2: {  	(tag) =	ssettag $0x2  }
0xa3: {  	s0 =	rddreg [dreg:$0x0];
	s2 =	stileid.u32  }
0xa4: {  	s1 =	rddreg [dreg:$0x1];
	p0 =	sne.s32 s2, $0x0  }
0xa5: {  	s3 =	rddreg [dreg:$0x2];
	[bflag:$0x3] =	sbarrier.arrive $0xFFFF;
	s2 =	simm.s32 @!p0 $0x1C03  }
0xa6: {  	[timem:s3], [sflag:s2] =	dma.local @!p0 [hbm:s0], s1  }
0xa7: {  	s0 =	simm.s32 @!p0 $0x3  }
0xa8: {  	_ =	swait.ge @!p0 [sflag:s0], s1  }
0xa9: {  	s1 =	ssub.s32 @!p0 $0x0, s1;
	[sflag:s0] =	ssyncset.done @!p0 $0x0  }
0xaa: {  	[sflag:s0] =	ssyncadd.s32 @!p0 s1  }
0xab: {  	[bflag:$0x3] =	sbarrier.arrive $0xFFFF  }
0xac: {  	_ =	shalt  }

</sc_bundles>
